<compile_context>
chip_gen: v7x
topology: tpu7x:2x2x1
jax: 0.10.2.dev20260603
libtpu: 0.0.44.dev20260713+nightly
codegen_flags: <defaults>
</compile_context>

<pallas_src>
import functools

import jax
import jax.numpy as jnp
from jax import lax
from jax.experimental import pallas as pl
from jax.experimental.pallas import tpu as pltpu
from jax.experimental.pallas import tpu_sc as plsc

_B = 100000
_D = 128
_C = 128
_LO = 3128
_HI = 3120
_BPW = _LO


@functools.partial(
    pl.kernel,
    mesh=plsc.VectorSubcoreMesh(core_axis_name="c", subcore_axis_name="s"),
    out_type=jax.ShapeDtypeStruct((_B, _D), jnp.float32),
    scratch_types=[
        pltpu.VMEM((_BPW,), jnp.int32),
        pltpu.VMEM((6, _C, _D), jnp.float32),
    ] + [pltpu.SemaphoreType.DMA] * 12,
)
def _gather_kernel(idx_hbm, table_hbm, out_hbm, idx_v, buf, *sems):
    wid = lax.axis_index("s") * 2 + lax.axis_index("c")

    _NBUF = 6
    _LAG = 4
    gsems = sems[:_NBUF]
    osems = sems[_NBUF:]

    def pipeline(base, span):
        pltpu.sync_copy(idx_hbm.at[pl.ds(base, span)], idx_v.at[pl.ds(0, span)])
        sizes = []
        left = span
        while left > 0:
            sizes.append(min(_C, left))
            left -= sizes[-1]
        n = len(sizes)
        g_cp = [None] * _NBUF
        out_cp = [None] * _NBUF
        for k in range(n + _LAG):
            if k < n:
                b = k % _NBUF
                if out_cp[b] is not None:
                    out_cp[b].wait()
                g_cp[b] = pltpu.async_copy(
                    table_hbm.at[idx_v.at[pl.ds(k * _C, sizes[k])]],
                    buf.at[b, pl.ds(0, sizes[k])],
                    gsems[b],
                )
            j = k - _LAG
            if j >= 0:
                bj = j % _NBUF
                g_cp[bj].wait()
                out_cp[bj] = pltpu.async_copy(
                    buf.at[bj, pl.ds(0, sizes[j])],
                    out_hbm.at[pl.ds(base + j * _C, sizes[j])],
                    osems[bj],
                )
        for cp in out_cp:
            if cp is not None:
                cp.wait()

    @pl.when(wid < 20)
    def _():
        pipeline(wid * _LO, _LO)

    @pl.when(wid >= 20)
    def _():
        pipeline(20 * _LO + (wid - 20) * _HI, _HI)


def kernel(upsample_indices, features):
    idx = upsample_indices[:, 0].astype(jnp.int32)
    return _gather_kernel(idx, features)

# --- scband reference (transcript-rebuilt; emitter-appended) ---
"""Pipeline reference for scband-nearest-upsample-block-49435073577390 (READ-ONLY COPY).

The authoritative reference and input builder live on the scoring server;
editing this copy changes nothing except your own understanding.
"""

import jax, jax.numpy as jnp
import numpy as np


def setup_inputs(seed: int = 0) -> dict:
    key = jax.random.key(seed)
    k1, k2 = jax.random.split(key)
    upsample_indices = jax.random.randint(k1, (100000, 16), 0, 50000, dtype=jnp.int64 if jax.config.jax_enable_x64 else jnp.int32).astype(jnp.int32)
    features = jax.random.normal(k2, (50000, 128), dtype=jnp.float32)
    return {"upsample_indices": upsample_indices, "features": features}


def reference(upsample_indices, features):
    # closest_pool: append a zero 'shadow' row, then gather row per output point
    # using only the first neighbor column (nearest point).
    feats = jnp.concatenate([features, jnp.zeros_like(features[:1, :])], axis=0)
    idx = upsample_indices[:, 0]
    pool_features = jnp.take(feats, idx, axis=0)
    return pool_features

if __name__ == "__main__":
    import jax
    _d = setup_inputs()
    print(jax.jit(kernel)(*tuple(_d.values())))

</pallas_src>

<mosaic_0001>
#map = affine_map<(d0, d1) -> (0)>
#map1 = affine_map<(d0, d1) -> (0, 0)>
module attributes {stable_mosaic.version = 14 : i64} {
  func.func @_gather_kernel(%arg0: i32, %arg1: i32, %arg2: memref<100000xi32, #tpu.memory_space<hbm>>, %arg3: memref<50000x128xf32, #tpu.memory_space<hbm>>, %arg4: memref<100000x128xf32, #tpu.memory_space<hbm>>, %arg5: memref<3128xi32, #tpu.memory_space<vmem>>, %arg6: memref<6x128x128xf32, #tpu.memory_space<vmem>>, %arg7: memref<!tpu.dma_semaphore, #tpu.memory_space<semaphore_mem>>, %arg8: memref<!tpu.dma_semaphore, #tpu.memory_space<semaphore_mem>>, %arg9: memref<!tpu.dma_semaphore, #tpu.memory_space<semaphore_mem>>, %arg10: memref<!tpu.dma_semaphore, #tpu.memory_space<semaphore_mem>>, %arg11: memref<!tpu.dma_semaphore, #tpu.memory_space<semaphore_mem>>, %arg12: memref<!tpu.dma_semaphore, #tpu.memory_space<semaphore_mem>>, %arg13: memref<!tpu.dma_semaphore, #tpu.memory_space<semaphore_mem>>, %arg14: memref<!tpu.dma_semaphore, #tpu.memory_space<semaphore_mem>>, %arg15: memref<!tpu.dma_semaphore, #tpu.memory_space<semaphore_mem>>, %arg16: memref<!tpu.dma_semaphore, #tpu.memory_space<semaphore_mem>>, %arg17: memref<!tpu.dma_semaphore, #tpu.memory_space<semaphore_mem>>, %arg18: memref<!tpu.dma_semaphore, #tpu.memory_space<semaphore_mem>>) attributes {dimension_semantics = [#tpu.dimension_semantics<core_parallel>, #tpu.dimension_semantics<subcore_parallel>], iteration_bounds = array<i64: 2, 16>, scalar_prefetch = 0 : i64, scratch_operands = 14 : i64, tpu.core_type = #tpu.core_type<sc_vector_subcore>, window_params = [{transform_indices = #map}, {transform_indices = #map1}, {transform_indices = #map1}]} {
    %mul3A = arith.constant 2 : i32
    %mul3A_0 = arith.muli %arg1, %mul3A : i32
    %add3A = arith.addi %mul3A_0, %arg0 : i32
    %lt3A = arith.constant 20 : i32
    %lt3A_1 = arith.cmpi slt, %add3A, %lt3A : i32
    %convert_element_type3A = arith.extui %lt3A_1 : i1 to i32
    %cond3A = arith.constant 0 : i32
    %cond3A_2 = arith.cmpi ne, %convert_element_type3A, %cond3A : i32
    scf.if %cond3A_2 {
      %mul3A_7 = arith.constant 3128 : i32
      %mul3A_8 = arith.muli %add3A, %mul3A_7 : i32
      "tpu.region"() ({
        %run_scoped3A = tpu.sem_alloc : memref<!tpu.dma_semaphore, #tpu.memory_space<semaphore_mem>>
        %dma_start3A_1207 = arith.constant 0 : i32
        %dma_start3A_1208 = tpu.memref_slice %arg5[%dma_start3A_1207] : memref<3128xi32, #tpu.memory_space<vmem>> -> memref<3128xi32, #tpu.memory_space<vmem>>
        %dma_start3A_1209 = tpu.memref_slice %arg2[%mul3A_8] : memref<100000xi32, #tpu.memory_space<hbm>> -> memref<3128xi32, #tpu.memory_space<hbm>>
        %dma_start3A_1210 = arith.constant 0 : i32
        %dma_start3A_1211 = tpu.memref_slice %arg5[%dma_start3A_1210] : memref<3128xi32, #tpu.memory_space<vmem>> -> memref<3128xi32, #tpu.memory_space<vmem>>
        %dma_start3A_1212 = tpu.memref_slice %arg2[%mul3A_8] : memref<100000xi32, #tpu.memory_space<hbm>> -> memref<3128xi32, #tpu.memory_space<hbm>>
        tpu.enqueue_dma source(%dma_start3A_1212 : memref<3128xi32, #tpu.memory_space<hbm>>) target(%dma_start3A_1211 : memref<3128xi32, #tpu.memory_space<vmem>>) target_semaphore(%run_scoped3A : memref<!tpu.dma_semaphore, #tpu.memory_space<semaphore_mem>>)
        %dma_wait3A_1213 = arith.constant 0 : i32
        %dma_wait3A_1214 = tpu.memref_slice %arg5[%dma_wait3A_1213] : memref<3128xi32, #tpu.memory_space<vmem>> -> memref<3128xi32, #tpu.memory_space<vmem>>
        %dma_wait3A_1215 = tpu.memref_slice %arg2[%mul3A_8] : memref<100000xi32, #tpu.memory_space<hbm>> -> memref<3128xi32, #tpu.memory_space<hbm>>
        %dma_wait3A_1216 = arith.constant 0 : i32
        %dma_wait3A_1217 = tpu.memref_slice %arg5[%dma_wait3A_1216] : memref<3128xi32, #tpu.memory_space<vmem>> -> memref<3128xi32, #tpu.memory_space<vmem>>
        %dma_wait3A_1218 = tpu.memref_slice %arg2[%mul3A_8] : memref<100000xi32, #tpu.memory_space<hbm>> -> memref<3128xi32, #tpu.memory_space<hbm>>
        tpu.wait_dma2 semaphore(%run_scoped3A : memref<!tpu.dma_semaphore, #tpu.memory_space<semaphore_mem>>) src(%dma_wait3A_1218 : memref<3128xi32, #tpu.memory_space<hbm>>) dst(%dma_wait3A_1217 : memref<3128xi32, #tpu.memory_space<vmem>>)
        tpu.yield
      }) : () -> ()
      %dma_start3A = arith.constant 0 : i32
      %dma_start3A_9 = arith.constant 0 : i32
      %dma_start3A_10 = arith.constant 0 : i32
      %dma_start3A_11 = tpu.memref_slice %arg6[%dma_start3A, %dma_start3A_9, %dma_start3A_10] : memref<6x128x128xf32, #tpu.memory_space<vmem>> -> memref<1x128x128xf32, #tpu.memory_space<vmem>>
      %dma_start3A_12 = tpu.memref_squeeze %dma_start3A_11 : memref<1x128x128xf32, #tpu.memory_space<vmem>> -> memref<128x128xf32, #tpu.memory_space<vmem>>
      %dma_start3A_13 = arith.constant 0 : i32
      %dma_start3A_14 = tpu.memref_slice %arg5[%dma_start3A_13] : memref<3128xi32, #tpu.memory_space<vmem>> -> memref<128xi32, #tpu.memory_space<vmem>>
      %dma_start3A_15 = arith.constant 0 : i32
      %dma_start3A_16 = arith.constant 0 : i32
      %dma_start3A_17 = tpu.memref_slice %arg3[%dma_start3A_15, %dma_start3A_16] : memref<50000x128xf32, #tpu.memory_space<hbm>> -> memref<50000x128xf32, #tpu.memory_space<hbm>>
      tpu.enqueue_indirect_dma source(%dma_start3A_17 : memref<50000x128xf32, #tpu.memory_space<hbm>>) target(%dma_start3A_12 : memref<128x128xf32, #tpu.memory_space<vmem>>) offsets(%dma_start3A_14 : memref<128xi32, #tpu.memory_space<vmem>>) semaphore(%arg7 : memref<!tpu.dma_semaphore, #tpu.memory_space<semaphore_mem>>)
      %dma_start3A_18 = arith.constant 1 : i32
      %dma_start3A_19 = arith.constant 0 : i32
      %dma_start3A_20 = arith.constant 0 : i32
      %dma_start3A_21 = tpu.memref_slice %arg6[%dma_start3A_18, %dma_start3A_19, %dma_start3A_20] : memref<6x128x128xf32, #tpu.memory_space<vmem>> -> memref<1x128x128xf32, #tpu.memory_space<vmem>>
      %dma_start3A_22 = tpu.memref_squeeze %dma_start3A_21 : memref<1x128x128xf32, #tpu.memory_space<vmem>> -> memref<128x128xf32, #tpu.memory_space<vmem>>
      %dma_start3A_23 = arith.constant 128 : i32
      %dma_start3A_24 = tpu.memref_slice %arg5[%dma_start3A_23] : memref<3128xi32, #tpu.memory_space<vmem>> -> memref<128xi32, #tpu.memory_space<vmem>>
      %dma_start3A_25 = arith.constant 0 : i32
      %dma_start3A_26 = arith.constant 0 : i32
      %dma_start3A_27 = tpu.memref_slice %arg3[%dma_start3A_25, %dma_start3A_26] : memref<50000x128xf32, #tpu.memory_space<hbm>> -> memref<50000x128xf32, #tpu.memory_space<hbm>>
      tpu.enqueue_indirect_dma source(%dma_start3A_27 : memref<50000x128xf32, #tpu.memory_space<hbm>>) target(%dma_start3A_22 : memref<128x128xf32, #tpu.memory_space<vmem>>) offsets(%dma_start3A_24 : memref<128xi32, #tpu.memory_space<vmem>>) semaphore(%arg8 : memref<!tpu.dma_semaphore, #tpu.memory_space<semaphore_mem>>)
      %dma_start3A_28 = arith.constant 2 : i32
      %dma_start3A_29 = arith.constant 0 : i32
      %dma_start3A_30 = arith.constant 0 : i32
      %dma_start3A_31 = tpu.memref_slice %arg6[%dma_start3A_28, %dma_start3A_29, %dma_start3A_30] : memref<6x128x128xf32, #tpu.memory_space<vmem>> -> memref<1x128x128xf32, #tpu.memory_space<vmem>>
      %dma_start3A_32 = tpu.memref_squeeze %dma_start3A_31 : memref<1x128x128xf32, #tpu.memory_space<vmem>> -> memref<128x128xf32, #tpu.memory_space<vmem>>
      %dma_start3A_33 = arith.constant 256 : i32
      %dma_start3A_34 = tpu.memref_slice %arg5[%dma_start3A_33] : memref<3128xi32, #tpu.memory_space<vmem>> -> memref<128xi32, #tpu.memory_space<vmem>>
      %dma_start3A_35 = arith.constant 0 : i32
      %dma_start3A_36 = arith.constant 0 : i32
      %dma_start3A_37 = tpu.memref_slice %arg3[%dma_start3A_35, %dma_start3A_36] : memref<50000x128xf32, #tpu.memory_space<hbm>> -> memref<50000x128xf32, #tpu.memory_space<hbm>>
      tpu.enqueue_indirect_dma source(%dma_start3A_37 : memref<50000x128xf32, #tpu.memory_space<hbm>>) target(%dma_start3A_32 : memref<128x128xf32, #tpu.memory_space<vmem>>) offsets(%dma_start3A_34 : memref<128xi32, #tpu.memory_space<vmem>>) semaphore(%arg9 : memref<!tpu.dma_semaphore, #tpu.memory_space<semaphore_mem>>)
      %dma_start3A_38 = arith.constant 3 : i32
      %dma_start3A_39 = arith.constant 0 : i32
      %dma_start3A_40 = arith.constant 0 : i32
      %dma_start3A_41 = tpu.memref_slice %arg6[%dma_start3A_38, %dma_start3A_39, %dma_start3A_40] : memref<6x128x128xf32, #tpu.memory_space<vmem>> -> memref<1x128x128xf32, #tpu.memory_space<vmem>>
      %dma_start3A_42 = tpu.memref_squeeze %dma_start3A_41 : memref<1x128x128xf32, #tpu.memory_space<vmem>> -> memref<128x128xf32, #tpu.memory_space<vmem>>
      %dma_start3A_43 = arith.constant 384 : i32
      %dma_start3A_44 = tpu.memref_slice %arg5[%dma_start3A_43] : memref<3128xi32, #tpu.memory_space<vmem>> -> memref<128xi32, #tpu.memory_space<vmem>>
      %dma_start3A_45 = arith.constant 0 : i32
      %dma_start3A_46 = arith.constant 0 : i32
      %dma_start3A_47 = tpu.memref_slice %arg3[%dma_start3A_45, %dma_start3A_46] : memref<50000x128xf32, #tpu.memory_space<hbm>> -> memref<50000x128xf32, #tpu.memory_space<hbm>>
      tpu.enqueue_indirect_dma source(%dma_start3A_47 : memref<50000x128xf32, #tpu.memory_space<hbm>>) target(%dma_start3A_42 : memref<128x128xf32, #tpu.memory_space<vmem>>) offsets(%dma_start3A_44 : memref<128xi32, #tpu.memory_space<vmem>>) semaphore(%arg10 : memref<!tpu.dma_semaphore, #tpu.memory_space<semaphore_mem>>)
      %dma_start3A_48 = arith.constant 4 : i32
      %dma_start3A_49 = arith.constant 0 : i32
      %dma_start3A_50 = arith.constant 0 : i32
      %dma_start3A_51 = tpu.memref_slice %arg6[%dma_start3A_48, %dma_start3A_49, %dma_start3A_50] : memref<6x128x128xf32, #tpu.memory_space<vmem>> -> memref<1x128x128xf32, #tpu.memory_space<vmem>>
      %dma_start3A_52 = tpu.memref_squeeze %dma_start3A_51 : memref<1x128x128xf32, #tpu.memory_space<vmem>> -> memref<128x128xf32, #tpu.memory_space<vmem>>
      %dma_start3A_53 = arith.constant 512 : i32
      %dma_start3A_54 = tpu.memref_slice %arg5[%dma_start3A_53] : memref<3128xi32, #tpu.memory_space<vmem>> -> memref<128xi32, #tpu.memory_space<vmem>>
      %dma_start3A_55 = arith.constant 0 : i32
      %dma_start3A_56 = arith.constant 0 : i32
      %dma_start3A_57 = tpu.memref_slice %arg3[%dma_start3A_55, %dma_start3A_56] : memref<50000x128xf32, #tpu.memory_space<hbm>> -> memref<50000x128xf32, #tpu.memory_space<hbm>>
      tpu.enqueue_indirect_dma source(%dma_start3A_57 : memref<50000x128xf32, #tpu.memory_space<hbm>>) target(%dma_start3A_52 : memref<128x128xf32, #tpu.memory_space<vmem>>) offsets(%dma_start3A_54 : memref<128xi32, #tpu.memory_space<vmem>>) semaphore(%arg11 : memref<!tpu.dma_semaphore, #tpu.memory_space<semaphore_mem>>)
      %dma_wait3A = arith.constant 0 : i32
      %dma_wait3A_58 = arith.constant 0 : i32
      %dma_wait3A_59 = arith.constant 0 : i32
      %dma_wait3A_60 = tpu.memref_slice %arg6[%dma_wait3A, %dma_wait3A_58, %dma_wait3A_59] : memref<6x128x128xf32, #tpu.memory_space<vmem>> -> memref<1x128x128xf32, #tpu.memory_space<vmem>>
      %dma_wait3A_61 = tpu.memref_squeeze %dma_wait3A_60 : memref<1x128x128xf32, #tpu.memory_space<vmem>> -> memref<128x128xf32, #tpu.memory_space<vmem>>
      %dma_wait3A_62 = arith.constant 0 : i32
      %dma_wait3A_63 = tpu.memref_slice %arg5[%dma_wait3A_62] : memref<3128xi32, #tpu.memory_space<vmem>> -> memref<128xi32, #tpu.memory_space<vmem>>
      %dma_wait3A_64 = arith.constant 0 : i32
      %dma_wait3A_65 = arith.constant 0 : i32
      %dma_wait3A_66 = tpu.memref_slice %arg3[%dma_wait3A_64, %dma_wait3A_65] : memref<50000x128xf32, #tpu.memory_space<hbm>> -> memref<50000x128xf32, #tpu.memory_space<hbm>>
      tpu.wait_indirect_dma semaphore(%arg7 : memref<!tpu.dma_semaphore, #tpu.memory_space<semaphore_mem>>) src(%dma_wait3A_66 : memref<50000x128xf32, #tpu.memory_space<hbm>>) dst(%dma_wait3A_61 : memref<128x128xf32, #tpu.memory_space<vmem>>)
      %add3A_67 = arith.constant 0 : i32
      %add3A_68 = arith.addi %mul3A_8, %add3A_67 : i32
      %dma_start3A_69 = arith.constant 0 : i32
      %dma_start3A_70 = arith.constant 0 : i32
      %dma_start3A_71 = arith.constant 0 : i32
      %dma_start3A_72 = tpu.memref_slice %arg6[%dma_start3A_69, %dma_start3A_70, %dma_start3A_71] : memref<6x128x128xf32, #tpu.memory_space<vmem>> -> memref<1x128x128xf32, #tpu.memory_space<vmem>>
      %dma_start3A_73 = tpu.memref_squeeze %dma_start3A_72 : memref<1x128x128xf32, #tpu.memory_space<vmem>> -> memref<128x128xf32, #tpu.memory_space<vmem>>
      %dma_start3A_74 = arith.constant 0 : i32
      %dma_start3A_75 = tpu.memref_slice %arg4[%add3A_68, %dma_start3A_74] : memref<100000x128xf32, #tpu.memory_space<hbm>> -> memref<128x128xf32, #tpu.memory_space<hbm>>
      %dma_start3A_76 = arith.constant 0 : i32
      %dma_start3A_77 = tpu.memref_slice %arg4[%add3A_68, %dma_start3A_76] : memref<100000x128xf32, #tpu.memory_space<hbm>> -> memref<128x128xf32, #tpu.memory_space<hbm>>
      %dma_start3A_78 = arith.constant 0 : i32
      %dma_start3A_79 = arith.constant 0 : i32
      %dma_start3A_80 = tpu.memref_slice %arg6[%dma_start3A_69, %dma_start3A_78, %dma_start3A_79] : memref<6x128x128xf32, #tpu.memory_space<vmem>> -> memref<1x128x128xf32, #tpu.memory_space<vmem>>
      %dma_start3A_81 = tpu.memref_squeeze %dma_start3A_80 : memref<1x128x128xf32, #tpu.memory_space<vmem>> -> memref<128x128xf32, #tpu.memory_space<vmem>>
      tpu.enqueue_dma source(%dma_start3A_81 : memref<128x128xf32, #tpu.memory_space<vmem>>) target(%dma_start3A_77 : memref<128x128xf32, #tpu.memory_space<hbm>>) target_semaphore(%arg13 : memref<!tpu.dma_semaphore, #tpu.memory_space<semaphore_mem>>)
      %dma_start3A_82 = arith.constant 5 : i32
      %dma_start3A_83 = arith.constant 0 : i32
      %dma_start3A_84 = arith.constant 0 : i32
      %dma_start3A_85 = tpu.memref_slice %arg6[%dma_start3A_82, %dma_start3A_83, %dma_start3A_84] : memref<6x128x128xf32, #tpu.memory_space<vmem>> -> memref<1x128x128xf32, #tpu.memory_space<vmem>>
      %dma_start3A_86 = tpu.memref_squeeze %dma_start3A_85 : memref<1x128x128xf32, #tpu.memory_space<vmem>> -> memref<128x128xf32, #tpu.memory_space<vmem>>
      %dma_start3A_87 = arith.constant 640 : i32
      %dma_start3A_88 = tpu.memref_slice %arg5[%dma_start3A_87] : memref<3128xi32, #tpu.memory_space<vmem>> -> memref<128xi32, #tpu.memory_space<vmem>>
      %dma_start3A_89 = arith.constant 0 : i32
      %dma_start3A_90 = arith.constant 0 : i32
      %dma_start3A_91 = tpu.memref_slice %arg3[%dma_start3A_89, %dma_start3A_90] : memref<50000x128xf32, #tpu.memory_space<hbm>> -> memref<50000x128xf32, #tpu.memory_space<hbm>>
      tpu.enqueue_indirect_dma source(%dma_start3A_91 : memref<50000x128xf32, #tpu.memory_space<hbm>>) target(%dma_start3A_86 : memref<128x128xf32, #tpu.memory_space<vmem>>) offsets(%dma_start3A_88 : memref<128xi32, #tpu.memory_space<vmem>>) semaphore(%arg12 : memref<!tpu.dma_semaphore, #tpu.memory_space<semaphore_mem>>)
      %dma_wait3A_92 = arith.constant 1 : i32
      %dma_wait3A_93 = arith.constant 0 : i32
      %dma_wait3A_94 = arith.constant 0 : i32
      %dma_wait3A_95 = tpu.memref_slice %arg6[%dma_wait3A_92, %dma_wait3A_93, %dma_wait3A_94] : memref<6x128x128xf32, #tpu.memory_space<vmem>> -> memref<1x128x128xf32, #tpu.memory_space<vmem>>
      %dma_wait3A_96 = tpu.memref_squeeze %dma_wait3A_95 : memref<1x128x128xf32, #tpu.memory_space<vmem>> -> memref<128x128xf32, #tpu.memory_space<vmem>>
      %dma_wait3A_97 = arith.constant 128 : i32
      %dma_wait3A_98 = tpu.memref_slice %arg5[%dma_wait3A_97] : memref<3128xi32, #tpu.memory_space<vmem>> -> memref<128xi32, #tpu.memory_space<vmem>>
      %dma_wait3A_99 = arith.constant 0 : i32
      %dma_wait3A_100 = arith.constant 0 : i32
      %dma_wait3A_101 = tpu.memref_slice %arg3[%dma_wait3A_99, %dma_wait3A_100] : memref<50000x128xf32, #tpu.memory_space<hbm>> -> memref<50000x128xf32, #tpu.memory_space<hbm>>
      tpu.wait_indirect_dma semaphore(%arg8 : memref<!tpu.dma_semaphore, #tpu.memory_space<semaphore_mem>>) src(%dma_wait3A_101 : memref<50000x128xf32, #tpu.memory_space<hbm>>) dst(%dma_wait3A_96 : memref<128x128xf32, #tpu.memory_space<vmem>>)
      %add3A_102 = arith.constant 128 : i32
      %add3A_103 = arith.addi %mul3A_8, %add3A_102 : i32
      %dma_start3A_104 = arith.constant 1 : i32
      %dma_start3A_105 = arith.constant 0 : i32
      %dma_start3A_106 = arith.constant 0 : i32
      %dma_start3A_107 = tpu.memref_slice %arg6[%dma_start3A_104, %dma_start3A_105, %dma_start3A_106] : memref<6x128x128xf32, #tpu.memory_space<vmem>> -> memref<1x128x128xf32, #tpu.memory_space<vmem>>
      %dma_start3A_108 = tpu.memref_squeeze %dma_start3A_107 : memref<1x128x128xf32, #tpu.memory_space<vmem>> -> memref<128x128xf32, #tpu.memory_space<vmem>>
      %dma_start3A_109 = arith.constant 0 : i32
      %dma_start3A_110 = tpu.memref_slice %arg4[%add3A_103, %dma_start3A_109] : memref<100000x128xf32, #tpu.memory_space<hbm>> -> memref<128x128xf32, #tpu.memory_space<hbm>>
      %dma_start3A_111 = arith.constant 0 : i32
      %dma_start3A_112 = tpu.memref_slice %arg4[%add3A_103, %dma_start3A_111] : memref<100000x128xf32, #tpu.memory_space<hbm>> -> memref<128x128xf32, #tpu.memory_space<hbm>>
      %dma_start3A_113 = arith.constant 0 : i32
      %dma_start3A_114 = arith.constant 0 : i32
      %dma_start3A_115 = tpu.memref_slice %arg6[%dma_start3A_104, %dma_start3A_113, %dma_start3A_114] : memref<6x128x128xf32, #tpu.memory_space<vmem>> -> memref<1x128x128xf32, #tpu.memory_space<vmem>>
      %dma_start3A_116 = tpu.memref_squeeze %dma_start3A_115 : memref<1x128x128xf32, #tpu.memory_space<vmem>> -> memref<128x128xf32, #tpu.memory_space<vmem>>
      tpu.enqueue_dma source(%dma_start3A_116 : memref<128x128xf32, #tpu.memory_space<vmem>>) target(%dma_start3A_112 : memref<128x128xf32, #tpu.memory_space<hbm>>) target_semaphore(%arg14 : memref<!tpu.dma_semaphore, #tpu.memory_space<semaphore_mem>>)
      %dma_wait3A_117 = arith.constant 0 : i32
      %dma_wait3A_118 = arith.constant 0 : i32
      %dma_wait3A_119 = arith.constant 0 : i32
      %dma_wait3A_120 = tpu.memref_slice %arg6[%dma_wait3A_117, %dma_wait3A_118, %dma_wait3A_119] : memref<6x128x128xf32, #tpu.memory_space<vmem>> -> memref<1x128x128xf32, #tpu.memory_space<vmem>>
      %dma_wait3A_121 = tpu.memref_squeeze %dma_wait3A_120 : memref<1x128x128xf32, #tpu.memory_space<vmem>> -> memref<128x128xf32, #tpu.memory_space<vmem>>
      %dma_wait3A_122 = arith.constant 0 : i32
      %dma_wait3A_123 = tpu.memref_slice %arg4[%add3A_68, %dma_wait3A_122] : memref<100000x128xf32, #tpu.memory_space<hbm>> -> memref<128x128xf32, #tpu.memory_space<hbm>>
      %dma_wait3A_124 = arith.constant 0 : i32
      %dma_wait3A_125 = tpu.memref_slice %arg4[%add3A_68, %dma_wait3A_124] : memref<100000x128xf32, #tpu.memory_space<hbm>> -> memref<128x128xf32, #tpu.memory_space<hbm>>
      %dma_wait3A_126 = arith.constant 0 : i32
      %dma_wait3A_127 = arith.constant 0 : i32
      %dma_wait3A_128 = tpu.memref_slice %arg6[%dma_wait3A_117, %dma_wait3A_126, %dma_wait3A_127] : memref<6x128x128xf32, #tpu.memory_space<vmem>> -> memref<1x128x128xf32, #tpu.memory_space<vmem>>
      %dma_wait3A_129 = tpu.memref_squeeze %dma_wait3A_128 : memref<1x128x128xf32, #tpu.memory_space<vmem>> -> memref<128x128xf32, #tpu.memory_space<vmem>>
      tpu.wait_dma2 semaphore(%arg13 : memref<!tpu.dma_semaphore, #tpu.memory_space<semaphore_mem>>) src(%dma_wait3A_129 : memref<128x128xf32, #tpu.memory_space<vmem>>) dst(%dma_wait3A_125 : memref<128x128xf32, #tpu.memory_space<hbm>>)
      %dma_start3A_130 = arith.constant 0 : i32
      %dma_start3A_131 = arith.constant 0 : i32
      %dma_start3A_132 = arith.constant 0 : i32
      %dma_start3A_133 = tpu.memref_slice %arg6[%dma_start3A_130, %dma_start3A_131, %dma_start3A_132] : memref<6x128x128xf32, #tpu.memory_space<vmem>> -> memref<1x128x128xf32, #tpu.memory_space<vmem>>
      %dma_start3A_134 = tpu.memref_squeeze %dma_start3A_133 : memref<1x128x128xf32, #tpu.memory_space<vmem>> -> memref<128x128xf32, #tpu.memory_space<vmem>>
      %dma_start3A_135 = arith.constant 768 : i32
      %dma_start3A_136 = tpu.memref_slice %arg5[%dma_start3A_135] : memref<3128xi32, #tpu.memory_space<vmem>> -> memref<128xi32, #tpu.memory_space<vmem>>
      %dma_start3A_137 = arith.constant 0 : i32
      %dma_start3A_138 = arith.constant 0 : i32
      %dma_start3A_139 = tpu.memref_slice %arg3[%dma_start3A_137, %dma_start3A_138] : memref<50000x128xf32, #tpu.memory_space<hbm>> -> memref<50000x128xf32, #tpu.memory_space<hbm>>
      tpu.enqueue_indirect_dma source(%dma_start3A_139 : memref<50000x128xf32, #tpu.memory_space<hbm>>) target(%dma_start3A_134 : memref<128x128xf32, #tpu.memory_space<vmem>>) offsets(%dma_start3A_136 : memref<128xi32, #tpu.memory_space<vmem>>) semaphore(%arg7 : memref<!tpu.dma_semaphore, #tpu.memory_space<semaphore_mem>>)
      %dma_wait3A_140 = arith.constant 2 : i32
      %dma_wait3A_141 = arith.constant 0 : i32
      %dma_wait3A_142 = arith.constant 0 : i32
      %dma_wait3A_143 = tpu.memref_slice %arg6[%dma_wait3A_140, %dma_wait3A_141, %dma_wait3A_142] : memref<6x128x128xf32, #tpu.memory_space<vmem>> -> memref<1x128x128xf32, #tpu.memory_space<vmem>>
      %dma_wait3A_144 = tpu.memref_squeeze %dma_wait3A_143 : memref<1x128x128xf32, #tpu.memory_space<vmem>> -> memref<128x128xf32, #tpu.memory_space<vmem>>
      %dma_wait3A_145 = arith.constant 256 : i32
      %dma_wait3A_146 = tpu.memref_slice %arg5[%dma_wait3A_145] : memref<3128xi32, #tpu.memory_space<vmem>> -> memref<128xi32, #tpu.memory_space<vmem>>
      %dma_wait3A_147 = arith.constant 0 : i32
      %dma_wait3A_148 = arith.constant 0 : i32
      %dma_wait3A_149 = tpu.memref_slice %arg3[%dma_wait3A_147, %dma_wait3A_148] : memref<50000x128xf32, #tpu.memory_space<hbm>> -> memref<50000x128xf32, #tpu.memory_space<hbm>>
      tpu.wait_indirect_dma semaphore(%arg9 : memref<!tpu.dma_semaphore, #tpu.memory_space<semaphore_mem>>) src(%dma_wait3A_149 : memref<50000x128xf32, #tpu.memory_space<hbm>>) dst(%dma_wait3A_144 : memref<128x128xf32, #tpu.memory_space<vmem>>)
      %add3A_150 = arith.constant 256 : i32
      %add3A_151 = arith.addi %mul3A_8, %add3A_150 : i32
      %dma_start3A_152 = arith.constant 2 : i32
      %dma_start3A_153 = arith.constant 0 : i32
      %dma_start3A_154 = arith.constant 0 : i32
      %dma_start3A_155 = tpu.memref_slice %arg6[%dma_start3A_152, %dma_start3A_153, %dma_start3A_154] : memref<6x128x128xf32, #tpu.memory_space<vmem>> -> memref<1x128x128xf32, #tpu.memory_space<vmem>>
      %dma_start3A_156 = tpu.memref_squeeze %dma_start3A_155 : memref<1x128x128xf32, #tpu.memory_space<vmem>> -> memref<128x128xf32, #tpu.memory_space<vmem>>
      %dma_start3A_157 = arith.constant 0 : i32
      %dma_start3A_158 = tpu.memref_slice %arg4[%add3A_151, %dma_start3A_157] : memref<100000x128xf32, #tpu.memory_space<hbm>> -> memref<128x128xf32, #tpu.memory_space<hbm>>
      %dma_start3A_159 = arith.constant 0 : i32
      %dma_start3A_160 = tpu.memref_slice %arg4[%add3A_151, %dma_start3A_159] : memref<100000x128xf32, #tpu.memory_space<hbm>> -> memref<128x128xf32, #tpu.memory_space<hbm>>
      %dma_start3A_161 = arith.constant 0 : i32
      %dma_start3A_162 = arith.constant 0 : i32
      %dma_start3A_163 = tpu.memref_slice %arg6[%dma_start3A_152, %dma_start3A_161, %dma_start3A_162] : memref<6x128x128xf32, #tpu.memory_space<vmem>> -> memref<1x128x128xf32, #tpu.memory_space<vmem>>
      %dma_start3A_164 = tpu.memref_squeeze %dma_start3A_163 : memref<1x128x128xf32, #tpu.memory_space<vmem>> -> memref<128x128xf32, #tpu.memory_space<vmem>>
      tpu.enqueue_dma source(%dma_start3A_164 : memref<128x128xf32, #tpu.memory_space<vmem>>) target(%dma_start3A_160 : memref<128x128xf32, #tpu.memory_space<hbm>>) target_semaphore(%arg15 : memref<!tpu.dma_semaphore, #tpu.memory_space<semaphore_mem>>)
      %dma_wait3A_165 = arith.constant 1 : i32
      %dma_wait3A_166 = arith.constant 0 : i32
      %dma_wait3A_167 = arith.constant 0 : i32
      %dma_wait3A_168 = tpu.memref_slice %arg6[%dma_wait3A_165, %dma_wait3A_166, %dma_wait3A_167] : memref<6x128x128xf32, #tpu.memory_space<vmem>> -> memref<1x128x128xf32, #tpu.memory_space<vmem>>
      %dma_wait3A_169 = tpu.memref_squeeze %dma_wait3A_168 : memref<1x128x128xf32, #tpu.memory_space<vmem>> -> memref<128x128xf32, #tpu.memory_space<vmem>>
      %dma_wait3A_170 = arith.constant 0 : i32
      %dma_wait3A_171 = tpu.memref_slice %arg4[%add3A_103, %dma_wait3A_170] : memref<100000x128xf32, #tpu.memory_space<hbm>> -> memref<128x128xf32, #tpu.memory_space<hbm>>
      %dma_wait3A_172 = arith.constant 0 : i32
      %dma_wait3A_173 = tpu.memref_slice %arg4[%add3A_103, %dma_wait3A_172] : memref<100000x128xf32, #tpu.memory_space<hbm>> -> memref<128x128xf32, #tpu.memory_space<hbm>>
      %dma_wait3A_174 = arith.constant 0 : i32
      %dma_wait3A_175 = arith.constant 0 : i32
      %dma_wait3A_176 = tpu.memref_slice %arg6[%dma_wait3A_165, %dma_wait3A_174, %dma_wait3A_175] : memref<6x128x128xf32, #tpu.memory_space<vmem>> -> memref<1x128x128xf32, #tpu.memory_space<vmem>>
      %dma_wait3A_177 = tpu.memref_squeeze %dma_wait3A_176 : memref<1x128x128xf32, #tpu.memory_space<vmem>> -> memref<128x128xf32, #tpu.memory_space<vmem>>
      tpu.wait_dma2 semaphore(%arg14 : memref<!tpu.dma_semaphore, #tpu.memory_space<semaphore_mem>>) src(%dma_wait3A_177 : memref<128x128xf32, #tpu.memory_space<vmem>>) dst(%dma_wait3A_173 : memref<128x128xf32, #tpu.memory_space<hbm>>)
      %dma_start3A_178 = arith.constant 1 : i32
      %dma_start3A_179 = arith.constant 0 : i32
      %dma_start3A_180 = arith.constant 0 : i32
      %dma_start3A_181 = tpu.memref_slice %arg6[%dma_start3A_178, %dma_start3A_179, %dma_start3A_180] : memref<6x128x128xf32, #tpu.memory_space<vmem>> -> memref<1x128x128xf32, #tpu.memory_space<vmem>>
      %dma_start3A_182 = tpu.memref_squeeze %dma_start3A_181 : memref<1x128x128xf32, #tpu.memory_space<vmem>> -> memref<128x128xf32, #tpu.memory_space<vmem>>
      %dma_start3A_183 = arith.constant 896 : i32
      %dma_start3A_184 = tpu.memref_slice %arg5[%dma_start3A_183] : memref<3128xi32, #tpu.memory_space<vmem>> -> memref<128xi32, #tpu.memory_space<vmem>>
      %dma_start3A_185 = arith.constant 0 : i32
      %dma_start3A_186 = arith.constant 0 : i32
      %dma_start3A_187 = tpu.memref_slice %arg3[%dma_start3A_185, %dma_start3A_186] : memref<50000x128xf32, #tpu.memory_space<hbm>> -> memref<50000x128xf32, #tpu.memory_space<hbm>>
      tpu.enqueue_indirect_dma source(%dma_start3A_187 : memref<50000x128xf32, #tpu.memory_space<hbm>>) target(%dma_start3A_182 : memref<128x128xf32, #tpu.memory_space<vmem>>) offsets(%dma_start3A_184 : memref<128xi32, #tpu.memory_space<vmem>>) semaphore(%arg8 : memref<!tpu.dma_semaphore, #tpu.memory_space<semaphore_mem>>)
      %dma_wait3A_188 = arith.constant 3 : i32
      %dma_wait3A_189 = arith.constant 0 : i32
      %dma_wait3A_190 = arith.constant 0 : i32
      %dma_wait3A_191 = tpu.memref_slice %arg6[%dma_wait3A_188, %dma_wait3A_189, %dma_wait3A_190] : memref<6x128x128xf32, #tpu.memory_space<vmem>> -> memref<1x128x128xf32, #tpu.memory_space<vmem>>
      %dma_wait3A_192 = tpu.memref_squeeze %dma_wait3A_191 : memref<1x128x128xf32, #tpu.memory_space<vmem>> -> memref<128x128xf32, #tpu.memory_space<vmem>>
      %dma_wait3A_193 = arith.constant 384 : i32
      %dma_wait3A_194 = tpu.memref_slice %arg5[%dma_wait3A_193] : memref<3128xi32, #tpu.memory_space<vmem>> -> memref<128xi32, #tpu.memory_space<vmem>>
      %dma_wait3A_195 = arith.constant 0 : i32
      %dma_wait3A_196 = arith.constant 0 : i32
      %dma_wait3A_197 = tpu.memref_slice %arg3[%dma_wait3A_195, %dma_wait3A_196] : memref<50000x128xf32, #tpu.memory_space<hbm>> -> memref<50000x128xf32, #tpu.memory_space<hbm>>
      tpu.wait_indirect_dma semaphore(%arg10 : memref<!tpu.dma_semaphore, #tpu.memory_space<semaphore_mem>>) src(%dma_wait3A_197 : memref<50000x128xf32, #tpu.memory_space<hbm>>) dst(%dma_wait3A_192 : memref<128x128xf32, #tpu.memory_space<vmem>>)
      %add3A_198 = arith.constant 384 : i32
      %add3A_199 = arith.addi %mul3A_8, %add3A_198 : i32
      %dma_start3A_200 = arith.constant 3 : i32
      %dma_start3A_201 = arith.constant 0 : i32
      %dma_start3A_202 = arith.constant 0 : i32
      %dma_start3A_203 = tpu.memref_slice %arg6[%dma_start3A_200, %dma_start3A_201, %dma_start3A_202] : memref<6x128x128xf32, #tpu.memory_space<vmem>> -> memref<1x128x128xf32, #tpu.memory_space<vmem>>
      %dma_start3A_204 = tpu.memref_squeeze %dma_start3A_203 : memref<1x128x128xf32, #tpu.memory_space<vmem>> -> memref<128x128xf32, #tpu.memory_space<vmem>>
      %dma_start3A_205 = arith.constant 0 : i32
      %dma_start3A_206 = tpu.memref_slice %arg4[%add3A_199, %dma_start3A_205] : memref<100000x128xf32, #tpu.memory_space<hbm>> -> memref<128x128xf32, #tpu.memory_space<hbm>>
      %dma_start3A_207 = arith.constant 0 : i32
      %dma_start3A_208 = tpu.memref_slice %arg4[%add3A_199, %dma_start3A_207] : memref<100000x128xf32, #tpu.memory_space<hbm>> -> memref<128x128xf32, #tpu.memory_space<hbm>>
      %dma_start3A_209 = arith.constant 0 : i32
      %dma_start3A_210 = arith.constant 0 : i32
      %dma_start3A_211 = tpu.memref_slice %arg6[%dma_start3A_200, %dma_start3A_209, %dma_start3A_210] : memref<6x128x128xf32, #tpu.memory_space<vmem>> -> memref<1x128x128xf32, #tpu.memory_space<vmem>>
      %dma_start3A_212 = tpu.memref_squeeze %dma_start3A_211 : memref<1x128x128xf32, #tpu.memory_space<vmem>> -> memref<128x128xf32, #tpu.memory_space<vmem>>
      tpu.enqueue_dma source(%dma_start3A_212 : memref<128x128xf32, #tpu.memory_space<vmem>>) target(%dma_start3A_208 : memref<128x128xf32, #tpu.memory_space<hbm>>) target_semaphore(%arg16 : memref<!tpu.dma_semaphore, #tpu.memory_space<semaphore_mem>>)
      %dma_wait3A_213 = arith.constant 2 : i32
      %dma_wait3A_214 = arith.constant 0 : i32
      %dma_wait3A_215 = arith.constant 0 : i32
      %dma_wait3A_216 = tpu.memref_slice %arg6[%dma_wait3A_213, %dma_wait3A_214, %dma_wait3A_215] : memref<6x128x128xf32, #tpu.memory_space<vmem>> -> memref<1x128x128xf32, #tpu.memory_space<vmem>>
      %dma_wait3A_217 = tpu.memref_squeeze %dma_wait3A_216 : memref<1x128x128xf32, #tpu.memory_space<vmem>> -> memref<128x128xf32, #tpu.memory_space<vmem>>
      %dma_wait3A_218 = arith.constant 0 : i32
      %dma_wait3A_219 = tpu.memref_slice %arg4[%add3A_151, %dma_wait3A_218] : memref<100000x128xf32, #tpu.memory_space<hbm>> -> memref<128x128xf32, #tpu.memory_space<hbm>>
      %dma_wait3A_220 = arith.constant 0 : i32
      %dma_wait3A_221 = tpu.memref_slice %arg4[%add3A_151, %dma_wait3A_220] : memref<100000x128xf32, #tpu.memory_space<hbm>> -> memref<128x128xf32, #tpu.memory_space<hbm>>
      %dma_wait3A_222 = arith.constant 0 : i32
      %dma_wait3A_223 = arith.constant 0 : i32
      %dma_wait3A_224 = tpu.memref_slice %arg6[%dma_wait3A_213, %dma_wait3A_222, %dma_wait3A_223] : memref<6x128x128xf32, #tpu.memory_space<vmem>> -> memref<1x128x128xf32, #tpu.memory_space<vmem>>
      %dma_wait3A_225 = tpu.memref_squeeze %dma_wait3A_224 : memref<1x128x128xf32, #tpu.memory_space<vmem>> -> memref<128x128xf32, #tpu.memory_space<vmem>>
      tpu.wait_dma2 semaphore(%arg15 : memref<!tpu.dma_semaphore, #tpu.memory_space<semaphore_mem>>) src(%dma_wait3A_225 : memref<128x128xf32, #tpu.memory_space<vmem>>) dst(%dma_wait3A_221 : memref<128x128xf32, #tpu.memory_space<hbm>>)
      %dma_start3A_226 = arith.constant 2 : i32
      %dma_start3A_227 = arith.constant 0 : i32
      %dma_start3A_228 = arith.constant 0 : i32
      %dma_start3A_229 = tpu.memref_slice %arg6[%dma_start3A_226, %dma_start3A_227, %dma_start3A_228] : memref<6x128x128xf32, #tpu.memory_space<vmem>> -> memref<1x128x128xf32, #tpu.memory_space<vmem>>
      %dma_start3A_230 = tpu.memref_squeeze %dma_start3A_229 : memref<1x128x128xf32, #tpu.memory_space<vmem>> -> memref<128x128xf32, #tpu.memory_space<vmem>>
      %dma_start3A_231 = arith.constant 1024 : i32
      %dma_start3A_232 = tpu.memref_slice %arg5[%dma_start3A_231] : memref<3128xi32, #tpu.memory_space<vmem>> -> memref<128xi32, #tpu.memory_space<vmem>>
      %dma_start3A_233 = arith.constant 0 : i32
      %dma_start3A_234 = arith.constant 0 : i32
      %dma_start3A_235 = tpu.memref_slice %arg3[%dma_start3A_233, %dma_start3A_234] : memref<50000x128xf32, #tpu.memory_space<hbm>> -> memref<50000x128xf32, #tpu.memory_space<hbm>>
      tpu.enqueue_indirect_dma source(%dma_start3A_235 : memref<50000x128xf32, #tpu.memory_space<hbm>>) target(%dma_start3A_230 : memref<128x128xf32, #tpu.memory_space<vmem>>) offsets(%dma_start3A_232 : memref<128xi32, #tpu.memory_space<vmem>>) semaphore(%arg9 : memref<!tpu.dma_semaphore, #tpu.memory_space<semaphore_mem>>)
      %dma_wait3A_236 = arith.constant 4 : i32
      %dma_wait3A_237 = arith.constant 0 : i32
      %dma_wait3A_238 = arith.constant 0 : i32
      %dma_wait3A_239 = tpu.memref_slice %arg6[%dma_wait3A_236, %dma_wait3A_237, %dma_wait3A_238] : memref<6x128x128xf32, #tpu.memory_space<vmem>> -> memref<1x128x128xf32, #tpu.memory_space<vmem>>
      %dma_wait3A_240 = tpu.memref_squeeze %dma_wait3A_239 : memref<1x128x128xf32, #tpu.memory_space<vmem>> -> memref<128x128xf32, #tpu.memory_space<vmem>>
      %dma_wait3A_241 = arith.constant 512 : i32
      %dma_wait3A_242 = tpu.memref_slice %arg5[%dma_wait3A_241] : memref<3128xi32, #tpu.memory_space<vmem>> -> memref<128xi32, #tpu.memory_space<vmem>>
      %dma_wait3A_243 = arith.constant 0 : i32
      %dma_wait3A_244 = arith.constant 0 : i32
      %dma_wait3A_245 = tpu.memref_slice %arg3[%dma_wait3A_243, %dma_wait3A_244] : memref<50000x128xf32, #tpu.memory_space<hbm>> -> memref<50000x128xf32, #tpu.memory_space<hbm>>
      tpu.wait_indirect_dma semaphore(%arg11 : memref<!tpu.dma_semaphore, #tpu.memory_space<semaphore_mem>>) src(%dma_wait3A_245 : memref<50000x128xf32, #tpu.memory_space<hbm>>) dst(%dma_wait3A_240 : memref<128x128xf32, #tpu.memory_space<vmem>>)
      %add3A_246 = arith.constant 512 : i32
      %add3A_247 = arith.addi %mul3A_8, %add3A_246 : i32
      %dma_start3A_248 = arith.constant 4 : i32
      %dma_start3A_249 = arith.constant 0 : i32
      %dma_start3A_250 = arith.constant 0 : i32
      %dma_start3A_251 = tpu.memref_slice %arg6[%dma_start3A_248, %dma_start3A_249, %dma_start3A_250] : memref<6x128x128xf32, #tpu.memory_space<vmem>> -> memref<1x128x128xf32, #tpu.memory_space<vmem>>
      %dma_start3A_252 = tpu.memref_squeeze %dma_start3A_251 : memref<1x128x128xf32, #tpu.memory_space<vmem>> -> memref<128x128xf32, #tpu.memory_space<vmem>>
      %dma_start3A_253 = arith.constant 0 : i32
      %dma_start3A_254 = tpu.memref_slice %arg4[%add3A_247, %dma_start3A_253] : memref<100000x128xf32, #tpu.memory_space<hbm>> -> memref<128x128xf32, #tpu.memory_space<hbm>>
      %dma_start3A_255 = arith.constant 0 : i32
      %dma_start3A_256 = tpu.memref_slice %arg4[%add3A_247, %dma_start3A_255] : memref<100000x128xf32, #tpu.memory_space<hbm>> -> memref<128x128xf32, #tpu.memory_space<hbm>>
      %dma_start3A_257 = arith.constant 0 : i32
      %dma_start3A_258 = arith.constant 0 : i32
      %dma_start3A_259 = tpu.memref_slice %arg6[%dma_start3A_248, %dma_start3A_257, %dma_start3A_258] : memref<6x128x128xf32, #tpu.memory_space<vmem>> -> memref<1x128x128xf32, #tpu.memory_space<vmem>>
      %dma_start3A_260 = tpu.memref_squeeze %dma_start3A_259 : memref<1x128x128xf32, #tpu.memory_space<vmem>> -> memref<128x128xf32, #tpu.memory_space<vmem>>
      tpu.enqueue_dma source(%dma_start3A_260 : memref<128x128xf32, #tpu.memory_space<vmem>>) target(%dma_start3A_256 : memref<128x128xf32, #tpu.memory_space<hbm>>) target_semaphore(%arg17 : memref<!tpu.dma_semaphore, #tpu.memory_space<semaphore_mem>>)
      %dma_wait3A_261 = arith.constant 3 : i32
      %dma_wait3A_262 = arith.constant 0 : i32
      %dma_wait3A_263 = arith.constant 0 : i32
      %dma_wait3A_264 = tpu.memref_slice %arg6[%dma_wait3A_261, %dma_wait3A_262, %dma_wait3A_263] : memref<6x128x128xf32, #tpu.memory_space<vmem>> -> memref<1x128x128xf32, #tpu.memory_space<vmem>>
      %dma_wait3A_265 = tpu.memref_squeeze %dma_wait3A_264 : memref<1x128x128xf32, #tpu.memory_space<vmem>> -> memref<128x128xf32, #tpu.memory_space<vmem>>
      %dma_wait3A_266 = arith.constant 0 : i32
      %dma_wait3A_267 = tpu.memref_slice %arg4[%add3A_199, %dma_wait3A_266] : memref<100000x128xf32, #tpu.memory_space<hbm>> -> memref<128x128xf32, #tpu.memory_space<hbm>>
      %dma_wait3A_268 = arith.constant 0 : i32
      %dma_wait3A_269 = tpu.memref_slice %arg4[%add3A_199, %dma_wait3A_268] : memref<100000x128xf32, #tpu.memory_space<hbm>> -> memref<128x128xf32, #tpu.memory_space<hbm>>
      %dma_wait3A_270 = arith.constant 0 : i32
      %dma_wait3A_271 = arith.constant 0 : i32
      %dma_wait3A_272 = tpu.memref_slice %arg6[%dma_wait3A_261, %dma_wait3A_270, %dma_wait3A_271] : memref<6x128x128xf32, #tpu.memory_space<vmem>> -> memref<1x128x128xf32, #tpu.memory_space<vmem>>
      %dma_wait3A_273 = tpu.memref_squeeze %dma_wait3A_272 : memref<1x128x128xf32, #tpu.memory_space<vmem>> -> memref<128x128xf32, #tpu.memory_space<vmem>>
      tpu.wait_dma2 semaphore(%arg16 : memref<!tpu.dma_semaphore, #tpu.memory_space<semaphore_mem>>) src(%dma_wait3A_273 : memref<128x128xf32, #tpu.memory_space<vmem>>) dst(%dma_wait3A_269 : memref<128x128xf32, #tpu.memory_space<hbm>>)
      %dma_start3A_274 = arith.constant 3 : i32
      %dma_start3A_275 = arith.constant 0 : i32
      %dma_start3A_276 = arith.constant 0 : i32
      %dma_start3A_277 = tpu.memref_slice %arg6[%dma_start3A_274, %dma_start3A_275, %dma_start3A_276] : memref<6x128x128xf32, #tpu.memory_space<vmem>> -> memref<1x128x128xf32, #tpu.memory_space<vmem>>
      %dma_start3A_278 = tpu.memref_squeeze %dma_start3A_277 : memref<1x128x128xf32, #tpu.memory_space<vmem>> -> memref<128x128xf32, #tpu.memory_space<vmem>>
      %dma_start3A_279 = arith.constant 1152 : i32
      %dma_start3A_280 = tpu.memref_slice %arg5[%dma_start3A_279] : memref<3128xi32, #tpu.memory_space<vmem>> -> memref<128xi32, #tpu.memory_space<vmem>>
      %dma_start3A_281 = arith.constant 0 : i32
      %dma_start3A_282 = arith.constant 0 : i32
      %dma_start3A_283 = tpu.memref_slice %arg3[%dma_start3A_281, %dma_start3A_282] : memref<50000x128xf32, #tpu.memory_space<hbm>> -> memref<50000x128xf32, #tpu.memory_space<hbm>>
      tpu.enqueue_indirect_dma source(%dma_start3A_283 : memref<50000x128xf32, #tpu.memory_space<hbm>>) target(%dma_start3A_278 : memref<128x128xf32, #tpu.memory_space<vmem>>) offsets(%dma_start3A_280 : memref<128xi32, #tpu.memory_space<vmem>>) semaphore(%arg10 : memref<!tpu.dma_semaphore, #tpu.memory_space<semaphore_mem>>)
      %dma_wait3A_284 = arith.constant 5 : i32
      %dma_wait3A_285 = arith.constant 0 : i32
      %dma_wait3A_286 = arith.constant 0 : i32
      %dma_wait3A_287 = tpu.memref_slice %arg6[%dma_wait3A_284, %dma_wait3A_285, %dma_wait3A_286] : memref<6x128x128xf32, #tpu.memory_space<vmem>> -> memref<1x128x128xf32, #tpu.memory_space<vmem>>
      %dma_wait3A_288 = tpu.memref_squeeze %dma_wait3A_287 : memref<1x128x128xf32, #tpu.memory_space<vmem>> -> memref<128x128xf32, #tpu.memory_space<vmem>>
      %dma_wait3A_289 = arith.constant 640 : i32
      %dma_wait3A_290 = tpu.memref_slice %arg5[%dma_wait3A_289] : memref<3128xi32, #tpu.memory_space<vmem>> -> memref<128xi32, #tpu.memory_space<vmem>>
      %dma_wait3A_291 = arith.constant 0 : i32
      %dma_wait3A_292 = arith.constant 0 : i32
      %dma_wait3A_293 = tpu.memref_slice %arg3[%dma_wait3A_291, %dma_wait3A_292] : memref<50000x128xf32, #tpu.memory_space<hbm>> -> memref<50000x128xf32, #tpu.memory_space<hbm>>
      tpu.wait_indirect_dma semaphore(%arg12 : memref<!tpu.dma_semaphore, #tpu.memory_space<semaphore_mem>>) src(%dma_wait3A_293 : memref<50000x128xf32, #tpu.memory_space<hbm>>) dst(%dma_wait3A_288 : memref<128x128xf32, #tpu.memory_space<vmem>>)
      %add3A_294 = arith.constant 640 : i32
      %add3A_295 = arith.addi %mul3A_8, %add3A_294 : i32
      %dma_start3A_296 = arith.constant 5 : i32
      %dma_start3A_297 = arith.constant 0 : i32
      %dma_start3A_298 = arith.constant 0 : i32
      %dma_start3A_299 = tpu.memref_slice %arg6[%dma_start3A_296, %dma_start3A_297, %dma_start3A_298] : memref<6x128x128xf32, #tpu.memory_space<vmem>> -> memref<1x128x128xf32, #tpu.memory_space<vmem>>
      %dma_start3A_300 = tpu.memref_squeeze %dma_start3A_299 : memref<1x128x128xf32, #tpu.memory_space<vmem>> -> memref<128x128xf32, #tpu.memory_space<vmem>>
      %dma_start3A_301 = arith.constant 0 : i32
      %dma_start3A_302 = tpu.memref_slice %arg4[%add3A_295, %dma_start3A_301] : memref<100000x128xf32, #tpu.memory_space<hbm>> -> memref<128x128xf32, #tpu.memory_space<hbm>>
      %dma_start3A_303 = arith.constant 0 : i32
      %dma_start3A_304 = tpu.memref_slice %arg4[%add3A_295, %dma_start3A_303] : memref<100000x128xf32, #tpu.memory_space<hbm>> -> memref<128x128xf32, #tpu.memory_space<hbm>>
      %dma_start3A_305 = arith.constant 0 : i32
      %dma_start3A_306 = arith.constant 0 : i32
      %dma_start3A_307 = tpu.memref_slice %arg6[%dma_start3A_296, %dma_start3A_305, %dma_start3A_306] : memref<6x128x128xf32, #tpu.memory_space<vmem>> -> memref<1x128x128xf32, #tpu.memory_space<vmem>>
      %dma_start3A_308 = tpu.memref_squeeze %dma_start3A_307 : memref<1x128x128xf32, #tpu.memory_space<vmem>> -> memref<128x128xf32, #tpu.memory_space<vmem>>
      tpu.enqueue_dma source(%dma_start3A_308 : memref<128x128xf32, #tpu.memory_space<vmem>>) target(%dma_start3A_304 : memref<128x128xf32, #tpu.memory_space<hbm>>) target_semaphore(%arg18 : memref<!tpu.dma_semaphore, #tpu.memory_space<semaphore_mem>>)
      %dma_wait3A_309 = arith.constant 4 : i32
      %dma_wait3A_310 = arith.constant 0 : i32
      %dma_wait3A_311 = arith.constant 0 : i32
      %dma_wait3A_312 = tpu.memref_slice %arg6[%dma_wait3A_309, %dma_wait3A_310, %dma_wait3A_311] : memref<6x128x128xf32, #tpu.memory_space<vmem>> -> memref<1x128x128xf32, #tpu.memory_space<vmem>>
      %dma_wait3A_313 = tpu.memref_squeeze %dma_wait3A_312 : memref<1x128x128xf32, #tpu.memory_space<vmem>> -> memref<128x128xf32, #tpu.memory_space<vmem>>
      %dma_wait3A_314 = arith.constant 0 : i32
      %dma_wait3A_315 = tpu.memref_slice %arg4[%add3A_247, %dma_wait3A_314] : memref<100000x128xf32, #tpu.memory_space<hbm>> -> memref<128x128xf32, #tpu.memory_space<hbm>>
      %dma_wait3A_316 = arith.constant 0 : i32
      %dma_wait3A_317 = tpu.memref_slice %arg4[%add3A_247, %dma_wait3A_316] : memref<100000x128xf32, #tpu.memory_space<hbm>> -> memref<128x128xf32, #tpu.memory_space<hbm>>
      %dma_wait3A_318 = arith.constant 0 : i32
      %dma_wait3A_319 = arith.constant 0 : i32
      %dma_wait3A_320 = tpu.memref_slice %arg6[%dma_wait3A_309, %dma_wait3A_318, %dma_wait3A_319] : memref<6x128x128xf32, #tpu.memory_space<vmem>> -> memref<1x128x128xf32, #tpu.memory_space<vmem>>
      %dma_wait3A_321 = tpu.memref_squeeze %dma_wait3A_320 : memref<1x128x128xf32, #tpu.memory_space<vmem>> -> memref<128x128xf32, #tpu.memory_space<vmem>>
      tpu.wait_dma2 semaphore(%arg17 : memref<!tpu.dma_semaphore, #tpu.memory_space<semaphore_mem>>) src(%dma_wait3A_321 : memref<128x128xf32, #tpu.memory_space<vmem>>) dst(%dma_wait3A_317 : memref<128x128xf32, #tpu.memory_space<hbm>>)
      %dma_start3A_322 = arith.constant 4 : i32
      %dma_start3A_323 = arith.constant 0 : i32
      %dma_start3A_324 = arith.constant 0 : i32
      %dma_start3A_325 = tpu.memref_slice %arg6[%dma_start3A_322, %dma_start3A_323, %dma_start3A_324] : memref<6x128x128xf32, #tpu.memory_space<vmem>> -> memref<1x128x128xf32, #tpu.memory_space<vmem>>
      %dma_start3A_326 = tpu.memref_squeeze %dma_start3A_325 : memref<1x128x128xf32, #tpu.memory_space<vmem>> -> memref<128x128xf32, #tpu.memory_space<vmem>>
      %dma_start3A_327 = arith.constant 1280 : i32
      %dma_start3A_328 = tpu.memref_slice %arg5[%dma_start3A_327] : memref<3128xi32, #tpu.memory_space<vmem>> -> memref<128xi32, #tpu.memory_space<vmem>>
      %dma_start3A_329 = arith.constant 0 : i32
      %dma_start3A_330 = arith.constant 0 : i32
      %dma_start3A_331 = tpu.memref_slice %arg3[%dma_start3A_329, %dma_start3A_330] : memref<50000x128xf32, #tpu.memory_space<hbm>> -> memref<50000x128xf32, #tpu.memory_space<hbm>>
      tpu.enqueue_indirect_dma source(%dma_start3A_331 : memref<50000x128xf32, #tpu.memory_space<hbm>>) target(%dma_start3A_326 : memref<128x128xf32, #tpu.memory_space<vmem>>) offsets(%dma_start3A_328 : memref<128xi32, #tpu.memory_space<vmem>>) semaphore(%arg11 : memref<!tpu.dma_semaphore, #tpu.memory_space<semaphore_mem>>)
      %dma_wait3A_332 = arith.constant 0 : i32
      %dma_wait3A_333 = arith.constant 0 : i32
      %dma_wait3A_334 = arith.constant 0 : i32
      %dma_wait3A_335 = tpu.memref_slice %arg6[%dma_wait3A_332, %dma_wait3A_333, %dma_wait3A_334] : memref<6x128x128xf32, #tpu.memory_space<vmem>> -> memref<1x128x128xf32, #tpu.memory_space<vmem>>
      %dma_wait3A_336 = tpu.memref_squeeze %dma_wait3A_335 : memref<1x128x128xf32, #tpu.memory_space<vmem>> -> memref<128x128xf32, #tpu.memory_space<vmem>>
      %dma_wait3A_337 = arith.constant 768 : i32
      %dma_wait3A_338 = tpu.memref_slice %arg5[%dma_wait3A_337] : memref<3128xi32, #tpu.memory_space<vmem>> -> memref<128xi32, #tpu.memory_space<vmem>>
      %dma_wait3A_339 = arith.constant 0 : i32
      %dma_wait3A_340 = arith.constant 0 : i32
      %dma_wait3A_341 = tpu.memref_slice %arg3[%dma_wait3A_339, %dma_wait3A_340] : memref<50000x128xf32, #tpu.memory_space<hbm>> -> memref<50000x128xf32, #tpu.memory_space<hbm>>
      tpu.wait_indirect_dma semaphore(%arg7 : memref<!tpu.dma_semaphore, #tpu.memory_space<semaphore_mem>>) src(%dma_wait3A_341 : memref<50000x128xf32, #tpu.memory_space<hbm>>) dst(%dma_wait3A_336 : memref<128x128xf32, #tpu.memory_space<vmem>>)
      %add3A_342 = arith.constant 768 : i32
      %add3A_343 = arith.addi %mul3A_8, %add3A_342 : i32
      %dma_start3A_344 = arith.constant 0 : i32
      %dma_start3A_345 = arith.constant 0 : i32
      %dma_start3A_346 = arith.constant 0 : i32
      %dma_start3A_347 = tpu.memref_slice %arg6[%dma_start3A_344, %dma_start3A_345, %dma_start3A_346] : memref<6x128x128xf32, #tpu.memory_space<vmem>> -> memref<1x128x128xf32, #tpu.memory_space<vmem>>
      %dma_start3A_348 = tpu.memref_squeeze %dma_start3A_347 : memref<1x128x128xf32, #tpu.memory_space<vmem>> -> memref<128x128xf32, #tpu.memory_space<vmem>>
      %dma_start3A_349 = arith.constant 0 : i32
      %dma_start3A_350 = tpu.memref_slice %arg4[%add3A_343, %dma_start3A_349] : memref<100000x128xf32, #tpu.memory_space<hbm>> -> memref<128x128xf32, #tpu.memory_space<hbm>>
      %dma_start3A_351 = arith.constant 0 : i32
      %dma_start3A_352 = tpu.memref_slice %arg4[%add3A_343, %dma_start3A_351] : memref<100000x128xf32, #tpu.memory_space<hbm>> -> memref<128x128xf32, #tpu.memory_space<hbm>>
      %dma_start3A_353 = arith.constant 0 : i32
      %dma_start3A_354 = arith.constant 0 : i32
      %dma_start3A_355 = tpu.memref_slice %arg6[%dma_start3A_344, %dma_start3A_353, %dma_start3A_354] : memref<6x128x128xf32, #tpu.memory_space<vmem>> -> memref<1x128x128xf32, #tpu.memory_space<vmem>>
      %dma_start3A_356 = tpu.memref_squeeze %dma_start3A_355 : memref<1x128x128xf32, #tpu.memory_space<vmem>> -> memref<128x128xf32, #tpu.memory_space<vmem>>
      tpu.enqueue_dma source(%dma_start3A_356 : memref<128x128xf32, #tpu.memory_space<vmem>>) target(%dma_start3A_352 : memref<128x128xf32, #tpu.memory_space<hbm>>) target_semaphore(%arg13 : memref<!tpu.dma_semaphore, #tpu.memory_space<semaphore_mem>>)
      %dma_wait3A_357 = arith.constant 5 : i32
      %dma_wait3A_358 = arith.constant 0 : i32
      %dma_wait3A_359 = arith.constant 0 : i32
      %dma_wait3A_360 = tpu.memref_slice %arg6[%dma_wait3A_357, %dma_wait3A_358, %dma_wait3A_359] : memref<6x128x128xf32, #tpu.memory_space<vmem>> -> memref<1x128x128xf32, #tpu.memory_space<vmem>>
      %dma_wait3A_361 = tpu.memref_squeeze %dma_wait3A_360 : memref<1x128x128xf32, #tpu.memory_space<vmem>> -> memref<128x128xf32, #tpu.memory_space<vmem>>
      %dma_wait3A_362 = arith.constant 0 : i32
      %dma_wait3A_363 = tpu.memref_slice %arg4[%add3A_295, %dma_wait3A_362] : memref<100000x128xf32, #tpu.memory_space<hbm>> -> memref<128x128xf32, #tpu.memory_space<hbm>>
      %dma_wait3A_364 = arith.constant 0 : i32
      %dma_wait3A_365 = tpu.memref_slice %arg4[%add3A_295, %dma_wait3A_364] : memref<100000x128xf32, #tpu.memory_space<hbm>> -> memref<128x128xf32, #tpu.memory_space<hbm>>
      %dma_wait3A_366 = arith.constant 0 : i32
      %dma_wait3A_367 = arith.constant 0 : i32
      %dma_wait3A_368 = tpu.memref_slice %arg6[%dma_wait3A_357, %dma_wait3A_366, %dma_wait3A_367] : memref<6x128x128xf32, #tpu.memory_space<vmem>> -> memref<1x128x128xf32, #tpu.memory_space<vmem>>
      %dma_wait3A_369 = tpu.memref_squeeze %dma_wait3A_368 : memref<1x128x128xf32, #tpu.memory_space<vmem>> -> memref<128x128xf32, #tpu.memory_space<vmem>>
      tpu.wait_dma2 semaphore(%arg18 : memref<!tpu.dma_semaphore, #tpu.memory_space<semaphore_mem>>) src(%dma_wait3A_369 : memref<128x128xf32, #tpu.memory_space<vmem>>) dst(%dma_wait3A_365 : memref<128x128xf32, #tpu.memory_space<hbm>>)
      %dma_start3A_370 = arith.constant 5 : i32
      %dma_start3A_371 = arith.constant 0 : i32
      %dma_start3A_372 = arith.constant 0 : i32
      %dma_start3A_373 = tpu.memref_slice %arg6[%dma_start3A_370, %dma_start3A_371, %dma_start3A_372] : memref<6x128x128xf32, #tpu.memory_space<vmem>> -> memref<1x128x128xf32, #tpu.memory_space<vmem>>
      %dma_start3A_374 = tpu.memref_squeeze %dma_start3A_373 : memref<1x128x128xf32, #tpu.memory_space<vmem>> -> memref<128x128xf32, #tpu.memory_space<vmem>>
      %dma_start3A_375 = arith.constant 1408 : i32
      %dma_start3A_376 = tpu.memref_slice %arg5[%dma_start3A_375] : memref<3128xi32, #tpu.memory_space<vmem>> -> memref<128xi32, #tpu.memory_space<vmem>>
      %dma_start3A_377 = arith.constant 0 : i32
      %dma_start3A_378 = arith.constant 0 : i32
      %dma_start3A_379 = tpu.memref_slice %arg3[%dma_start3A_377, %dma_start3A_378] : memref<50000x128xf32, #tpu.memory_space<hbm>> -> memref<50000x128xf32, #tpu.memory_space<hbm>>
      tpu.enqueue_indirect_dma source(%dma_start3A_379 : memref<50000x128xf32, #tpu.memory_space<hbm>>) target(%dma_start3A_374 : memref<128x128xf32, #tpu.memory_space<vmem>>) offsets(%dma_start3A_376 : memref<128xi32, #tpu.memory_space<vmem>>) semaphore(%arg12 : memref<!tpu.dma_semaphore, #tpu.memory_space<semaphore_mem>>)
      %dma_wait3A_380 = arith.constant 1 : i32
      %dma_wait3A_381 = arith.constant 0 : i32
      %dma_wait3A_382 = arith.constant 0 : i32
      %dma_wait3A_383 = tpu.memref_slice %arg6[%dma_wait3A_380, %dma_wait3A_381, %dma_wait3A_382] : memref<6x128x128xf32, #tpu.memory_space<vmem>> -> memref<1x128x128xf32, #tpu.memory_space<vmem>>
      %dma_wait3A_384 = tpu.memref_squeeze %dma_wait3A_383 : memref<1x128x128xf32, #tpu.memory_space<vmem>> -> memref<128x128xf32, #tpu.memory_space<vmem>>
      %dma_wait3A_385 = arith.constant 896 : i32
      %dma_wait3A_386 = tpu.memref_slice %arg5[%dma_wait3A_385] : memref<3128xi32, #tpu.memory_space<vmem>> -> memref<128xi32, #tpu.memory_space<vmem>>
      %dma_wait3A_387 = arith.constant 0 : i32
      %dma_wait3A_388 = arith.constant 0 : i32
      %dma_wait3A_389 = tpu.memref_slice %arg3[%dma_wait3A_387, %dma_wait3A_388] : memref<50000x128xf32, #tpu.memory_space<hbm>> -> memref<50000x128xf32, #tpu.memory_space<hbm>>
      tpu.wait_indirect_dma semaphore(%arg8 : memref<!tpu.dma_semaphore, #tpu.memory_space<semaphore_mem>>) src(%dma_wait3A_389 : memref<50000x128xf32, #tpu.memory_space<hbm>>) dst(%dma_wait3A_384 : memref<128x128xf32, #tpu.memory_space<vmem>>)
      %add3A_390 = arith.constant 896 : i32
      %add3A_391 = arith.addi %mul3A_8, %add3A_390 : i32
      %dma_start3A_392 = arith.constant 1 : i32
      %dma_start3A_393 = arith.constant 0 : i32
      %dma_start3A_394 = arith.constant 0 : i32
      %dma_start3A_395 = tpu.memref_slice %arg6[%dma_start3A_392, %dma_start3A_393, %dma_start3A_394] : memref<6x128x128xf32, #tpu.memory_space<vmem>> -> memref<1x128x128xf32, #tpu.memory_space<vmem>>
      %dma_start3A_396 = tpu.memref_squeeze %dma_start3A_395 : memref<1x128x128xf32, #tpu.memory_space<vmem>> -> memref<128x128xf32, #tpu.memory_space<vmem>>
      %dma_start3A_397 = arith.constant 0 : i32
      %dma_start3A_398 = tpu.memref_slice %arg4[%add3A_391, %dma_start3A_397] : memref<100000x128xf32, #tpu.memory_space<hbm>> -> memref<128x128xf32, #tpu.memory_space<hbm>>
      %dma_start3A_399 = arith.constant 0 : i32
      %dma_start3A_400 = tpu.memref_slice %arg4[%add3A_391, %dma_start3A_399] : memref<100000x128xf32, #tpu.memory_space<hbm>> -> memref<128x128xf32, #tpu.memory_space<hbm>>
      %dma_start3A_401 = arith.constant 0 : i32
      %dma_start3A_402 = arith.constant 0 : i32
      %dma_start3A_403 = tpu.memref_slice %arg6[%dma_start3A_392, %dma_start3A_401, %dma_start3A_402] : memref<6x128x128xf32, #tpu.memory_space<vmem>> -> memref<1x128x128xf32, #tpu.memory_space<vmem>>
      %dma_start3A_404 = tpu.memref_squeeze %dma_start3A_403 : memref<1x128x128xf32, #tpu.memory_space<vmem>> -> memref<128x128xf32, #tpu.memory_space<vmem>>
      tpu.enqueue_dma source(%dma_start3A_404 : memref<128x128xf32, #tpu.memory_space<vmem>>) target(%dma_start3A_400 : memref<128x128xf32, #tpu.memory_space<hbm>>) target_semaphore(%arg14 : memref<!tpu.dma_semaphore, #tpu.memory_space<semaphore_mem>>)
      %dma_wait3A_405 = arith.constant 0 : i32
      %dma_wait3A_406 = arith.constant 0 : i32
      %dma_wait3A_407 = arith.constant 0 : i32
      %dma_wait3A_408 = tpu.memref_slice %arg6[%dma_wait3A_405, %dma_wait3A_406, %dma_wait3A_407] : memref<6x128x128xf32, #tpu.memory_space<vmem>> -> memref<1x128x128xf32, #tpu.memory_space<vmem>>
      %dma_wait3A_409 = tpu.memref_squeeze %dma_wait3A_408 : memref<1x128x128xf32, #tpu.memory_space<vmem>> -> memref<128x128xf32, #tpu.memory_space<vmem>>
      %dma_wait3A_410 = arith.constant 0 : i32
      %dma_wait3A_411 = tpu.memref_slice %arg4[%add3A_343, %dma_wait3A_410] : memref<100000x128xf32, #tpu.memory_space<hbm>> -> memref<128x128xf32, #tpu.memory_space<hbm>>
      %dma_wait3A_412 = arith.constant 0 : i32
      %dma_wait3A_413 = tpu.memref_slice %arg4[%add3A_343, %dma_wait3A_412] : memref<100000x128xf32, #tpu.memory_space<hbm>> -> memref<128x128xf32, #tpu.memory_space<hbm>>
      %dma_wait3A_414 = arith.constant 0 : i32
      %dma_wait3A_415 = arith.constant 0 : i32
      %dma_wait3A_416 = tpu.memref_slice %arg6[%dma_wait3A_405, %dma_wait3A_414, %dma_wait3A_415] : memref<6x128x128xf32, #tpu.memory_space<vmem>> -> memref<1x128x128xf32, #tpu.memory_space<vmem>>
      %dma_wait3A_417 = tpu.memref_squeeze %dma_wait3A_416 : memref<1x128x128xf32, #tpu.memory_space<vmem>> -> memref<128x128xf32, #tpu.memory_space<vmem>>
      tpu.wait_dma2 semaphore(%arg13 : memref<!tpu.dma_semaphore, #tpu.memory_space<semaphore_mem>>) src(%dma_wait3A_417 : memref<128x128xf32, #tpu.memory_space<vmem>>) dst(%dma_wait3A_413 : memref<128x128xf32, #tpu.memory_space<hbm>>)
      %dma_start3A_418 = arith.constant 0 : i32
      %dma_start3A_419 = arith.constant 0 : i32
      %dma_start3A_420 = arith.constant 0 : i32
      %dma_start3A_421 = tpu.memref_slice %arg6[%dma_start3A_418, %dma_start3A_419, %dma_start3A_420] : memref<6x128x128xf32, #tpu.memory_space<vmem>> -> memref<1x128x128xf32, #tpu.memory_space<vmem>>
      %dma_start3A_422 = tpu.memref_squeeze %dma_start3A_421 : memref<1x128x128xf32, #tpu.memory_space<vmem>> -> memref<128x128xf32, #tpu.memory_space<vmem>>
      %dma_start3A_423 = arith.constant 1536 : i32
      %dma_start3A_424 = tpu.memref_slice %arg5[%dma_start3A_423] : memref<3128xi32, #tpu.memory_space<vmem>> -> memref<128xi32, #tpu.memory_space<vmem>>
      %dma_start3A_425 = arith.constant 0 : i32
      %dma_start3A_426 = arith.constant 0 : i32
      %dma_start3A_427 = tpu.memref_slice %arg3[%dma_start3A_425, %dma_start3A_426] : memref<50000x128xf32, #tpu.memory_space<hbm>> -> memref<50000x128xf32, #tpu.memory_space<hbm>>
      tpu.enqueue_indirect_dma source(%dma_start3A_427 : memref<50000x128xf32, #tpu.memory_space<hbm>>) target(%dma_start3A_422 : memref<128x128xf32, #tpu.memory_space<vmem>>) offsets(%dma_start3A_424 : memref<128xi32, #tpu.memory_space<vmem>>) semaphore(%arg7 : memref<!tpu.dma_semaphore, #tpu.memory_space<semaphore_mem>>)
      %dma_wait3A_428 = arith.constant 2 : i32
      %dma_wait3A_429 = arith.constant 0 : i32
      %dma_wait3A_430 = arith.constant 0 : i32
      %dma_wait3A_431 = tpu.memref_slice %arg6[%dma_wait3A_428, %dma_wait3A_429, %dma_wait3A_430] : memref<6x128x128xf32, #tpu.memory_space<vmem>> -> memref<1x128x128xf32, #tpu.memory_space<vmem>>
      %dma_wait3A_432 = tpu.memref_squeeze %dma_wait3A_431 : memref<1x128x128xf32, #tpu.memory_space<vmem>> -> memref<128x128xf32, #tpu.memory_space<vmem>>
      %dma_wait3A_433 = arith.constant 1024 : i32
      %dma_wait3A_434 = tpu.memref_slice %arg5[%dma_wait3A_433] : memref<3128xi32, #tpu.memory_space<vmem>> -> memref<128xi32, #tpu.memory_space<vmem>>
      %dma_wait3A_435 = arith.constant 0 : i32
      %dma_wait3A_436 = arith.constant 0 : i32
      %dma_wait3A_437 = tpu.memref_slice %arg3[%dma_wait3A_435, %dma_wait3A_436] : memref<50000x128xf32, #tpu.memory_space<hbm>> -> memref<50000x128xf32, #tpu.memory_space<hbm>>
      tpu.wait_indirect_dma semaphore(%arg9 : memref<!tpu.dma_semaphore, #tpu.memory_space<semaphore_mem>>) src(%dma_wait3A_437 : memref<50000x128xf32, #tpu.memory_space<hbm>>) dst(%dma_wait3A_432 : memref<128x128xf32, #tpu.memory_space<vmem>>)
      %add3A_438 = arith.constant 1024 : i32
      %add3A_439 = arith.addi %mul3A_8, %add3A_438 : i32
      %dma_start3A_440 = arith.constant 2 : i32
      %dma_start3A_441 = arith.constant 0 : i32
      %dma_start3A_442 = arith.constant 0 : i32
      %dma_start3A_443 = tpu.memref_slice %arg6[%dma_start3A_440, %dma_start3A_441, %dma_start3A_442] : memref<6x128x128xf32, #tpu.memory_space<vmem>> -> memref<1x128x128xf32, #tpu.memory_space<vmem>>
      %dma_start3A_444 = tpu.memref_squeeze %dma_start3A_443 : memref<1x128x128xf32, #tpu.memory_space<vmem>> -> memref<128x128xf32, #tpu.memory_space<vmem>>
      %dma_start3A_445 = arith.constant 0 : i32
      %dma_start3A_446 = tpu.memref_slice %arg4[%add3A_439, %dma_start3A_445] : memref<100000x128xf32, #tpu.memory_space<hbm>> -> memref<128x128xf32, #tpu.memory_space<hbm>>
      %dma_start3A_447 = arith.constant 0 : i32
      %dma_start3A_448 = tpu.memref_slice %arg4[%add3A_439, %dma_start3A_447] : memref<100000x128xf32, #tpu.memory_space<hbm>> -> memref<128x128xf32, #tpu.memory_space<hbm>>
      %dma_start3A_449 = arith.constant 0 : i32
      %dma_start3A_450 = arith.constant 0 : i32
      %dma_start3A_451 = tpu.memref_slice %arg6[%dma_start3A_440, %dma_start3A_449, %dma_start3A_450] : memref<6x128x128xf32, #tpu.memory_space<vmem>> -> memref<1x128x128xf32, #tpu.memory_space<vmem>>
      %dma_start3A_452 = tpu.memref_squeeze %dma_start3A_451 : memref<1x128x128xf32, #tpu.memory_space<vmem>> -> memref<128x128xf32, #tpu.memory_space<vmem>>
      tpu.enqueue_dma source(%dma_start3A_452 : memref<128x128xf32, #tpu.memory_space<vmem>>) target(%dma_start3A_448 : memref<128x128xf32, #tpu.memory_space<hbm>>) target_semaphore(%arg15 : memref<!tpu.dma_semaphore, #tpu.memory_space<semaphore_mem>>)
      %dma_wait3A_453 = arith.constant 1 : i32
      %dma_wait3A_454 = arith.constant 0 : i32
      %dma_wait3A_455 = arith.constant 0 : i32
      %dma_wait3A_456 = tpu.memref_slice %arg6[%dma_wait3A_453, %dma_wait3A_454, %dma_wait3A_455] : memref<6x128x128xf32, #tpu.memory_space<vmem>> -> memref<1x128x128xf32, #tpu.memory_space<vmem>>
      %dma_wait3A_457 = tpu.memref_squeeze %dma_wait3A_456 : memref<1x128x128xf32, #tpu.memory_space<vmem>> -> memref<128x128xf32, #tpu.memory_space<vmem>>
      %dma_wait3A_458 = arith.constant 0 : i32
      %dma_wait3A_459 = tpu.memref_slice %arg4[%add3A_391, %dma_wait3A_458] : memref<100000x128xf32, #tpu.memory_space<hbm>> -> memref<128x128xf32, #tpu.memory_space<hbm>>
      %dma_wait3A_460 = arith.constant 0 : i32
      %dma_wait3A_461 = tpu.memref_slice %arg4[%add3A_391, %dma_wait3A_460] : memref<100000x128xf32, #tpu.memory_space<hbm>> -> memref<128x128xf32, #tpu.memory_space<hbm>>
      %dma_wait3A_462 = arith.constant 0 : i32
      %dma_wait3A_463 = arith.constant 0 : i32
      %dma_wait3A_464 = tpu.memref_slice %arg6[%dma_wait3A_453, %dma_wait3A_462, %dma_wait3A_463] : memref<6x128x128xf32, #tpu.memory_space<vmem>> -> memref<1x128x128xf32, #tpu.memory_space<vmem>>
      %dma_wait3A_465 = tpu.memref_squeeze %dma_wait3A_464 : memref<1x128x128xf32, #tpu.memory_space<vmem>> -> memref<128x128xf32, #tpu.memory_space<vmem>>
      tpu.wait_dma2 semaphore(%arg14 : memref<!tpu.dma_semaphore, #tpu.memory_space<semaphore_mem>>) src(%dma_wait3A_465 : memref<128x128xf32, #tpu.memory_space<vmem>>) dst(%dma_wait3A_461 : memref<128x128xf32, #tpu.memory_space<hbm>>)
      %dma_start3A_466 = arith.constant 1 : i32
      %dma_start3A_467 = arith.constant 0 : i32
      %dma_start3A_468 = arith.constant 0 : i32
      %dma_start3A_469 = tpu.memref_slice %arg6[%dma_start3A_466, %dma_start3A_467, %dma_start3A_468] : memref<6x128x128xf32, #tpu.memory_space<vmem>> -> memref<1x128x128xf32, #tpu.memory_space<vmem>>
      %dma_start3A_470 = tpu.memref_squeeze %dma_start3A_469 : memref<1x128x128xf32, #tpu.memory_space<vmem>> -> memref<128x128xf32, #tpu.memory_space<vmem>>
      %dma_start3A_471 = arith.constant 1664 : i32
      %dma_start3A_472 = tpu.memref_slice %arg5[%dma_start3A_471] : memref<3128xi32, #tpu.memory_space<vmem>> -> memref<128xi32, #tpu.memory_space<vmem>>
      %dma_start3A_473 = arith.constant 0 : i32
      %dma_start3A_474 = arith.constant 0 : i32
      %dma_start3A_475 = tpu.memref_slice %arg3[%dma_start3A_473, %dma_start3A_474] : memref<50000x128xf32, #tpu.memory_space<hbm>> -> memref<50000x128xf32, #tpu.memory_space<hbm>>
      tpu.enqueue_indirect_dma source(%dma_start3A_475 : memref<50000x128xf32, #tpu.memory_space<hbm>>) target(%dma_start3A_470 : memref<128x128xf32, #tpu.memory_space<vmem>>) offsets(%dma_start3A_472 : memref<128xi32, #tpu.memory_space<vmem>>) semaphore(%arg8 : memref<!tpu.dma_semaphore, #tpu.memory_space<semaphore_mem>>)
      %dma_wait3A_476 = arith.constant 3 : i32
      %dma_wait3A_477 = arith.constant 0 : i32
      %dma_wait3A_478 = arith.constant 0 : i32
      %dma_wait3A_479 = tpu.memref_slice %arg6[%dma_wait3A_476, %dma_wait3A_477, %dma_wait3A_478] : memref<6x128x128xf32, #tpu.memory_space<vmem>> -> memref<1x128x128xf32, #tpu.memory_space<vmem>>
      %dma_wait3A_480 = tpu.memref_squeeze %dma_wait3A_479 : memref<1x128x128xf32, #tpu.memory_space<vmem>> -> memref<128x128xf32, #tpu.memory_space<vmem>>
      %dma_wait3A_481 = arith.constant 1152 : i32
      %dma_wait3A_482 = tpu.memref_slice %arg5[%dma_wait3A_481] : memref<3128xi32, #tpu.memory_space<vmem>> -> memref<128xi32, #tpu.memory_space<vmem>>
      %dma_wait3A_483 = arith.constant 0 : i32
      %dma_wait3A_484 = arith.constant 0 : i32
      %dma_wait3A_485 = tpu.memref_slice %arg3[%dma_wait3A_483, %dma_wait3A_484] : memref<50000x128xf32, #tpu.memory_space<hbm>> -> memref<50000x128xf32, #tpu.memory_space<hbm>>
      tpu.wait_indirect_dma semaphore(%arg10 : memref<!tpu.dma_semaphore, #tpu.memory_space<semaphore_mem>>) src(%dma_wait3A_485 : memref<50000x128xf32, #tpu.memory_space<hbm>>) dst(%dma_wait3A_480 : memref<128x128xf32, #tpu.memory_space<vmem>>)
      %add3A_486 = arith.constant 1152 : i32
      %add3A_487 = arith.addi %mul3A_8, %add3A_486 : i32
      %dma_start3A_488 = arith.constant 3 : i32
      %dma_start3A_489 = arith.constant 0 : i32
      %dma_start3A_490 = arith.constant 0 : i32
      %dma_start3A_491 = tpu.memref_slice %arg6[%dma_start3A_488, %dma_start3A_489, %dma_start3A_490] : memref<6x128x128xf32, #tpu.memory_space<vmem>> -> memref<1x128x128xf32, #tpu.memory_space<vmem>>
      %dma_start3A_492 = tpu.memref_squeeze %dma_start3A_491 : memref<1x128x128xf32, #tpu.memory_space<vmem>> -> memref<128x128xf32, #tpu.memory_space<vmem>>
      %dma_start3A_493 = arith.constant 0 : i32
      %dma_start3A_494 = tpu.memref_slice %arg4[%add3A_487, %dma_start3A_493] : memref<100000x128xf32, #tpu.memory_space<hbm>> -> memref<128x128xf32, #tpu.memory_space<hbm>>
      %dma_start3A_495 = arith.constant 0 : i32
      %dma_start3A_496 = tpu.memref_slice %arg4[%add3A_487, %dma_start3A_495] : memref<100000x128xf32, #tpu.memory_space<hbm>> -> memref<128x128xf32, #tpu.memory_space<hbm>>
      %dma_start3A_497 = arith.constant 0 : i32
      %dma_start3A_498 = arith.constant 0 : i32
      %dma_start3A_499 = tpu.memref_slice %arg6[%dma_start3A_488, %dma_start3A_497, %dma_start3A_498] : memref<6x128x128xf32, #tpu.memory_space<vmem>> -> memref<1x128x128xf32, #tpu.memory_space<vmem>>
      %dma_start3A_500 = tpu.memref_squeeze %dma_start3A_499 : memref<1x128x128xf32, #tpu.memory_space<vmem>> -> memref<128x128xf32, #tpu.memory_space<vmem>>
      tpu.enqueue_dma source(%dma_start3A_500 : memref<128x128xf32, #tpu.memory_space<vmem>>) target(%dma_start3A_496 : memref<128x128xf32, #tpu.memory_space<hbm>>) target_semaphore(%arg16 : memref<!tpu.dma_semaphore, #tpu.memory_space<semaphore_mem>>)
      %dma_wait3A_501 = arith.constant 2 : i32
      %dma_wait3A_502 = arith.constant 0 : i32
      %dma_wait3A_503 = arith.constant 0 : i32
      %dma_wait3A_504 = tpu.memref_slice %arg6[%dma_wait3A_501, %dma_wait3A_502, %dma_wait3A_503] : memref<6x128x128xf32, #tpu.memory_space<vmem>> -> memref<1x128x128xf32, #tpu.memory_space<vmem>>
      %dma_wait3A_505 = tpu.memref_squeeze %dma_wait3A_504 : memref<1x128x128xf32, #tpu.memory_space<vmem>> -> memref<128x128xf32, #tpu.memory_space<vmem>>
      %dma_wait3A_506 = arith.constant 0 : i32
      %dma_wait3A_507 = tpu.memref_slice %arg4[%add3A_439, %dma_wait3A_506] : memref<100000x128xf32, #tpu.memory_space<hbm>> -> memref<128x128xf32, #tpu.memory_space<hbm>>
      %dma_wait3A_508 = arith.constant 0 : i32
      %dma_wait3A_509 = tpu.memref_slice %arg4[%add3A_439, %dma_wait3A_508] : memref<100000x128xf32, #tpu.memory_space<hbm>> -> memref<128x128xf32, #tpu.memory_space<hbm>>
      %dma_wait3A_510 = arith.constant 0 : i32
      %dma_wait3A_511 = arith.constant 0 : i32
      %dma_wait3A_512 = tpu.memref_slice %arg6[%dma_wait3A_501, %dma_wait3A_510, %dma_wait3A_511] : memref<6x128x128xf32, #tpu.memory_space<vmem>> -> memref<1x128x128xf32, #tpu.memory_space<vmem>>
      %dma_wait3A_513 = tpu.memref_squeeze %dma_wait3A_512 : memref<1x128x128xf32, #tpu.memory_space<vmem>> -> memref<128x128xf32, #tpu.memory_space<vmem>>
      tpu.wait_dma2 semaphore(%arg15 : memref<!tpu.dma_semaphore, #tpu.memory_space<semaphore_mem>>) src(%dma_wait3A_513 : memref<128x128xf32, #tpu.memory_space<vmem>>) dst(%dma_wait3A_509 : memref<128x128xf32, #tpu.memory_space<hbm>>)
      %dma_start3A_514 = arith.constant 2 : i32
      %dma_start3A_515 = arith.constant 0 : i32
      %dma_start3A_516 = arith.constant 0 : i32
      %dma_start3A_517 = tpu.memref_slice %arg6[%dma_start3A_514, %dma_start3A_515, %dma_start3A_516] : memref<6x128x128xf32, #tpu.memory_space<vmem>> -> memref<1x128x128xf32, #tpu.memory_space<vmem>>
      %dma_start3A_518 = tpu.memref_squeeze %dma_start3A_517 : memref<1x128x128xf32, #tpu.memory_space<vmem>> -> memref<128x128xf32, #tpu.memory_space<vmem>>
      %dma_start3A_519 = arith.constant 1792 : i32
      %dma_start3A_520 = tpu.memref_slice %arg5[%dma_start3A_519] : memref<3128xi32, #tpu.memory_space<vmem>> -> memref<128xi32, #tpu.memory_space<vmem>>
      %dma_start3A_521 = arith.constant 0 : i32
      %dma_start3A_522 = arith.constant 0 : i32
      %dma_start3A_523 = tpu.memref_slice %arg3[%dma_start3A_521, %dma_start3A_522] : memref<50000x128xf32, #tpu.memory_space<hbm>> -> memref<50000x128xf32, #tpu.memory_space<hbm>>
      tpu.enqueue_indirect_dma source(%dma_start3A_523 : memref<50000x128xf32, #tpu.memory_space<hbm>>) target(%dma_start3A_518 : memref<128x128xf32, #tpu.memory_space<vmem>>) offsets(%dma_start3A_520 : memref<128xi32, #tpu.memory_space<vmem>>) semaphore(%arg9 : memref<!tpu.dma_semaphore, #tpu.memory_space<semaphore_mem>>)
      %dma_wait3A_524 = arith.constant 4 : i32
      %dma_wait3A_525 = arith.constant 0 : i32
      %dma_wait3A_526 = arith.constant 0 : i32
      %dma_wait3A_527 = tpu.memref_slice %arg6[%dma_wait3A_524, %dma_wait3A_525, %dma_wait3A_526] : memref<6x128x128xf32, #tpu.memory_space<vmem>> -> memref<1x128x128xf32, #tpu.memory_space<vmem>>
      %dma_wait3A_528 = tpu.memref_squeeze %dma_wait3A_527 : memref<1x128x128xf32, #tpu.memory_space<vmem>> -> memref<128x128xf32, #tpu.memory_space<vmem>>
      %dma_wait3A_529 = arith.constant 1280 : i32
      %dma_wait3A_530 = tpu.memref_slice %arg5[%dma_wait3A_529] : memref<3128xi32, #tpu.memory_space<vmem>> -> memref<128xi32, #tpu.memory_space<vmem>>
      %dma_wait3A_531 = arith.constant 0 : i32
      %dma_wait3A_532 = arith.constant 0 : i32
      %dma_wait3A_533 = tpu.memref_slice %arg3[%dma_wait3A_531, %dma_wait3A_532] : memref<50000x128xf32, #tpu.memory_space<hbm>> -> memref<50000x128xf32, #tpu.memory_space<hbm>>
      tpu.wait_indirect_dma semaphore(%arg11 : memref<!tpu.dma_semaphore, #tpu.memory_space<semaphore_mem>>) src(%dma_wait3A_533 : memref<50000x128xf32, #tpu.memory_space<hbm>>) dst(%dma_wait3A_528 : memref<128x128xf32, #tpu.memory_space<vmem>>)
      %add3A_534 = arith.constant 1280 : i32
      %add3A_535 = arith.addi %mul3A_8, %add3A_534 : i32
      %dma_start3A_536 = arith.constant 4 : i32
      %dma_start3A_537 = arith.constant 0 : i32
      %dma_start3A_538 = arith.constant 0 : i32
      %dma_start3A_539 = tpu.memref_slice %arg6[%dma_start3A_536, %dma_start3A_537, %dma_start3A_538] : memref<6x128x128xf32, #tpu.memory_space<vmem>> -> memref<1x128x128xf32, #tpu.memory_space<vmem>>
      %dma_start3A_540 = tpu.memref_squeeze %dma_start3A_539 : memref<1x128x128xf32, #tpu.memory_space<vmem>> -> memref<128x128xf32, #tpu.memory_space<vmem>>
      %dma_start3A_541 = arith.constant 0 : i32
      %dma_start3A_542 = tpu.memref_slice %arg4[%add3A_535, %dma_start3A_541] : memref<100000x128xf32, #tpu.memory_space<hbm>> -> memref<128x128xf32, #tpu.memory_space<hbm>>
      %dma_start3A_543 = arith.constant 0 : i32
      %dma_start3A_544 = tpu.memref_slice %arg4[%add3A_535, %dma_start3A_543] : memref<100000x128xf32, #tpu.memory_space<hbm>> -> memref<128x128xf32, #tpu.memory_space<hbm>>
      %dma_start3A_545 = arith.constant 0 : i32
      %dma_start3A_546 = arith.constant 0 : i32
      %dma_start3A_547 = tpu.memref_slice %arg6[%dma_start3A_536, %dma_start3A_545, %dma_start3A_546] : memref<6x128x128xf32, #tpu.memory_space<vmem>> -> memref<1x128x128xf32, #tpu.memory_space<vmem>>
      %dma_start3A_548 = tpu.memref_squeeze %dma_start3A_547 : memref<1x128x128xf32, #tpu.memory_space<vmem>> -> memref<128x128xf32, #tpu.memory_space<vmem>>
      tpu.enqueue_dma source(%dma_start3A_548 : memref<128x128xf32, #tpu.memory_space<vmem>>) target(%dma_start3A_544 : memref<128x128xf32, #tpu.memory_space<hbm>>) target_semaphore(%arg17 : memref<!tpu.dma_semaphore, #tpu.memory_space<semaphore_mem>>)
      %dma_wait3A_549 = arith.constant 3 : i32
      %dma_wait3A_550 = arith.constant 0 : i32
      %dma_wait3A_551 = arith.constant 0 : i32
      %dma_wait3A_552 = tpu.memref_slice %arg6[%dma_wait3A_549, %dma_wait3A_550, %dma_wait3A_551] : memref<6x128x128xf32, #tpu.memory_space<vmem>> -> memref<1x128x128xf32, #tpu.memory_space<vmem>>
      %dma_wait3A_553 = tpu.memref_squeeze %dma_wait3A_552 : memref<1x128x128xf32, #tpu.memory_space<vmem>> -> memref<128x128xf32, #tpu.memory_space<vmem>>
      %dma_wait3A_554 = arith.constant 0 : i32
      %dma_wait3A_555 = tpu.memref_slice %arg4[%add3A_487, %dma_wait3A_554] : memref<100000x128xf32, #tpu.memory_space<hbm>> -> memref<128x128xf32, #tpu.memory_space<hbm>>
      %dma_wait3A_556 = arith.constant 0 : i32
      %dma_wait3A_557 = tpu.memref_slice %arg4[%add3A_487, %dma_wait3A_556] : memref<100000x128xf32, #tpu.memory_space<hbm>> -> memref<128x128xf32, #tpu.memory_space<hbm>>
      %dma_wait3A_558 = arith.constant 0 : i32
      %dma_wait3A_559 = arith.constant 0 : i32
      %dma_wait3A_560 = tpu.memref_slice %arg6[%dma_wait3A_549, %dma_wait3A_558, %dma_wait3A_559] : memref<6x128x128xf32, #tpu.memory_space<vmem>> -> memref<1x128x128xf32, #tpu.memory_space<vmem>>
      %dma_wait3A_561 = tpu.memref_squeeze %dma_wait3A_560 : memref<1x128x128xf32, #tpu.memory_space<vmem>> -> memref<128x128xf32, #tpu.memory_space<vmem>>
      tpu.wait_dma2 semaphore(%arg16 : memref<!tpu.dma_semaphore, #tpu.memory_space<semaphore_mem>>) src(%dma_wait3A_561 : memref<128x128xf32, #tpu.memory_space<vmem>>) dst(%dma_wait3A_557 : memref<128x128xf32, #tpu.memory_space<hbm>>)
      %dma_start3A_562 = arith.constant 3 : i32
      %dma_start3A_563 = arith.constant 0 : i32
      %dma_start3A_564 = arith.constant 0 : i32
      %dma_start3A_565 = tpu.memref_slice %arg6[%dma_start3A_562, %dma_start3A_563, %dma_start3A_564] : memref<6x128x128xf32, #tpu.memory_space<vmem>> -> memref<1x128x128xf32, #tpu.memory_space<vmem>>
      %dma_start3A_566 = tpu.memref_squeeze %dma_start3A_565 : memref<1x128x128xf32, #tpu.memory_space<vmem>> -> memref<128x128xf32, #tpu.memory_space<vmem>>
      %dma_start3A_567 = arith.constant 1920 : i32
      %dma_start3A_568 = tpu.memref_slice %arg5[%dma_start3A_567] : memref<3128xi32, #tpu.memory_space<vmem>> -> memref<128xi32, #tpu.memory_space<vmem>>
      %dma_start3A_569 = arith.constant 0 : i32
      %dma_start3A_570 = arith.constant 0 : i32
      %dma_start3A_571 = tpu.memref_slice %arg3[%dma_start3A_569, %dma_start3A_570] : memref<50000x128xf32, #tpu.memory_space<hbm>> -> memref<50000x128xf32, #tpu.memory_space<hbm>>
      tpu.enqueue_indirect_dma source(%dma_start3A_571 : memref<50000x128xf32, #tpu.memory_space<hbm>>) target(%dma_start3A_566 : memref<128x128xf32, #tpu.memory_space<vmem>>) offsets(%dma_start3A_568 : memref<128xi32, #tpu.memory_space<vmem>>) semaphore(%arg10 : memref<!tpu.dma_semaphore, #tpu.memory_space<semaphore_mem>>)
      %dma_wait3A_572 = arith.constant 5 : i32
      %dma_wait3A_573 = arith.constant 0 : i32
      %dma_wait3A_574 = arith.constant 0 : i32
      %dma_wait3A_575 = tpu.memref_slice %arg6[%dma_wait3A_572, %dma_wait3A_573, %dma_wait3A_574] : memref<6x128x128xf32, #tpu.memory_space<vmem>> -> memref<1x128x128xf32, #tpu.memory_space<vmem>>
      %dma_wait3A_576 = tpu.memref_squeeze %dma_wait3A_575 : memref<1x128x128xf32, #tpu.memory_space<vmem>> -> memref<128x128xf32, #tpu.memory_space<vmem>>
      %dma_wait3A_577 = arith.constant 1408 : i32
      %dma_wait3A_578 = tpu.memref_slice %arg5[%dma_wait3A_577] : memref<3128xi32, #tpu.memory_space<vmem>> -> memref<128xi32, #tpu.memory_space<vmem>>
      %dma_wait3A_579 = arith.constant 0 : i32
      %dma_wait3A_580 = arith.constant 0 : i32
      %dma_wait3A_581 = tpu.memref_slice %arg3[%dma_wait3A_579, %dma_wait3A_580] : memref<50000x128xf32, #tpu.memory_space<hbm>> -> memref<50000x128xf32, #tpu.memory_space<hbm>>
      tpu.wait_indirect_dma semaphore(%arg12 : memref<!tpu.dma_semaphore, #tpu.memory_space<semaphore_mem>>) src(%dma_wait3A_581 : memref<50000x128xf32, #tpu.memory_space<hbm>>) dst(%dma_wait3A_576 : memref<128x128xf32, #tpu.memory_space<vmem>>)
      %add3A_582 = arith.constant 1408 : i32
      %add3A_583 = arith.addi %mul3A_8, %add3A_582 : i32
      %dma_start3A_584 = arith.constant 5 : i32
      %dma_start3A_585 = arith.constant 0 : i32
      %dma_start3A_586 = arith.constant 0 : i32
      %dma_start3A_587 = tpu.memref_slice %arg6[%dma_start3A_584, %dma_start3A_585, %dma_start3A_586] : memref<6x128x128xf32, #tpu.memory_space<vmem>> -> memref<1x128x128xf32, #tpu.memory_space<vmem>>
      %dma_start3A_588 = tpu.memref_squeeze %dma_start3A_587 : memref<1x128x128xf32, #tpu.memory_space<vmem>> -> memref<128x128xf32, #tpu.memory_space<vmem>>
      %dma_start3A_589 = arith.constant 0 : i32
      %dma_start3A_590 = tpu.memref_slice %arg4[%add3A_583, %dma_start3A_589] : memref<100000x128xf32, #tpu.memory_space<hbm>> -> memref<128x128xf32, #tpu.memory_space<hbm>>
      %dma_start3A_591 = arith.constant 0 : i32
      %dma_start3A_592 = tpu.memref_slice %arg4[%add3A_583, %dma_start3A_591] : memref<100000x128xf32, #tpu.memory_space<hbm>> -> memref<128x128xf32, #tpu.memory_space<hbm>>
      %dma_start3A_593 = arith.constant 0 : i32
      %dma_start3A_594 = arith.constant 0 : i32
      %dma_start3A_595 = tpu.memref_slice %arg6[%dma_start3A_584, %dma_start3A_593, %dma_start3A_594] : memref<6x128x128xf32, #tpu.memory_space<vmem>> -> memref<1x128x128xf32, #tpu.memory_space<vmem>>
      %dma_start3A_596 = tpu.memref_squeeze %dma_start3A_595 : memref<1x128x128xf32, #tpu.memory_space<vmem>> -> memref<128x128xf32, #tpu.memory_space<vmem>>
      tpu.enqueue_dma source(%dma_start3A_596 : memref<128x128xf32, #tpu.memory_space<vmem>>) target(%dma_start3A_592 : memref<128x128xf32, #tpu.memory_space<hbm>>) target_semaphore(%arg18 : memref<!tpu.dma_semaphore, #tpu.memory_space<semaphore_mem>>)
      %dma_wait3A_597 = arith.constant 4 : i32
      %dma_wait3A_598 = arith.constant 0 : i32
      %dma_wait3A_599 = arith.constant 0 : i32
      %dma_wait3A_600 = tpu.memref_slice %arg6[%dma_wait3A_597, %dma_wait3A_598, %dma_wait3A_599] : memref<6x128x128xf32, #tpu.memory_space<vmem>> -> memref<1x128x128xf32, #tpu.memory_space<vmem>>
      %dma_wait3A_601 = tpu.memref_squeeze %dma_wait3A_600 : memref<1x128x128xf32, #tpu.memory_space<vmem>> -> memref<128x128xf32, #tpu.memory_space<vmem>>
      %dma_wait3A_602 = arith.constant 0 : i32
      %dma_wait3A_603 = tpu.memref_slice %arg4[%add3A_535, %dma_wait3A_602] : memref<100000x128xf32, #tpu.memory_space<hbm>> -> memref<128x128xf32, #tpu.memory_space<hbm>>
      %dma_wait3A_604 = arith.constant 0 : i32
      %dma_wait3A_605 = tpu.memref_slice %arg4[%add3A_535, %dma_wait3A_604] : memref<100000x128xf32, #tpu.memory_space<hbm>> -> memref<128x128xf32, #tpu.memory_space<hbm>>
      %dma_wait3A_606 = arith.constant 0 : i32
      %dma_wait3A_607 = arith.constant 0 : i32
      %dma_wait3A_608 = tpu.memref_slice %arg6[%dma_wait3A_597, %dma_wait3A_606, %dma_wait3A_607] : memref<6x128x128xf32, #tpu.memory_space<vmem>> -> memref<1x128x128xf32, #tpu.memory_space<vmem>>
      %dma_wait3A_609 = tpu.memref_squeeze %dma_wait3A_608 : memref<1x128x128xf32, #tpu.memory_space<vmem>> -> memref<128x128xf32, #tpu.memory_space<vmem>>
      tpu.wait_dma2 semaphore(%arg17 : memref<!tpu.dma_semaphore, #tpu.memory_space<semaphore_mem>>) src(%dma_wait3A_609 : memref<128x128xf32, #tpu.memory_space<vmem>>) dst(%dma_wait3A_605 : memref<128x128xf32, #tpu.memory_space<hbm>>)
      %dma_start3A_610 = arith.constant 4 : i32
      %dma_start3A_611 = arith.constant 0 : i32
      %dma_start3A_612 = arith.constant 0 : i32
      %dma_start3A_613 = tpu.memref_slice %arg6[%dma_start3A_610, %dma_start3A_611, %dma_start3A_612] : memref<6x128x128xf32, #tpu.memory_space<vmem>> -> memref<1x128x128xf32, #tpu.memory_space<vmem>>
      %dma_start3A_614 = tpu.memref_squeeze %dma_start3A_613 : memref<1x128x128xf32, #tpu.memory_space<vmem>> -> memref<128x128xf32, #tpu.memory_space<vmem>>
      %dma_start3A_615 = arith.constant 2048 : i32
      %dma_start3A_616 = tpu.memref_slice %arg5[%dma_start3A_615] : memref<3128xi32, #tpu.memory_space<vmem>> -> memref<128xi32, #tpu.memory_space<vmem>>
      %dma_start3A_617 = arith.constant 0 : i32
      %dma_start3A_618 = arith.constant 0 : i32
      %dma_start3A_619 = tpu.memref_slice %arg3[%dma_start3A_617, %dma_start3A_618] : memref<50000x128xf32, #tpu.memory_space<hbm>> -> memref<50000x128xf32, #tpu.memory_space<hbm>>
      tpu.enqueue_indirect_dma source(%dma_start3A_619 : memref<50000x128xf32, #tpu.memory_space<hbm>>) target(%dma_start3A_614 : memref<128x128xf32, #tpu.memory_space<vmem>>) offsets(%dma_start3A_616 : memref<128xi32, #tpu.memory_space<vmem>>) semaphore(%arg11 : memref<!tpu.dma_semaphore, #tpu.memory_space<semaphore_mem>>)
      %dma_wait3A_620 = arith.constant 0 : i32
      %dma_wait3A_621 = arith.constant 0 : i32
      %dma_wait3A_622 = arith.constant 0 : i32
      %dma_wait3A_623 = tpu.memref_slice %arg6[%dma_wait3A_620, %dma_wait3A_621, %dma_wait3A_622] : memref<6x128x128xf32, #tpu.memory_space<vmem>> -> memref<1x128x128xf32, #tpu.memory_space<vmem>>
      %dma_wait3A_624 = tpu.memref_squeeze %dma_wait3A_623 : memref<1x128x128xf32, #tpu.memory_space<vmem>> -> memref<128x128xf32, #tpu.memory_space<vmem>>
      %dma_wait3A_625 = arith.constant 1536 : i32
      %dma_wait3A_626 = tpu.memref_slice %arg5[%dma_wait3A_625] : memref<3128xi32, #tpu.memory_space<vmem>> -> memref<128xi32, #tpu.memory_space<vmem>>
      %dma_wait3A_627 = arith.constant 0 : i32
      %dma_wait3A_628 = arith.constant 0 : i32
      %dma_wait3A_629 = tpu.memref_slice %arg3[%dma_wait3A_627, %dma_wait3A_628] : memref<50000x128xf32, #tpu.memory_space<hbm>> -> memref<50000x128xf32, #tpu.memory_space<hbm>>
      tpu.wait_indirect_dma semaphore(%arg7 : memref<!tpu.dma_semaphore, #tpu.memory_space<semaphore_mem>>) src(%dma_wait3A_629 : memref<50000x128xf32, #tpu.memory_space<hbm>>) dst(%dma_wait3A_624 : memref<128x128xf32, #tpu.memory_space<vmem>>)
      %add3A_630 = arith.constant 1536 : i32
      %add3A_631 = arith.addi %mul3A_8, %add3A_630 : i32
      %dma_start3A_632 = arith.constant 0 : i32
      %dma_start3A_633 = arith.constant 0 : i32
      %dma_start3A_634 = arith.constant 0 : i32
      %dma_start3A_635 = tpu.memref_slice %arg6[%dma_start3A_632, %dma_start3A_633, %dma_start3A_634] : memref<6x128x128xf32, #tpu.memory_space<vmem>> -> memref<1x128x128xf32, #tpu.memory_space<vmem>>
      %dma_start3A_636 = tpu.memref_squeeze %dma_start3A_635 : memref<1x128x128xf32, #tpu.memory_space<vmem>> -> memref<128x128xf32, #tpu.memory_space<vmem>>
      %dma_start3A_637 = arith.constant 0 : i32
      %dma_start3A_638 = tpu.memref_slice %arg4[%add3A_631, %dma_start3A_637] : memref<100000x128xf32, #tpu.memory_space<hbm>> -> memref<128x128xf32, #tpu.memory_space<hbm>>
      %dma_start3A_639 = arith.constant 0 : i32
      %dma_start3A_640 = tpu.memref_slice %arg4[%add3A_631, %dma_start3A_639] : memref<100000x128xf32, #tpu.memory_space<hbm>> -> memref<128x128xf32, #tpu.memory_space<hbm>>
      %dma_start3A_641 = arith.constant 0 : i32
      %dma_start3A_642 = arith.constant 0 : i32
      %dma_start3A_643 = tpu.memref_slice %arg6[%dma_start3A_632, %dma_start3A_641, %dma_start3A_642] : memref<6x128x128xf32, #tpu.memory_space<vmem>> -> memref<1x128x128xf32, #tpu.memory_space<vmem>>
      %dma_start3A_644 = tpu.memref_squeeze %dma_start3A_643 : memref<1x128x128xf32, #tpu.memory_space<vmem>> -> memref<128x128xf32, #tpu.memory_space<vmem>>
      tpu.enqueue_dma source(%dma_start3A_644 : memref<128x128xf32, #tpu.memory_space<vmem>>) target(%dma_start3A_640 : memref<128x128xf32, #tpu.memory_space<hbm>>) target_semaphore(%arg13 : memref<!tpu.dma_semaphore, #tpu.memory_space<semaphore_mem>>)
      %dma_wait3A_645 = arith.constant 5 : i32
      %dma_wait3A_646 = arith.constant 0 : i32
      %dma_wait3A_647 = arith.constant 0 : i32
      %dma_wait3A_648 = tpu.memref_slice %arg6[%dma_wait3A_645, %dma_wait3A_646, %dma_wait3A_647] : memref<6x128x128xf32, #tpu.memory_space<vmem>> -> memref<1x128x128xf32, #tpu.memory_space<vmem>>
      %dma_wait3A_649 = tpu.memref_squeeze %dma_wait3A_648 : memref<1x128x128xf32, #tpu.memory_space<vmem>> -> memref<128x128xf32, #tpu.memory_space<vmem>>
      %dma_wait3A_650 = arith.constant 0 : i32
      %dma_wait3A_651 = tpu.memref_slice %arg4[%add3A_583, %dma_wait3A_650] : memref<100000x128xf32, #tpu.memory_space<hbm>> -> memref<128x128xf32, #tpu.memory_space<hbm>>
      %dma_wait3A_652 = arith.constant 0 : i32
      %dma_wait3A_653 = tpu.memref_slice %arg4[%add3A_583, %dma_wait3A_652] : memref<100000x128xf32, #tpu.memory_space<hbm>> -> memref<128x128xf32, #tpu.memory_space<hbm>>
      %dma_wait3A_654 = arith.constant 0 : i32
      %dma_wait3A_655 = arith.constant 0 : i32
      %dma_wait3A_656 = tpu.memref_slice %arg6[%dma_wait3A_645, %dma_wait3A_654, %dma_wait3A_655] : memref<6x128x128xf32, #tpu.memory_space<vmem>> -> memref<1x128x128xf32, #tpu.memory_space<vmem>>
      %dma_wait3A_657 = tpu.memref_squeeze %dma_wait3A_656 : memref<1x128x128xf32, #tpu.memory_space<vmem>> -> memref<128x128xf32, #tpu.memory_space<vmem>>
      tpu.wait_dma2 semaphore(%arg18 : memref<!tpu.dma_semaphore, #tpu.memory_space<semaphore_mem>>) src(%dma_wait3A_657 : memref<128x128xf32, #tpu.memory_space<vmem>>) dst(%dma_wait3A_653 : memref<128x128xf32, #tpu.memory_space<hbm>>)
      %dma_start3A_658 = arith.constant 5 : i32
      %dma_start3A_659 = arith.constant 0 : i32
      %dma_start3A_660 = arith.constant 0 : i32
      %dma_start3A_661 = tpu.memref_slice %arg6[%dma_start3A_658, %dma_start3A_659, %dma_start3A_660] : memref<6x128x128xf32, #tpu.memory_space<vmem>> -> memref<1x128x128xf32, #tpu.memory_space<vmem>>
      %dma_start3A_662 = tpu.memref_squeeze %dma_start3A_661 : memref<1x128x128xf32, #tpu.memory_space<vmem>> -> memref<128x128xf32, #tpu.memory_space<vmem>>
      %dma_start3A_663 = arith.constant 2176 : i32
      %dma_start3A_664 = tpu.memref_slice %arg5[%dma_start3A_663] : memref<3128xi32, #tpu.memory_space<vmem>> -> memref<128xi32, #tpu.memory_space<vmem>>
      %dma_start3A_665 = arith.constant 0 : i32
      %dma_start3A_666 = arith.constant 0 : i32
      %dma_start3A_667 = tpu.memref_slice %arg3[%dma_start3A_665, %dma_start3A_666] : memref<50000x128xf32, #tpu.memory_space<hbm>> -> memref<50000x128xf32, #tpu.memory_space<hbm>>
      tpu.enqueue_indirect_dma source(%dma_start3A_667 : memref<50000x128xf32, #tpu.memory_space<hbm>>) target(%dma_start3A_662 : memref<128x128xf32, #tpu.memory_space<vmem>>) offsets(%dma_start3A_664 : memref<128xi32, #tpu.memory_space<vmem>>) semaphore(%arg12 : memref<!tpu.dma_semaphore, #tpu.memory_space<semaphore_mem>>)
      %dma_wait3A_668 = arith.constant 1 : i32
      %dma_wait3A_669 = arith.constant 0 : i32
      %dma_wait3A_670 = arith.constant 0 : i32
      %dma_wait3A_671 = tpu.memref_slice %arg6[%dma_wait3A_668, %dma_wait3A_669, %dma_wait3A_670] : memref<6x128x128xf32, #tpu.memory_space<vmem>> -> memref<1x128x128xf32, #tpu.memory_space<vmem>>
      %dma_wait3A_672 = tpu.memref_squeeze %dma_wait3A_671 : memref<1x128x128xf32, #tpu.memory_space<vmem>> -> memref<128x128xf32, #tpu.memory_space<vmem>>
      %dma_wait3A_673 = arith.constant 1664 : i32
      %dma_wait3A_674 = tpu.memref_slice %arg5[%dma_wait3A_673] : memref<3128xi32, #tpu.memory_space<vmem>> -> memref<128xi32, #tpu.memory_space<vmem>>
      %dma_wait3A_675 = arith.constant 0 : i32
      %dma_wait3A_676 = arith.constant 0 : i32
      %dma_wait3A_677 = tpu.memref_slice %arg3[%dma_wait3A_675, %dma_wait3A_676] : memref<50000x128xf32, #tpu.memory_space<hbm>> -> memref<50000x128xf32, #tpu.memory_space<hbm>>
      tpu.wait_indirect_dma semaphore(%arg8 : memref<!tpu.dma_semaphore, #tpu.memory_space<semaphore_mem>>) src(%dma_wait3A_677 : memref<50000x128xf32, #tpu.memory_space<hbm>>) dst(%dma_wait3A_672 : memref<128x128xf32, #tpu.memory_space<vmem>>)
      %add3A_678 = arith.constant 1664 : i32
      %add3A_679 = arith.addi %mul3A_8, %add3A_678 : i32
      %dma_start3A_680 = arith.constant 1 : i32
      %dma_start3A_681 = arith.constant 0 : i32
      %dma_start3A_682 = arith.constant 0 : i32
      %dma_start3A_683 = tpu.memref_slice %arg6[%dma_start3A_680, %dma_start3A_681, %dma_start3A_682] : memref<6x128x128xf32, #tpu.memory_space<vmem>> -> memref<1x128x128xf32, #tpu.memory_space<vmem>>
      %dma_start3A_684 = tpu.memref_squeeze %dma_start3A_683 : memref<1x128x128xf32, #tpu.memory_space<vmem>> -> memref<128x128xf32, #tpu.memory_space<vmem>>
      %dma_start3A_685 = arith.constant 0 : i32
      %dma_start3A_686 = tpu.memref_slice %arg4[%add3A_679, %dma_start3A_685] : memref<100000x128xf32, #tpu.memory_space<hbm>> -> memref<128x128xf32, #tpu.memory_space<hbm>>
      %dma_start3A_687 = arith.constant 0 : i32
      %dma_start3A_688 = tpu.memref_slice %arg4[%add3A_679, %dma_start3A_687] : memref<100000x128xf32, #tpu.memory_space<hbm>> -> memref<128x128xf32, #tpu.memory_space<hbm>>
      %dma_start3A_689 = arith.constant 0 : i32
      %dma_start3A_690 = arith.constant 0 : i32
      %dma_start3A_691 = tpu.memref_slice %arg6[%dma_start3A_680, %dma_start3A_689, %dma_start3A_690] : memref<6x128x128xf32, #tpu.memory_space<vmem>> -> memref<1x128x128xf32, #tpu.memory_space<vmem>>
      %dma_start3A_692 = tpu.memref_squeeze %dma_start3A_691 : memref<1x128x128xf32, #tpu.memory_space<vmem>> -> memref<128x128xf32, #tpu.memory_space<vmem>>
      tpu.enqueue_dma source(%dma_start3A_692 : memref<128x128xf32, #tpu.memory_space<vmem>>) target(%dma_start3A_688 : memref<128x128xf32, #tpu.memory_space<hbm>>) target_semaphore(%arg14 : memref<!tpu.dma_semaphore, #tpu.memory_space<semaphore_mem>>)
      %dma_wait3A_693 = arith.constant 0 : i32
      %dma_wait3A_694 = arith.constant 0 : i32
      %dma_wait3A_695 = arith.constant 0 : i32
      %dma_wait3A_696 = tpu.memref_slice %arg6[%dma_wait3A_693, %dma_wait3A_694, %dma_wait3A_695] : memref<6x128x128xf32, #tpu.memory_space<vmem>> -> memref<1x128x128xf32, #tpu.memory_space<vmem>>
      %dma_wait3A_697 = tpu.memref_squeeze %dma_wait3A_696 : memref<1x128x128xf32, #tpu.memory_space<vmem>> -> memref<128x128xf32, #tpu.memory_space<vmem>>
      %dma_wait3A_698 = arith.constant 0 : i32
      %dma_wait3A_699 = tpu.memref_slice %arg4[%add3A_631, %dma_wait3A_698] : memref<100000x128xf32, #tpu.memory_space<hbm>> -> memref<128x128xf32, #tpu.memory_space<hbm>>
      %dma_wait3A_700 = arith.constant 0 : i32
      %dma_wait3A_701 = tpu.memref_slice %arg4[%add3A_631, %dma_wait3A_700] : memref<100000x128xf32, #tpu.memory_space<hbm>> -> memref<128x128xf32, #tpu.memory_space<hbm>>
      %dma_wait3A_702 = arith.constant 0 : i32
      %dma_wait3A_703 = arith.constant 0 : i32
      %dma_wait3A_704 = tpu.memref_slice %arg6[%dma_wait3A_693, %dma_wait3A_702, %dma_wait3A_703] : memref<6x128x128xf32, #tpu.memory_space<vmem>> -> memref<1x128x128xf32, #tpu.memory_space<vmem>>
      %dma_wait3A_705 = tpu.memref_squeeze %dma_wait3A_704 : memref<1x128x128xf32, #tpu.memory_space<vmem>> -> memref<128x128xf32, #tpu.memory_space<vmem>>
      tpu.wait_dma2 semaphore(%arg13 : memref<!tpu.dma_semaphore, #tpu.memory_space<semaphore_mem>>) src(%dma_wait3A_705 : memref<128x128xf32, #tpu.memory_space<vmem>>) dst(%dma_wait3A_701 : memref<128x128xf32, #tpu.memory_space<hbm>>)
      %dma_start3A_706 = arith.constant 0 : i32
      %dma_start3A_707 = arith.constant 0 : i32
      %dma_start3A_708 = arith.constant 0 : i32
      %dma_start3A_709 = tpu.memref_slice %arg6[%dma_start3A_706, %dma_start3A_707, %dma_start3A_708] : memref<6x128x128xf32, #tpu.memory_space<vmem>> -> memref<1x128x128xf32, #tpu.memory_space<vmem>>
      %dma_start3A_710 = tpu.memref_squeeze %dma_start3A_709 : memref<1x128x128xf32, #tpu.memory_space<vmem>> -> memref<128x128xf32, #tpu.memory_space<vmem>>
      %dma_start3A_711 = arith.constant 2304 : i32
      %dma_start3A_712 = tpu.memref_slice %arg5[%dma_start3A_711] : memref<3128xi32, #tpu.memory_space<vmem>> -> memref<128xi32, #tpu.memory_space<vmem>>
      %dma_start3A_713 = arith.constant 0 : i32
      %dma_start3A_714 = arith.constant 0 : i32
      %dma_start3A_715 = tpu.memref_slice %arg3[%dma_start3A_713, %dma_start3A_714] : memref<50000x128xf32, #tpu.memory_space<hbm>> -> memref<50000x128xf32, #tpu.memory_space<hbm>>
      tpu.enqueue_indirect_dma source(%dma_start3A_715 : memref<50000x128xf32, #tpu.memory_space<hbm>>) target(%dma_start3A_710 : memref<128x128xf32, #tpu.memory_space<vmem>>) offsets(%dma_start3A_712 : memref<128xi32, #tpu.memory_space<vmem>>) semaphore(%arg7 : memref<!tpu.dma_semaphore, #tpu.memory_space<semaphore_mem>>)
      %dma_wait3A_716 = arith.constant 2 : i32
      %dma_wait3A_717 = arith.constant 0 : i32
      %dma_wait3A_718 = arith.constant 0 : i32
      %dma_wait3A_719 = tpu.memref_slice %arg6[%dma_wait3A_716, %dma_wait3A_717, %dma_wait3A_718] : memref<6x128x128xf32, #tpu.memory_space<vmem>> -> memref<1x128x128xf32, #tpu.memory_space<vmem>>
      %dma_wait3A_720 = tpu.memref_squeeze %dma_wait3A_719 : memref<1x128x128xf32, #tpu.memory_space<vmem>> -> memref<128x128xf32, #tpu.memory_space<vmem>>
      %dma_wait3A_721 = arith.constant 1792 : i32
      %dma_wait3A_722 = tpu.memref_slice %arg5[%dma_wait3A_721] : memref<3128xi32, #tpu.memory_space<vmem>> -> memref<128xi32, #tpu.memory_space<vmem>>
      %dma_wait3A_723 = arith.constant 0 : i32
      %dma_wait3A_724 = arith.constant 0 : i32
      %dma_wait3A_725 = tpu.memref_slice %arg3[%dma_wait3A_723, %dma_wait3A_724] : memref<50000x128xf32, #tpu.memory_space<hbm>> -> memref<50000x128xf32, #tpu.memory_space<hbm>>
      tpu.wait_indirect_dma semaphore(%arg9 : memref<!tpu.dma_semaphore, #tpu.memory_space<semaphore_mem>>) src(%dma_wait3A_725 : memref<50000x128xf32, #tpu.memory_space<hbm>>) dst(%dma_wait3A_720 : memref<128x128xf32, #tpu.memory_space<vmem>>)
      %add3A_726 = arith.constant 1792 : i32
      %add3A_727 = arith.addi %mul3A_8, %add3A_726 : i32
      %dma_start3A_728 = arith.constant 2 : i32
      %dma_start3A_729 = arith.constant 0 : i32
      %dma_start3A_730 = arith.constant 0 : i32
      %dma_start3A_731 = tpu.memref_slice %arg6[%dma_start3A_728, %dma_start3A_729, %dma_start3A_730] : memref<6x128x128xf32, #tpu.memory_space<vmem>> -> memref<1x128x128xf32, #tpu.memory_space<vmem>>
      %dma_start3A_732 = tpu.memref_squeeze %dma_start3A_731 : memref<1x128x128xf32, #tpu.memory_space<vmem>> -> memref<128x128xf32, #tpu.memory_space<vmem>>
      %dma_start3A_733 = arith.constant 0 : i32
      %dma_start3A_734 = tpu.memref_slice %arg4[%add3A_727, %dma_start3A_733] : memref<100000x128xf32, #tpu.memory_space<hbm>> -> memref<128x128xf32, #tpu.memory_space<hbm>>
      %dma_start3A_735 = arith.constant 0 : i32
      %dma_start3A_736 = tpu.memref_slice %arg4[%add3A_727, %dma_start3A_735] : memref<100000x128xf32, #tpu.memory_space<hbm>> -> memref<128x128xf32, #tpu.memory_space<hbm>>
      %dma_start3A_737 = arith.constant 0 : i32
      %dma_start3A_738 = arith.constant 0 : i32
      %dma_start3A_739 = tpu.memref_slice %arg6[%dma_start3A_728, %dma_start3A_737, %dma_start3A_738] : memref<6x128x128xf32, #tpu.memory_space<vmem>> -> memref<1x128x128xf32, #tpu.memory_space<vmem>>
      %dma_start3A_740 = tpu.memref_squeeze %dma_start3A_739 : memref<1x128x128xf32, #tpu.memory_space<vmem>> -> memref<128x128xf32, #tpu.memory_space<vmem>>
      tpu.enqueue_dma source(%dma_start3A_740 : memref<128x128xf32, #tpu.memory_space<vmem>>) target(%dma_start3A_736 : memref<128x128xf32, #tpu.memory_space<hbm>>) target_semaphore(%arg15 : memref<!tpu.dma_semaphore, #tpu.memory_space<semaphore_mem>>)
      %dma_wait3A_741 = arith.constant 1 : i32
      %dma_wait3A_742 = arith.constant 0 : i32
      %dma_wait3A_743 = arith.constant 0 : i32
      %dma_wait3A_744 = tpu.memref_slice %arg6[%dma_wait3A_741, %dma_wait3A_742, %dma_wait3A_743] : memref<6x128x128xf32, #tpu.memory_space<vmem>> -> memref<1x128x128xf32, #tpu.memory_space<vmem>>
      %dma_wait3A_745 = tpu.memref_squeeze %dma_wait3A_744 : memref<1x128x128xf32, #tpu.memory_space<vmem>> -> memref<128x128xf32, #tpu.memory_space<vmem>>
      %dma_wait3A_746 = arith.constant 0 : i32
      %dma_wait3A_747 = tpu.memref_slice %arg4[%add3A_679, %dma_wait3A_746] : memref<100000x128xf32, #tpu.memory_space<hbm>> -> memref<128x128xf32, #tpu.memory_space<hbm>>
      %dma_wait3A_748 = arith.constant 0 : i32
      %dma_wait3A_749 = tpu.memref_slice %arg4[%add3A_679, %dma_wait3A_748] : memref<100000x128xf32, #tpu.memory_space<hbm>> -> memref<128x128xf32, #tpu.memory_space<hbm>>
      %dma_wait3A_750 = arith.constant 0 : i32
      %dma_wait3A_751 = arith.constant 0 : i32
      %dma_wait3A_752 = tpu.memref_slice %arg6[%dma_wait3A_741, %dma_wait3A_750, %dma_wait3A_751] : memref<6x128x128xf32, #tpu.memory_space<vmem>> -> memref<1x128x128xf32, #tpu.memory_space<vmem>>
      %dma_wait3A_753 = tpu.memref_squeeze %dma_wait3A_752 : memref<1x128x128xf32, #tpu.memory_space<vmem>> -> memref<128x128xf32, #tpu.memory_space<vmem>>
      tpu.wait_dma2 semaphore(%arg14 : memref<!tpu.dma_semaphore, #tpu.memory_space<semaphore_mem>>) src(%dma_wait3A_753 : memref<128x128xf32, #tpu.memory_space<vmem>>) dst(%dma_wait3A_749 : memref<128x128xf32, #tpu.memory_space<hbm>>)
      %dma_start3A_754 = arith.constant 1 : i32
      %dma_start3A_755 = arith.constant 0 : i32
      %dma_start3A_756 = arith.constant 0 : i32
      %dma_start3A_757 = tpu.memref_slice %arg6[%dma_start3A_754, %dma_start3A_755, %dma_start3A_756] : memref<6x128x128xf32, #tpu.memory_space<vmem>> -> memref<1x128x128xf32, #tpu.memory_space<vmem>>
      %dma_start3A_758 = tpu.memref_squeeze %dma_start3A_757 : memref<1x128x128xf32, #tpu.memory_space<vmem>> -> memref<128x128xf32, #tpu.memory_space<vmem>>
      %dma_start3A_759 = arith.constant 2432 : i32
      %dma_start3A_760 = tpu.memref_slice %arg5[%dma_start3A_759] : memref<3128xi32, #tpu.memory_space<vmem>> -> memref<128xi32, #tpu.memory_space<vmem>>
      %dma_start3A_761 = arith.constant 0 : i32
      %dma_start3A_762 = arith.constant 0 : i32
      %dma_start3A_763 = tpu.memref_slice %arg3[%dma_start3A_761, %dma_start3A_762] : memref<50000x128xf32, #tpu.memory_space<hbm>> -> memref<50000x128xf32, #tpu.memory_space<hbm>>
      tpu.enqueue_indirect_dma source(%dma_start3A_763 : memref<50000x128xf32, #tpu.memory_space<hbm>>) target(%dma_start3A_758 : memref<128x128xf32, #tpu.memory_space<vmem>>) offsets(%dma_start3A_760 : memref<128xi32, #tpu.memory_space<vmem>>) semaphore(%arg8 : memref<!tpu.dma_semaphore, #tpu.memory_space<semaphore_mem>>)
      %dma_wait3A_764 = arith.constant 3 : i32
      %dma_wait3A_765 = arith.constant 0 : i32
      %dma_wait3A_766 = arith.constant 0 : i32
      %dma_wait3A_767 = tpu.memref_slice %arg6[%dma_wait3A_764, %dma_wait3A_765, %dma_wait3A_766] : memref<6x128x128xf32, #tpu.memory_space<vmem>> -> memref<1x128x128xf32, #tpu.memory_space<vmem>>
      %dma_wait3A_768 = tpu.memref_squeeze %dma_wait3A_767 : memref<1x128x128xf32, #tpu.memory_space<vmem>> -> memref<128x128xf32, #tpu.memory_space<vmem>>
      %dma_wait3A_769 = arith.constant 1920 : i32
      %dma_wait3A_770 = tpu.memref_slice %arg5[%dma_wait3A_769] : memref<3128xi32, #tpu.memory_space<vmem>> -> memref<128xi32, #tpu.memory_space<vmem>>
      %dma_wait3A_771 = arith.constant 0 : i32
      %dma_wait3A_772 = arith.constant 0 : i32
      %dma_wait3A_773 = tpu.memref_slice %arg3[%dma_wait3A_771, %dma_wait3A_772] : memref<50000x128xf32, #tpu.memory_space<hbm>> -> memref<50000x128xf32, #tpu.memory_space<hbm>>
      tpu.wait_indirect_dma semaphore(%arg10 : memref<!tpu.dma_semaphore, #tpu.memory_space<semaphore_mem>>) src(%dma_wait3A_773 : memref<50000x128xf32, #tpu.memory_space<hbm>>) dst(%dma_wait3A_768 : memref<128x128xf32, #tpu.memory_space<vmem>>)
      %add3A_774 = arith.constant 1920 : i32
      %add3A_775 = arith.addi %mul3A_8, %add3A_774 : i32
      %dma_start3A_776 = arith.constant 3 : i32
      %dma_start3A_777 = arith.constant 0 : i32
      %dma_start3A_778 = arith.constant 0 : i32
      %dma_start3A_779 = tpu.memref_slice %arg6[%dma_start3A_776, %dma_start3A_777, %dma_start3A_778] : memref<6x128x128xf32, #tpu.memory_space<vmem>> -> memref<1x128x128xf32, #tpu.memory_space<vmem>>
      %dma_start3A_780 = tpu.memref_squeeze %dma_start3A_779 : memref<1x128x128xf32, #tpu.memory_space<vmem>> -> memref<128x128xf32, #tpu.memory_space<vmem>>
      %dma_start3A_781 = arith.constant 0 : i32
      %dma_start3A_782 = tpu.memref_slice %arg4[%add3A_775, %dma_start3A_781] : memref<100000x128xf32, #tpu.memory_space<hbm>> -> memref<128x128xf32, #tpu.memory_space<hbm>>
      %dma_start3A_783 = arith.constant 0 : i32
      %dma_start3A_784 = tpu.memref_slice %arg4[%add3A_775, %dma_start3A_783] : memref<100000x128xf32, #tpu.memory_space<hbm>> -> memref<128x128xf32, #tpu.memory_space<hbm>>
      %dma_start3A_785 = arith.constant 0 : i32
      %dma_start3A_786 = arith.constant 0 : i32
      %dma_start3A_787 = tpu.memref_slice %arg6[%dma_start3A_776, %dma_start3A_785, %dma_start3A_786] : memref<6x128x128xf32, #tpu.memory_space<vmem>> -> memref<1x128x128xf32, #tpu.memory_space<vmem>>
      %dma_start3A_788 = tpu.memref_squeeze %dma_start3A_787 : memref<1x128x128xf32, #tpu.memory_space<vmem>> -> memref<128x128xf32, #tpu.memory_space<vmem>>
      tpu.enqueue_dma source(%dma_start3A_788 : memref<128x128xf32, #tpu.memory_space<vmem>>) target(%dma_start3A_784 : memref<128x128xf32, #tpu.memory_space<hbm>>) target_semaphore(%arg16 : memref<!tpu.dma_semaphore, #tpu.memory_space<semaphore_mem>>)
      %dma_wait3A_789 = arith.constant 2 : i32
      %dma_wait3A_790 = arith.constant 0 : i32
      %dma_wait3A_791 = arith.constant 0 : i32
      %dma_wait3A_792 = tpu.memref_slice %arg6[%dma_wait3A_789, %dma_wait3A_790, %dma_wait3A_791] : memref<6x128x128xf32, #tpu.memory_space<vmem>> -> memref<1x128x128xf32, #tpu.memory_space<vmem>>
      %dma_wait3A_793 = tpu.memref_squeeze %dma_wait3A_792 : memref<1x128x128xf32, #tpu.memory_space<vmem>> -> memref<128x128xf32, #tpu.memory_space<vmem>>
      %dma_wait3A_794 = arith.constant 0 : i32
      %dma_wait3A_795 = tpu.memref_slice %arg4[%add3A_727, %dma_wait3A_794] : memref<100000x128xf32, #tpu.memory_space<hbm>> -> memref<128x128xf32, #tpu.memory_space<hbm>>
      %dma_wait3A_796 = arith.constant 0 : i32
      %dma_wait3A_797 = tpu.memref_slice %arg4[%add3A_727, %dma_wait3A_796] : memref<100000x128xf32, #tpu.memory_space<hbm>> -> memref<128x128xf32, #tpu.memory_space<hbm>>
      %dma_wait3A_798 = arith.constant 0 : i32
      %dma_wait3A_799 = arith.constant 0 : i32
      %dma_wait3A_800 = tpu.memref_slice %arg6[%dma_wait3A_789, %dma_wait3A_798, %dma_wait3A_799] : memref<6x128x128xf32, #tpu.memory_space<vmem>> -> memref<1x128x128xf32, #tpu.memory_space<vmem>>
      %dma_wait3A_801 = tpu.memref_squeeze %dma_wait3A_800 : memref<1x128x128xf32, #tpu.memory_space<vmem>> -> memref<128x128xf32, #tpu.memory_space<vmem>>
      tpu.wait_dma2 semaphore(%arg15 : memref<!tpu.dma_semaphore, #tpu.memory_space<semaphore_mem>>) src(%dma_wait3A_801 : memref<128x128xf32, #tpu.memory_space<vmem>>) dst(%dma_wait3A_797 : memref<128x128xf32, #tpu.memory_space<hbm>>)
      %dma_start3A_802 = arith.constant 2 : i32
      %dma_start3A_803 = arith.constant 0 : i32
      %dma_start3A_804 = arith.constant 0 : i32
      %dma_start3A_805 = tpu.memref_slice %arg6[%dma_start3A_802, %dma_start3A_803, %dma_start3A_804] : memref<6x128x128xf32, #tpu.memory_space<vmem>> -> memref<1x128x128xf32, #tpu.memory_space<vmem>>
      %dma_start3A_806 = tpu.memref_squeeze %dma_start3A_805 : memref<1x128x128xf32, #tpu.memory_space<vmem>> -> memref<128x128xf32, #tpu.memory_space<vmem>>
      %dma_start3A_807 = arith.constant 2560 : i32
      %dma_start3A_808 = tpu.memref_slice %arg5[%dma_start3A_807] : memref<3128xi32, #tpu.memory_space<vmem>> -> memref<128xi32, #tpu.memory_space<vmem>>
      %dma_start3A_809 = arith.constant 0 : i32
      %dma_start3A_810 = arith.constant 0 : i32
      %dma_start3A_811 = tpu.memref_slice %arg3[%dma_start3A_809, %dma_start3A_810] : memref<50000x128xf32, #tpu.memory_space<hbm>> -> memref<50000x128xf32, #tpu.memory_space<hbm>>
      tpu.enqueue_indirect_dma source(%dma_start3A_811 : memref<50000x128xf32, #tpu.memory_space<hbm>>) target(%dma_start3A_806 : memref<128x128xf32, #tpu.memory_space<vmem>>) offsets(%dma_start3A_808 : memref<128xi32, #tpu.memory_space<vmem>>) semaphore(%arg9 : memref<!tpu.dma_semaphore, #tpu.memory_space<semaphore_mem>>)
      %dma_wait3A_812 = arith.constant 4 : i32
      %dma_wait3A_813 = arith.constant 0 : i32
      %dma_wait3A_814 = arith.constant 0 : i32
      %dma_wait3A_815 = tpu.memref_slice %arg6[%dma_wait3A_812, %dma_wait3A_813, %dma_wait3A_814] : memref<6x128x128xf32, #tpu.memory_space<vmem>> -> memref<1x128x128xf32, #tpu.memory_space<vmem>>
      %dma_wait3A_816 = tpu.memref_squeeze %dma_wait3A_815 : memref<1x128x128xf32, #tpu.memory_space<vmem>> -> memref<128x128xf32, #tpu.memory_space<vmem>>
      %dma_wait3A_817 = arith.constant 2048 : i32
      %dma_wait3A_818 = tpu.memref_slice %arg5[%dma_wait3A_817] : memref<3128xi32, #tpu.memory_space<vmem>> -> memref<128xi32, #tpu.memory_space<vmem>>
      %dma_wait3A_819 = arith.constant 0 : i32
      %dma_wait3A_820 = arith.constant 0 : i32
      %dma_wait3A_821 = tpu.memref_slice %arg3[%dma_wait3A_819, %dma_wait3A_820] : memref<50000x128xf32, #tpu.memory_space<hbm>> -> memref<50000x128xf32, #tpu.memory_space<hbm>>
      tpu.wait_indirect_dma semaphore(%arg11 : memref<!tpu.dma_semaphore, #tpu.memory_space<semaphore_mem>>) src(%dma_wait3A_821 : memref<50000x128xf32, #tpu.memory_space<hbm>>) dst(%dma_wait3A_816 : memref<128x128xf32, #tpu.memory_space<vmem>>)
      %add3A_822 = arith.constant 2048 : i32
      %add3A_823 = arith.addi %mul3A_8, %add3A_822 : i32
      %dma_start3A_824 = arith.constant 4 : i32
      %dma_start3A_825 = arith.constant 0 : i32
      %dma_start3A_826 = arith.constant 0 : i32
      %dma_start3A_827 = tpu.memref_slice %arg6[%dma_start3A_824, %dma_start3A_825, %dma_start3A_826] : memref<6x128x128xf32, #tpu.memory_space<vmem>> -> memref<1x128x128xf32, #tpu.memory_space<vmem>>
      %dma_start3A_828 = tpu.memref_squeeze %dma_start3A_827 : memref<1x128x128xf32, #tpu.memory_space<vmem>> -> memref<128x128xf32, #tpu.memory_space<vmem>>
      %dma_start3A_829 = arith.constant 0 : i32
      %dma_start3A_830 = tpu.memref_slice %arg4[%add3A_823, %dma_start3A_829] : memref<100000x128xf32, #tpu.memory_space<hbm>> -> memref<128x128xf32, #tpu.memory_space<hbm>>
      %dma_start3A_831 = arith.constant 0 : i32
      %dma_start3A_832 = tpu.memref_slice %arg4[%add3A_823, %dma_start3A_831] : memref<100000x128xf32, #tpu.memory_space<hbm>> -> memref<128x128xf32, #tpu.memory_space<hbm>>
      %dma_start3A_833 = arith.constant 0 : i32
      %dma_start3A_834 = arith.constant 0 : i32
      %dma_start3A_835 = tpu.memref_slice %arg6[%dma_start3A_824, %dma_start3A_833, %dma_start3A_834] : memref<6x128x128xf32, #tpu.memory_space<vmem>> -> memref<1x128x128xf32, #tpu.memory_space<vmem>>
      %dma_start3A_836 = tpu.memref_squeeze %dma_start3A_835 : memref<1x128x128xf32, #tpu.memory_space<vmem>> -> memref<128x128xf32, #tpu.memory_space<vmem>>
      tpu.enqueue_dma source(%dma_start3A_836 : memref<128x128xf32, #tpu.memory_space<vmem>>) target(%dma_start3A_832 : memref<128x128xf32, #tpu.memory_space<hbm>>) target_semaphore(%arg17 : memref<!tpu.dma_semaphore, #tpu.memory_space<semaphore_mem>>)
      %dma_wait3A_837 = arith.constant 3 : i32
      %dma_wait3A_838 = arith.constant 0 : i32
      %dma_wait3A_839 = arith.constant 0 : i32
      %dma_wait3A_840 = tpu.memref_slice %arg6[%dma_wait3A_837, %dma_wait3A_838, %dma_wait3A_839] : memref<6x128x128xf32, #tpu.memory_space<vmem>> -> memref<1x128x128xf32, #tpu.memory_space<vmem>>
      %dma_wait3A_841 = tpu.memref_squeeze %dma_wait3A_840 : memref<1x128x128xf32, #tpu.memory_space<vmem>> -> memref<128x128xf32, #tpu.memory_space<vmem>>
      %dma_wait3A_842 = arith.constant 0 : i32
      %dma_wait3A_843 = tpu.memref_slice %arg4[%add3A_775, %dma_wait3A_842] : memref<100000x128xf32, #tpu.memory_space<hbm>> -> memref<128x128xf32, #tpu.memory_space<hbm>>
      %dma_wait3A_844 = arith.constant 0 : i32
      %dma_wait3A_845 = tpu.memref_slice %arg4[%add3A_775, %dma_wait3A_844] : memref<100000x128xf32, #tpu.memory_space<hbm>> -> memref<128x128xf32, #tpu.memory_space<hbm>>
      %dma_wait3A_846 = arith.constant 0 : i32
      %dma_wait3A_847 = arith.constant 0 : i32
      %dma_wait3A_848 = tpu.memref_slice %arg6[%dma_wait3A_837, %dma_wait3A_846, %dma_wait3A_847] : memref<6x128x128xf32, #tpu.memory_space<vmem>> -> memref<1x128x128xf32, #tpu.memory_space<vmem>>
      %dma_wait3A_849 = tpu.memref_squeeze %dma_wait3A_848 : memref<1x128x128xf32, #tpu.memory_space<vmem>> -> memref<128x128xf32, #tpu.memory_space<vmem>>
      tpu.wait_dma2 semaphore(%arg16 : memref<!tpu.dma_semaphore, #tpu.memory_space<semaphore_mem>>) src(%dma_wait3A_849 : memref<128x128xf32, #tpu.memory_space<vmem>>) dst(%dma_wait3A_845 : memref<128x128xf32, #tpu.memory_space<hbm>>)
      %dma_start3A_850 = arith.constant 3 : i32
      %dma_start3A_851 = arith.constant 0 : i32
      %dma_start3A_852 = arith.constant 0 : i32
      %dma_start3A_853 = tpu.memref_slice %arg6[%dma_start3A_850, %dma_start3A_851, %dma_start3A_852] : memref<6x128x128xf32, #tpu.memory_space<vmem>> -> memref<1x128x128xf32, #tpu.memory_space<vmem>>
      %dma_start3A_854 = tpu.memref_squeeze %dma_start3A_853 : memref<1x128x128xf32, #tpu.memory_space<vmem>> -> memref<128x128xf32, #tpu.memory_space<vmem>>
      %dma_start3A_855 = arith.constant 2688 : i32
      %dma_start3A_856 = tpu.memref_slice %arg5[%dma_start3A_855] : memref<3128xi32, #tpu.memory_space<vmem>> -> memref<128xi32, #tpu.memory_space<vmem>>
      %dma_start3A_857 = arith.constant 0 : i32
      %dma_start3A_858 = arith.constant 0 : i32
      %dma_start3A_859 = tpu.memref_slice %arg3[%dma_start3A_857, %dma_start3A_858] : memref<50000x128xf32, #tpu.memory_space<hbm>> -> memref<50000x128xf32, #tpu.memory_space<hbm>>
      tpu.enqueue_indirect_dma source(%dma_start3A_859 : memref<50000x128xf32, #tpu.memory_space<hbm>>) target(%dma_start3A_854 : memref<128x128xf32, #tpu.memory_space<vmem>>) offsets(%dma_start3A_856 : memref<128xi32, #tpu.memory_space<vmem>>) semaphore(%arg10 : memref<!tpu.dma_semaphore, #tpu.memory_space<semaphore_mem>>)
      %dma_wait3A_860 = arith.constant 5 : i32
      %dma_wait3A_861 = arith.constant 0 : i32
      %dma_wait3A_862 = arith.constant 0 : i32
      %dma_wait3A_863 = tpu.memref_slice %arg6[%dma_wait3A_860, %dma_wait3A_861, %dma_wait3A_862] : memref<6x128x128xf32, #tpu.memory_space<vmem>> -> memref<1x128x128xf32, #tpu.memory_space<vmem>>
      %dma_wait3A_864 = tpu.memref_squeeze %dma_wait3A_863 : memref<1x128x128xf32, #tpu.memory_space<vmem>> -> memref<128x128xf32, #tpu.memory_space<vmem>>
      %dma_wait3A_865 = arith.constant 2176 : i32
      %dma_wait3A_866 = tpu.memref_slice %arg5[%dma_wait3A_865] : memref<3128xi32, #tpu.memory_space<vmem>> -> memref<128xi32, #tpu.memory_space<vmem>>
      %dma_wait3A_867 = arith.constant 0 : i32
      %dma_wait3A_868 = arith.constant 0 : i32
      %dma_wait3A_869 = tpu.memref_slice %arg3[%dma_wait3A_867, %dma_wait3A_868] : memref<50000x128xf32, #tpu.memory_space<hbm>> -> memref<50000x128xf32, #tpu.memory_space<hbm>>
      tpu.wait_indirect_dma semaphore(%arg12 : memref<!tpu.dma_semaphore, #tpu.memory_space<semaphore_mem>>) src(%dma_wait3A_869 : memref<50000x128xf32, #tpu.memory_space<hbm>>) dst(%dma_wait3A_864 : memref<128x128xf32, #tpu.memory_space<vmem>>)
      %add3A_870 = arith.constant 2176 : i32
      %add3A_871 = arith.addi %mul3A_8, %add3A_870 : i32
      %dma_start3A_872 = arith.constant 5 : i32
      %dma_start3A_873 = arith.constant 0 : i32
      %dma_start3A_874 = arith.constant 0 : i32
      %dma_start3A_875 = tpu.memref_slice %arg6[%dma_start3A_872, %dma_start3A_873, %dma_start3A_874] : memref<6x128x128xf32, #tpu.memory_space<vmem>> -> memref<1x128x128xf32, #tpu.memory_space<vmem>>
      %dma_start3A_876 = tpu.memref_squeeze %dma_start3A_875 : memref<1x128x128xf32, #tpu.memory_space<vmem>> -> memref<128x128xf32, #tpu.memory_space<vmem>>
      %dma_start3A_877 = arith.constant 0 : i32
      %dma_start3A_878 = tpu.memref_slice %arg4[%add3A_871, %dma_start3A_877] : memref<100000x128xf32, #tpu.memory_space<hbm>> -> memref<128x128xf32, #tpu.memory_space<hbm>>
      %dma_start3A_879 = arith.constant 0 : i32
      %dma_start3A_880 = tpu.memref_slice %arg4[%add3A_871, %dma_start3A_879] : memref<100000x128xf32, #tpu.memory_space<hbm>> -> memref<128x128xf32, #tpu.memory_space<hbm>>
      %dma_start3A_881 = arith.constant 0 : i32
      %dma_start3A_882 = arith.constant 0 : i32
      %dma_start3A_883 = tpu.memref_slice %arg6[%dma_start3A_872, %dma_start3A_881, %dma_start3A_882] : memref<6x128x128xf32, #tpu.memory_space<vmem>> -> memref<1x128x128xf32, #tpu.memory_space<vmem>>
      %dma_start3A_884 = tpu.memref_squeeze %dma_start3A_883 : memref<1x128x128xf32, #tpu.memory_space<vmem>> -> memref<128x128xf32, #tpu.memory_space<vmem>>
      tpu.enqueue_dma source(%dma_start3A_884 : memref<128x128xf32, #tpu.memory_space<vmem>>) target(%dma_start3A_880 : memref<128x128xf32, #tpu.memory_space<hbm>>) target_semaphore(%arg18 : memref<!tpu.dma_semaphore, #tpu.memory_space<semaphore_mem>>)
      %dma_wait3A_885 = arith.constant 4 : i32
      %dma_wait3A_886 = arith.constant 0 : i32
      %dma_wait3A_887 = arith.constant 0 : i32
      %dma_wait3A_888 = tpu.memref_slice %arg6[%dma_wait3A_885, %dma_wait3A_886, %dma_wait3A_887] : memref<6x128x128xf32, #tpu.memory_space<vmem>> -> memref<1x128x128xf32, #tpu.memory_space<vmem>>
      %dma_wait3A_889 = tpu.memref_squeeze %dma_wait3A_888 : memref<1x128x128xf32, #tpu.memory_space<vmem>> -> memref<128x128xf32, #tpu.memory_space<vmem>>
      %dma_wait3A_890 = arith.constant 0 : i32
      %dma_wait3A_891 = tpu.memref_slice %arg4[%add3A_823, %dma_wait3A_890] : memref<100000x128xf32, #tpu.memory_space<hbm>> -> memref<128x128xf32, #tpu.memory_space<hbm>>
      %dma_wait3A_892 = arith.constant 0 : i32
      %dma_wait3A_893 = tpu.memref_slice %arg4[%add3A_823, %dma_wait3A_892] : memref<100000x128xf32, #tpu.memory_space<hbm>> -> memref<128x128xf32, #tpu.memory_space<hbm>>
      %dma_wait3A_894 = arith.constant 0 : i32
      %dma_wait3A_895 = arith.constant 0 : i32
      %dma_wait3A_896 = tpu.memref_slice %arg6[%dma_wait3A_885, %dma_wait3A_894, %dma_wait3A_895] : memref<6x128x128xf32, #tpu.memory_space<vmem>> -> memref<1x128x128xf32, #tpu.memory_space<vmem>>
      %dma_wait3A_897 = tpu.memref_squeeze %dma_wait3A_896 : memref<1x128x128xf32, #tpu.memory_space<vmem>> -> memref<128x128xf32, #tpu.memory_space<vmem>>
      tpu.wait_dma2 semaphore(%arg17 : memref<!tpu.dma_semaphore, #tpu.memory_space<semaphore_mem>>) src(%dma_wait3A_897 : memref<128x128xf32, #tpu.memory_space<vmem>>) dst(%dma_wait3A_893 : memref<128x128xf32, #tpu.memory_space<hbm>>)
      %dma_start3A_898 = arith.constant 4 : i32
      %dma_start3A_899 = arith.constant 0 : i32
      %dma_start3A_900 = arith.constant 0 : i32
      %dma_start3A_901 = tpu.memref_slice %arg6[%dma_start3A_898, %dma_start3A_899, %dma_start3A_900] : memref<6x128x128xf32, #tpu.memory_space<vmem>> -> memref<1x128x128xf32, #tpu.memory_space<vmem>>
      %dma_start3A_902 = tpu.memref_squeeze %dma_start3A_901 : memref<1x128x128xf32, #tpu.memory_space<vmem>> -> memref<128x128xf32, #tpu.memory_space<vmem>>
      %dma_start3A_903 = arith.constant 2816 : i32
      %dma_start3A_904 = tpu.memref_slice %arg5[%dma_start3A_903] : memref<3128xi32, #tpu.memory_space<vmem>> -> memref<128xi32, #tpu.memory_space<vmem>>
      %dma_start3A_905 = arith.constant 0 : i32
      %dma_start3A_906 = arith.constant 0 : i32
      %dma_start3A_907 = tpu.memref_slice %arg3[%dma_start3A_905, %dma_start3A_906] : memref<50000x128xf32, #tpu.memory_space<hbm>> -> memref<50000x128xf32, #tpu.memory_space<hbm>>
      tpu.enqueue_indirect_dma source(%dma_start3A_907 : memref<50000x128xf32, #tpu.memory_space<hbm>>) target(%dma_start3A_902 : memref<128x128xf32, #tpu.memory_space<vmem>>) offsets(%dma_start3A_904 : memref<128xi32, #tpu.memory_space<vmem>>) semaphore(%arg11 : memref<!tpu.dma_semaphore, #tpu.memory_space<semaphore_mem>>)
      %dma_wait3A_908 = arith.constant 0 : i32
      %dma_wait3A_909 = arith.constant 0 : i32
      %dma_wait3A_910 = arith.constant 0 : i32
      %dma_wait3A_911 = tpu.memref_slice %arg6[%dma_wait3A_908, %dma_wait3A_909, %dma_wait3A_910] : memref<6x128x128xf32, #tpu.memory_space<vmem>> -> memref<1x128x128xf32, #tpu.memory_space<vmem>>
      %dma_wait3A_912 = tpu.memref_squeeze %dma_wait3A_911 : memref<1x128x128xf32, #tpu.memory_space<vmem>> -> memref<128x128xf32, #tpu.memory_space<vmem>>
      %dma_wait3A_913 = arith.constant 2304 : i32
      %dma_wait3A_914 = tpu.memref_slice %arg5[%dma_wait3A_913] : memref<3128xi32, #tpu.memory_space<vmem>> -> memref<128xi32, #tpu.memory_space<vmem>>
      %dma_wait3A_915 = arith.constant 0 : i32
      %dma_wait3A_916 = arith.constant 0 : i32
      %dma_wait3A_917 = tpu.memref_slice %arg3[%dma_wait3A_915, %dma_wait3A_916] : memref<50000x128xf32, #tpu.memory_space<hbm>> -> memref<50000x128xf32, #tpu.memory_space<hbm>>
      tpu.wait_indirect_dma semaphore(%arg7 : memref<!tpu.dma_semaphore, #tpu.memory_space<semaphore_mem>>) src(%dma_wait3A_917 : memref<50000x128xf32, #tpu.memory_space<hbm>>) dst(%dma_wait3A_912 : memref<128x128xf32, #tpu.memory_space<vmem>>)
      %add3A_918 = arith.constant 2304 : i32
      %add3A_919 = arith.addi %mul3A_8, %add3A_918 : i32
      %dma_start3A_920 = arith.constant 0 : i32
      %dma_start3A_921 = arith.constant 0 : i32
      %dma_start3A_922 = arith.constant 0 : i32
      %dma_start3A_923 = tpu.memref_slice %arg6[%dma_start3A_920, %dma_start3A_921, %dma_start3A_922] : memref<6x128x128xf32, #tpu.memory_space<vmem>> -> memref<1x128x128xf32, #tpu.memory_space<vmem>>
      %dma_start3A_924 = tpu.memref_squeeze %dma_start3A_923 : memref<1x128x128xf32, #tpu.memory_space<vmem>> -> memref<128x128xf32, #tpu.memory_space<vmem>>
      %dma_start3A_925 = arith.constant 0 : i32
      %dma_start3A_926 = tpu.memref_slice %arg4[%add3A_919, %dma_start3A_925] : memref<100000x128xf32, #tpu.memory_space<hbm>> -> memref<128x128xf32, #tpu.memory_space<hbm>>
      %dma_start3A_927 = arith.constant 0 : i32
      %dma_start3A_928 = tpu.memref_slice %arg4[%add3A_919, %dma_start3A_927] : memref<100000x128xf32, #tpu.memory_space<hbm>> -> memref<128x128xf32, #tpu.memory_space<hbm>>
      %dma_start3A_929 = arith.constant 0 : i32
      %dma_start3A_930 = arith.constant 0 : i32
      %dma_start3A_931 = tpu.memref_slice %arg6[%dma_start3A_920, %dma_start3A_929, %dma_start3A_930] : memref<6x128x128xf32, #tpu.memory_space<vmem>> -> memref<1x128x128xf32, #tpu.memory_space<vmem>>
      %dma_start3A_932 = tpu.memref_squeeze %dma_start3A_931 : memref<1x128x128xf32, #tpu.memory_space<vmem>> -> memref<128x128xf32, #tpu.memory_space<vmem>>
      tpu.enqueue_dma source(%dma_start3A_932 : memref<128x128xf32, #tpu.memory_space<vmem>>) target(%dma_start3A_928 : memref<128x128xf32, #tpu.memory_space<hbm>>) target_semaphore(%arg13 : memref<!tpu.dma_semaphore, #tpu.memory_space<semaphore_mem>>)
      %dma_wait3A_933 = arith.constant 5 : i32
      %dma_wait3A_934 = arith.constant 0 : i32
      %dma_wait3A_935 = arith.constant 0 : i32
      %dma_wait3A_936 = tpu.memref_slice %arg6[%dma_wait3A_933, %dma_wait3A_934, %dma_wait3A_935] : memref<6x128x128xf32, #tpu.memory_space<vmem>> -> memref<1x128x128xf32, #tpu.memory_space<vmem>>
      %dma_wait3A_937 = tpu.memref_squeeze %dma_wait3A_936 : memref<1x128x128xf32, #tpu.memory_space<vmem>> -> memref<128x128xf32, #tpu.memory_space<vmem>>
      %dma_wait3A_938 = arith.constant 0 : i32
      %dma_wait3A_939 = tpu.memref_slice %arg4[%add3A_871, %dma_wait3A_938] : memref<100000x128xf32, #tpu.memory_space<hbm>> -> memref<128x128xf32, #tpu.memory_space<hbm>>
      %dma_wait3A_940 = arith.constant 0 : i32
      %dma_wait3A_941 = tpu.memref_slice %arg4[%add3A_871, %dma_wait3A_940] : memref<100000x128xf32, #tpu.memory_space<hbm>> -> memref<128x128xf32, #tpu.memory_space<hbm>>
      %dma_wait3A_942 = arith.constant 0 : i32
      %dma_wait3A_943 = arith.constant 0 : i32
      %dma_wait3A_944 = tpu.memref_slice %arg6[%dma_wait3A_933, %dma_wait3A_942, %dma_wait3A_943] : memref<6x128x128xf32, #tpu.memory_space<vmem>> -> memref<1x128x128xf32, #tpu.memory_space<vmem>>
      %dma_wait3A_945 = tpu.memref_squeeze %dma_wait3A_944 : memref<1x128x128xf32, #tpu.memory_space<vmem>> -> memref<128x128xf32, #tpu.memory_space<vmem>>
      tpu.wait_dma2 semaphore(%arg18 : memref<!tpu.dma_semaphore, #tpu.memory_space<semaphore_mem>>) src(%dma_wait3A_945 : memref<128x128xf32, #tpu.memory_space<vmem>>) dst(%dma_wait3A_941 : memref<128x128xf32, #tpu.memory_space<hbm>>)
      %dma_start3A_946 = arith.constant 5 : i32
      %dma_start3A_947 = arith.constant 0 : i32
      %dma_start3A_948 = arith.constant 0 : i32
      %dma_start3A_949 = tpu.memref_slice %arg6[%dma_start3A_946, %dma_start3A_947, %dma_start3A_948] : memref<6x128x128xf32, #tpu.memory_space<vmem>> -> memref<1x128x128xf32, #tpu.memory_space<vmem>>
      %dma_start3A_950 = tpu.memref_squeeze %dma_start3A_949 : memref<1x128x128xf32, #tpu.memory_space<vmem>> -> memref<128x128xf32, #tpu.memory_space<vmem>>
      %dma_start3A_951 = arith.constant 2944 : i32
      %dma_start3A_952 = tpu.memref_slice %arg5[%dma_start3A_951] : memref<3128xi32, #tpu.memory_space<vmem>> -> memref<128xi32, #tpu.memory_space<vmem>>
      %dma_start3A_953 = arith.constant 0 : i32
      %dma_start3A_954 = arith.constant 0 : i32
      %dma_start3A_955 = tpu.memref_slice %arg3[%dma_start3A_953, %dma_start3A_954] : memref<50000x128xf32, #tpu.memory_space<hbm>> -> memref<50000x128xf32, #tpu.memory_space<hbm>>
      tpu.enqueue_indirect_dma source(%dma_start3A_955 : memref<50000x128xf32, #tpu.memory_space<hbm>>) target(%dma_start3A_950 : memref<128x128xf32, #tpu.memory_space<vmem>>) offsets(%dma_start3A_952 : memref<128xi32, #tpu.memory_space<vmem>>) semaphore(%arg12 : memref<!tpu.dma_semaphore, #tpu.memory_space<semaphore_mem>>)
      %dma_wait3A_956 = arith.constant 1 : i32
      %dma_wait3A_957 = arith.constant 0 : i32
      %dma_wait3A_958 = arith.constant 0 : i32
      %dma_wait3A_959 = tpu.memref_slice %arg6[%dma_wait3A_956, %dma_wait3A_957, %dma_wait3A_958] : memref<6x128x128xf32, #tpu.memory_space<vmem>> -> memref<1x128x128xf32, #tpu.memory_space<vmem>>
      %dma_wait3A_960 = tpu.memref_squeeze %dma_wait3A_959 : memref<1x128x128xf32, #tpu.memory_space<vmem>> -> memref<128x128xf32, #tpu.memory_space<vmem>>
      %dma_wait3A_961 = arith.constant 2432 : i32
      %dma_wait3A_962 = tpu.memref_slice %arg5[%dma_wait3A_961] : memref<3128xi32, #tpu.memory_space<vmem>> -> memref<128xi32, #tpu.memory_space<vmem>>
      %dma_wait3A_963 = arith.constant 0 : i32
      %dma_wait3A_964 = arith.constant 0 : i32
      %dma_wait3A_965 = tpu.memref_slice %arg3[%dma_wait3A_963, %dma_wait3A_964] : memref<50000x128xf32, #tpu.memory_space<hbm>> -> memref<50000x128xf32, #tpu.memory_space<hbm>>
      tpu.wait_indirect_dma semaphore(%arg8 : memref<!tpu.dma_semaphore, #tpu.memory_space<semaphore_mem>>) src(%dma_wait3A_965 : memref<50000x128xf32, #tpu.memory_space<hbm>>) dst(%dma_wait3A_960 : memref<128x128xf32, #tpu.memory_space<vmem>>)
      %add3A_966 = arith.constant 2432 : i32
      %add3A_967 = arith.addi %mul3A_8, %add3A_966 : i32
      %dma_start3A_968 = arith.constant 1 : i32
      %dma_start3A_969 = arith.constant 0 : i32
      %dma_start3A_970 = arith.constant 0 : i32
      %dma_start3A_971 = tpu.memref_slice %arg6[%dma_start3A_968, %dma_start3A_969, %dma_start3A_970] : memref<6x128x128xf32, #tpu.memory_space<vmem>> -> memref<1x128x128xf32, #tpu.memory_space<vmem>>
      %dma_start3A_972 = tpu.memref_squeeze %dma_start3A_971 : memref<1x128x128xf32, #tpu.memory_space<vmem>> -> memref<128x128xf32, #tpu.memory_space<vmem>>
      %dma_start3A_973 = arith.constant 0 : i32
      %dma_start3A_974 = tpu.memref_slice %arg4[%add3A_967, %dma_start3A_973] : memref<100000x128xf32, #tpu.memory_space<hbm>> -> memref<128x128xf32, #tpu.memory_space<hbm>>
      %dma_start3A_975 = arith.constant 0 : i32
      %dma_start3A_976 = tpu.memref_slice %arg4[%add3A_967, %dma_start3A_975] : memref<100000x128xf32, #tpu.memory_space<hbm>> -> memref<128x128xf32, #tpu.memory_space<hbm>>
      %dma_start3A_977 = arith.constant 0 : i32
      %dma_start3A_978 = arith.constant 0 : i32
      %dma_start3A_979 = tpu.memref_slice %arg6[%dma_start3A_968, %dma_start3A_977, %dma_start3A_978] : memref<6x128x128xf32, #tpu.memory_space<vmem>> -> memref<1x128x128xf32, #tpu.memory_space<vmem>>
      %dma_start3A_980 = tpu.memref_squeeze %dma_start3A_979 : memref<1x128x128xf32, #tpu.memory_space<vmem>> -> memref<128x128xf32, #tpu.memory_space<vmem>>
      tpu.enqueue_dma source(%dma_start3A_980 : memref<128x128xf32, #tpu.memory_space<vmem>>) target(%dma_start3A_976 : memref<128x128xf32, #tpu.memory_space<hbm>>) target_semaphore(%arg14 : memref<!tpu.dma_semaphore, #tpu.memory_space<semaphore_mem>>)
      %dma_wait3A_981 = arith.constant 0 : i32
      %dma_wait3A_982 = arith.constant 0 : i32
      %dma_wait3A_983 = arith.constant 0 : i32
      %dma_wait3A_984 = tpu.memref_slice %arg6[%dma_wait3A_981, %dma_wait3A_982, %dma_wait3A_983] : memref<6x128x128xf32, #tpu.memory_space<vmem>> -> memref<1x128x128xf32, #tpu.memory_space<vmem>>
      %dma_wait3A_985 = tpu.memref_squeeze %dma_wait3A_984 : memref<1x128x128xf32, #tpu.memory_space<vmem>> -> memref<128x128xf32, #tpu.memory_space<vmem>>
      %dma_wait3A_986 = arith.constant 0 : i32
      %dma_wait3A_987 = tpu.memref_slice %arg4[%add3A_919, %dma_wait3A_986] : memref<100000x128xf32, #tpu.memory_space<hbm>> -> memref<128x128xf32, #tpu.memory_space<hbm>>
      %dma_wait3A_988 = arith.constant 0 : i32
      %dma_wait3A_989 = tpu.memref_slice %arg4[%add3A_919, %dma_wait3A_988] : memref<100000x128xf32, #tpu.memory_space<hbm>> -> memref<128x128xf32, #tpu.memory_space<hbm>>
      %dma_wait3A_990 = arith.constant 0 : i32
      %dma_wait3A_991 = arith.constant 0 : i32
      %dma_wait3A_992 = tpu.memref_slice %arg6[%dma_wait3A_981, %dma_wait3A_990, %dma_wait3A_991] : memref<6x128x128xf32, #tpu.memory_space<vmem>> -> memref<1x128x128xf32, #tpu.memory_space<vmem>>
      %dma_wait3A_993 = tpu.memref_squeeze %dma_wait3A_992 : memref<1x128x128xf32, #tpu.memory_space<vmem>> -> memref<128x128xf32, #tpu.memory_space<vmem>>
      tpu.wait_dma2 semaphore(%arg13 : memref<!tpu.dma_semaphore, #tpu.memory_space<semaphore_mem>>) src(%dma_wait3A_993 : memref<128x128xf32, #tpu.memory_space<vmem>>) dst(%dma_wait3A_989 : memref<128x128xf32, #tpu.memory_space<hbm>>)
      %dma_start3A_994 = arith.constant 0 : i32
      %dma_start3A_995 = arith.constant 0 : i32
      %dma_start3A_996 = arith.constant 0 : i32
      %dma_start3A_997 = tpu.memref_slice %arg6[%dma_start3A_994, %dma_start3A_995, %dma_start3A_996] : memref<6x128x128xf32, #tpu.memory_space<vmem>> -> memref<1x56x128xf32, #tpu.memory_space<vmem>>
      %dma_start3A_998 = tpu.memref_squeeze %dma_start3A_997 : memref<1x56x128xf32, #tpu.memory_space<vmem>> -> memref<56x128xf32, #tpu.memory_space<vmem>>
      %dma_start3A_999 = arith.constant 3072 : i32
      %dma_start3A_1000 = tpu.memref_slice %arg5[%dma_start3A_999] : memref<3128xi32, #tpu.memory_space<vmem>> -> memref<56xi32, #tpu.memory_space<vmem>>
      %dma_start3A_1001 = arith.constant 0 : i32
      %dma_start3A_1002 = arith.constant 0 : i32
      %dma_start3A_1003 = tpu.memref_slice %arg3[%dma_start3A_1001, %dma_start3A_1002] : memref<50000x128xf32, #tpu.memory_space<hbm>> -> memref<50000x128xf32, #tpu.memory_space<hbm>>
      tpu.enqueue_indirect_dma source(%dma_start3A_1003 : memref<50000x128xf32, #tpu.memory_space<hbm>>) target(%dma_start3A_998 : memref<56x128xf32, #tpu.memory_space<vmem>>) offsets(%dma_start3A_1000 : memref<56xi32, #tpu.memory_space<vmem>>) semaphore(%arg7 : memref<!tpu.dma_semaphore, #tpu.memory_space<semaphore_mem>>)
      %dma_wait3A_1004 = arith.constant 2 : i32
      %dma_wait3A_1005 = arith.constant 0 : i32
      %dma_wait3A_1006 = arith.constant 0 : i32
      %dma_wait3A_1007 = tpu.memref_slice %arg6[%dma_wait3A_1004, %dma_wait3A_1005, %dma_wait3A_1006] : memref<6x128x128xf32, #tpu.memory_space<vmem>> -> memref<1x128x128xf32, #tpu.memory_space<vmem>>
      %dma_wait3A_1008 = tpu.memref_squeeze %dma_wait3A_1007 : memref<1x128x128xf32, #tpu.memory_space<vmem>> -> memref<128x128xf32, #tpu.memory_space<vmem>>
      %dma_wait3A_1009 = arith.constant 2560 : i32
      %dma_wait3A_1010 = tpu.memref_slice %arg5[%dma_wait3A_1009] : memref<3128xi32, #tpu.memory_space<vmem>> -> memref<128xi32, #tpu.memory_space<vmem>>
      %dma_wait3A_1011 = arith.constant 0 : i32
      %dma_wait3A_1012 = arith.constant 0 : i32
      %dma_wait3A_1013 = tpu.memref_slice %arg3[%dma_wait3A_1011, %dma_wait3A_1012] : memref<50000x128xf32, #tpu.memory_space<hbm>> -> memref<50000x128xf32, #tpu.memory_space<hbm>>
      tpu.wait_indirect_dma semaphore(%arg9 : memref<!tpu.dma_semaphore, #tpu.memory_space<semaphore_mem>>) src(%dma_wait3A_1013 : memref<50000x128xf32, #tpu.memory_space<hbm>>) dst(%dma_wait3A_1008 : memref<128x128xf32, #tpu.memory_space<vmem>>)
      %add3A_1014 = arith.constant 2560 : i32
      %add3A_1015 = arith.addi %mul3A_8, %add3A_1014 : i32
      %dma_start3A_1016 = arith.constant 2 : i32
      %dma_start3A_1017 = arith.constant 0 : i32
      %dma_start3A_1018 = arith.constant 0 : i32
      %dma_start3A_1019 = tpu.memref_slice %arg6[%dma_start3A_1016, %dma_start3A_1017, %dma_start3A_1018] : memref<6x128x128xf32, #tpu.memory_space<vmem>> -> memref<1x128x128xf32, #tpu.memory_space<vmem>>
      %dma_start3A_1020 = tpu.memref_squeeze %dma_start3A_1019 : memref<1x128x128xf32, #tpu.memory_space<vmem>> -> memref<128x128xf32, #tpu.memory_space<vmem>>
      %dma_start3A_1021 = arith.constant 0 : i32
      %dma_start3A_1022 = tpu.memref_slice %arg4[%add3A_1015, %dma_start3A_1021] : memref<100000x128xf32, #tpu.memory_space<hbm>> -> memref<128x128xf32, #tpu.memory_space<hbm>>
      %dma_start3A_1023 = arith.constant 0 : i32
      %dma_start3A_1024 = tpu.memref_slice %arg4[%add3A_1015, %dma_start3A_1023] : memref<100000x128xf32, #tpu.memory_space<hbm>> -> memref<128x128xf32, #tpu.memory_space<hbm>>
      %dma_start3A_1025 = arith.constant 0 : i32
      %dma_start3A_1026 = arith.constant 0 : i32
      %dma_start3A_1027 = tpu.memref_slice %arg6[%dma_start3A_1016, %dma_start3A_1025, %dma_start3A_1026] : memref<6x128x128xf32, #tpu.memory_space<vmem>> -> memref<1x128x128xf32, #tpu.memory_space<vmem>>
      %dma_start3A_1028 = tpu.memref_squeeze %dma_start3A_1027 : memref<1x128x128xf32, #tpu.memory_space<vmem>> -> memref<128x128xf32, #tpu.memory_space<vmem>>
      tpu.enqueue_dma source(%dma_start3A_1028 : memref<128x128xf32, #tpu.memory_space<vmem>>) target(%dma_start3A_1024 : memref<128x128xf32, #tpu.memory_space<hbm>>) target_semaphore(%arg15 : memref<!tpu.dma_semaphore, #tpu.memory_space<semaphore_mem>>)
      %dma_wait3A_1029 = arith.constant 3 : i32
      %dma_wait3A_1030 = arith.constant 0 : i32
      %dma_wait3A_1031 = arith.constant 0 : i32
      %dma_wait3A_1032 = tpu.memref_slice %arg6[%dma_wait3A_1029, %dma_wait3A_1030, %dma_wait3A_1031] : memref<6x128x128xf32, #tpu.memory_space<vmem>> -> memref<1x128x128xf32, #tpu.memory_space<vmem>>
      %dma_wait3A_1033 = tpu.memref_squeeze %dma_wait3A_1032 : memref<1x128x128xf32, #tpu.memory_space<vmem>> -> memref<128x128xf32, #tpu.memory_space<vmem>>
      %dma_wait3A_1034 = arith.constant 2688 : i32
      %dma_wait3A_1035 = tpu.memref_slice %arg5[%dma_wait3A_1034] : memref<3128xi32, #tpu.memory_space<vmem>> -> memref<128xi32, #tpu.memory_space<vmem>>
      %dma_wait3A_1036 = arith.constant 0 : i32
      %dma_wait3A_1037 = arith.constant 0 : i32
      %dma_wait3A_1038 = tpu.memref_slice %arg3[%dma_wait3A_1036, %dma_wait3A_1037] : memref<50000x128xf32, #tpu.memory_space<hbm>> -> memref<50000x128xf32, #tpu.memory_space<hbm>>
      tpu.wait_indirect_dma semaphore(%arg10 : memref<!tpu.dma_semaphore, #tpu.memory_space<semaphore_mem>>) src(%dma_wait3A_1038 : memref<50000x128xf32, #tpu.memory_space<hbm>>) dst(%dma_wait3A_1033 : memref<128x128xf32, #tpu.memory_space<vmem>>)
      %add3A_1039 = arith.constant 2688 : i32
      %add3A_1040 = arith.addi %mul3A_8, %add3A_1039 : i32
      %dma_start3A_1041 = arith.constant 3 : i32
      %dma_start3A_1042 = arith.constant 0 : i32
      %dma_start3A_1043 = arith.constant 0 : i32
      %dma_start3A_1044 = tpu.memref_slice %arg6[%dma_start3A_1041, %dma_start3A_1042, %dma_start3A_1043] : memref<6x128x128xf32, #tpu.memory_space<vmem>> -> memref<1x128x128xf32, #tpu.memory_space<vmem>>
      %dma_start3A_1045 = tpu.memref_squeeze %dma_start3A_1044 : memref<1x128x128xf32, #tpu.memory_space<vmem>> -> memref<128x128xf32, #tpu.memory_space<vmem>>
      %dma_start3A_1046 = arith.constant 0 : i32
      %dma_start3A_1047 = tpu.memref_slice %arg4[%add3A_1040, %dma_start3A_1046] : memref<100000x128xf32, #tpu.memory_space<hbm>> -> memref<128x128xf32, #tpu.memory_space<hbm>>
      %dma_start3A_1048 = arith.constant 0 : i32
      %dma_start3A_1049 = tpu.memref_slice %arg4[%add3A_1040, %dma_start3A_1048] : memref<100000x128xf32, #tpu.memory_space<hbm>> -> memref<128x128xf32, #tpu.memory_space<hbm>>
      %dma_start3A_1050 = arith.constant 0 : i32
      %dma_start3A_1051 = arith.constant 0 : i32
      %dma_start3A_1052 = tpu.memref_slice %arg6[%dma_start3A_1041, %dma_start3A_1050, %dma_start3A_1051] : memref<6x128x128xf32, #tpu.memory_space<vmem>> -> memref<1x128x128xf32, #tpu.memory_space<vmem>>
      %dma_start3A_1053 = tpu.memref_squeeze %dma_start3A_1052 : memref<1x128x128xf32, #tpu.memory_space<vmem>> -> memref<128x128xf32, #tpu.memory_space<vmem>>
      tpu.enqueue_dma source(%dma_start3A_1053 : memref<128x128xf32, #tpu.memory_space<vmem>>) target(%dma_start3A_1049 : memref<128x128xf32, #tpu.memory_space<hbm>>) target_semaphore(%arg16 : memref<!tpu.dma_semaphore, #tpu.memory_space<semaphore_mem>>)
      %dma_wait3A_1054 = arith.constant 4 : i32
      %dma_wait3A_1055 = arith.constant 0 : i32
      %dma_wait3A_1056 = arith.constant 0 : i32
      %dma_wait3A_1057 = tpu.memref_slice %arg6[%dma_wait3A_1054, %dma_wait3A_1055, %dma_wait3A_1056] : memref<6x128x128xf32, #tpu.memory_space<vmem>> -> memref<1x128x128xf32, #tpu.memory_space<vmem>>
      %dma_wait3A_1058 = tpu.memref_squeeze %dma_wait3A_1057 : memref<1x128x128xf32, #tpu.memory_space<vmem>> -> memref<128x128xf32, #tpu.memory_space<vmem>>
      %dma_wait3A_1059 = arith.constant 2816 : i32
      %dma_wait3A_1060 = tpu.memref_slice %arg5[%dma_wait3A_1059] : memref<3128xi32, #tpu.memory_space<vmem>> -> memref<128xi32, #tpu.memory_space<vmem>>
      %dma_wait3A_1061 = arith.constant 0 : i32
      %dma_wait3A_1062 = arith.constant 0 : i32
      %dma_wait3A_1063 = tpu.memref_slice %arg3[%dma_wait3A_1061, %dma_wait3A_1062] : memref<50000x128xf32, #tpu.memory_space<hbm>> -> memref<50000x128xf32, #tpu.memory_space<hbm>>
      tpu.wait_indirect_dma semaphore(%arg11 : memref<!tpu.dma_semaphore, #tpu.memory_space<semaphore_mem>>) src(%dma_wait3A_1063 : memref<50000x128xf32, #tpu.memory_space<hbm>>) dst(%dma_wait3A_1058 : memref<128x128xf32, #tpu.memory_space<vmem>>)
      %add3A_1064 = arith.constant 2816 : i32
      %add3A_1065 = arith.addi %mul3A_8, %add3A_1064 : i32
      %dma_start3A_1066 = arith.constant 4 : i32
      %dma_start3A_1067 = arith.constant 0 : i32
      %dma_start3A_1068 = arith.constant 0 : i32
      %dma_start3A_1069 = tpu.memref_slice %arg6[%dma_start3A_1066, %dma_start3A_1067, %dma_start3A_1068] : memref<6x128x128xf32, #tpu.memory_space<vmem>> -> memref<1x128x128xf32, #tpu.memory_space<vmem>>
      %dma_start3A_1070 = tpu.memref_squeeze %dma_start3A_1069 : memref<1x128x128xf32, #tpu.memory_space<vmem>> -> memref<128x128xf32, #tpu.memory_space<vmem>>
      %dma_start3A_1071 = arith.constant 0 : i32
      %dma_start3A_1072 = tpu.memref_slice %arg4[%add3A_1065, %dma_start3A_1071] : memref<100000x128xf32, #tpu.memory_space<hbm>> -> memref<128x128xf32, #tpu.memory_space<hbm>>
      %dma_start3A_1073 = arith.constant 0 : i32
      %dma_start3A_1074 = tpu.memref_slice %arg4[%add3A_1065, %dma_start3A_1073] : memref<100000x128xf32, #tpu.memory_space<hbm>> -> memref<128x128xf32, #tpu.memory_space<hbm>>
      %dma_start3A_1075 = arith.constant 0 : i32
      %dma_start3A_1076 = arith.constant 0 : i32
      %dma_start3A_1077 = tpu.memref_slice %arg6[%dma_start3A_1066, %dma_start3A_1075, %dma_start3A_1076] : memref<6x128x128xf32, #tpu.memory_space<vmem>> -> memref<1x128x128xf32, #tpu.memory_space<vmem>>
      %dma_start3A_1078 = tpu.memref_squeeze %dma_start3A_1077 : memref<1x128x128xf32, #tpu.memory_space<vmem>> -> memref<128x128xf32, #tpu.memory_space<vmem>>
      tpu.enqueue_dma source(%dma_start3A_1078 : memref<128x128xf32, #tpu.memory_space<vmem>>) target(%dma_start3A_1074 : memref<128x128xf32, #tpu.memory_space<hbm>>) target_semaphore(%arg17 : memref<!tpu.dma_semaphore, #tpu.memory_space<semaphore_mem>>)
      %dma_wait3A_1079 = arith.constant 5 : i32
      %dma_wait3A_1080 = arith.constant 0 : i32
      %dma_wait3A_1081 = arith.constant 0 : i32
      %dma_wait3A_1082 = tpu.memref_slice %arg6[%dma_wait3A_1079, %dma_wait3A_1080, %dma_wait3A_1081] : memref<6x128x128xf32, #tpu.memory_space<vmem>> -> memref<1x128x128xf32, #tpu.memory_space<vmem>>
      %dma_wait3A_1083 = tpu.memref_squeeze %dma_wait3A_1082 : memref<1x128x128xf32, #tpu.memory_space<vmem>> -> memref<128x128xf32, #tpu.memory_space<vmem>>
      %dma_wait3A_1084 = arith.constant 2944 : i32
      %dma_wait3A_1085 = tpu.memref_slice %arg5[%dma_wait3A_1084] : memref<3128xi32, #tpu.memory_space<vmem>> -> memref<128xi32, #tpu.memory_space<vmem>>
      %dma_wait3A_1086 = arith.constant 0 : i32
      %dma_wait3A_1087 = arith.constant 0 : i32
      %dma_wait3A_1088 = tpu.memref_slice %arg3[%dma_wait3A_1086, %dma_wait3A_1087] : memref<50000x128xf32, #tpu.memory_space<hbm>> -> memref<50000x128xf32, #tpu.memory_space<hbm>>
      tpu.wait_indirect_dma semaphore(%arg12 : memref<!tpu.dma_semaphore, #tpu.memory_space<semaphore_mem>>) src(%dma_wait3A_1088 : memref<50000x128xf32, #tpu.memory_space<hbm>>) dst(%dma_wait3A_1083 : memref<128x128xf32, #tpu.memory_space<vmem>>)
      %add3A_1089 = arith.constant 2944 : i32
      %add3A_1090 = arith.addi %mul3A_8, %add3A_1089 : i32
      %dma_start3A_1091 = arith.constant 5 : i32
      %dma_start3A_1092 = arith.constant 0 : i32
      %dma_start3A_1093 = arith.constant 0 : i32
      %dma_start3A_1094 = tpu.memref_slice %arg6[%dma_start3A_1091, %dma_start3A_1092, %dma_start3A_1093] : memref<6x128x128xf32, #tpu.memory_space<vmem>> -> memref<1x128x128xf32, #tpu.memory_space<vmem>>
      %dma_start3A_1095 = tpu.memref_squeeze %dma_start3A_1094 : memref<1x128x128xf32, #tpu.memory_space<vmem>> -> memref<128x128xf32, #tpu.memory_space<vmem>>
      %dma_start3A_1096 = arith.constant 0 : i32
      %dma_start3A_1097 = tpu.memref_slice %arg4[%add3A_1090, %dma_start3A_1096] : memref<100000x128xf32, #tpu.memory_space<hbm>> -> memref<128x128xf32, #tpu.memory_space<hbm>>
      %dma_start3A_1098 = arith.constant 0 : i32
      %dma_start3A_1099 = tpu.memref_slice %arg4[%add3A_1090, %dma_start3A_1098] : memref<100000x128xf32, #tpu.memory_space<hbm>> -> memref<128x128xf32, #tpu.memory_space<hbm>>
      %dma_start3A_1100 = arith.constant 0 : i32
      %dma_start3A_1101 = arith.constant 0 : i32
      %dma_start3A_1102 = tpu.memref_slice %arg6[%dma_start3A_1091, %dma_start3A_1100, %dma_start3A_1101] : memref<6x128x128xf32, #tpu.memory_space<vmem>> -> memref<1x128x128xf32, #tpu.memory_space<vmem>>
      %dma_start3A_1103 = tpu.memref_squeeze %dma_start3A_1102 : memref<1x128x128xf32, #tpu.memory_space<vmem>> -> memref<128x128xf32, #tpu.memory_space<vmem>>
      tpu.enqueue_dma source(%dma_start3A_1103 : memref<128x128xf32, #tpu.memory_space<vmem>>) target(%dma_start3A_1099 : memref<128x128xf32, #tpu.memory_space<hbm>>) target_semaphore(%arg18 : memref<!tpu.dma_semaphore, #tpu.memory_space<semaphore_mem>>)
      %dma_wait3A_1104 = arith.constant 0 : i32
      %dma_wait3A_1105 = arith.constant 0 : i32
      %dma_wait3A_1106 = arith.constant 0 : i32
      %dma_wait3A_1107 = tpu.memref_slice %arg6[%dma_wait3A_1104, %dma_wait3A_1105, %dma_wait3A_1106] : memref<6x128x128xf32, #tpu.memory_space<vmem>> -> memref<1x56x128xf32, #tpu.memory_space<vmem>>
      %dma_wait3A_1108 = tpu.memref_squeeze %dma_wait3A_1107 : memref<1x56x128xf32, #tpu.memory_space<vmem>> -> memref<56x128xf32, #tpu.memory_space<vmem>>
      %dma_wait3A_1109 = arith.constant 3072 : i32
      %dma_wait3A_1110 = tpu.memref_slice %arg5[%dma_wait3A_1109] : memref<3128xi32, #tpu.memory_space<vmem>> -> memref<56xi32, #tpu.memory_space<vmem>>
      %dma_wait3A_1111 = arith.constant 0 : i32
      %dma_wait3A_1112 = arith.constant 0 : i32
      %dma_wait3A_1113 = tpu.memref_slice %arg3[%dma_wait3A_1111, %dma_wait3A_1112] : memref<50000x128xf32, #tpu.memory_space<hbm>> -> memref<50000x128xf32, #tpu.memory_space<hbm>>
      tpu.wait_indirect_dma semaphore(%arg7 : memref<!tpu.dma_semaphore, #tpu.memory_space<semaphore_mem>>) src(%dma_wait3A_1113 : memref<50000x128xf32, #tpu.memory_space<hbm>>) dst(%dma_wait3A_1108 : memref<56x128xf32, #tpu.memory_space<vmem>>)
      %add3A_1114 = arith.constant 3072 : i32
      %add3A_1115 = arith.addi %mul3A_8, %add3A_1114 : i32
      %dma_start3A_1116 = arith.constant 0 : i32
      %dma_start3A_1117 = arith.constant 0 : i32
      %dma_start3A_1118 = arith.constant 0 : i32
      %dma_start3A_1119 = tpu.memref_slice %arg6[%dma_start3A_1116, %dma_start3A_1117, %dma_start3A_1118] : memref<6x128x128xf32, #tpu.memory_space<vmem>> -> memref<1x56x128xf32, #tpu.memory_space<vmem>>
      %dma_start3A_1120 = tpu.memref_squeeze %dma_start3A_1119 : memref<1x56x128xf32, #tpu.memory_space<vmem>> -> memref<56x128xf32, #tpu.memory_space<vmem>>
      %dma_start3A_1121 = arith.constant 0 : i32
      %dma_start3A_1122 = tpu.memref_slice %arg4[%add3A_1115, %dma_start3A_1121] : memref<100000x128xf32, #tpu.memory_space<hbm>> -> memref<56x128xf32, #tpu.memory_space<hbm>>
      %dma_start3A_1123 = arith.constant 0 : i32
      %dma_start3A_1124 = tpu.memref_slice %arg4[%add3A_1115, %dma_start3A_1123] : memref<100000x128xf32, #tpu.memory_space<hbm>> -> memref<56x128xf32, #tpu.memory_space<hbm>>
      %dma_start3A_1125 = arith.constant 0 : i32
      %dma_start3A_1126 = arith.constant 0 : i32
      %dma_start3A_1127 = tpu.memref_slice %arg6[%dma_start3A_1116, %dma_start3A_1125, %dma_start3A_1126] : memref<6x128x128xf32, #tpu.memory_space<vmem>> -> memref<1x56x128xf32, #tpu.memory_space<vmem>>
      %dma_start3A_1128 = tpu.memref_squeeze %dma_start3A_1127 : memref<1x56x128xf32, #tpu.memory_space<vmem>> -> memref<56x128xf32, #tpu.memory_space<vmem>>
      tpu.enqueue_dma source(%dma_start3A_1128 : memref<56x128xf32, #tpu.memory_space<vmem>>) target(%dma_start3A_1124 : memref<56x128xf32, #tpu.memory_space<hbm>>) target_semaphore(%arg13 : memref<!tpu.dma_semaphore, #tpu.memory_space<semaphore_mem>>)
      %dma_wait3A_1129 = arith.constant 0 : i32
      %dma_wait3A_1130 = arith.constant 0 : i32
      %dma_wait3A_1131 = arith.constant 0 : i32
      %dma_wait3A_1132 = tpu.memref_slice %arg6[%dma_wait3A_1129, %dma_wait3A_1130, %dma_wait3A_1131] : memref<6x128x128xf32, #tpu.memory_space<vmem>> -> memref<1x56x128xf32, #tpu.memory_space<vmem>>
      %dma_wait3A_1133 = tpu.memref_squeeze %dma_wait3A_1132 : memref<1x56x128xf32, #tpu.memory_space<vmem>> -> memref<56x128xf32, #tpu.memory_space<vmem>>
      %dma_wait3A_1134 = arith.constant 0 : i32
      %dma_wait3A_1135 = tpu.memref_slice %arg4[%add3A_1115, %dma_wait3A_1134] : memref<100000x128xf32, #tpu.memory_space<hbm>> -> memref<56x128xf32, #tpu.memory_space<hbm>>
      %dma_wait3A_1136 = arith.constant 0 : i32
      %dma_wait3A_1137 = tpu.memref_slice %arg4[%add3A_1115, %dma_wait3A_1136] : memref<100000x128xf32, #tpu.memory_space<hbm>> -> memref<56x128xf32, #tpu.memory_space<hbm>>
      %dma_wait3A_1138 = arith.constant 0 : i32
      %dma_wait3A_1139 = arith.constant 0 : i32
      %dma_wait3A_1140 = tpu.memref_slice %arg6[%dma_wait3A_1129, %dma_wait3A_1138, %dma_wait3A_1139] : memref<6x128x128xf32, #tpu.memory_space<vmem>> -> memref<1x56x128xf32, #tpu.memory_space<vmem>>
      %dma_wait3A_1141 = tpu.memref_squeeze %dma_wait3A_1140 : memref<1x56x128xf32, #tpu.memory_space<vmem>> -> memref<56x128xf32, #tpu.memory_space<vmem>>
      tpu.wait_dma2 semaphore(%arg13 : memref<!tpu.dma_semaphore, #tpu.memory_space<semaphore_mem>>) src(%dma_wait3A_1141 : memref<56x128xf32, #tpu.memory_space<vmem>>) dst(%dma_wait3A_1137 : memref<56x128xf32, #tpu.memory_space<hbm>>)
      %dma_wait3A_1142 = arith.constant 1 : i32
      %dma_wait3A_1143 = arith.constant 0 : i32
      %dma_wait3A_1144 = arith.constant 0 : i32
      %dma_wait3A_1145 = tpu.memref_slice %arg6[%dma_wait3A_1142, %dma_wait3A_1143, %dma_wait3A_1144] : memref<6x128x128xf32, #tpu.memory_space<vmem>> -> memref<1x128x128xf32, #tpu.memory_space<vmem>>
      %dma_wait3A_1146 = tpu.memref_squeeze %dma_wait3A_1145 : memref<1x128x128xf32, #tpu.memory_space<vmem>> -> memref<128x128xf32, #tpu.memory_space<vmem>>
      %dma_wait3A_1147 = arith.constant 0 : i32
      %dma_wait3A_1148 = tpu.memref_slice %arg4[%add3A_967, %dma_wait3A_1147] : memref<100000x128xf32, #tpu.memory_space<hbm>> -> memref<128x128xf32, #tpu.memory_space<hbm>>
      %dma_wait3A_1149 = arith.constant 0 : i32
      %dma_wait3A_1150 = tpu.memref_slice %arg4[%add3A_967, %dma_wait3A_1149] : memref<100000x128xf32, #tpu.memory_space<hbm>> -> memref<128x128xf32, #tpu.memory_space<hbm>>
      %dma_wait3A_1151 = arith.constant 0 : i32
      %dma_wait3A_1152 = arith.constant 0 : i32
      %dma_wait3A_1153 = tpu.memref_slice %arg6[%dma_wait3A_1142, %dma_wait3A_1151, %dma_wait3A_1152] : memref<6x128x128xf32, #tpu.memory_space<vmem>> -> memref<1x128x128xf32, #tpu.memory_space<vmem>>
      %dma_wait3A_1154 = tpu.memref_squeeze %dma_wait3A_1153 : memref<1x128x128xf32, #tpu.memory_space<vmem>> -> memref<128x128xf32, #tpu.memory_space<vmem>>
      tpu.wait_dma2 semaphore(%arg14 : memref<!tpu.dma_semaphore, #tpu.memory_space<semaphore_mem>>) src(%dma_wait3A_1154 : memref<128x128xf32, #tpu.memory_space<vmem>>) dst(%dma_wait3A_1150 : memref<128x128xf32, #tpu.memory_space<hbm>>)
      %dma_wait3A_1155 = arith.constant 2 : i32
      %dma_wait3A_1156 = arith.constant 0 : i32
      %dma_wait3A_1157 = arith.constant 0 : i32
      %dma_wait3A_1158 = tpu.memref_slice %arg6[%dma_wait3A_1155, %dma_wait3A_1156, %dma_wait3A_1157] : memref<6x128x128xf32, #tpu.memory_space<vmem>> -> memref<1x128x128xf32, #tpu.memory_space<vmem>>
      %dma_wait3A_1159 = tpu.memref_squeeze %dma_wait3A_1158 : memref<1x128x128xf32, #tpu.memory_space<vmem>> -> memref<128x128xf32, #tpu.memory_space<vmem>>
      %dma_wait3A_1160 = arith.constant 0 : i32
      %dma_wait3A_1161 = tpu.memref_slice %arg4[%add3A_1015, %dma_wait3A_1160] : memref<100000x128xf32, #tpu.memory_space<hbm>> -> memref<128x128xf32, #tpu.memory_space<hbm>>
      %dma_wait3A_1162 = arith.constant 0 : i32
      %dma_wait3A_1163 = tpu.memref_slice %arg4[%add3A_1015, %dma_wait3A_1162] : memref<100000x128xf32, #tpu.memory_space<hbm>> -> memref<128x128xf32, #tpu.memory_space<hbm>>
      %dma_wait3A_1164 = arith.constant 0 : i32
      %dma_wait3A_1165 = arith.constant 0 : i32
      %dma_wait3A_1166 = tpu.memref_slice %arg6[%dma_wait3A_1155, %dma_wait3A_1164, %dma_wait3A_1165] : memref<6x128x128xf32, #tpu.memory_space<vmem>> -> memref<1x128x128xf32, #tpu.memory_space<vmem>>
      %dma_wait3A_1167 = tpu.memref_squeeze %dma_wait3A_1166 : memref<1x128x128xf32, #tpu.memory_space<vmem>> -> memref<128x128xf32, #tpu.memory_space<vmem>>
      tpu.wait_dma2 semaphore(%arg15 : memref<!tpu.dma_semaphore, #tpu.memory_space<semaphore_mem>>) src(%dma_wait3A_1167 : memref<128x128xf32, #tpu.memory_space<vmem>>) dst(%dma_wait3A_1163 : memref<128x128xf32, #tpu.memory_space<hbm>>)
      %dma_wait3A_1168 = arith.constant 3 : i32
      %dma_wait3A_1169 = arith.constant 0 : i32
      %dma_wait3A_1170 = arith.constant 0 : i32
      %dma_wait3A_1171 = tpu.memref_slice %arg6[%dma_wait3A_1168, %dma_wait3A_1169, %dma_wait3A_1170] : memref<6x128x128xf32, #tpu.memory_space<vmem>> -> memref<1x128x128xf32, #tpu.memory_space<vmem>>
      %dma_wait3A_1172 = tpu.memref_squeeze %dma_wait3A_1171 : memref<1x128x128xf32, #tpu.memory_space<vmem>> -> memref<128x128xf32, #tpu.memory_space<vmem>>
      %dma_wait3A_1173 = arith.constant 0 : i32
      %dma_wait3A_1174 = tpu.memref_slice %arg4[%add3A_1040, %dma_wait3A_1173] : memref<100000x128xf32, #tpu.memory_space<hbm>> -> memref<128x128xf32, #tpu.memory_space<hbm>>
      %dma_wait3A_1175 = arith.constant 0 : i32
      %dma_wait3A_1176 = tpu.memref_slice %arg4[%add3A_1040, %dma_wait3A_1175] : memref<100000x128xf32, #tpu.memory_space<hbm>> -> memref<128x128xf32, #tpu.memory_space<hbm>>
      %dma_wait3A_1177 = arith.constant 0 : i32
      %dma_wait3A_1178 = arith.constant 0 : i32
      %dma_wait3A_1179 = tpu.memref_slice %arg6[%dma_wait3A_1168, %dma_wait3A_1177, %dma_wait3A_1178] : memref<6x128x128xf32, #tpu.memory_space<vmem>> -> memref<1x128x128xf32, #tpu.memory_space<vmem>>
      %dma_wait3A_1180 = tpu.memref_squeeze %dma_wait3A_1179 : memref<1x128x128xf32, #tpu.memory_space<vmem>> -> memref<128x128xf32, #tpu.memory_space<vmem>>
      tpu.wait_dma2 semaphore(%arg16 : memref<!tpu.dma_semaphore, #tpu.memory_space<semaphore_mem>>) src(%dma_wait3A_1180 : memref<128x128xf32, #tpu.memory_space<vmem>>) dst(%dma_wait3A_1176 : memref<128x128xf32, #tpu.memory_space<hbm>>)
      %dma_wait3A_1181 = arith.constant 4 : i32
      %dma_wait3A_1182 = arith.constant 0 : i32
      %dma_wait3A_1183 = arith.constant 0 : i32
      %dma_wait3A_1184 = tpu.memref_slice %arg6[%dma_wait3A_1181, %dma_wait3A_1182, %dma_wait3A_1183] : memref<6x128x128xf32, #tpu.memory_space<vmem>> -> memref<1x128x128xf32, #tpu.memory_space<vmem>>
      %dma_wait3A_1185 = tpu.memref_squeeze %dma_wait3A_1184 : memref<1x128x128xf32, #tpu.memory_space<vmem>> -> memref<128x128xf32, #tpu.memory_space<vmem>>
      %dma_wait3A_1186 = arith.constant 0 : i32
      %dma_wait3A_1187 = tpu.memref_slice %arg4[%add3A_1065, %dma_wait3A_1186] : memref<100000x128xf32, #tpu.memory_space<hbm>> -> memref<128x128xf32, #tpu.memory_space<hbm>>
      %dma_wait3A_1188 = arith.constant 0 : i32
      %dma_wait3A_1189 = tpu.memref_slice %arg4[%add3A_1065, %dma_wait3A_1188] : memref<100000x128xf32, #tpu.memory_space<hbm>> -> memref<128x128xf32, #tpu.memory_space<hbm>>
      %dma_wait3A_1190 = arith.constant 0 : i32
      %dma_wait3A_1191 = arith.constant 0 : i32
      %dma_wait3A_1192 = tpu.memref_slice %arg6[%dma_wait3A_1181, %dma_wait3A_1190, %dma_wait3A_1191] : memref<6x128x128xf32, #tpu.memory_space<vmem>> -> memref<1x128x128xf32, #tpu.memory_space<vmem>>
      %dma_wait3A_1193 = tpu.memref_squeeze %dma_wait3A_1192 : memref<1x128x128xf32, #tpu.memory_space<vmem>> -> memref<128x128xf32, #tpu.memory_space<vmem>>
      tpu.wait_dma2 semaphore(%arg17 : memref<!tpu.dma_semaphore, #tpu.memory_space<semaphore_mem>>) src(%dma_wait3A_1193 : memref<128x128xf32, #tpu.memory_space<vmem>>) dst(%dma_wait3A_1189 : memref<128x128xf32, #tpu.memory_space<hbm>>)
      %dma_wait3A_1194 = arith.constant 5 : i32
      %dma_wait3A_1195 = arith.constant 0 : i32
      %dma_wait3A_1196 = arith.constant 0 : i32
      %dma_wait3A_1197 = tpu.memref_slice %arg6[%dma_wait3A_1194, %dma_wait3A_1195, %dma_wait3A_1196] : memref<6x128x128xf32, #tpu.memory_space<vmem>> -> memref<1x128x128xf32, #tpu.memory_space<vmem>>
      %dma_wait3A_1198 = tpu.memref_squeeze %dma_wait3A_1197 : memref<1x128x128xf32, #tpu.memory_space<vmem>> -> memref<128x128xf32, #tpu.memory_space<vmem>>
      %dma_wait3A_1199 = arith.constant 0 : i32
      %dma_wait3A_1200 = tpu.memref_slice %arg4[%add3A_1090, %dma_wait3A_1199] : memref<100000x128xf32, #tpu.memory_space<hbm>> -> memref<128x128xf32, #tpu.memory_space<hbm>>
      %dma_wait3A_1201 = arith.constant 0 : i32
      %dma_wait3A_1202 = tpu.memref_slice %arg4[%add3A_1090, %dma_wait3A_1201] : memref<100000x128xf32, #tpu.memory_space<hbm>> -> memref<128x128xf32, #tpu.memory_space<hbm>>
      %dma_wait3A_1203 = arith.constant 0 : i32
      %dma_wait3A_1204 = arith.constant 0 : i32
      %dma_wait3A_1205 = tpu.memref_slice %arg6[%dma_wait3A_1194, %dma_wait3A_1203, %dma_wait3A_1204] : memref<6x128x128xf32, #tpu.memory_space<vmem>> -> memref<1x128x128xf32, #tpu.memory_space<vmem>>
      %dma_wait3A_1206 = tpu.memref_squeeze %dma_wait3A_1205 : memref<1x128x128xf32, #tpu.memory_space<vmem>> -> memref<128x128xf32, #tpu.memory_space<vmem>>
      tpu.wait_dma2 semaphore(%arg18 : memref<!tpu.dma_semaphore, #tpu.memory_space<semaphore_mem>>) src(%dma_wait3A_1206 : memref<128x128xf32, #tpu.memory_space<vmem>>) dst(%dma_wait3A_1202 : memref<128x128xf32, #tpu.memory_space<hbm>>)
    } else {
    }
    %ge3A = arith.constant 20 : i32
    %ge3A_3 = arith.cmpi sge, %add3A, %ge3A : i32
    %convert_element_type3A_4 = arith.extui %ge3A_3 : i1 to i32
    %cond3A_5 = arith.constant 0 : i32
    %cond3A_6 = arith.cmpi ne, %convert_element_type3A_4, %cond3A_5 : i32
    scf.if %cond3A_6 {
      %sub3A = arith.constant 20 : i32
      %sub3A_7 = arith.subi %add3A, %sub3A : i32
      %mul3A_8 = arith.constant 3120 : i32
      %mul3A_9 = arith.muli %sub3A_7, %mul3A_8 : i32
      %add3A_10 = arith.constant 62560 : i32
      %add3A_11 = arith.addi %add3A_10, %mul3A_9 : i32
      "tpu.region"() ({
        %run_scoped3A = tpu.sem_alloc : memref<!tpu.dma_semaphore, #tpu.memory_space<semaphore_mem>>
        %dma_start3A_1210 = arith.constant 0 : i32
        %dma_start3A_1211 = tpu.memref_slice %arg5[%dma_start3A_1210] : memref<3128xi32, #tpu.memory_space<vmem>> -> memref<3120xi32, #tpu.memory_space<vmem>>
        %dma_start3A_1212 = tpu.memref_slice %arg2[%add3A_11] : memref<100000xi32, #tpu.memory_space<hbm>> -> memref<3120xi32, #tpu.memory_space<hbm>>
        %dma_start3A_1213 = arith.constant 0 : i32
        %dma_start3A_1214 = tpu.memref_slice %arg5[%dma_start3A_1213] : memref<3128xi32, #tpu.memory_space<vmem>> -> memref<3120xi32, #tpu.memory_space<vmem>>
        %dma_start3A_1215 = tpu.memref_slice %arg2[%add3A_11] : memref<100000xi32, #tpu.memory_space<hbm>> -> memref<3120xi32, #tpu.memory_space<hbm>>
        tpu.enqueue_dma source(%dma_start3A_1215 : memref<3120xi32, #tpu.memory_space<hbm>>) target(%dma_start3A_1214 : memref<3120xi32, #tpu.memory_space<vmem>>) target_semaphore(%run_scoped3A : memref<!tpu.dma_semaphore, #tpu.memory_space<semaphore_mem>>)
        %dma_wait3A_1216 = arith.constant 0 : i32
        %dma_wait3A_1217 = tpu.memref_slice %arg5[%dma_wait3A_1216] : memref<3128xi32, #tpu.memory_space<vmem>> -> memref<3120xi32, #tpu.memory_space<vmem>>
        %dma_wait3A_1218 = tpu.memref_slice %arg2[%add3A_11] : memref<100000xi32, #tpu.memory_space<hbm>> -> memref<3120xi32, #tpu.memory_space<hbm>>
        %dma_wait3A_1219 = arith.constant 0 : i32
        %dma_wait3A_1220 = tpu.memref_slice %arg5[%dma_wait3A_1219] : memref<3128xi32, #tpu.memory_space<vmem>> -> memref<3120xi32, #tpu.memory_space<vmem>>
        %dma_wait3A_1221 = tpu.memref_slice %arg2[%add3A_11] : memref<100000xi32, #tpu.memory_space<hbm>> -> memref<3120xi32, #tpu.memory_space<hbm>>
        tpu.wait_dma2 semaphore(%run_scoped3A : memref<!tpu.dma_semaphore, #tpu.memory_space<semaphore_mem>>) src(%dma_wait3A_1221 : memref<3120xi32, #tpu.memory_space<hbm>>) dst(%dma_wait3A_1220 : memref<3120xi32, #tpu.memory_space<vmem>>)
        tpu.yield
      }) : () -> ()
      %dma_start3A = arith.constant 0 : i32
      %dma_start3A_12 = arith.constant 0 : i32
      %dma_start3A_13 = arith.constant 0 : i32
      %dma_start3A_14 = tpu.memref_slice %arg6[%dma_start3A, %dma_start3A_12, %dma_start3A_13] : memref<6x128x128xf32, #tpu.memory_space<vmem>> -> memref<1x128x128xf32, #tpu.memory_space<vmem>>
      %dma_start3A_15 = tpu.memref_squeeze %dma_start3A_14 : memref<1x128x128xf32, #tpu.memory_space<vmem>> -> memref<128x128xf32, #tpu.memory_space<vmem>>
      %dma_start3A_16 = arith.constant 0 : i32
      %dma_start3A_17 = tpu.memref_slice %arg5[%dma_start3A_16] : memref<3128xi32, #tpu.memory_space<vmem>> -> memref<128xi32, #tpu.memory_space<vmem>>
      %dma_start3A_18 = arith.constant 0 : i32
      %dma_start3A_19 = arith.constant 0 : i32
      %dma_start3A_20 = tpu.memref_slice %arg3[%dma_start3A_18, %dma_start3A_19] : memref<50000x128xf32, #tpu.memory_space<hbm>> -> memref<50000x128xf32, #tpu.memory_space<hbm>>
      tpu.enqueue_indirect_dma source(%dma_start3A_20 : memref<50000x128xf32, #tpu.memory_space<hbm>>) target(%dma_start3A_15 : memref<128x128xf32, #tpu.memory_space<vmem>>) offsets(%dma_start3A_17 : memref<128xi32, #tpu.memory_space<vmem>>) semaphore(%arg7 : memref<!tpu.dma_semaphore, #tpu.memory_space<semaphore_mem>>)
      %dma_start3A_21 = arith.constant 1 : i32
      %dma_start3A_22 = arith.constant 0 : i32
      %dma_start3A_23 = arith.constant 0 : i32
      %dma_start3A_24 = tpu.memref_slice %arg6[%dma_start3A_21, %dma_start3A_22, %dma_start3A_23] : memref<6x128x128xf32, #tpu.memory_space<vmem>> -> memref<1x128x128xf32, #tpu.memory_space<vmem>>
      %dma_start3A_25 = tpu.memref_squeeze %dma_start3A_24 : memref<1x128x128xf32, #tpu.memory_space<vmem>> -> memref<128x128xf32, #tpu.memory_space<vmem>>
      %dma_start3A_26 = arith.constant 128 : i32
      %dma_start3A_27 = tpu.memref_slice %arg5[%dma_start3A_26] : memref<3128xi32, #tpu.memory_space<vmem>> -> memref<128xi32, #tpu.memory_space<vmem>>
      %dma_start3A_28 = arith.constant 0 : i32
      %dma_start3A_29 = arith.constant 0 : i32
      %dma_start3A_30 = tpu.memref_slice %arg3[%dma_start3A_28, %dma_start3A_29] : memref<50000x128xf32, #tpu.memory_space<hbm>> -> memref<50000x128xf32, #tpu.memory_space<hbm>>
      tpu.enqueue_indirect_dma source(%dma_start3A_30 : memref<50000x128xf32, #tpu.memory_space<hbm>>) target(%dma_start3A_25 : memref<128x128xf32, #tpu.memory_space<vmem>>) offsets(%dma_start3A_27 : memref<128xi32, #tpu.memory_space<vmem>>) semaphore(%arg8 : memref<!tpu.dma_semaphore, #tpu.memory_space<semaphore_mem>>)
      %dma_start3A_31 = arith.constant 2 : i32
      %dma_start3A_32 = arith.constant 0 : i32
      %dma_start3A_33 = arith.constant 0 : i32
      %dma_start3A_34 = tpu.memref_slice %arg6[%dma_start3A_31, %dma_start3A_32, %dma_start3A_33] : memref<6x128x128xf32, #tpu.memory_space<vmem>> -> memref<1x128x128xf32, #tpu.memory_space<vmem>>
      %dma_start3A_35 = tpu.memref_squeeze %dma_start3A_34 : memref<1x128x128xf32, #tpu.memory_space<vmem>> -> memref<128x128xf32, #tpu.memory_space<vmem>>
      %dma_start3A_36 = arith.constant 256 : i32
      %dma_start3A_37 = tpu.memref_slice %arg5[%dma_start3A_36] : memref<3128xi32, #tpu.memory_space<vmem>> -> memref<128xi32, #tpu.memory_space<vmem>>
      %dma_start3A_38 = arith.constant 0 : i32
      %dma_start3A_39 = arith.constant 0 : i32
      %dma_start3A_40 = tpu.memref_slice %arg3[%dma_start3A_38, %dma_start3A_39] : memref<50000x128xf32, #tpu.memory_space<hbm>> -> memref<50000x128xf32, #tpu.memory_space<hbm>>
      tpu.enqueue_indirect_dma source(%dma_start3A_40 : memref<50000x128xf32, #tpu.memory_space<hbm>>) target(%dma_start3A_35 : memref<128x128xf32, #tpu.memory_space<vmem>>) offsets(%dma_start3A_37 : memref<128xi32, #tpu.memory_space<vmem>>) semaphore(%arg9 : memref<!tpu.dma_semaphore, #tpu.memory_space<semaphore_mem>>)
      %dma_start3A_41 = arith.constant 3 : i32
      %dma_start3A_42 = arith.constant 0 : i32
      %dma_start3A_43 = arith.constant 0 : i32
      %dma_start3A_44 = tpu.memref_slice %arg6[%dma_start3A_41, %dma_start3A_42, %dma_start3A_43] : memref<6x128x128xf32, #tpu.memory_space<vmem>> -> memref<1x128x128xf32, #tpu.memory_space<vmem>>
      %dma_start3A_45 = tpu.memref_squeeze %dma_start3A_44 : memref<1x128x128xf32, #tpu.memory_space<vmem>> -> memref<128x128xf32, #tpu.memory_space<vmem>>
      %dma_start3A_46 = arith.constant 384 : i32
      %dma_start3A_47 = tpu.memref_slice %arg5[%dma_start3A_46] : memref<3128xi32, #tpu.memory_space<vmem>> -> memref<128xi32, #tpu.memory_space<vmem>>
      %dma_start3A_48 = arith.constant 0 : i32
      %dma_start3A_49 = arith.constant 0 : i32
      %dma_start3A_50 = tpu.memref_slice %arg3[%dma_start3A_48, %dma_start3A_49] : memref<50000x128xf32, #tpu.memory_space<hbm>> -> memref<50000x128xf32, #tpu.memory_space<hbm>>
      tpu.enqueue_indirect_dma source(%dma_start3A_50 : memref<50000x128xf32, #tpu.memory_space<hbm>>) target(%dma_start3A_45 : memref<128x128xf32, #tpu.memory_space<vmem>>) offsets(%dma_start3A_47 : memref<128xi32, #tpu.memory_space<vmem>>) semaphore(%arg10 : memref<!tpu.dma_semaphore, #tpu.memory_space<semaphore_mem>>)
      %dma_start3A_51 = arith.constant 4 : i32
      %dma_start3A_52 = arith.constant 0 : i32
      %dma_start3A_53 = arith.constant 0 : i32
      %dma_start3A_54 = tpu.memref_slice %arg6[%dma_start3A_51, %dma_start3A_52, %dma_start3A_53] : memref<6x128x128xf32, #tpu.memory_space<vmem>> -> memref<1x128x128xf32, #tpu.memory_space<vmem>>
      %dma_start3A_55 = tpu.memref_squeeze %dma_start3A_54 : memref<1x128x128xf32, #tpu.memory_space<vmem>> -> memref<128x128xf32, #tpu.memory_space<vmem>>
      %dma_start3A_56 = arith.constant 512 : i32
      %dma_start3A_57 = tpu.memref_slice %arg5[%dma_start3A_56] : memref<3128xi32, #tpu.memory_space<vmem>> -> memref<128xi32, #tpu.memory_space<vmem>>
      %dma_start3A_58 = arith.constant 0 : i32
      %dma_start3A_59 = arith.constant 0 : i32
      %dma_start3A_60 = tpu.memref_slice %arg3[%dma_start3A_58, %dma_start3A_59] : memref<50000x128xf32, #tpu.memory_space<hbm>> -> memref<50000x128xf32, #tpu.memory_space<hbm>>
      tpu.enqueue_indirect_dma source(%dma_start3A_60 : memref<50000x128xf32, #tpu.memory_space<hbm>>) target(%dma_start3A_55 : memref<128x128xf32, #tpu.memory_space<vmem>>) offsets(%dma_start3A_57 : memref<128xi32, #tpu.memory_space<vmem>>) semaphore(%arg11 : memref<!tpu.dma_semaphore, #tpu.memory_space<semaphore_mem>>)
      %dma_wait3A = arith.constant 0 : i32
      %dma_wait3A_61 = arith.constant 0 : i32
      %dma_wait3A_62 = arith.constant 0 : i32
      %dma_wait3A_63 = tpu.memref_slice %arg6[%dma_wait3A, %dma_wait3A_61, %dma_wait3A_62] : memref<6x128x128xf32, #tpu.memory_space<vmem>> -> memref<1x128x128xf32, #tpu.memory_space<vmem>>
      %dma_wait3A_64 = tpu.memref_squeeze %dma_wait3A_63 : memref<1x128x128xf32, #tpu.memory_space<vmem>> -> memref<128x128xf32, #tpu.memory_space<vmem>>
      %dma_wait3A_65 = arith.constant 0 : i32
      %dma_wait3A_66 = tpu.memref_slice %arg5[%dma_wait3A_65] : memref<3128xi32, #tpu.memory_space<vmem>> -> memref<128xi32, #tpu.memory_space<vmem>>
      %dma_wait3A_67 = arith.constant 0 : i32
      %dma_wait3A_68 = arith.constant 0 : i32
      %dma_wait3A_69 = tpu.memref_slice %arg3[%dma_wait3A_67, %dma_wait3A_68] : memref<50000x128xf32, #tpu.memory_space<hbm>> -> memref<50000x128xf32, #tpu.memory_space<hbm>>
      tpu.wait_indirect_dma semaphore(%arg7 : memref<!tpu.dma_semaphore, #tpu.memory_space<semaphore_mem>>) src(%dma_wait3A_69 : memref<50000x128xf32, #tpu.memory_space<hbm>>) dst(%dma_wait3A_64 : memref<128x128xf32, #tpu.memory_space<vmem>>)
      %add3A_70 = arith.constant 0 : i32
      %add3A_71 = arith.addi %add3A_11, %add3A_70 : i32
      %dma_start3A_72 = arith.constant 0 : i32
      %dma_start3A_73 = arith.constant 0 : i32
      %dma_start3A_74 = arith.constant 0 : i32
      %dma_start3A_75 = tpu.memref_slice %arg6[%dma_start3A_72, %dma_start3A_73, %dma_start3A_74] : memref<6x128x128xf32, #tpu.memory_space<vmem>> -> memref<1x128x128xf32, #tpu.memory_space<vmem>>
      %dma_start3A_76 = tpu.memref_squeeze %dma_start3A_75 : memref<1x128x128xf32, #tpu.memory_space<vmem>> -> memref<128x128xf32, #tpu.memory_space<vmem>>
      %dma_start3A_77 = arith.constant 0 : i32
      %dma_start3A_78 = tpu.memref_slice %arg4[%add3A_71, %dma_start3A_77] : memref<100000x128xf32, #tpu.memory_space<hbm>> -> memref<128x128xf32, #tpu.memory_space<hbm>>
      %dma_start3A_79 = arith.constant 0 : i32
      %dma_start3A_80 = tpu.memref_slice %arg4[%add3A_71, %dma_start3A_79] : memref<100000x128xf32, #tpu.memory_space<hbm>> -> memref<128x128xf32, #tpu.memory_space<hbm>>
      %dma_start3A_81 = arith.constant 0 : i32
      %dma_start3A_82 = arith.constant 0 : i32
      %dma_start3A_83 = tpu.memref_slice %arg6[%dma_start3A_72, %dma_start3A_81, %dma_start3A_82] : memref<6x128x128xf32, #tpu.memory_space<vmem>> -> memref<1x128x128xf32, #tpu.memory_space<vmem>>
      %dma_start3A_84 = tpu.memref_squeeze %dma_start3A_83 : memref<1x128x128xf32, #tpu.memory_space<vmem>> -> memref<128x128xf32, #tpu.memory_space<vmem>>
      tpu.enqueue_dma source(%dma_start3A_84 : memref<128x128xf32, #tpu.memory_space<vmem>>) target(%dma_start3A_80 : memref<128x128xf32, #tpu.memory_space<hbm>>) target_semaphore(%arg13 : memref<!tpu.dma_semaphore, #tpu.memory_space<semaphore_mem>>)
      %dma_start3A_85 = arith.constant 5 : i32
      %dma_start3A_86 = arith.constant 0 : i32
      %dma_start3A_87 = arith.constant 0 : i32
      %dma_start3A_88 = tpu.memref_slice %arg6[%dma_start3A_85, %dma_start3A_86, %dma_start3A_87] : memref<6x128x128xf32, #tpu.memory_space<vmem>> -> memref<1x128x128xf32, #tpu.memory_space<vmem>>
      %dma_start3A_89 = tpu.memref_squeeze %dma_start3A_88 : memref<1x128x128xf32, #tpu.memory_space<vmem>> -> memref<128x128xf32, #tpu.memory_space<vmem>>
      %dma_start3A_90 = arith.constant 640 : i32
      %dma_start3A_91 = tpu.memref_slice %arg5[%dma_start3A_90] : memref<3128xi32, #tpu.memory_space<vmem>> -> memref<128xi32, #tpu.memory_space<vmem>>
      %dma_start3A_92 = arith.constant 0 : i32
      %dma_start3A_93 = arith.constant 0 : i32
      %dma_start3A_94 = tpu.memref_slice %arg3[%dma_start3A_92, %dma_start3A_93] : memref<50000x128xf32, #tpu.memory_space<hbm>> -> memref<50000x128xf32, #tpu.memory_space<hbm>>
      tpu.enqueue_indirect_dma source(%dma_start3A_94 : memref<50000x128xf32, #tpu.memory_space<hbm>>) target(%dma_start3A_89 : memref<128x128xf32, #tpu.memory_space<vmem>>) offsets(%dma_start3A_91 : memref<128xi32, #tpu.memory_space<vmem>>) semaphore(%arg12 : memref<!tpu.dma_semaphore, #tpu.memory_space<semaphore_mem>>)
      %dma_wait3A_95 = arith.constant 1 : i32
      %dma_wait3A_96 = arith.constant 0 : i32
      %dma_wait3A_97 = arith.constant 0 : i32
      %dma_wait3A_98 = tpu.memref_slice %arg6[%dma_wait3A_95, %dma_wait3A_96, %dma_wait3A_97] : memref<6x128x128xf32, #tpu.memory_space<vmem>> -> memref<1x128x128xf32, #tpu.memory_space<vmem>>
      %dma_wait3A_99 = tpu.memref_squeeze %dma_wait3A_98 : memref<1x128x128xf32, #tpu.memory_space<vmem>> -> memref<128x128xf32, #tpu.memory_space<vmem>>
      %dma_wait3A_100 = arith.constant 128 : i32
      %dma_wait3A_101 = tpu.memref_slice %arg5[%dma_wait3A_100] : memref<3128xi32, #tpu.memory_space<vmem>> -> memref<128xi32, #tpu.memory_space<vmem>>
      %dma_wait3A_102 = arith.constant 0 : i32
      %dma_wait3A_103 = arith.constant 0 : i32
      %dma_wait3A_104 = tpu.memref_slice %arg3[%dma_wait3A_102, %dma_wait3A_103] : memref<50000x128xf32, #tpu.memory_space<hbm>> -> memref<50000x128xf32, #tpu.memory_space<hbm>>
      tpu.wait_indirect_dma semaphore(%arg8 : memref<!tpu.dma_semaphore, #tpu.memory_space<semaphore_mem>>) src(%dma_wait3A_104 : memref<50000x128xf32, #tpu.memory_space<hbm>>) dst(%dma_wait3A_99 : memref<128x128xf32, #tpu.memory_space<vmem>>)
      %add3A_105 = arith.constant 128 : i32
      %add3A_106 = arith.addi %add3A_11, %add3A_105 : i32
      %dma_start3A_107 = arith.constant 1 : i32
      %dma_start3A_108 = arith.constant 0 : i32
      %dma_start3A_109 = arith.constant 0 : i32
      %dma_start3A_110 = tpu.memref_slice %arg6[%dma_start3A_107, %dma_start3A_108, %dma_start3A_109] : memref<6x128x128xf32, #tpu.memory_space<vmem>> -> memref<1x128x128xf32, #tpu.memory_space<vmem>>
      %dma_start3A_111 = tpu.memref_squeeze %dma_start3A_110 : memref<1x128x128xf32, #tpu.memory_space<vmem>> -> memref<128x128xf32, #tpu.memory_space<vmem>>
      %dma_start3A_112 = arith.constant 0 : i32
      %dma_start3A_113 = tpu.memref_slice %arg4[%add3A_106, %dma_start3A_112] : memref<100000x128xf32, #tpu.memory_space<hbm>> -> memref<128x128xf32, #tpu.memory_space<hbm>>
      %dma_start3A_114 = arith.constant 0 : i32
      %dma_start3A_115 = tpu.memref_slice %arg4[%add3A_106, %dma_start3A_114] : memref<100000x128xf32, #tpu.memory_space<hbm>> -> memref<128x128xf32, #tpu.memory_space<hbm>>
      %dma_start3A_116 = arith.constant 0 : i32
      %dma_start3A_117 = arith.constant 0 : i32
      %dma_start3A_118 = tpu.memref_slice %arg6[%dma_start3A_107, %dma_start3A_116, %dma_start3A_117] : memref<6x128x128xf32, #tpu.memory_space<vmem>> -> memref<1x128x128xf32, #tpu.memory_space<vmem>>
      %dma_start3A_119 = tpu.memref_squeeze %dma_start3A_118 : memref<1x128x128xf32, #tpu.memory_space<vmem>> -> memref<128x128xf32, #tpu.memory_space<vmem>>
      tpu.enqueue_dma source(%dma_start3A_119 : memref<128x128xf32, #tpu.memory_space<vmem>>) target(%dma_start3A_115 : memref<128x128xf32, #tpu.memory_space<hbm>>) target_semaphore(%arg14 : memref<!tpu.dma_semaphore, #tpu.memory_space<semaphore_mem>>)
      %dma_wait3A_120 = arith.constant 0 : i32
      %dma_wait3A_121 = arith.constant 0 : i32
      %dma_wait3A_122 = arith.constant 0 : i32
      %dma_wait3A_123 = tpu.memref_slice %arg6[%dma_wait3A_120, %dma_wait3A_121, %dma_wait3A_122] : memref<6x128x128xf32, #tpu.memory_space<vmem>> -> memref<1x128x128xf32, #tpu.memory_space<vmem>>
      %dma_wait3A_124 = tpu.memref_squeeze %dma_wait3A_123 : memref<1x128x128xf32, #tpu.memory_space<vmem>> -> memref<128x128xf32, #tpu.memory_space<vmem>>
      %dma_wait3A_125 = arith.constant 0 : i32
      %dma_wait3A_126 = tpu.memref_slice %arg4[%add3A_71, %dma_wait3A_125] : memref<100000x128xf32, #tpu.memory_space<hbm>> -> memref<128x128xf32, #tpu.memory_space<hbm>>
      %dma_wait3A_127 = arith.constant 0 : i32
      %dma_wait3A_128 = tpu.memref_slice %arg4[%add3A_71, %dma_wait3A_127] : memref<100000x128xf32, #tpu.memory_space<hbm>> -> memref<128x128xf32, #tpu.memory_space<hbm>>
      %dma_wait3A_129 = arith.constant 0 : i32
      %dma_wait3A_130 = arith.constant 0 : i32
      %dma_wait3A_131 = tpu.memref_slice %arg6[%dma_wait3A_120, %dma_wait3A_129, %dma_wait3A_130] : memref<6x128x128xf32, #tpu.memory_space<vmem>> -> memref<1x128x128xf32, #tpu.memory_space<vmem>>
      %dma_wait3A_132 = tpu.memref_squeeze %dma_wait3A_131 : memref<1x128x128xf32, #tpu.memory_space<vmem>> -> memref<128x128xf32, #tpu.memory_space<vmem>>
      tpu.wait_dma2 semaphore(%arg13 : memref<!tpu.dma_semaphore, #tpu.memory_space<semaphore_mem>>) src(%dma_wait3A_132 : memref<128x128xf32, #tpu.memory_space<vmem>>) dst(%dma_wait3A_128 : memref<128x128xf32, #tpu.memory_space<hbm>>)
      %dma_start3A_133 = arith.constant 0 : i32
      %dma_start3A_134 = arith.constant 0 : i32
      %dma_start3A_135 = arith.constant 0 : i32
      %dma_start3A_136 = tpu.memref_slice %arg6[%dma_start3A_133, %dma_start3A_134, %dma_start3A_135] : memref<6x128x128xf32, #tpu.memory_space<vmem>> -> memref<1x128x128xf32, #tpu.memory_space<vmem>>
      %dma_start3A_137 = tpu.memref_squeeze %dma_start3A_136 : memref<1x128x128xf32, #tpu.memory_space<vmem>> -> memref<128x128xf32, #tpu.memory_space<vmem>>
      %dma_start3A_138 = arith.constant 768 : i32
      %dma_start3A_139 = tpu.memref_slice %arg5[%dma_start3A_138] : memref<3128xi32, #tpu.memory_space<vmem>> -> memref<128xi32, #tpu.memory_space<vmem>>
      %dma_start3A_140 = arith.constant 0 : i32
      %dma_start3A_141 = arith.constant 0 : i32
      %dma_start3A_142 = tpu.memref_slice %arg3[%dma_start3A_140, %dma_start3A_141] : memref<50000x128xf32, #tpu.memory_space<hbm>> -> memref<50000x128xf32, #tpu.memory_space<hbm>>
      tpu.enqueue_indirect_dma source(%dma_start3A_142 : memref<50000x128xf32, #tpu.memory_space<hbm>>) target(%dma_start3A_137 : memref<128x128xf32, #tpu.memory_space<vmem>>) offsets(%dma_start3A_139 : memref<128xi32, #tpu.memory_space<vmem>>) semaphore(%arg7 : memref<!tpu.dma_semaphore, #tpu.memory_space<semaphore_mem>>)
      %dma_wait3A_143 = arith.constant 2 : i32
      %dma_wait3A_144 = arith.constant 0 : i32
      %dma_wait3A_145 = arith.constant 0 : i32
      %dma_wait3A_146 = tpu.memref_slice %arg6[%dma_wait3A_143, %dma_wait3A_144, %dma_wait3A_145] : memref<6x128x128xf32, #tpu.memory_space<vmem>> -> memref<1x128x128xf32, #tpu.memory_space<vmem>>
      %dma_wait3A_147 = tpu.memref_squeeze %dma_wait3A_146 : memref<1x128x128xf32, #tpu.memory_space<vmem>> -> memref<128x128xf32, #tpu.memory_space<vmem>>
      %dma_wait3A_148 = arith.constant 256 : i32
      %dma_wait3A_149 = tpu.memref_slice %arg5[%dma_wait3A_148] : memref<3128xi32, #tpu.memory_space<vmem>> -> memref<128xi32, #tpu.memory_space<vmem>>
      %dma_wait3A_150 = arith.constant 0 : i32
      %dma_wait3A_151 = arith.constant 0 : i32
      %dma_wait3A_152 = tpu.memref_slice %arg3[%dma_wait3A_150, %dma_wait3A_151] : memref<50000x128xf32, #tpu.memory_space<hbm>> -> memref<50000x128xf32, #tpu.memory_space<hbm>>
      tpu.wait_indirect_dma semaphore(%arg9 : memref<!tpu.dma_semaphore, #tpu.memory_space<semaphore_mem>>) src(%dma_wait3A_152 : memref<50000x128xf32, #tpu.memory_space<hbm>>) dst(%dma_wait3A_147 : memref<128x128xf32, #tpu.memory_space<vmem>>)
      %add3A_153 = arith.constant 256 : i32
      %add3A_154 = arith.addi %add3A_11, %add3A_153 : i32
      %dma_start3A_155 = arith.constant 2 : i32
      %dma_start3A_156 = arith.constant 0 : i32
      %dma_start3A_157 = arith.constant 0 : i32
      %dma_start3A_158 = tpu.memref_slice %arg6[%dma_start3A_155, %dma_start3A_156, %dma_start3A_157] : memref<6x128x128xf32, #tpu.memory_space<vmem>> -> memref<1x128x128xf32, #tpu.memory_space<vmem>>
      %dma_start3A_159 = tpu.memref_squeeze %dma_start3A_158 : memref<1x128x128xf32, #tpu.memory_space<vmem>> -> memref<128x128xf32, #tpu.memory_space<vmem>>
      %dma_start3A_160 = arith.constant 0 : i32
      %dma_start3A_161 = tpu.memref_slice %arg4[%add3A_154, %dma_start3A_160] : memref<100000x128xf32, #tpu.memory_space<hbm>> -> memref<128x128xf32, #tpu.memory_space<hbm>>
      %dma_start3A_162 = arith.constant 0 : i32
      %dma_start3A_163 = tpu.memref_slice %arg4[%add3A_154, %dma_start3A_162] : memref<100000x128xf32, #tpu.memory_space<hbm>> -> memref<128x128xf32, #tpu.memory_space<hbm>>
      %dma_start3A_164 = arith.constant 0 : i32
      %dma_start3A_165 = arith.constant 0 : i32
      %dma_start3A_166 = tpu.memref_slice %arg6[%dma_start3A_155, %dma_start3A_164, %dma_start3A_165] : memref<6x128x128xf32, #tpu.memory_space<vmem>> -> memref<1x128x128xf32, #tpu.memory_space<vmem>>
      %dma_start3A_167 = tpu.memref_squeeze %dma_start3A_166 : memref<1x128x128xf32, #tpu.memory_space<vmem>> -> memref<128x128xf32, #tpu.memory_space<vmem>>
      tpu.enqueue_dma source(%dma_start3A_167 : memref<128x128xf32, #tpu.memory_space<vmem>>) target(%dma_start3A_163 : memref<128x128xf32, #tpu.memory_space<hbm>>) target_semaphore(%arg15 : memref<!tpu.dma_semaphore, #tpu.memory_space<semaphore_mem>>)
      %dma_wait3A_168 = arith.constant 1 : i32
      %dma_wait3A_169 = arith.constant 0 : i32
      %dma_wait3A_170 = arith.constant 0 : i32
      %dma_wait3A_171 = tpu.memref_slice %arg6[%dma_wait3A_168, %dma_wait3A_169, %dma_wait3A_170] : memref<6x128x128xf32, #tpu.memory_space<vmem>> -> memref<1x128x128xf32, #tpu.memory_space<vmem>>
      %dma_wait3A_172 = tpu.memref_squeeze %dma_wait3A_171 : memref<1x128x128xf32, #tpu.memory_space<vmem>> -> memref<128x128xf32, #tpu.memory_space<vmem>>
      %dma_wait3A_173 = arith.constant 0 : i32
      %dma_wait3A_174 = tpu.memref_slice %arg4[%add3A_106, %dma_wait3A_173] : memref<100000x128xf32, #tpu.memory_space<hbm>> -> memref<128x128xf32, #tpu.memory_space<hbm>>
      %dma_wait3A_175 = arith.constant 0 : i32
      %dma_wait3A_176 = tpu.memref_slice %arg4[%add3A_106, %dma_wait3A_175] : memref<100000x128xf32, #tpu.memory_space<hbm>> -> memref<128x128xf32, #tpu.memory_space<hbm>>
      %dma_wait3A_177 = arith.constant 0 : i32
      %dma_wait3A_178 = arith.constant 0 : i32
      %dma_wait3A_179 = tpu.memref_slice %arg6[%dma_wait3A_168, %dma_wait3A_177, %dma_wait3A_178] : memref<6x128x128xf32, #tpu.memory_space<vmem>> -> memref<1x128x128xf32, #tpu.memory_space<vmem>>
      %dma_wait3A_180 = tpu.memref_squeeze %dma_wait3A_179 : memref<1x128x128xf32, #tpu.memory_space<vmem>> -> memref<128x128xf32, #tpu.memory_space<vmem>>
      tpu.wait_dma2 semaphore(%arg14 : memref<!tpu.dma_semaphore, #tpu.memory_space<semaphore_mem>>) src(%dma_wait3A_180 : memref<128x128xf32, #tpu.memory_space<vmem>>) dst(%dma_wait3A_176 : memref<128x128xf32, #tpu.memory_space<hbm>>)
      %dma_start3A_181 = arith.constant 1 : i32
      %dma_start3A_182 = arith.constant 0 : i32
      %dma_start3A_183 = arith.constant 0 : i32
      %dma_start3A_184 = tpu.memref_slice %arg6[%dma_start3A_181, %dma_start3A_182, %dma_start3A_183] : memref<6x128x128xf32, #tpu.memory_space<vmem>> -> memref<1x128x128xf32, #tpu.memory_space<vmem>>
      %dma_start3A_185 = tpu.memref_squeeze %dma_start3A_184 : memref<1x128x128xf32, #tpu.memory_space<vmem>> -> memref<128x128xf32, #tpu.memory_space<vmem>>
      %dma_start3A_186 = arith.constant 896 : i32
      %dma_start3A_187 = tpu.memref_slice %arg5[%dma_start3A_186] : memref<3128xi32, #tpu.memory_space<vmem>> -> memref<128xi32, #tpu.memory_space<vmem>>
      %dma_start3A_188 = arith.constant 0 : i32
      %dma_start3A_189 = arith.constant 0 : i32
      %dma_start3A_190 = tpu.memref_slice %arg3[%dma_start3A_188, %dma_start3A_189] : memref<50000x128xf32, #tpu.memory_space<hbm>> -> memref<50000x128xf32, #tpu.memory_space<hbm>>
      tpu.enqueue_indirect_dma source(%dma_start3A_190 : memref<50000x128xf32, #tpu.memory_space<hbm>>) target(%dma_start3A_185 : memref<128x128xf32, #tpu.memory_space<vmem>>) offsets(%dma_start3A_187 : memref<128xi32, #tpu.memory_space<vmem>>) semaphore(%arg8 : memref<!tpu.dma_semaphore, #tpu.memory_space<semaphore_mem>>)
      %dma_wait3A_191 = arith.constant 3 : i32
      %dma_wait3A_192 = arith.constant 0 : i32
      %dma_wait3A_193 = arith.constant 0 : i32
      %dma_wait3A_194 = tpu.memref_slice %arg6[%dma_wait3A_191, %dma_wait3A_192, %dma_wait3A_193] : memref<6x128x128xf32, #tpu.memory_space<vmem>> -> memref<1x128x128xf32, #tpu.memory_space<vmem>>
      %dma_wait3A_195 = tpu.memref_squeeze %dma_wait3A_194 : memref<1x128x128xf32, #tpu.memory_space<vmem>> -> memref<128x128xf32, #tpu.memory_space<vmem>>
      %dma_wait3A_196 = arith.constant 384 : i32
      %dma_wait3A_197 = tpu.memref_slice %arg5[%dma_wait3A_196] : memref<3128xi32, #tpu.memory_space<vmem>> -> memref<128xi32, #tpu.memory_space<vmem>>
      %dma_wait3A_198 = arith.constant 0 : i32
      %dma_wait3A_199 = arith.constant 0 : i32
      %dma_wait3A_200 = tpu.memref_slice %arg3[%dma_wait3A_198, %dma_wait3A_199] : memref<50000x128xf32, #tpu.memory_space<hbm>> -> memref<50000x128xf32, #tpu.memory_space<hbm>>
      tpu.wait_indirect_dma semaphore(%arg10 : memref<!tpu.dma_semaphore, #tpu.memory_space<semaphore_mem>>) src(%dma_wait3A_200 : memref<50000x128xf32, #tpu.memory_space<hbm>>) dst(%dma_wait3A_195 : memref<128x128xf32, #tpu.memory_space<vmem>>)
      %add3A_201 = arith.constant 384 : i32
      %add3A_202 = arith.addi %add3A_11, %add3A_201 : i32
      %dma_start3A_203 = arith.constant 3 : i32
      %dma_start3A_204 = arith.constant 0 : i32
      %dma_start3A_205 = arith.constant 0 : i32
      %dma_start3A_206 = tpu.memref_slice %arg6[%dma_start3A_203, %dma_start3A_204, %dma_start3A_205] : memref<6x128x128xf32, #tpu.memory_space<vmem>> -> memref<1x128x128xf32, #tpu.memory_space<vmem>>
      %dma_start3A_207 = tpu.memref_squeeze %dma_start3A_206 : memref<1x128x128xf32, #tpu.memory_space<vmem>> -> memref<128x128xf32, #tpu.memory_space<vmem>>
      %dma_start3A_208 = arith.constant 0 : i32
      %dma_start3A_209 = tpu.memref_slice %arg4[%add3A_202, %dma_start3A_208] : memref<100000x128xf32, #tpu.memory_space<hbm>> -> memref<128x128xf32, #tpu.memory_space<hbm>>
      %dma_start3A_210 = arith.constant 0 : i32
      %dma_start3A_211 = tpu.memref_slice %arg4[%add3A_202, %dma_start3A_210] : memref<100000x128xf32, #tpu.memory_space<hbm>> -> memref<128x128xf32, #tpu.memory_space<hbm>>
      %dma_start3A_212 = arith.constant 0 : i32
      %dma_start3A_213 = arith.constant 0 : i32
      %dma_start3A_214 = tpu.memref_slice %arg6[%dma_start3A_203, %dma_start3A_212, %dma_start3A_213] : memref<6x128x128xf32, #tpu.memory_space<vmem>> -> memref<1x128x128xf32, #tpu.memory_space<vmem>>
      %dma_start3A_215 = tpu.memref_squeeze %dma_start3A_214 : memref<1x128x128xf32, #tpu.memory_space<vmem>> -> memref<128x128xf32, #tpu.memory_space<vmem>>
      tpu.enqueue_dma source(%dma_start3A_215 : memref<128x128xf32, #tpu.memory_space<vmem>>) target(%dma_start3A_211 : memref<128x128xf32, #tpu.memory_space<hbm>>) target_semaphore(%arg16 : memref<!tpu.dma_semaphore, #tpu.memory_space<semaphore_mem>>)
      %dma_wait3A_216 = arith.constant 2 : i32
      %dma_wait3A_217 = arith.constant 0 : i32
      %dma_wait3A_218 = arith.constant 0 : i32
      %dma_wait3A_219 = tpu.memref_slice %arg6[%dma_wait3A_216, %dma_wait3A_217, %dma_wait3A_218] : memref<6x128x128xf32, #tpu.memory_space<vmem>> -> memref<1x128x128xf32, #tpu.memory_space<vmem>>
      %dma_wait3A_220 = tpu.memref_squeeze %dma_wait3A_219 : memref<1x128x128xf32, #tpu.memory_space<vmem>> -> memref<128x128xf32, #tpu.memory_space<vmem>>
      %dma_wait3A_221 = arith.constant 0 : i32
      %dma_wait3A_222 = tpu.memref_slice %arg4[%add3A_154, %dma_wait3A_221] : memref<100000x128xf32, #tpu.memory_space<hbm>> -> memref<128x128xf32, #tpu.memory_space<hbm>>
      %dma_wait3A_223 = arith.constant 0 : i32
      %dma_wait3A_224 = tpu.memref_slice %arg4[%add3A_154, %dma_wait3A_223] : memref<100000x128xf32, #tpu.memory_space<hbm>> -> memref<128x128xf32, #tpu.memory_space<hbm>>
      %dma_wait3A_225 = arith.constant 0 : i32
      %dma_wait3A_226 = arith.constant 0 : i32
      %dma_wait3A_227 = tpu.memref_slice %arg6[%dma_wait3A_216, %dma_wait3A_225, %dma_wait3A_226] : memref<6x128x128xf32, #tpu.memory_space<vmem>> -> memref<1x128x128xf32, #tpu.memory_space<vmem>>
      %dma_wait3A_228 = tpu.memref_squeeze %dma_wait3A_227 : memref<1x128x128xf32, #tpu.memory_space<vmem>> -> memref<128x128xf32, #tpu.memory_space<vmem>>
      tpu.wait_dma2 semaphore(%arg15 : memref<!tpu.dma_semaphore, #tpu.memory_space<semaphore_mem>>) src(%dma_wait3A_228 : memref<128x128xf32, #tpu.memory_space<vmem>>) dst(%dma_wait3A_224 : memref<128x128xf32, #tpu.memory_space<hbm>>)
      %dma_start3A_229 = arith.constant 2 : i32
      %dma_start3A_230 = arith.constant 0 : i32
      %dma_start3A_231 = arith.constant 0 : i32
      %dma_start3A_232 = tpu.memref_slice %arg6[%dma_start3A_229, %dma_start3A_230, %dma_start3A_231] : memref<6x128x128xf32, #tpu.memory_space<vmem>> -> memref<1x128x128xf32, #tpu.memory_space<vmem>>
      %dma_start3A_233 = tpu.memref_squeeze %dma_start3A_232 : memref<1x128x128xf32, #tpu.memory_space<vmem>> -> memref<128x128xf32, #tpu.memory_space<vmem>>
      %dma_start3A_234 = arith.constant 1024 : i32
      %dma_start3A_235 = tpu.memref_slice %arg5[%dma_start3A_234] : memref<3128xi32, #tpu.memory_space<vmem>> -> memref<128xi32, #tpu.memory_space<vmem>>
      %dma_start3A_236 = arith.constant 0 : i32
      %dma_start3A_237 = arith.constant 0 : i32
      %dma_start3A_238 = tpu.memref_slice %arg3[%dma_start3A_236, %dma_start3A_237] : memref<50000x128xf32, #tpu.memory_space<hbm>> -> memref<50000x128xf32, #tpu.memory_space<hbm>>
      tpu.enqueue_indirect_dma source(%dma_start3A_238 : memref<50000x128xf32, #tpu.memory_space<hbm>>) target(%dma_start3A_233 : memref<128x128xf32, #tpu.memory_space<vmem>>) offsets(%dma_start3A_235 : memref<128xi32, #tpu.memory_space<vmem>>) semaphore(%arg9 : memref<!tpu.dma_semaphore, #tpu.memory_space<semaphore_mem>>)
      %dma_wait3A_239 = arith.constant 4 : i32
      %dma_wait3A_240 = arith.constant 0 : i32
      %dma_wait3A_241 = arith.constant 0 : i32
      %dma_wait3A_242 = tpu.memref_slice %arg6[%dma_wait3A_239, %dma_wait3A_240, %dma_wait3A_241] : memref<6x128x128xf32, #tpu.memory_space<vmem>> -> memref<1x128x128xf32, #tpu.memory_space<vmem>>
      %dma_wait3A_243 = tpu.memref_squeeze %dma_wait3A_242 : memref<1x128x128xf32, #tpu.memory_space<vmem>> -> memref<128x128xf32, #tpu.memory_space<vmem>>
      %dma_wait3A_244 = arith.constant 512 : i32
      %dma_wait3A_245 = tpu.memref_slice %arg5[%dma_wait3A_244] : memref<3128xi32, #tpu.memory_space<vmem>> -> memref<128xi32, #tpu.memory_space<vmem>>
      %dma_wait3A_246 = arith.constant 0 : i32
      %dma_wait3A_247 = arith.constant 0 : i32
      %dma_wait3A_248 = tpu.memref_slice %arg3[%dma_wait3A_246, %dma_wait3A_247] : memref<50000x128xf32, #tpu.memory_space<hbm>> -> memref<50000x128xf32, #tpu.memory_space<hbm>>
      tpu.wait_indirect_dma semaphore(%arg11 : memref<!tpu.dma_semaphore, #tpu.memory_space<semaphore_mem>>) src(%dma_wait3A_248 : memref<50000x128xf32, #tpu.memory_space<hbm>>) dst(%dma_wait3A_243 : memref<128x128xf32, #tpu.memory_space<vmem>>)
      %add3A_249 = arith.constant 512 : i32
      %add3A_250 = arith.addi %add3A_11, %add3A_249 : i32
      %dma_start3A_251 = arith.constant 4 : i32
      %dma_start3A_252 = arith.constant 0 : i32
      %dma_start3A_253 = arith.constant 0 : i32
      %dma_start3A_254 = tpu.memref_slice %arg6[%dma_start3A_251, %dma_start3A_252, %dma_start3A_253] : memref<6x128x128xf32, #tpu.memory_space<vmem>> -> memref<1x128x128xf32, #tpu.memory_space<vmem>>
      %dma_start3A_255 = tpu.memref_squeeze %dma_start3A_254 : memref<1x128x128xf32, #tpu.memory_space<vmem>> -> memref<128x128xf32, #tpu.memory_space<vmem>>
      %dma_start3A_256 = arith.constant 0 : i32
      %dma_start3A_257 = tpu.memref_slice %arg4[%add3A_250, %dma_start3A_256] : memref<100000x128xf32, #tpu.memory_space<hbm>> -> memref<128x128xf32, #tpu.memory_space<hbm>>
      %dma_start3A_258 = arith.constant 0 : i32
      %dma_start3A_259 = tpu.memref_slice %arg4[%add3A_250, %dma_start3A_258] : memref<100000x128xf32, #tpu.memory_space<hbm>> -> memref<128x128xf32, #tpu.memory_space<hbm>>
      %dma_start3A_260 = arith.constant 0 : i32
      %dma_start3A_261 = arith.constant 0 : i32
      %dma_start3A_262 = tpu.memref_slice %arg6[%dma_start3A_251, %dma_start3A_260, %dma_start3A_261] : memref<6x128x128xf32, #tpu.memory_space<vmem>> -> memref<1x128x128xf32, #tpu.memory_space<vmem>>
      %dma_start3A_263 = tpu.memref_squeeze %dma_start3A_262 : memref<1x128x128xf32, #tpu.memory_space<vmem>> -> memref<128x128xf32, #tpu.memory_space<vmem>>
      tpu.enqueue_dma source(%dma_start3A_263 : memref<128x128xf32, #tpu.memory_space<vmem>>) target(%dma_start3A_259 : memref<128x128xf32, #tpu.memory_space<hbm>>) target_semaphore(%arg17 : memref<!tpu.dma_semaphore, #tpu.memory_space<semaphore_mem>>)
      %dma_wait3A_264 = arith.constant 3 : i32
      %dma_wait3A_265 = arith.constant 0 : i32
      %dma_wait3A_266 = arith.constant 0 : i32
      %dma_wait3A_267 = tpu.memref_slice %arg6[%dma_wait3A_264, %dma_wait3A_265, %dma_wait3A_266] : memref<6x128x128xf32, #tpu.memory_space<vmem>> -> memref<1x128x128xf32, #tpu.memory_space<vmem>>
      %dma_wait3A_268 = tpu.memref_squeeze %dma_wait3A_267 : memref<1x128x128xf32, #tpu.memory_space<vmem>> -> memref<128x128xf32, #tpu.memory_space<vmem>>
      %dma_wait3A_269 = arith.constant 0 : i32
      %dma_wait3A_270 = tpu.memref_slice %arg4[%add3A_202, %dma_wait3A_269] : memref<100000x128xf32, #tpu.memory_space<hbm>> -> memref<128x128xf32, #tpu.memory_space<hbm>>
      %dma_wait3A_271 = arith.constant 0 : i32
      %dma_wait3A_272 = tpu.memref_slice %arg4[%add3A_202, %dma_wait3A_271] : memref<100000x128xf32, #tpu.memory_space<hbm>> -> memref<128x128xf32, #tpu.memory_space<hbm>>
      %dma_wait3A_273 = arith.constant 0 : i32
      %dma_wait3A_274 = arith.constant 0 : i32
      %dma_wait3A_275 = tpu.memref_slice %arg6[%dma_wait3A_264, %dma_wait3A_273, %dma_wait3A_274] : memref<6x128x128xf32, #tpu.memory_space<vmem>> -> memref<1x128x128xf32, #tpu.memory_space<vmem>>
      %dma_wait3A_276 = tpu.memref_squeeze %dma_wait3A_275 : memref<1x128x128xf32, #tpu.memory_space<vmem>> -> memref<128x128xf32, #tpu.memory_space<vmem>>
      tpu.wait_dma2 semaphore(%arg16 : memref<!tpu.dma_semaphore, #tpu.memory_space<semaphore_mem>>) src(%dma_wait3A_276 : memref<128x128xf32, #tpu.memory_space<vmem>>) dst(%dma_wait3A_272 : memref<128x128xf32, #tpu.memory_space<hbm>>)
      %dma_start3A_277 = arith.constant 3 : i32
      %dma_start3A_278 = arith.constant 0 : i32
      %dma_start3A_279 = arith.constant 0 : i32
      %dma_start3A_280 = tpu.memref_slice %arg6[%dma_start3A_277, %dma_start3A_278, %dma_start3A_279] : memref<6x128x128xf32, #tpu.memory_space<vmem>> -> memref<1x128x128xf32, #tpu.memory_space<vmem>>
      %dma_start3A_281 = tpu.memref_squeeze %dma_start3A_280 : memref<1x128x128xf32, #tpu.memory_space<vmem>> -> memref<128x128xf32, #tpu.memory_space<vmem>>
      %dma_start3A_282 = arith.constant 1152 : i32
      %dma_start3A_283 = tpu.memref_slice %arg5[%dma_start3A_282] : memref<3128xi32, #tpu.memory_space<vmem>> -> memref<128xi32, #tpu.memory_space<vmem>>
      %dma_start3A_284 = arith.constant 0 : i32
      %dma_start3A_285 = arith.constant 0 : i32
      %dma_start3A_286 = tpu.memref_slice %arg3[%dma_start3A_284, %dma_start3A_285] : memref<50000x128xf32, #tpu.memory_space<hbm>> -> memref<50000x128xf32, #tpu.memory_space<hbm>>
      tpu.enqueue_indirect_dma source(%dma_start3A_286 : memref<50000x128xf32, #tpu.memory_space<hbm>>) target(%dma_start3A_281 : memref<128x128xf32, #tpu.memory_space<vmem>>) offsets(%dma_start3A_283 : memref<128xi32, #tpu.memory_space<vmem>>) semaphore(%arg10 : memref<!tpu.dma_semaphore, #tpu.memory_space<semaphore_mem>>)
      %dma_wait3A_287 = arith.constant 5 : i32
      %dma_wait3A_288 = arith.constant 0 : i32
      %dma_wait3A_289 = arith.constant 0 : i32
      %dma_wait3A_290 = tpu.memref_slice %arg6[%dma_wait3A_287, %dma_wait3A_288, %dma_wait3A_289] : memref<6x128x128xf32, #tpu.memory_space<vmem>> -> memref<1x128x128xf32, #tpu.memory_space<vmem>>
      %dma_wait3A_291 = tpu.memref_squeeze %dma_wait3A_290 : memref<1x128x128xf32, #tpu.memory_space<vmem>> -> memref<128x128xf32, #tpu.memory_space<vmem>>
      %dma_wait3A_292 = arith.constant 640 : i32
      %dma_wait3A_293 = tpu.memref_slice %arg5[%dma_wait3A_292] : memref<3128xi32, #tpu.memory_space<vmem>> -> memref<128xi32, #tpu.memory_space<vmem>>
      %dma_wait3A_294 = arith.constant 0 : i32
      %dma_wait3A_295 = arith.constant 0 : i32
      %dma_wait3A_296 = tpu.memref_slice %arg3[%dma_wait3A_294, %dma_wait3A_295] : memref<50000x128xf32, #tpu.memory_space<hbm>> -> memref<50000x128xf32, #tpu.memory_space<hbm>>
      tpu.wait_indirect_dma semaphore(%arg12 : memref<!tpu.dma_semaphore, #tpu.memory_space<semaphore_mem>>) src(%dma_wait3A_296 : memref<50000x128xf32, #tpu.memory_space<hbm>>) dst(%dma_wait3A_291 : memref<128x128xf32, #tpu.memory_space<vmem>>)
      %add3A_297 = arith.constant 640 : i32
      %add3A_298 = arith.addi %add3A_11, %add3A_297 : i32
      %dma_start3A_299 = arith.constant 5 : i32
      %dma_start3A_300 = arith.constant 0 : i32
      %dma_start3A_301 = arith.constant 0 : i32
      %dma_start3A_302 = tpu.memref_slice %arg6[%dma_start3A_299, %dma_start3A_300, %dma_start3A_301] : memref<6x128x128xf32, #tpu.memory_space<vmem>> -> memref<1x128x128xf32, #tpu.memory_space<vmem>>
      %dma_start3A_303 = tpu.memref_squeeze %dma_start3A_302 : memref<1x128x128xf32, #tpu.memory_space<vmem>> -> memref<128x128xf32, #tpu.memory_space<vmem>>
      %dma_start3A_304 = arith.constant 0 : i32
      %dma_start3A_305 = tpu.memref_slice %arg4[%add3A_298, %dma_start3A_304] : memref<100000x128xf32, #tpu.memory_space<hbm>> -> memref<128x128xf32, #tpu.memory_space<hbm>>
      %dma_start3A_306 = arith.constant 0 : i32
      %dma_start3A_307 = tpu.memref_slice %arg4[%add3A_298, %dma_start3A_306] : memref<100000x128xf32, #tpu.memory_space<hbm>> -> memref<128x128xf32, #tpu.memory_space<hbm>>
      %dma_start3A_308 = arith.constant 0 : i32
      %dma_start3A_309 = arith.constant 0 : i32
      %dma_start3A_310 = tpu.memref_slice %arg6[%dma_start3A_299, %dma_start3A_308, %dma_start3A_309] : memref<6x128x128xf32, #tpu.memory_space<vmem>> -> memref<1x128x128xf32, #tpu.memory_space<vmem>>
      %dma_start3A_311 = tpu.memref_squeeze %dma_start3A_310 : memref<1x128x128xf32, #tpu.memory_space<vmem>> -> memref<128x128xf32, #tpu.memory_space<vmem>>
      tpu.enqueue_dma source(%dma_start3A_311 : memref<128x128xf32, #tpu.memory_space<vmem>>) target(%dma_start3A_307 : memref<128x128xf32, #tpu.memory_space<hbm>>) target_semaphore(%arg18 : memref<!tpu.dma_semaphore, #tpu.memory_space<semaphore_mem>>)
      %dma_wait3A_312 = arith.constant 4 : i32
      %dma_wait3A_313 = arith.constant 0 : i32
      %dma_wait3A_314 = arith.constant 0 : i32
      %dma_wait3A_315 = tpu.memref_slice %arg6[%dma_wait3A_312, %dma_wait3A_313, %dma_wait3A_314] : memref<6x128x128xf32, #tpu.memory_space<vmem>> -> memref<1x128x128xf32, #tpu.memory_space<vmem>>
      %dma_wait3A_316 = tpu.memref_squeeze %dma_wait3A_315 : memref<1x128x128xf32, #tpu.memory_space<vmem>> -> memref<128x128xf32, #tpu.memory_space<vmem>>
      %dma_wait3A_317 = arith.constant 0 : i32
      %dma_wait3A_318 = tpu.memref_slice %arg4[%add3A_250, %dma_wait3A_317] : memref<100000x128xf32, #tpu.memory_space<hbm>> -> memref<128x128xf32, #tpu.memory_space<hbm>>
      %dma_wait3A_319 = arith.constant 0 : i32
      %dma_wait3A_320 = tpu.memref_slice %arg4[%add3A_250, %dma_wait3A_319] : memref<100000x128xf32, #tpu.memory_space<hbm>> -> memref<128x128xf32, #tpu.memory_space<hbm>>
      %dma_wait3A_321 = arith.constant 0 : i32
      %dma_wait3A_322 = arith.constant 0 : i32
      %dma_wait3A_323 = tpu.memref_slice %arg6[%dma_wait3A_312, %dma_wait3A_321, %dma_wait3A_322] : memref<6x128x128xf32, #tpu.memory_space<vmem>> -> memref<1x128x128xf32, #tpu.memory_space<vmem>>
      %dma_wait3A_324 = tpu.memref_squeeze %dma_wait3A_323 : memref<1x128x128xf32, #tpu.memory_space<vmem>> -> memref<128x128xf32, #tpu.memory_space<vmem>>
      tpu.wait_dma2 semaphore(%arg17 : memref<!tpu.dma_semaphore, #tpu.memory_space<semaphore_mem>>) src(%dma_wait3A_324 : memref<128x128xf32, #tpu.memory_space<vmem>>) dst(%dma_wait3A_320 : memref<128x128xf32, #tpu.memory_space<hbm>>)
      %dma_start3A_325 = arith.constant 4 : i32
      %dma_start3A_326 = arith.constant 0 : i32
      %dma_start3A_327 = arith.constant 0 : i32
      %dma_start3A_328 = tpu.memref_slice %arg6[%dma_start3A_325, %dma_start3A_326, %dma_start3A_327] : memref<6x128x128xf32, #tpu.memory_space<vmem>> -> memref<1x128x128xf32, #tpu.memory_space<vmem>>
      %dma_start3A_329 = tpu.memref_squeeze %dma_start3A_328 : memref<1x128x128xf32, #tpu.memory_space<vmem>> -> memref<128x128xf32, #tpu.memory_space<vmem>>
      %dma_start3A_330 = arith.constant 1280 : i32
      %dma_start3A_331 = tpu.memref_slice %arg5[%dma_start3A_330] : memref<3128xi32, #tpu.memory_space<vmem>> -> memref<128xi32, #tpu.memory_space<vmem>>
      %dma_start3A_332 = arith.constant 0 : i32
      %dma_start3A_333 = arith.constant 0 : i32
      %dma_start3A_334 = tpu.memref_slice %arg3[%dma_start3A_332, %dma_start3A_333] : memref<50000x128xf32, #tpu.memory_space<hbm>> -> memref<50000x128xf32, #tpu.memory_space<hbm>>
      tpu.enqueue_indirect_dma source(%dma_start3A_334 : memref<50000x128xf32, #tpu.memory_space<hbm>>) target(%dma_start3A_329 : memref<128x128xf32, #tpu.memory_space<vmem>>) offsets(%dma_start3A_331 : memref<128xi32, #tpu.memory_space<vmem>>) semaphore(%arg11 : memref<!tpu.dma_semaphore, #tpu.memory_space<semaphore_mem>>)
      %dma_wait3A_335 = arith.constant 0 : i32
      %dma_wait3A_336 = arith.constant 0 : i32
      %dma_wait3A_337 = arith.constant 0 : i32
      %dma_wait3A_338 = tpu.memref_slice %arg6[%dma_wait3A_335, %dma_wait3A_336, %dma_wait3A_337] : memref<6x128x128xf32, #tpu.memory_space<vmem>> -> memref<1x128x128xf32, #tpu.memory_space<vmem>>
      %dma_wait3A_339 = tpu.memref_squeeze %dma_wait3A_338 : memref<1x128x128xf32, #tpu.memory_space<vmem>> -> memref<128x128xf32, #tpu.memory_space<vmem>>
      %dma_wait3A_340 = arith.constant 768 : i32
      %dma_wait3A_341 = tpu.memref_slice %arg5[%dma_wait3A_340] : memref<3128xi32, #tpu.memory_space<vmem>> -> memref<128xi32, #tpu.memory_space<vmem>>
      %dma_wait3A_342 = arith.constant 0 : i32
      %dma_wait3A_343 = arith.constant 0 : i32
      %dma_wait3A_344 = tpu.memref_slice %arg3[%dma_wait3A_342, %dma_wait3A_343] : memref<50000x128xf32, #tpu.memory_space<hbm>> -> memref<50000x128xf32, #tpu.memory_space<hbm>>
      tpu.wait_indirect_dma semaphore(%arg7 : memref<!tpu.dma_semaphore, #tpu.memory_space<semaphore_mem>>) src(%dma_wait3A_344 : memref<50000x128xf32, #tpu.memory_space<hbm>>) dst(%dma_wait3A_339 : memref<128x128xf32, #tpu.memory_space<vmem>>)
      %add3A_345 = arith.constant 768 : i32
      %add3A_346 = arith.addi %add3A_11, %add3A_345 : i32
      %dma_start3A_347 = arith.constant 0 : i32
      %dma_start3A_348 = arith.constant 0 : i32
      %dma_start3A_349 = arith.constant 0 : i32
      %dma_start3A_350 = tpu.memref_slice %arg6[%dma_start3A_347, %dma_start3A_348, %dma_start3A_349] : memref<6x128x128xf32, #tpu.memory_space<vmem>> -> memref<1x128x128xf32, #tpu.memory_space<vmem>>
      %dma_start3A_351 = tpu.memref_squeeze %dma_start3A_350 : memref<1x128x128xf32, #tpu.memory_space<vmem>> -> memref<128x128xf32, #tpu.memory_space<vmem>>
      %dma_start3A_352 = arith.constant 0 : i32
      %dma_start3A_353 = tpu.memref_slice %arg4[%add3A_346, %dma_start3A_352] : memref<100000x128xf32, #tpu.memory_space<hbm>> -> memref<128x128xf32, #tpu.memory_space<hbm>>
      %dma_start3A_354 = arith.constant 0 : i32
      %dma_start3A_355 = tpu.memref_slice %arg4[%add3A_346, %dma_start3A_354] : memref<100000x128xf32, #tpu.memory_space<hbm>> -> memref<128x128xf32, #tpu.memory_space<hbm>>
      %dma_start3A_356 = arith.constant 0 : i32
      %dma_start3A_357 = arith.constant 0 : i32
      %dma_start3A_358 = tpu.memref_slice %arg6[%dma_start3A_347, %dma_start3A_356, %dma_start3A_357] : memref<6x128x128xf32, #tpu.memory_space<vmem>> -> memref<1x128x128xf32, #tpu.memory_space<vmem>>
      %dma_start3A_359 = tpu.memref_squeeze %dma_start3A_358 : memref<1x128x128xf32, #tpu.memory_space<vmem>> -> memref<128x128xf32, #tpu.memory_space<vmem>>
      tpu.enqueue_dma source(%dma_start3A_359 : memref<128x128xf32, #tpu.memory_space<vmem>>) target(%dma_start3A_355 : memref<128x128xf32, #tpu.memory_space<hbm>>) target_semaphore(%arg13 : memref<!tpu.dma_semaphore, #tpu.memory_space<semaphore_mem>>)
      %dma_wait3A_360 = arith.constant 5 : i32
      %dma_wait3A_361 = arith.constant 0 : i32
      %dma_wait3A_362 = arith.constant 0 : i32
      %dma_wait3A_363 = tpu.memref_slice %arg6[%dma_wait3A_360, %dma_wait3A_361, %dma_wait3A_362] : memref<6x128x128xf32, #tpu.memory_space<vmem>> -> memref<1x128x128xf32, #tpu.memory_space<vmem>>
      %dma_wait3A_364 = tpu.memref_squeeze %dma_wait3A_363 : memref<1x128x128xf32, #tpu.memory_space<vmem>> -> memref<128x128xf32, #tpu.memory_space<vmem>>
      %dma_wait3A_365 = arith.constant 0 : i32
      %dma_wait3A_366 = tpu.memref_slice %arg4[%add3A_298, %dma_wait3A_365] : memref<100000x128xf32, #tpu.memory_space<hbm>> -> memref<128x128xf32, #tpu.memory_space<hbm>>
      %dma_wait3A_367 = arith.constant 0 : i32
      %dma_wait3A_368 = tpu.memref_slice %arg4[%add3A_298, %dma_wait3A_367] : memref<100000x128xf32, #tpu.memory_space<hbm>> -> memref<128x128xf32, #tpu.memory_space<hbm>>
      %dma_wait3A_369 = arith.constant 0 : i32
      %dma_wait3A_370 = arith.constant 0 : i32
      %dma_wait3A_371 = tpu.memref_slice %arg6[%dma_wait3A_360, %dma_wait3A_369, %dma_wait3A_370] : memref<6x128x128xf32, #tpu.memory_space<vmem>> -> memref<1x128x128xf32, #tpu.memory_space<vmem>>
      %dma_wait3A_372 = tpu.memref_squeeze %dma_wait3A_371 : memref<1x128x128xf32, #tpu.memory_space<vmem>> -> memref<128x128xf32, #tpu.memory_space<vmem>>
      tpu.wait_dma2 semaphore(%arg18 : memref<!tpu.dma_semaphore, #tpu.memory_space<semaphore_mem>>) src(%dma_wait3A_372 : memref<128x128xf32, #tpu.memory_space<vmem>>) dst(%dma_wait3A_368 : memref<128x128xf32, #tpu.memory_space<hbm>>)
      %dma_start3A_373 = arith.constant 5 : i32
      %dma_start3A_374 = arith.constant 0 : i32
      %dma_start3A_375 = arith.constant 0 : i32
      %dma_start3A_376 = tpu.memref_slice %arg6[%dma_start3A_373, %dma_start3A_374, %dma_start3A_375] : memref<6x128x128xf32, #tpu.memory_space<vmem>> -> memref<1x128x128xf32, #tpu.memory_space<vmem>>
      %dma_start3A_377 = tpu.memref_squeeze %dma_start3A_376 : memref<1x128x128xf32, #tpu.memory_space<vmem>> -> memref<128x128xf32, #tpu.memory_space<vmem>>
      %dma_start3A_378 = arith.constant 1408 : i32
      %dma_start3A_379 = tpu.memref_slice %arg5[%dma_start3A_378] : memref<3128xi32, #tpu.memory_space<vmem>> -> memref<128xi32, #tpu.memory_space<vmem>>
      %dma_start3A_380 = arith.constant 0 : i32
      %dma_start3A_381 = arith.constant 0 : i32
      %dma_start3A_382 = tpu.memref_slice %arg3[%dma_start3A_380, %dma_start3A_381] : memref<50000x128xf32, #tpu.memory_space<hbm>> -> memref<50000x128xf32, #tpu.memory_space<hbm>>
      tpu.enqueue_indirect_dma source(%dma_start3A_382 : memref<50000x128xf32, #tpu.memory_space<hbm>>) target(%dma_start3A_377 : memref<128x128xf32, #tpu.memory_space<vmem>>) offsets(%dma_start3A_379 : memref<128xi32, #tpu.memory_space<vmem>>) semaphore(%arg12 : memref<!tpu.dma_semaphore, #tpu.memory_space<semaphore_mem>>)
      %dma_wait3A_383 = arith.constant 1 : i32
      %dma_wait3A_384 = arith.constant 0 : i32
      %dma_wait3A_385 = arith.constant 0 : i32
      %dma_wait3A_386 = tpu.memref_slice %arg6[%dma_wait3A_383, %dma_wait3A_384, %dma_wait3A_385] : memref<6x128x128xf32, #tpu.memory_space<vmem>> -> memref<1x128x128xf32, #tpu.memory_space<vmem>>
      %dma_wait3A_387 = tpu.memref_squeeze %dma_wait3A_386 : memref<1x128x128xf32, #tpu.memory_space<vmem>> -> memref<128x128xf32, #tpu.memory_space<vmem>>
      %dma_wait3A_388 = arith.constant 896 : i32
      %dma_wait3A_389 = tpu.memref_slice %arg5[%dma_wait3A_388] : memref<3128xi32, #tpu.memory_space<vmem>> -> memref<128xi32, #tpu.memory_space<vmem>>
      %dma_wait3A_390 = arith.constant 0 : i32
      %dma_wait3A_391 = arith.constant 0 : i32
      %dma_wait3A_392 = tpu.memref_slice %arg3[%dma_wait3A_390, %dma_wait3A_391] : memref<50000x128xf32, #tpu.memory_space<hbm>> -> memref<50000x128xf32, #tpu.memory_space<hbm>>
      tpu.wait_indirect_dma semaphore(%arg8 : memref<!tpu.dma_semaphore, #tpu.memory_space<semaphore_mem>>) src(%dma_wait3A_392 : memref<50000x128xf32, #tpu.memory_space<hbm>>) dst(%dma_wait3A_387 : memref<128x128xf32, #tpu.memory_space<vmem>>)
      %add3A_393 = arith.constant 896 : i32
      %add3A_394 = arith.addi %add3A_11, %add3A_393 : i32
      %dma_start3A_395 = arith.constant 1 : i32
      %dma_start3A_396 = arith.constant 0 : i32
      %dma_start3A_397 = arith.constant 0 : i32
      %dma_start3A_398 = tpu.memref_slice %arg6[%dma_start3A_395, %dma_start3A_396, %dma_start3A_397] : memref<6x128x128xf32, #tpu.memory_space<vmem>> -> memref<1x128x128xf32, #tpu.memory_space<vmem>>
      %dma_start3A_399 = tpu.memref_squeeze %dma_start3A_398 : memref<1x128x128xf32, #tpu.memory_space<vmem>> -> memref<128x128xf32, #tpu.memory_space<vmem>>
      %dma_start3A_400 = arith.constant 0 : i32
      %dma_start3A_401 = tpu.memref_slice %arg4[%add3A_394, %dma_start3A_400] : memref<100000x128xf32, #tpu.memory_space<hbm>> -> memref<128x128xf32, #tpu.memory_space<hbm>>
      %dma_start3A_402 = arith.constant 0 : i32
      %dma_start3A_403 = tpu.memref_slice %arg4[%add3A_394, %dma_start3A_402] : memref<100000x128xf32, #tpu.memory_space<hbm>> -> memref<128x128xf32, #tpu.memory_space<hbm>>
      %dma_start3A_404 = arith.constant 0 : i32
      %dma_start3A_405 = arith.constant 0 : i32
      %dma_start3A_406 = tpu.memref_slice %arg6[%dma_start3A_395, %dma_start3A_404, %dma_start3A_405] : memref<6x128x128xf32, #tpu.memory_space<vmem>> -> memref<1x128x128xf32, #tpu.memory_space<vmem>>
      %dma_start3A_407 = tpu.memref_squeeze %dma_start3A_406 : memref<1x128x128xf32, #tpu.memory_space<vmem>> -> memref<128x128xf32, #tpu.memory_space<vmem>>
      tpu.enqueue_dma source(%dma_start3A_407 : memref<128x128xf32, #tpu.memory_space<vmem>>) target(%dma_start3A_403 : memref<128x128xf32, #tpu.memory_space<hbm>>) target_semaphore(%arg14 : memref<!tpu.dma_semaphore, #tpu.memory_space<semaphore_mem>>)
      %dma_wait3A_408 = arith.constant 0 : i32
      %dma_wait3A_409 = arith.constant 0 : i32
      %dma_wait3A_410 = arith.constant 0 : i32
      %dma_wait3A_411 = tpu.memref_slice %arg6[%dma_wait3A_408, %dma_wait3A_409, %dma_wait3A_410] : memref<6x128x128xf32, #tpu.memory_space<vmem>> -> memref<1x128x128xf32, #tpu.memory_space<vmem>>
      %dma_wait3A_412 = tpu.memref_squeeze %dma_wait3A_411 : memref<1x128x128xf32, #tpu.memory_space<vmem>> -> memref<128x128xf32, #tpu.memory_space<vmem>>
      %dma_wait3A_413 = arith.constant 0 : i32
      %dma_wait3A_414 = tpu.memref_slice %arg4[%add3A_346, %dma_wait3A_413] : memref<100000x128xf32, #tpu.memory_space<hbm>> -> memref<128x128xf32, #tpu.memory_space<hbm>>
      %dma_wait3A_415 = arith.constant 0 : i32
      %dma_wait3A_416 = tpu.memref_slice %arg4[%add3A_346, %dma_wait3A_415] : memref<100000x128xf32, #tpu.memory_space<hbm>> -> memref<128x128xf32, #tpu.memory_space<hbm>>
      %dma_wait3A_417 = arith.constant 0 : i32
      %dma_wait3A_418 = arith.constant 0 : i32
      %dma_wait3A_419 = tpu.memref_slice %arg6[%dma_wait3A_408, %dma_wait3A_417, %dma_wait3A_418] : memref<6x128x128xf32, #tpu.memory_space<vmem>> -> memref<1x128x128xf32, #tpu.memory_space<vmem>>
      %dma_wait3A_420 = tpu.memref_squeeze %dma_wait3A_419 : memref<1x128x128xf32, #tpu.memory_space<vmem>> -> memref<128x128xf32, #tpu.memory_space<vmem>>
      tpu.wait_dma2 semaphore(%arg13 : memref<!tpu.dma_semaphore, #tpu.memory_space<semaphore_mem>>) src(%dma_wait3A_420 : memref<128x128xf32, #tpu.memory_space<vmem>>) dst(%dma_wait3A_416 : memref<128x128xf32, #tpu.memory_space<hbm>>)
      %dma_start3A_421 = arith.constant 0 : i32
      %dma_start3A_422 = arith.constant 0 : i32
      %dma_start3A_423 = arith.constant 0 : i32
      %dma_start3A_424 = tpu.memref_slice %arg6[%dma_start3A_421, %dma_start3A_422, %dma_start3A_423] : memref<6x128x128xf32, #tpu.memory_space<vmem>> -> memref<1x128x128xf32, #tpu.memory_space<vmem>>
      %dma_start3A_425 = tpu.memref_squeeze %dma_start3A_424 : memref<1x128x128xf32, #tpu.memory_space<vmem>> -> memref<128x128xf32, #tpu.memory_space<vmem>>
      %dma_start3A_426 = arith.constant 1536 : i32
      %dma_start3A_427 = tpu.memref_slice %arg5[%dma_start3A_426] : memref<3128xi32, #tpu.memory_space<vmem>> -> memref<128xi32, #tpu.memory_space<vmem>>
      %dma_start3A_428 = arith.constant 0 : i32
      %dma_start3A_429 = arith.constant 0 : i32
      %dma_start3A_430 = tpu.memref_slice %arg3[%dma_start3A_428, %dma_start3A_429] : memref<50000x128xf32, #tpu.memory_space<hbm>> -> memref<50000x128xf32, #tpu.memory_space<hbm>>
      tpu.enqueue_indirect_dma source(%dma_start3A_430 : memref<50000x128xf32, #tpu.memory_space<hbm>>) target(%dma_start3A_425 : memref<128x128xf32, #tpu.memory_space<vmem>>) offsets(%dma_start3A_427 : memref<128xi32, #tpu.memory_space<vmem>>) semaphore(%arg7 : memref<!tpu.dma_semaphore, #tpu.memory_space<semaphore_mem>>)
      %dma_wait3A_431 = arith.constant 2 : i32
      %dma_wait3A_432 = arith.constant 0 : i32
      %dma_wait3A_433 = arith.constant 0 : i32
      %dma_wait3A_434 = tpu.memref_slice %arg6[%dma_wait3A_431, %dma_wait3A_432, %dma_wait3A_433] : memref<6x128x128xf32, #tpu.memory_space<vmem>> -> memref<1x128x128xf32, #tpu.memory_space<vmem>>
      %dma_wait3A_435 = tpu.memref_squeeze %dma_wait3A_434 : memref<1x128x128xf32, #tpu.memory_space<vmem>> -> memref<128x128xf32, #tpu.memory_space<vmem>>
      %dma_wait3A_436 = arith.constant 1024 : i32
      %dma_wait3A_437 = tpu.memref_slice %arg5[%dma_wait3A_436] : memref<3128xi32, #tpu.memory_space<vmem>> -> memref<128xi32, #tpu.memory_space<vmem>>
      %dma_wait3A_438 = arith.constant 0 : i32
      %dma_wait3A_439 = arith.constant 0 : i32
      %dma_wait3A_440 = tpu.memref_slice %arg3[%dma_wait3A_438, %dma_wait3A_439] : memref<50000x128xf32, #tpu.memory_space<hbm>> -> memref<50000x128xf32, #tpu.memory_space<hbm>>
      tpu.wait_indirect_dma semaphore(%arg9 : memref<!tpu.dma_semaphore, #tpu.memory_space<semaphore_mem>>) src(%dma_wait3A_440 : memref<50000x128xf32, #tpu.memory_space<hbm>>) dst(%dma_wait3A_435 : memref<128x128xf32, #tpu.memory_space<vmem>>)
      %add3A_441 = arith.constant 1024 : i32
      %add3A_442 = arith.addi %add3A_11, %add3A_441 : i32
      %dma_start3A_443 = arith.constant 2 : i32
      %dma_start3A_444 = arith.constant 0 : i32
      %dma_start3A_445 = arith.constant 0 : i32
      %dma_start3A_446 = tpu.memref_slice %arg6[%dma_start3A_443, %dma_start3A_444, %dma_start3A_445] : memref<6x128x128xf32, #tpu.memory_space<vmem>> -> memref<1x128x128xf32, #tpu.memory_space<vmem>>
      %dma_start3A_447 = tpu.memref_squeeze %dma_start3A_446 : memref<1x128x128xf32, #tpu.memory_space<vmem>> -> memref<128x128xf32, #tpu.memory_space<vmem>>
      %dma_start3A_448 = arith.constant 0 : i32
      %dma_start3A_449 = tpu.memref_slice %arg4[%add3A_442, %dma_start3A_448] : memref<100000x128xf32, #tpu.memory_space<hbm>> -> memref<128x128xf32, #tpu.memory_space<hbm>>
      %dma_start3A_450 = arith.constant 0 : i32
      %dma_start3A_451 = tpu.memref_slice %arg4[%add3A_442, %dma_start3A_450] : memref<100000x128xf32, #tpu.memory_space<hbm>> -> memref<128x128xf32, #tpu.memory_space<hbm>>
      %dma_start3A_452 = arith.constant 0 : i32
      %dma_start3A_453 = arith.constant 0 : i32
      %dma_start3A_454 = tpu.memref_slice %arg6[%dma_start3A_443, %dma_start3A_452, %dma_start3A_453] : memref<6x128x128xf32, #tpu.memory_space<vmem>> -> memref<1x128x128xf32, #tpu.memory_space<vmem>>
      %dma_start3A_455 = tpu.memref_squeeze %dma_start3A_454 : memref<1x128x128xf32, #tpu.memory_space<vmem>> -> memref<128x128xf32, #tpu.memory_space<vmem>>
      tpu.enqueue_dma source(%dma_start3A_455 : memref<128x128xf32, #tpu.memory_space<vmem>>) target(%dma_start3A_451 : memref<128x128xf32, #tpu.memory_space<hbm>>) target_semaphore(%arg15 : memref<!tpu.dma_semaphore, #tpu.memory_space<semaphore_mem>>)
      %dma_wait3A_456 = arith.constant 1 : i32
      %dma_wait3A_457 = arith.constant 0 : i32
      %dma_wait3A_458 = arith.constant 0 : i32
      %dma_wait3A_459 = tpu.memref_slice %arg6[%dma_wait3A_456, %dma_wait3A_457, %dma_wait3A_458] : memref<6x128x128xf32, #tpu.memory_space<vmem>> -> memref<1x128x128xf32, #tpu.memory_space<vmem>>
      %dma_wait3A_460 = tpu.memref_squeeze %dma_wait3A_459 : memref<1x128x128xf32, #tpu.memory_space<vmem>> -> memref<128x128xf32, #tpu.memory_space<vmem>>
      %dma_wait3A_461 = arith.constant 0 : i32
      %dma_wait3A_462 = tpu.memref_slice %arg4[%add3A_394, %dma_wait3A_461] : memref<100000x128xf32, #tpu.memory_space<hbm>> -> memref<128x128xf32, #tpu.memory_space<hbm>>
      %dma_wait3A_463 = arith.constant 0 : i32
      %dma_wait3A_464 = tpu.memref_slice %arg4[%add3A_394, %dma_wait3A_463] : memref<100000x128xf32, #tpu.memory_space<hbm>> -> memref<128x128xf32, #tpu.memory_space<hbm>>
      %dma_wait3A_465 = arith.constant 0 : i32
      %dma_wait3A_466 = arith.constant 0 : i32
      %dma_wait3A_467 = tpu.memref_slice %arg6[%dma_wait3A_456, %dma_wait3A_465, %dma_wait3A_466] : memref<6x128x128xf32, #tpu.memory_space<vmem>> -> memref<1x128x128xf32, #tpu.memory_space<vmem>>
      %dma_wait3A_468 = tpu.memref_squeeze %dma_wait3A_467 : memref<1x128x128xf32, #tpu.memory_space<vmem>> -> memref<128x128xf32, #tpu.memory_space<vmem>>
      tpu.wait_dma2 semaphore(%arg14 : memref<!tpu.dma_semaphore, #tpu.memory_space<semaphore_mem>>) src(%dma_wait3A_468 : memref<128x128xf32, #tpu.memory_space<vmem>>) dst(%dma_wait3A_464 : memref<128x128xf32, #tpu.memory_space<hbm>>)
      %dma_start3A_469 = arith.constant 1 : i32
      %dma_start3A_470 = arith.constant 0 : i32
      %dma_start3A_471 = arith.constant 0 : i32
      %dma_start3A_472 = tpu.memref_slice %arg6[%dma_start3A_469, %dma_start3A_470, %dma_start3A_471] : memref<6x128x128xf32, #tpu.memory_space<vmem>> -> memref<1x128x128xf32, #tpu.memory_space<vmem>>
      %dma_start3A_473 = tpu.memref_squeeze %dma_start3A_472 : memref<1x128x128xf32, #tpu.memory_space<vmem>> -> memref<128x128xf32, #tpu.memory_space<vmem>>
      %dma_start3A_474 = arith.constant 1664 : i32
      %dma_start3A_475 = tpu.memref_slice %arg5[%dma_start3A_474] : memref<3128xi32, #tpu.memory_space<vmem>> -> memref<128xi32, #tpu.memory_space<vmem>>
      %dma_start3A_476 = arith.constant 0 : i32
      %dma_start3A_477 = arith.constant 0 : i32
      %dma_start3A_478 = tpu.memref_slice %arg3[%dma_start3A_476, %dma_start3A_477] : memref<50000x128xf32, #tpu.memory_space<hbm>> -> memref<50000x128xf32, #tpu.memory_space<hbm>>
      tpu.enqueue_indirect_dma source(%dma_start3A_478 : memref<50000x128xf32, #tpu.memory_space<hbm>>) target(%dma_start3A_473 : memref<128x128xf32, #tpu.memory_space<vmem>>) offsets(%dma_start3A_475 : memref<128xi32, #tpu.memory_space<vmem>>) semaphore(%arg8 : memref<!tpu.dma_semaphore, #tpu.memory_space<semaphore_mem>>)
      %dma_wait3A_479 = arith.constant 3 : i32
      %dma_wait3A_480 = arith.constant 0 : i32
      %dma_wait3A_481 = arith.constant 0 : i32
      %dma_wait3A_482 = tpu.memref_slice %arg6[%dma_wait3A_479, %dma_wait3A_480, %dma_wait3A_481] : memref<6x128x128xf32, #tpu.memory_space<vmem>> -> memref<1x128x128xf32, #tpu.memory_space<vmem>>
      %dma_wait3A_483 = tpu.memref_squeeze %dma_wait3A_482 : memref<1x128x128xf32, #tpu.memory_space<vmem>> -> memref<128x128xf32, #tpu.memory_space<vmem>>
      %dma_wait3A_484 = arith.constant 1152 : i32
      %dma_wait3A_485 = tpu.memref_slice %arg5[%dma_wait3A_484] : memref<3128xi32, #tpu.memory_space<vmem>> -> memref<128xi32, #tpu.memory_space<vmem>>
      %dma_wait3A_486 = arith.constant 0 : i32
      %dma_wait3A_487 = arith.constant 0 : i32
      %dma_wait3A_488 = tpu.memref_slice %arg3[%dma_wait3A_486, %dma_wait3A_487] : memref<50000x128xf32, #tpu.memory_space<hbm>> -> memref<50000x128xf32, #tpu.memory_space<hbm>>
      tpu.wait_indirect_dma semaphore(%arg10 : memref<!tpu.dma_semaphore, #tpu.memory_space<semaphore_mem>>) src(%dma_wait3A_488 : memref<50000x128xf32, #tpu.memory_space<hbm>>) dst(%dma_wait3A_483 : memref<128x128xf32, #tpu.memory_space<vmem>>)
      %add3A_489 = arith.constant 1152 : i32
      %add3A_490 = arith.addi %add3A_11, %add3A_489 : i32
      %dma_start3A_491 = arith.constant 3 : i32
      %dma_start3A_492 = arith.constant 0 : i32
      %dma_start3A_493 = arith.constant 0 : i32
      %dma_start3A_494 = tpu.memref_slice %arg6[%dma_start3A_491, %dma_start3A_492, %dma_start3A_493] : memref<6x128x128xf32, #tpu.memory_space<vmem>> -> memref<1x128x128xf32, #tpu.memory_space<vmem>>
      %dma_start3A_495 = tpu.memref_squeeze %dma_start3A_494 : memref<1x128x128xf32, #tpu.memory_space<vmem>> -> memref<128x128xf32, #tpu.memory_space<vmem>>
      %dma_start3A_496 = arith.constant 0 : i32
      %dma_start3A_497 = tpu.memref_slice %arg4[%add3A_490, %dma_start3A_496] : memref<100000x128xf32, #tpu.memory_space<hbm>> -> memref<128x128xf32, #tpu.memory_space<hbm>>
      %dma_start3A_498 = arith.constant 0 : i32
      %dma_start3A_499 = tpu.memref_slice %arg4[%add3A_490, %dma_start3A_498] : memref<100000x128xf32, #tpu.memory_space<hbm>> -> memref<128x128xf32, #tpu.memory_space<hbm>>
      %dma_start3A_500 = arith.constant 0 : i32
      %dma_start3A_501 = arith.constant 0 : i32
      %dma_start3A_502 = tpu.memref_slice %arg6[%dma_start3A_491, %dma_start3A_500, %dma_start3A_501] : memref<6x128x128xf32, #tpu.memory_space<vmem>> -> memref<1x128x128xf32, #tpu.memory_space<vmem>>
      %dma_start3A_503 = tpu.memref_squeeze %dma_start3A_502 : memref<1x128x128xf32, #tpu.memory_space<vmem>> -> memref<128x128xf32, #tpu.memory_space<vmem>>
      tpu.enqueue_dma source(%dma_start3A_503 : memref<128x128xf32, #tpu.memory_space<vmem>>) target(%dma_start3A_499 : memref<128x128xf32, #tpu.memory_space<hbm>>) target_semaphore(%arg16 : memref<!tpu.dma_semaphore, #tpu.memory_space<semaphore_mem>>)
      %dma_wait3A_504 = arith.constant 2 : i32
      %dma_wait3A_505 = arith.constant 0 : i32
      %dma_wait3A_506 = arith.constant 0 : i32
      %dma_wait3A_507 = tpu.memref_slice %arg6[%dma_wait3A_504, %dma_wait3A_505, %dma_wait3A_506] : memref<6x128x128xf32, #tpu.memory_space<vmem>> -> memref<1x128x128xf32, #tpu.memory_space<vmem>>
      %dma_wait3A_508 = tpu.memref_squeeze %dma_wait3A_507 : memref<1x128x128xf32, #tpu.memory_space<vmem>> -> memref<128x128xf32, #tpu.memory_space<vmem>>
      %dma_wait3A_509 = arith.constant 0 : i32
      %dma_wait3A_510 = tpu.memref_slice %arg4[%add3A_442, %dma_wait3A_509] : memref<100000x128xf32, #tpu.memory_space<hbm>> -> memref<128x128xf32, #tpu.memory_space<hbm>>
      %dma_wait3A_511 = arith.constant 0 : i32
      %dma_wait3A_512 = tpu.memref_slice %arg4[%add3A_442, %dma_wait3A_511] : memref<100000x128xf32, #tpu.memory_space<hbm>> -> memref<128x128xf32, #tpu.memory_space<hbm>>
      %dma_wait3A_513 = arith.constant 0 : i32
      %dma_wait3A_514 = arith.constant 0 : i32
      %dma_wait3A_515 = tpu.memref_slice %arg6[%dma_wait3A_504, %dma_wait3A_513, %dma_wait3A_514] : memref<6x128x128xf32, #tpu.memory_space<vmem>> -> memref<1x128x128xf32, #tpu.memory_space<vmem>>
      %dma_wait3A_516 = tpu.memref_squeeze %dma_wait3A_515 : memref<1x128x128xf32, #tpu.memory_space<vmem>> -> memref<128x128xf32, #tpu.memory_space<vmem>>
      tpu.wait_dma2 semaphore(%arg15 : memref<!tpu.dma_semaphore, #tpu.memory_space<semaphore_mem>>) src(%dma_wait3A_516 : memref<128x128xf32, #tpu.memory_space<vmem>>) dst(%dma_wait3A_512 : memref<128x128xf32, #tpu.memory_space<hbm>>)
      %dma_start3A_517 = arith.constant 2 : i32
      %dma_start3A_518 = arith.constant 0 : i32
      %dma_start3A_519 = arith.constant 0 : i32
      %dma_start3A_520 = tpu.memref_slice %arg6[%dma_start3A_517, %dma_start3A_518, %dma_start3A_519] : memref<6x128x128xf32, #tpu.memory_space<vmem>> -> memref<1x128x128xf32, #tpu.memory_space<vmem>>
      %dma_start3A_521 = tpu.memref_squeeze %dma_start3A_520 : memref<1x128x128xf32, #tpu.memory_space<vmem>> -> memref<128x128xf32, #tpu.memory_space<vmem>>
      %dma_start3A_522 = arith.constant 1792 : i32
      %dma_start3A_523 = tpu.memref_slice %arg5[%dma_start3A_522] : memref<3128xi32, #tpu.memory_space<vmem>> -> memref<128xi32, #tpu.memory_space<vmem>>
      %dma_start3A_524 = arith.constant 0 : i32
      %dma_start3A_525 = arith.constant 0 : i32
      %dma_start3A_526 = tpu.memref_slice %arg3[%dma_start3A_524, %dma_start3A_525] : memref<50000x128xf32, #tpu.memory_space<hbm>> -> memref<50000x128xf32, #tpu.memory_space<hbm>>
      tpu.enqueue_indirect_dma source(%dma_start3A_526 : memref<50000x128xf32, #tpu.memory_space<hbm>>) target(%dma_start3A_521 : memref<128x128xf32, #tpu.memory_space<vmem>>) offsets(%dma_start3A_523 : memref<128xi32, #tpu.memory_space<vmem>>) semaphore(%arg9 : memref<!tpu.dma_semaphore, #tpu.memory_space<semaphore_mem>>)
      %dma_wait3A_527 = arith.constant 4 : i32
      %dma_wait3A_528 = arith.constant 0 : i32
      %dma_wait3A_529 = arith.constant 0 : i32
      %dma_wait3A_530 = tpu.memref_slice %arg6[%dma_wait3A_527, %dma_wait3A_528, %dma_wait3A_529] : memref<6x128x128xf32, #tpu.memory_space<vmem>> -> memref<1x128x128xf32, #tpu.memory_space<vmem>>
      %dma_wait3A_531 = tpu.memref_squeeze %dma_wait3A_530 : memref<1x128x128xf32, #tpu.memory_space<vmem>> -> memref<128x128xf32, #tpu.memory_space<vmem>>
      %dma_wait3A_532 = arith.constant 1280 : i32
      %dma_wait3A_533 = tpu.memref_slice %arg5[%dma_wait3A_532] : memref<3128xi32, #tpu.memory_space<vmem>> -> memref<128xi32, #tpu.memory_space<vmem>>
      %dma_wait3A_534 = arith.constant 0 : i32
      %dma_wait3A_535 = arith.constant 0 : i32
      %dma_wait3A_536 = tpu.memref_slice %arg3[%dma_wait3A_534, %dma_wait3A_535] : memref<50000x128xf32, #tpu.memory_space<hbm>> -> memref<50000x128xf32, #tpu.memory_space<hbm>>
      tpu.wait_indirect_dma semaphore(%arg11 : memref<!tpu.dma_semaphore, #tpu.memory_space<semaphore_mem>>) src(%dma_wait3A_536 : memref<50000x128xf32, #tpu.memory_space<hbm>>) dst(%dma_wait3A_531 : memref<128x128xf32, #tpu.memory_space<vmem>>)
      %add3A_537 = arith.constant 1280 : i32
      %add3A_538 = arith.addi %add3A_11, %add3A_537 : i32
      %dma_start3A_539 = arith.constant 4 : i32
      %dma_start3A_540 = arith.constant 0 : i32
      %dma_start3A_541 = arith.constant 0 : i32
      %dma_start3A_542 = tpu.memref_slice %arg6[%dma_start3A_539, %dma_start3A_540, %dma_start3A_541] : memref<6x128x128xf32, #tpu.memory_space<vmem>> -> memref<1x128x128xf32, #tpu.memory_space<vmem>>
      %dma_start3A_543 = tpu.memref_squeeze %dma_start3A_542 : memref<1x128x128xf32, #tpu.memory_space<vmem>> -> memref<128x128xf32, #tpu.memory_space<vmem>>
      %dma_start3A_544 = arith.constant 0 : i32
      %dma_start3A_545 = tpu.memref_slice %arg4[%add3A_538, %dma_start3A_544] : memref<100000x128xf32, #tpu.memory_space<hbm>> -> memref<128x128xf32, #tpu.memory_space<hbm>>
      %dma_start3A_546 = arith.constant 0 : i32
      %dma_start3A_547 = tpu.memref_slice %arg4[%add3A_538, %dma_start3A_546] : memref<100000x128xf32, #tpu.memory_space<hbm>> -> memref<128x128xf32, #tpu.memory_space<hbm>>
      %dma_start3A_548 = arith.constant 0 : i32
      %dma_start3A_549 = arith.constant 0 : i32
      %dma_start3A_550 = tpu.memref_slice %arg6[%dma_start3A_539, %dma_start3A_548, %dma_start3A_549] : memref<6x128x128xf32, #tpu.memory_space<vmem>> -> memref<1x128x128xf32, #tpu.memory_space<vmem>>
      %dma_start3A_551 = tpu.memref_squeeze %dma_start3A_550 : memref<1x128x128xf32, #tpu.memory_space<vmem>> -> memref<128x128xf32, #tpu.memory_space<vmem>>
      tpu.enqueue_dma source(%dma_start3A_551 : memref<128x128xf32, #tpu.memory_space<vmem>>) target(%dma_start3A_547 : memref<128x128xf32, #tpu.memory_space<hbm>>) target_semaphore(%arg17 : memref<!tpu.dma_semaphore, #tpu.memory_space<semaphore_mem>>)
      %dma_wait3A_552 = arith.constant 3 : i32
      %dma_wait3A_553 = arith.constant 0 : i32
      %dma_wait3A_554 = arith.constant 0 : i32
      %dma_wait3A_555 = tpu.memref_slice %arg6[%dma_wait3A_552, %dma_wait3A_553, %dma_wait3A_554] : memref<6x128x128xf32, #tpu.memory_space<vmem>> -> memref<1x128x128xf32, #tpu.memory_space<vmem>>
      %dma_wait3A_556 = tpu.memref_squeeze %dma_wait3A_555 : memref<1x128x128xf32, #tpu.memory_space<vmem>> -> memref<128x128xf32, #tpu.memory_space<vmem>>
      %dma_wait3A_557 = arith.constant 0 : i32
      %dma_wait3A_558 = tpu.memref_slice %arg4[%add3A_490, %dma_wait3A_557] : memref<100000x128xf32, #tpu.memory_space<hbm>> -> memref<128x128xf32, #tpu.memory_space<hbm>>
      %dma_wait3A_559 = arith.constant 0 : i32
      %dma_wait3A_560 = tpu.memref_slice %arg4[%add3A_490, %dma_wait3A_559] : memref<100000x128xf32, #tpu.memory_space<hbm>> -> memref<128x128xf32, #tpu.memory_space<hbm>>
      %dma_wait3A_561 = arith.constant 0 : i32
      %dma_wait3A_562 = arith.constant 0 : i32
      %dma_wait3A_563 = tpu.memref_slice %arg6[%dma_wait3A_552, %dma_wait3A_561, %dma_wait3A_562] : memref<6x128x128xf32, #tpu.memory_space<vmem>> -> memref<1x128x128xf32, #tpu.memory_space<vmem>>
      %dma_wait3A_564 = tpu.memref_squeeze %dma_wait3A_563 : memref<1x128x128xf32, #tpu.memory_space<vmem>> -> memref<128x128xf32, #tpu.memory_space<vmem>>
      tpu.wait_dma2 semaphore(%arg16 : memref<!tpu.dma_semaphore, #tpu.memory_space<semaphore_mem>>) src(%dma_wait3A_564 : memref<128x128xf32, #tpu.memory_space<vmem>>) dst(%dma_wait3A_560 : memref<128x128xf32, #tpu.memory_space<hbm>>)
      %dma_start3A_565 = arith.constant 3 : i32
      %dma_start3A_566 = arith.constant 0 : i32
      %dma_start3A_567 = arith.constant 0 : i32
      %dma_start3A_568 = tpu.memref_slice %arg6[%dma_start3A_565, %dma_start3A_566, %dma_start3A_567] : memref<6x128x128xf32, #tpu.memory_space<vmem>> -> memref<1x128x128xf32, #tpu.memory_space<vmem>>
      %dma_start3A_569 = tpu.memref_squeeze %dma_start3A_568 : memref<1x128x128xf32, #tpu.memory_space<vmem>> -> memref<128x128xf32, #tpu.memory_space<vmem>>
      %dma_start3A_570 = arith.constant 1920 : i32
      %dma_start3A_571 = tpu.memref_slice %arg5[%dma_start3A_570] : memref<3128xi32, #tpu.memory_space<vmem>> -> memref<128xi32, #tpu.memory_space<vmem>>
      %dma_start3A_572 = arith.constant 0 : i32
      %dma_start3A_573 = arith.constant 0 : i32
      %dma_start3A_574 = tpu.memref_slice %arg3[%dma_start3A_572, %dma_start3A_573] : memref<50000x128xf32, #tpu.memory_space<hbm>> -> memref<50000x128xf32, #tpu.memory_space<hbm>>
      tpu.enqueue_indirect_dma source(%dma_start3A_574 : memref<50000x128xf32, #tpu.memory_space<hbm>>) target(%dma_start3A_569 : memref<128x128xf32, #tpu.memory_space<vmem>>) offsets(%dma_start3A_571 : memref<128xi32, #tpu.memory_space<vmem>>) semaphore(%arg10 : memref<!tpu.dma_semaphore, #tpu.memory_space<semaphore_mem>>)
      %dma_wait3A_575 = arith.constant 5 : i32
      %dma_wait3A_576 = arith.constant 0 : i32
      %dma_wait3A_577 = arith.constant 0 : i32
      %dma_wait3A_578 = tpu.memref_slice %arg6[%dma_wait3A_575, %dma_wait3A_576, %dma_wait3A_577] : memref<6x128x128xf32, #tpu.memory_space<vmem>> -> memref<1x128x128xf32, #tpu.memory_space<vmem>>
      %dma_wait3A_579 = tpu.memref_squeeze %dma_wait3A_578 : memref<1x128x128xf32, #tpu.memory_space<vmem>> -> memref<128x128xf32, #tpu.memory_space<vmem>>
      %dma_wait3A_580 = arith.constant 1408 : i32
      %dma_wait3A_581 = tpu.memref_slice %arg5[%dma_wait3A_580] : memref<3128xi32, #tpu.memory_space<vmem>> -> memref<128xi32, #tpu.memory_space<vmem>>
      %dma_wait3A_582 = arith.constant 0 : i32
      %dma_wait3A_583 = arith.constant 0 : i32
      %dma_wait3A_584 = tpu.memref_slice %arg3[%dma_wait3A_582, %dma_wait3A_583] : memref<50000x128xf32, #tpu.memory_space<hbm>> -> memref<50000x128xf32, #tpu.memory_space<hbm>>
      tpu.wait_indirect_dma semaphore(%arg12 : memref<!tpu.dma_semaphore, #tpu.memory_space<semaphore_mem>>) src(%dma_wait3A_584 : memref<50000x128xf32, #tpu.memory_space<hbm>>) dst(%dma_wait3A_579 : memref<128x128xf32, #tpu.memory_space<vmem>>)
      %add3A_585 = arith.constant 1408 : i32
      %add3A_586 = arith.addi %add3A_11, %add3A_585 : i32
      %dma_start3A_587 = arith.constant 5 : i32
      %dma_start3A_588 = arith.constant 0 : i32
      %dma_start3A_589 = arith.constant 0 : i32
      %dma_start3A_590 = tpu.memref_slice %arg6[%dma_start3A_587, %dma_start3A_588, %dma_start3A_589] : memref<6x128x128xf32, #tpu.memory_space<vmem>> -> memref<1x128x128xf32, #tpu.memory_space<vmem>>
      %dma_start3A_591 = tpu.memref_squeeze %dma_start3A_590 : memref<1x128x128xf32, #tpu.memory_space<vmem>> -> memref<128x128xf32, #tpu.memory_space<vmem>>
      %dma_start3A_592 = arith.constant 0 : i32
      %dma_start3A_593 = tpu.memref_slice %arg4[%add3A_586, %dma_start3A_592] : memref<100000x128xf32, #tpu.memory_space<hbm>> -> memref<128x128xf32, #tpu.memory_space<hbm>>
      %dma_start3A_594 = arith.constant 0 : i32
      %dma_start3A_595 = tpu.memref_slice %arg4[%add3A_586, %dma_start3A_594] : memref<100000x128xf32, #tpu.memory_space<hbm>> -> memref<128x128xf32, #tpu.memory_space<hbm>>
      %dma_start3A_596 = arith.constant 0 : i32
      %dma_start3A_597 = arith.constant 0 : i32
      %dma_start3A_598 = tpu.memref_slice %arg6[%dma_start3A_587, %dma_start3A_596, %dma_start3A_597] : memref<6x128x128xf32, #tpu.memory_space<vmem>> -> memref<1x128x128xf32, #tpu.memory_space<vmem>>
      %dma_start3A_599 = tpu.memref_squeeze %dma_start3A_598 : memref<1x128x128xf32, #tpu.memory_space<vmem>> -> memref<128x128xf32, #tpu.memory_space<vmem>>
      tpu.enqueue_dma source(%dma_start3A_599 : memref<128x128xf32, #tpu.memory_space<vmem>>) target(%dma_start3A_595 : memref<128x128xf32, #tpu.memory_space<hbm>>) target_semaphore(%arg18 : memref<!tpu.dma_semaphore, #tpu.memory_space<semaphore_mem>>)
      %dma_wait3A_600 = arith.constant 4 : i32
      %dma_wait3A_601 = arith.constant 0 : i32
      %dma_wait3A_602 = arith.constant 0 : i32
      %dma_wait3A_603 = tpu.memref_slice %arg6[%dma_wait3A_600, %dma_wait3A_601, %dma_wait3A_602] : memref<6x128x128xf32, #tpu.memory_space<vmem>> -> memref<1x128x128xf32, #tpu.memory_space<vmem>>
      %dma_wait3A_604 = tpu.memref_squeeze %dma_wait3A_603 : memref<1x128x128xf32, #tpu.memory_space<vmem>> -> memref<128x128xf32, #tpu.memory_space<vmem>>
      %dma_wait3A_605 = arith.constant 0 : i32
      %dma_wait3A_606 = tpu.memref_slice %arg4[%add3A_538, %dma_wait3A_605] : memref<100000x128xf32, #tpu.memory_space<hbm>> -> memref<128x128xf32, #tpu.memory_space<hbm>>
      %dma_wait3A_607 = arith.constant 0 : i32
      %dma_wait3A_608 = tpu.memref_slice %arg4[%add3A_538, %dma_wait3A_607] : memref<100000x128xf32, #tpu.memory_space<hbm>> -> memref<128x128xf32, #tpu.memory_space<hbm>>
      %dma_wait3A_609 = arith.constant 0 : i32
      %dma_wait3A_610 = arith.constant 0 : i32
      %dma_wait3A_611 = tpu.memref_slice %arg6[%dma_wait3A_600, %dma_wait3A_609, %dma_wait3A_610] : memref<6x128x128xf32, #tpu.memory_space<vmem>> -> memref<1x128x128xf32, #tpu.memory_space<vmem>>
      %dma_wait3A_612 = tpu.memref_squeeze %dma_wait3A_611 : memref<1x128x128xf32, #tpu.memory_space<vmem>> -> memref<128x128xf32, #tpu.memory_space<vmem>>
      tpu.wait_dma2 semaphore(%arg17 : memref<!tpu.dma_semaphore, #tpu.memory_space<semaphore_mem>>) src(%dma_wait3A_612 : memref<128x128xf32, #tpu.memory_space<vmem>>) dst(%dma_wait3A_608 : memref<128x128xf32, #tpu.memory_space<hbm>>)
      %dma_start3A_613 = arith.constant 4 : i32
      %dma_start3A_614 = arith.constant 0 : i32
      %dma_start3A_615 = arith.constant 0 : i32
      %dma_start3A_616 = tpu.memref_slice %arg6[%dma_start3A_613, %dma_start3A_614, %dma_start3A_615] : memref<6x128x128xf32, #tpu.memory_space<vmem>> -> memref<1x128x128xf32, #tpu.memory_space<vmem>>
      %dma_start3A_617 = tpu.memref_squeeze %dma_start3A_616 : memref<1x128x128xf32, #tpu.memory_space<vmem>> -> memref<128x128xf32, #tpu.memory_space<vmem>>
      %dma_start3A_618 = arith.constant 2048 : i32
      %dma_start3A_619 = tpu.memref_slice %arg5[%dma_start3A_618] : memref<3128xi32, #tpu.memory_space<vmem>> -> memref<128xi32, #tpu.memory_space<vmem>>
      %dma_start3A_620 = arith.constant 0 : i32
      %dma_start3A_621 = arith.constant 0 : i32
      %dma_start3A_622 = tpu.memref_slice %arg3[%dma_start3A_620, %dma_start3A_621] : memref<50000x128xf32, #tpu.memory_space<hbm>> -> memref<50000x128xf32, #tpu.memory_space<hbm>>
      tpu.enqueue_indirect_dma source(%dma_start3A_622 : memref<50000x128xf32, #tpu.memory_space<hbm>>) target(%dma_start3A_617 : memref<128x128xf32, #tpu.memory_space<vmem>>) offsets(%dma_start3A_619 : memref<128xi32, #tpu.memory_space<vmem>>) semaphore(%arg11 : memref<!tpu.dma_semaphore, #tpu.memory_space<semaphore_mem>>)
      %dma_wait3A_623 = arith.constant 0 : i32
      %dma_wait3A_624 = arith.constant 0 : i32
      %dma_wait3A_625 = arith.constant 0 : i32
      %dma_wait3A_626 = tpu.memref_slice %arg6[%dma_wait3A_623, %dma_wait3A_624, %dma_wait3A_625] : memref<6x128x128xf32, #tpu.memory_space<vmem>> -> memref<1x128x128xf32, #tpu.memory_space<vmem>>
      %dma_wait3A_627 = tpu.memref_squeeze %dma_wait3A_626 : memref<1x128x128xf32, #tpu.memory_space<vmem>> -> memref<128x128xf32, #tpu.memory_space<vmem>>
      %dma_wait3A_628 = arith.constant 1536 : i32
      %dma_wait3A_629 = tpu.memref_slice %arg5[%dma_wait3A_628] : memref<3128xi32, #tpu.memory_space<vmem>> -> memref<128xi32, #tpu.memory_space<vmem>>
      %dma_wait3A_630 = arith.constant 0 : i32
      %dma_wait3A_631 = arith.constant 0 : i32
      %dma_wait3A_632 = tpu.memref_slice %arg3[%dma_wait3A_630, %dma_wait3A_631] : memref<50000x128xf32, #tpu.memory_space<hbm>> -> memref<50000x128xf32, #tpu.memory_space<hbm>>
      tpu.wait_indirect_dma semaphore(%arg7 : memref<!tpu.dma_semaphore, #tpu.memory_space<semaphore_mem>>) src(%dma_wait3A_632 : memref<50000x128xf32, #tpu.memory_space<hbm>>) dst(%dma_wait3A_627 : memref<128x128xf32, #tpu.memory_space<vmem>>)
      %add3A_633 = arith.constant 1536 : i32
      %add3A_634 = arith.addi %add3A_11, %add3A_633 : i32
      %dma_start3A_635 = arith.constant 0 : i32
      %dma_start3A_636 = arith.constant 0 : i32
      %dma_start3A_637 = arith.constant 0 : i32
      %dma_start3A_638 = tpu.memref_slice %arg6[%dma_start3A_635, %dma_start3A_636, %dma_start3A_637] : memref<6x128x128xf32, #tpu.memory_space<vmem>> -> memref<1x128x128xf32, #tpu.memory_space<vmem>>
      %dma_start3A_639 = tpu.memref_squeeze %dma_start3A_638 : memref<1x128x128xf32, #tpu.memory_space<vmem>> -> memref<128x128xf32, #tpu.memory_space<vmem>>
      %dma_start3A_640 = arith.constant 0 : i32
      %dma_start3A_641 = tpu.memref_slice %arg4[%add3A_634, %dma_start3A_640] : memref<100000x128xf32, #tpu.memory_space<hbm>> -> memref<128x128xf32, #tpu.memory_space<hbm>>
      %dma_start3A_642 = arith.constant 0 : i32
      %dma_start3A_643 = tpu.memref_slice %arg4[%add3A_634, %dma_start3A_642] : memref<100000x128xf32, #tpu.memory_space<hbm>> -> memref<128x128xf32, #tpu.memory_space<hbm>>
      %dma_start3A_644 = arith.constant 0 : i32
      %dma_start3A_645 = arith.constant 0 : i32
      %dma_start3A_646 = tpu.memref_slice %arg6[%dma_start3A_635, %dma_start3A_644, %dma_start3A_645] : memref<6x128x128xf32, #tpu.memory_space<vmem>> -> memref<1x128x128xf32, #tpu.memory_space<vmem>>
      %dma_start3A_647 = tpu.memref_squeeze %dma_start3A_646 : memref<1x128x128xf32, #tpu.memory_space<vmem>> -> memref<128x128xf32, #tpu.memory_space<vmem>>
      tpu.enqueue_dma source(%dma_start3A_647 : memref<128x128xf32, #tpu.memory_space<vmem>>) target(%dma_start3A_643 : memref<128x128xf32, #tpu.memory_space<hbm>>) target_semaphore(%arg13 : memref<!tpu.dma_semaphore, #tpu.memory_space<semaphore_mem>>)
      %dma_wait3A_648 = arith.constant 5 : i32
      %dma_wait3A_649 = arith.constant 0 : i32
      %dma_wait3A_650 = arith.constant 0 : i32
      %dma_wait3A_651 = tpu.memref_slice %arg6[%dma_wait3A_648, %dma_wait3A_649, %dma_wait3A_650] : memref<6x128x128xf32, #tpu.memory_space<vmem>> -> memref<1x128x128xf32, #tpu.memory_space<vmem>>
      %dma_wait3A_652 = tpu.memref_squeeze %dma_wait3A_651 : memref<1x128x128xf32, #tpu.memory_space<vmem>> -> memref<128x128xf32, #tpu.memory_space<vmem>>
      %dma_wait3A_653 = arith.constant 0 : i32
      %dma_wait3A_654 = tpu.memref_slice %arg4[%add3A_586, %dma_wait3A_653] : memref<100000x128xf32, #tpu.memory_space<hbm>> -> memref<128x128xf32, #tpu.memory_space<hbm>>
      %dma_wait3A_655 = arith.constant 0 : i32
      %dma_wait3A_656 = tpu.memref_slice %arg4[%add3A_586, %dma_wait3A_655] : memref<100000x128xf32, #tpu.memory_space<hbm>> -> memref<128x128xf32, #tpu.memory_space<hbm>>
      %dma_wait3A_657 = arith.constant 0 : i32
      %dma_wait3A_658 = arith.constant 0 : i32
      %dma_wait3A_659 = tpu.memref_slice %arg6[%dma_wait3A_648, %dma_wait3A_657, %dma_wait3A_658] : memref<6x128x128xf32, #tpu.memory_space<vmem>> -> memref<1x128x128xf32, #tpu.memory_space<vmem>>
      %dma_wait3A_660 = tpu.memref_squeeze %dma_wait3A_659 : memref<1x128x128xf32, #tpu.memory_space<vmem>> -> memref<128x128xf32, #tpu.memory_space<vmem>>
      tpu.wait_dma2 semaphore(%arg18 : memref<!tpu.dma_semaphore, #tpu.memory_space<semaphore_mem>>) src(%dma_wait3A_660 : memref<128x128xf32, #tpu.memory_space<vmem>>) dst(%dma_wait3A_656 : memref<128x128xf32, #tpu.memory_space<hbm>>)
      %dma_start3A_661 = arith.constant 5 : i32
      %dma_start3A_662 = arith.constant 0 : i32
      %dma_start3A_663 = arith.constant 0 : i32
      %dma_start3A_664 = tpu.memref_slice %arg6[%dma_start3A_661, %dma_start3A_662, %dma_start3A_663] : memref<6x128x128xf32, #tpu.memory_space<vmem>> -> memref<1x128x128xf32, #tpu.memory_space<vmem>>
      %dma_start3A_665 = tpu.memref_squeeze %dma_start3A_664 : memref<1x128x128xf32, #tpu.memory_space<vmem>> -> memref<128x128xf32, #tpu.memory_space<vmem>>
      %dma_start3A_666 = arith.constant 2176 : i32
      %dma_start3A_667 = tpu.memref_slice %arg5[%dma_start3A_666] : memref<3128xi32, #tpu.memory_space<vmem>> -> memref<128xi32, #tpu.memory_space<vmem>>
      %dma_start3A_668 = arith.constant 0 : i32
      %dma_start3A_669 = arith.constant 0 : i32
      %dma_start3A_670 = tpu.memref_slice %arg3[%dma_start3A_668, %dma_start3A_669] : memref<50000x128xf32, #tpu.memory_space<hbm>> -> memref<50000x128xf32, #tpu.memory_space<hbm>>
      tpu.enqueue_indirect_dma source(%dma_start3A_670 : memref<50000x128xf32, #tpu.memory_space<hbm>>) target(%dma_start3A_665 : memref<128x128xf32, #tpu.memory_space<vmem>>) offsets(%dma_start3A_667 : memref<128xi32, #tpu.memory_space<vmem>>) semaphore(%arg12 : memref<!tpu.dma_semaphore, #tpu.memory_space<semaphore_mem>>)
      %dma_wait3A_671 = arith.constant 1 : i32
      %dma_wait3A_672 = arith.constant 0 : i32
      %dma_wait3A_673 = arith.constant 0 : i32
      %dma_wait3A_674 = tpu.memref_slice %arg6[%dma_wait3A_671, %dma_wait3A_672, %dma_wait3A_673] : memref<6x128x128xf32, #tpu.memory_space<vmem>> -> memref<1x128x128xf32, #tpu.memory_space<vmem>>
      %dma_wait3A_675 = tpu.memref_squeeze %dma_wait3A_674 : memref<1x128x128xf32, #tpu.memory_space<vmem>> -> memref<128x128xf32, #tpu.memory_space<vmem>>
      %dma_wait3A_676 = arith.constant 1664 : i32
      %dma_wait3A_677 = tpu.memref_slice %arg5[%dma_wait3A_676] : memref<3128xi32, #tpu.memory_space<vmem>> -> memref<128xi32, #tpu.memory_space<vmem>>
      %dma_wait3A_678 = arith.constant 0 : i32
      %dma_wait3A_679 = arith.constant 0 : i32
      %dma_wait3A_680 = tpu.memref_slice %arg3[%dma_wait3A_678, %dma_wait3A_679] : memref<50000x128xf32, #tpu.memory_space<hbm>> -> memref<50000x128xf32, #tpu.memory_space<hbm>>
      tpu.wait_indirect_dma semaphore(%arg8 : memref<!tpu.dma_semaphore, #tpu.memory_space<semaphore_mem>>) src(%dma_wait3A_680 : memref<50000x128xf32, #tpu.memory_space<hbm>>) dst(%dma_wait3A_675 : memref<128x128xf32, #tpu.memory_space<vmem>>)
      %add3A_681 = arith.constant 1664 : i32
      %add3A_682 = arith.addi %add3A_11, %add3A_681 : i32
      %dma_start3A_683 = arith.constant 1 : i32
      %dma_start3A_684 = arith.constant 0 : i32
      %dma_start3A_685 = arith.constant 0 : i32
      %dma_start3A_686 = tpu.memref_slice %arg6[%dma_start3A_683, %dma_start3A_684, %dma_start3A_685] : memref<6x128x128xf32, #tpu.memory_space<vmem>> -> memref<1x128x128xf32, #tpu.memory_space<vmem>>
      %dma_start3A_687 = tpu.memref_squeeze %dma_start3A_686 : memref<1x128x128xf32, #tpu.memory_space<vmem>> -> memref<128x128xf32, #tpu.memory_space<vmem>>
      %dma_start3A_688 = arith.constant 0 : i32
      %dma_start3A_689 = tpu.memref_slice %arg4[%add3A_682, %dma_start3A_688] : memref<100000x128xf32, #tpu.memory_space<hbm>> -> memref<128x128xf32, #tpu.memory_space<hbm>>
      %dma_start3A_690 = arith.constant 0 : i32
      %dma_start3A_691 = tpu.memref_slice %arg4[%add3A_682, %dma_start3A_690] : memref<100000x128xf32, #tpu.memory_space<hbm>> -> memref<128x128xf32, #tpu.memory_space<hbm>>
      %dma_start3A_692 = arith.constant 0 : i32
      %dma_start3A_693 = arith.constant 0 : i32
      %dma_start3A_694 = tpu.memref_slice %arg6[%dma_start3A_683, %dma_start3A_692, %dma_start3A_693] : memref<6x128x128xf32, #tpu.memory_space<vmem>> -> memref<1x128x128xf32, #tpu.memory_space<vmem>>
      %dma_start3A_695 = tpu.memref_squeeze %dma_start3A_694 : memref<1x128x128xf32, #tpu.memory_space<vmem>> -> memref<128x128xf32, #tpu.memory_space<vmem>>
      tpu.enqueue_dma source(%dma_start3A_695 : memref<128x128xf32, #tpu.memory_space<vmem>>) target(%dma_start3A_691 : memref<128x128xf32, #tpu.memory_space<hbm>>) target_semaphore(%arg14 : memref<!tpu.dma_semaphore, #tpu.memory_space<semaphore_mem>>)
      %dma_wait3A_696 = arith.constant 0 : i32
      %dma_wait3A_697 = arith.constant 0 : i32
      %dma_wait3A_698 = arith.constant 0 : i32
      %dma_wait3A_699 = tpu.memref_slice %arg6[%dma_wait3A_696, %dma_wait3A_697, %dma_wait3A_698] : memref<6x128x128xf32, #tpu.memory_space<vmem>> -> memref<1x128x128xf32, #tpu.memory_space<vmem>>
      %dma_wait3A_700 = tpu.memref_squeeze %dma_wait3A_699 : memref<1x128x128xf32, #tpu.memory_space<vmem>> -> memref<128x128xf32, #tpu.memory_space<vmem>>
      %dma_wait3A_701 = arith.constant 0 : i32
      %dma_wait3A_702 = tpu.memref_slice %arg4[%add3A_634, %dma_wait3A_701] : memref<100000x128xf32, #tpu.memory_space<hbm>> -> memref<128x128xf32, #tpu.memory_space<hbm>>
      %dma_wait3A_703 = arith.constant 0 : i32
      %dma_wait3A_704 = tpu.memref_slice %arg4[%add3A_634, %dma_wait3A_703] : memref<100000x128xf32, #tpu.memory_space<hbm>> -> memref<128x128xf32, #tpu.memory_space<hbm>>
      %dma_wait3A_705 = arith.constant 0 : i32
      %dma_wait3A_706 = arith.constant 0 : i32
      %dma_wait3A_707 = tpu.memref_slice %arg6[%dma_wait3A_696, %dma_wait3A_705, %dma_wait3A_706] : memref<6x128x128xf32, #tpu.memory_space<vmem>> -> memref<1x128x128xf32, #tpu.memory_space<vmem>>
      %dma_wait3A_708 = tpu.memref_squeeze %dma_wait3A_707 : memref<1x128x128xf32, #tpu.memory_space<vmem>> -> memref<128x128xf32, #tpu.memory_space<vmem>>
      tpu.wait_dma2 semaphore(%arg13 : memref<!tpu.dma_semaphore, #tpu.memory_space<semaphore_mem>>) src(%dma_wait3A_708 : memref<128x128xf32, #tpu.memory_space<vmem>>) dst(%dma_wait3A_704 : memref<128x128xf32, #tpu.memory_space<hbm>>)
      %dma_start3A_709 = arith.constant 0 : i32
      %dma_start3A_710 = arith.constant 0 : i32
      %dma_start3A_711 = arith.constant 0 : i32
      %dma_start3A_712 = tpu.memref_slice %arg6[%dma_start3A_709, %dma_start3A_710, %dma_start3A_711] : memref<6x128x128xf32, #tpu.memory_space<vmem>> -> memref<1x128x128xf32, #tpu.memory_space<vmem>>
      %dma_start3A_713 = tpu.memref_squeeze %dma_start3A_712 : memref<1x128x128xf32, #tpu.memory_space<vmem>> -> memref<128x128xf32, #tpu.memory_space<vmem>>
      %dma_start3A_714 = arith.constant 2304 : i32
      %dma_start3A_715 = tpu.memref_slice %arg5[%dma_start3A_714] : memref<3128xi32, #tpu.memory_space<vmem>> -> memref<128xi32, #tpu.memory_space<vmem>>
      %dma_start3A_716 = arith.constant 0 : i32
      %dma_start3A_717 = arith.constant 0 : i32
      %dma_start3A_718 = tpu.memref_slice %arg3[%dma_start3A_716, %dma_start3A_717] : memref<50000x128xf32, #tpu.memory_space<hbm>> -> memref<50000x128xf32, #tpu.memory_space<hbm>>
      tpu.enqueue_indirect_dma source(%dma_start3A_718 : memref<50000x128xf32, #tpu.memory_space<hbm>>) target(%dma_start3A_713 : memref<128x128xf32, #tpu.memory_space<vmem>>) offsets(%dma_start3A_715 : memref<128xi32, #tpu.memory_space<vmem>>) semaphore(%arg7 : memref<!tpu.dma_semaphore, #tpu.memory_space<semaphore_mem>>)
      %dma_wait3A_719 = arith.constant 2 : i32
      %dma_wait3A_720 = arith.constant 0 : i32
      %dma_wait3A_721 = arith.constant 0 : i32
      %dma_wait3A_722 = tpu.memref_slice %arg6[%dma_wait3A_719, %dma_wait3A_720, %dma_wait3A_721] : memref<6x128x128xf32, #tpu.memory_space<vmem>> -> memref<1x128x128xf32, #tpu.memory_space<vmem>>
      %dma_wait3A_723 = tpu.memref_squeeze %dma_wait3A_722 : memref<1x128x128xf32, #tpu.memory_space<vmem>> -> memref<128x128xf32, #tpu.memory_space<vmem>>
      %dma_wait3A_724 = arith.constant 1792 : i32
      %dma_wait3A_725 = tpu.memref_slice %arg5[%dma_wait3A_724] : memref<3128xi32, #tpu.memory_space<vmem>> -> memref<128xi32, #tpu.memory_space<vmem>>
      %dma_wait3A_726 = arith.constant 0 : i32
      %dma_wait3A_727 = arith.constant 0 : i32
      %dma_wait3A_728 = tpu.memref_slice %arg3[%dma_wait3A_726, %dma_wait3A_727] : memref<50000x128xf32, #tpu.memory_space<hbm>> -> memref<50000x128xf32, #tpu.memory_space<hbm>>
      tpu.wait_indirect_dma semaphore(%arg9 : memref<!tpu.dma_semaphore, #tpu.memory_space<semaphore_mem>>) src(%dma_wait3A_728 : memref<50000x128xf32, #tpu.memory_space<hbm>>) dst(%dma_wait3A_723 : memref<128x128xf32, #tpu.memory_space<vmem>>)
      %add3A_729 = arith.constant 1792 : i32
      %add3A_730 = arith.addi %add3A_11, %add3A_729 : i32
      %dma_start3A_731 = arith.constant 2 : i32
      %dma_start3A_732 = arith.constant 0 : i32
      %dma_start3A_733 = arith.constant 0 : i32
      %dma_start3A_734 = tpu.memref_slice %arg6[%dma_start3A_731, %dma_start3A_732, %dma_start3A_733] : memref<6x128x128xf32, #tpu.memory_space<vmem>> -> memref<1x128x128xf32, #tpu.memory_space<vmem>>
      %dma_start3A_735 = tpu.memref_squeeze %dma_start3A_734 : memref<1x128x128xf32, #tpu.memory_space<vmem>> -> memref<128x128xf32, #tpu.memory_space<vmem>>
      %dma_start3A_736 = arith.constant 0 : i32
      %dma_start3A_737 = tpu.memref_slice %arg4[%add3A_730, %dma_start3A_736] : memref<100000x128xf32, #tpu.memory_space<hbm>> -> memref<128x128xf32, #tpu.memory_space<hbm>>
      %dma_start3A_738 = arith.constant 0 : i32
      %dma_start3A_739 = tpu.memref_slice %arg4[%add3A_730, %dma_start3A_738] : memref<100000x128xf32, #tpu.memory_space<hbm>> -> memref<128x128xf32, #tpu.memory_space<hbm>>
      %dma_start3A_740 = arith.constant 0 : i32
      %dma_start3A_741 = arith.constant 0 : i32
      %dma_start3A_742 = tpu.memref_slice %arg6[%dma_start3A_731, %dma_start3A_740, %dma_start3A_741] : memref<6x128x128xf32, #tpu.memory_space<vmem>> -> memref<1x128x128xf32, #tpu.memory_space<vmem>>
      %dma_start3A_743 = tpu.memref_squeeze %dma_start3A_742 : memref<1x128x128xf32, #tpu.memory_space<vmem>> -> memref<128x128xf32, #tpu.memory_space<vmem>>
      tpu.enqueue_dma source(%dma_start3A_743 : memref<128x128xf32, #tpu.memory_space<vmem>>) target(%dma_start3A_739 : memref<128x128xf32, #tpu.memory_space<hbm>>) target_semaphore(%arg15 : memref<!tpu.dma_semaphore, #tpu.memory_space<semaphore_mem>>)
      %dma_wait3A_744 = arith.constant 1 : i32
      %dma_wait3A_745 = arith.constant 0 : i32
      %dma_wait3A_746 = arith.constant 0 : i32
      %dma_wait3A_747 = tpu.memref_slice %arg6[%dma_wait3A_744, %dma_wait3A_745, %dma_wait3A_746] : memref<6x128x128xf32, #tpu.memory_space<vmem>> -> memref<1x128x128xf32, #tpu.memory_space<vmem>>
      %dma_wait3A_748 = tpu.memref_squeeze %dma_wait3A_747 : memref<1x128x128xf32, #tpu.memory_space<vmem>> -> memref<128x128xf32, #tpu.memory_space<vmem>>
      %dma_wait3A_749 = arith.constant 0 : i32
      %dma_wait3A_750 = tpu.memref_slice %arg4[%add3A_682, %dma_wait3A_749] : memref<100000x128xf32, #tpu.memory_space<hbm>> -> memref<128x128xf32, #tpu.memory_space<hbm>>
      %dma_wait3A_751 = arith.constant 0 : i32
      %dma_wait3A_752 = tpu.memref_slice %arg4[%add3A_682, %dma_wait3A_751] : memref<100000x128xf32, #tpu.memory_space<hbm>> -> memref<128x128xf32, #tpu.memory_space<hbm>>
      %dma_wait3A_753 = arith.constant 0 : i32
      %dma_wait3A_754 = arith.constant 0 : i32
      %dma_wait3A_755 = tpu.memref_slice %arg6[%dma_wait3A_744, %dma_wait3A_753, %dma_wait3A_754] : memref<6x128x128xf32, #tpu.memory_space<vmem>> -> memref<1x128x128xf32, #tpu.memory_space<vmem>>
      %dma_wait3A_756 = tpu.memref_squeeze %dma_wait3A_755 : memref<1x128x128xf32, #tpu.memory_space<vmem>> -> memref<128x128xf32, #tpu.memory_space<vmem>>
      tpu.wait_dma2 semaphore(%arg14 : memref<!tpu.dma_semaphore, #tpu.memory_space<semaphore_mem>>) src(%dma_wait3A_756 : memref<128x128xf32, #tpu.memory_space<vmem>>) dst(%dma_wait3A_752 : memref<128x128xf32, #tpu.memory_space<hbm>>)
      %dma_start3A_757 = arith.constant 1 : i32
      %dma_start3A_758 = arith.constant 0 : i32
      %dma_start3A_759 = arith.constant 0 : i32
      %dma_start3A_760 = tpu.memref_slice %arg6[%dma_start3A_757, %dma_start3A_758, %dma_start3A_759] : memref<6x128x128xf32, #tpu.memory_space<vmem>> -> memref<1x128x128xf32, #tpu.memory_space<vmem>>
      %dma_start3A_761 = tpu.memref_squeeze %dma_start3A_760 : memref<1x128x128xf32, #tpu.memory_space<vmem>> -> memref<128x128xf32, #tpu.memory_space<vmem>>
      %dma_start3A_762 = arith.constant 2432 : i32
      %dma_start3A_763 = tpu.memref_slice %arg5[%dma_start3A_762] : memref<3128xi32, #tpu.memory_space<vmem>> -> memref<128xi32, #tpu.memory_space<vmem>>
      %dma_start3A_764 = arith.constant 0 : i32
      %dma_start3A_765 = arith.constant 0 : i32
      %dma_start3A_766 = tpu.memref_slice %arg3[%dma_start3A_764, %dma_start3A_765] : memref<50000x128xf32, #tpu.memory_space<hbm>> -> memref<50000x128xf32, #tpu.memory_space<hbm>>
      tpu.enqueue_indirect_dma source(%dma_start3A_766 : memref<50000x128xf32, #tpu.memory_space<hbm>>) target(%dma_start3A_761 : memref<128x128xf32, #tpu.memory_space<vmem>>) offsets(%dma_start3A_763 : memref<128xi32, #tpu.memory_space<vmem>>) semaphore(%arg8 : memref<!tpu.dma_semaphore, #tpu.memory_space<semaphore_mem>>)
      %dma_wait3A_767 = arith.constant 3 : i32
      %dma_wait3A_768 = arith.constant 0 : i32
      %dma_wait3A_769 = arith.constant 0 : i32
      %dma_wait3A_770 = tpu.memref_slice %arg6[%dma_wait3A_767, %dma_wait3A_768, %dma_wait3A_769] : memref<6x128x128xf32, #tpu.memory_space<vmem>> -> memref<1x128x128xf32, #tpu.memory_space<vmem>>
      %dma_wait3A_771 = tpu.memref_squeeze %dma_wait3A_770 : memref<1x128x128xf32, #tpu.memory_space<vmem>> -> memref<128x128xf32, #tpu.memory_space<vmem>>
      %dma_wait3A_772 = arith.constant 1920 : i32
      %dma_wait3A_773 = tpu.memref_slice %arg5[%dma_wait3A_772] : memref<3128xi32, #tpu.memory_space<vmem>> -> memref<128xi32, #tpu.memory_space<vmem>>
      %dma_wait3A_774 = arith.constant 0 : i32
      %dma_wait3A_775 = arith.constant 0 : i32
      %dma_wait3A_776 = tpu.memref_slice %arg3[%dma_wait3A_774, %dma_wait3A_775] : memref<50000x128xf32, #tpu.memory_space<hbm>> -> memref<50000x128xf32, #tpu.memory_space<hbm>>
      tpu.wait_indirect_dma semaphore(%arg10 : memref<!tpu.dma_semaphore, #tpu.memory_space<semaphore_mem>>) src(%dma_wait3A_776 : memref<50000x128xf32, #tpu.memory_space<hbm>>) dst(%dma_wait3A_771 : memref<128x128xf32, #tpu.memory_space<vmem>>)
      %add3A_777 = arith.constant 1920 : i32
      %add3A_778 = arith.addi %add3A_11, %add3A_777 : i32
      %dma_start3A_779 = arith.constant 3 : i32
      %dma_start3A_780 = arith.constant 0 : i32
      %dma_start3A_781 = arith.constant 0 : i32
      %dma_start3A_782 = tpu.memref_slice %arg6[%dma_start3A_779, %dma_start3A_780, %dma_start3A_781] : memref<6x128x128xf32, #tpu.memory_space<vmem>> -> memref<1x128x128xf32, #tpu.memory_space<vmem>>
      %dma_start3A_783 = tpu.memref_squeeze %dma_start3A_782 : memref<1x128x128xf32, #tpu.memory_space<vmem>> -> memref<128x128xf32, #tpu.memory_space<vmem>>
      %dma_start3A_784 = arith.constant 0 : i32
      %dma_start3A_785 = tpu.memref_slice %arg4[%add3A_778, %dma_start3A_784] : memref<100000x128xf32, #tpu.memory_space<hbm>> -> memref<128x128xf32, #tpu.memory_space<hbm>>
      %dma_start3A_786 = arith.constant 0 : i32
      %dma_start3A_787 = tpu.memref_slice %arg4[%add3A_778, %dma_start3A_786] : memref<100000x128xf32, #tpu.memory_space<hbm>> -> memref<128x128xf32, #tpu.memory_space<hbm>>
      %dma_start3A_788 = arith.constant 0 : i32
      %dma_start3A_789 = arith.constant 0 : i32
      %dma_start3A_790 = tpu.memref_slice %arg6[%dma_start3A_779, %dma_start3A_788, %dma_start3A_789] : memref<6x128x128xf32, #tpu.memory_space<vmem>> -> memref<1x128x128xf32, #tpu.memory_space<vmem>>
      %dma_start3A_791 = tpu.memref_squeeze %dma_start3A_790 : memref<1x128x128xf32, #tpu.memory_space<vmem>> -> memref<128x128xf32, #tpu.memory_space<vmem>>
      tpu.enqueue_dma source(%dma_start3A_791 : memref<128x128xf32, #tpu.memory_space<vmem>>) target(%dma_start3A_787 : memref<128x128xf32, #tpu.memory_space<hbm>>) target_semaphore(%arg16 : memref<!tpu.dma_semaphore, #tpu.memory_space<semaphore_mem>>)
      %dma_wait3A_792 = arith.constant 2 : i32
      %dma_wait3A_793 = arith.constant 0 : i32
      %dma_wait3A_794 = arith.constant 0 : i32
      %dma_wait3A_795 = tpu.memref_slice %arg6[%dma_wait3A_792, %dma_wait3A_793, %dma_wait3A_794] : memref<6x128x128xf32, #tpu.memory_space<vmem>> -> memref<1x128x128xf32, #tpu.memory_space<vmem>>
      %dma_wait3A_796 = tpu.memref_squeeze %dma_wait3A_795 : memref<1x128x128xf32, #tpu.memory_space<vmem>> -> memref<128x128xf32, #tpu.memory_space<vmem>>
      %dma_wait3A_797 = arith.constant 0 : i32
      %dma_wait3A_798 = tpu.memref_slice %arg4[%add3A_730, %dma_wait3A_797] : memref<100000x128xf32, #tpu.memory_space<hbm>> -> memref<128x128xf32, #tpu.memory_space<hbm>>
      %dma_wait3A_799 = arith.constant 0 : i32
      %dma_wait3A_800 = tpu.memref_slice %arg4[%add3A_730, %dma_wait3A_799] : memref<100000x128xf32, #tpu.memory_space<hbm>> -> memref<128x128xf32, #tpu.memory_space<hbm>>
      %dma_wait3A_801 = arith.constant 0 : i32
      %dma_wait3A_802 = arith.constant 0 : i32
      %dma_wait3A_803 = tpu.memref_slice %arg6[%dma_wait3A_792, %dma_wait3A_801, %dma_wait3A_802] : memref<6x128x128xf32, #tpu.memory_space<vmem>> -> memref<1x128x128xf32, #tpu.memory_space<vmem>>
      %dma_wait3A_804 = tpu.memref_squeeze %dma_wait3A_803 : memref<1x128x128xf32, #tpu.memory_space<vmem>> -> memref<128x128xf32, #tpu.memory_space<vmem>>
      tpu.wait_dma2 semaphore(%arg15 : memref<!tpu.dma_semaphore, #tpu.memory_space<semaphore_mem>>) src(%dma_wait3A_804 : memref<128x128xf32, #tpu.memory_space<vmem>>) dst(%dma_wait3A_800 : memref<128x128xf32, #tpu.memory_space<hbm>>)
      %dma_start3A_805 = arith.constant 2 : i32
      %dma_start3A_806 = arith.constant 0 : i32
      %dma_start3A_807 = arith.constant 0 : i32
      %dma_start3A_808 = tpu.memref_slice %arg6[%dma_start3A_805, %dma_start3A_806, %dma_start3A_807] : memref<6x128x128xf32, #tpu.memory_space<vmem>> -> memref<1x128x128xf32, #tpu.memory_space<vmem>>
      %dma_start3A_809 = tpu.memref_squeeze %dma_start3A_808 : memref<1x128x128xf32, #tpu.memory_space<vmem>> -> memref<128x128xf32, #tpu.memory_space<vmem>>
      %dma_start3A_810 = arith.constant 2560 : i32
      %dma_start3A_811 = tpu.memref_slice %arg5[%dma_start3A_810] : memref<3128xi32, #tpu.memory_space<vmem>> -> memref<128xi32, #tpu.memory_space<vmem>>
      %dma_start3A_812 = arith.constant 0 : i32
      %dma_start3A_813 = arith.constant 0 : i32
      %dma_start3A_814 = tpu.memref_slice %arg3[%dma_start3A_812, %dma_start3A_813] : memref<50000x128xf32, #tpu.memory_space<hbm>> -> memref<50000x128xf32, #tpu.memory_space<hbm>>
      tpu.enqueue_indirect_dma source(%dma_start3A_814 : memref<50000x128xf32, #tpu.memory_space<hbm>>) target(%dma_start3A_809 : memref<128x128xf32, #tpu.memory_space<vmem>>) offsets(%dma_start3A_811 : memref<128xi32, #tpu.memory_space<vmem>>) semaphore(%arg9 : memref<!tpu.dma_semaphore, #tpu.memory_space<semaphore_mem>>)
      %dma_wait3A_815 = arith.constant 4 : i32
      %dma_wait3A_816 = arith.constant 0 : i32
      %dma_wait3A_817 = arith.constant 0 : i32
      %dma_wait3A_818 = tpu.memref_slice %arg6[%dma_wait3A_815, %dma_wait3A_816, %dma_wait3A_817] : memref<6x128x128xf32, #tpu.memory_space<vmem>> -> memref<1x128x128xf32, #tpu.memory_space<vmem>>
      %dma_wait3A_819 = tpu.memref_squeeze %dma_wait3A_818 : memref<1x128x128xf32, #tpu.memory_space<vmem>> -> memref<128x128xf32, #tpu.memory_space<vmem>>
      %dma_wait3A_820 = arith.constant 2048 : i32
      %dma_wait3A_821 = tpu.memref_slice %arg5[%dma_wait3A_820] : memref<3128xi32, #tpu.memory_space<vmem>> -> memref<128xi32, #tpu.memory_space<vmem>>
      %dma_wait3A_822 = arith.constant 0 : i32
      %dma_wait3A_823 = arith.constant 0 : i32
      %dma_wait3A_824 = tpu.memref_slice %arg3[%dma_wait3A_822, %dma_wait3A_823] : memref<50000x128xf32, #tpu.memory_space<hbm>> -> memref<50000x128xf32, #tpu.memory_space<hbm>>
      tpu.wait_indirect_dma semaphore(%arg11 : memref<!tpu.dma_semaphore, #tpu.memory_space<semaphore_mem>>) src(%dma_wait3A_824 : memref<50000x128xf32, #tpu.memory_space<hbm>>) dst(%dma_wait3A_819 : memref<128x128xf32, #tpu.memory_space<vmem>>)
      %add3A_825 = arith.constant 2048 : i32
      %add3A_826 = arith.addi %add3A_11, %add3A_825 : i32
      %dma_start3A_827 = arith.constant 4 : i32
      %dma_start3A_828 = arith.constant 0 : i32
      %dma_start3A_829 = arith.constant 0 : i32
      %dma_start3A_830 = tpu.memref_slice %arg6[%dma_start3A_827, %dma_start3A_828, %dma_start3A_829] : memref<6x128x128xf32, #tpu.memory_space<vmem>> -> memref<1x128x128xf32, #tpu.memory_space<vmem>>
      %dma_start3A_831 = tpu.memref_squeeze %dma_start3A_830 : memref<1x128x128xf32, #tpu.memory_space<vmem>> -> memref<128x128xf32, #tpu.memory_space<vmem>>
      %dma_start3A_832 = arith.constant 0 : i32
      %dma_start3A_833 = tpu.memref_slice %arg4[%add3A_826, %dma_start3A_832] : memref<100000x128xf32, #tpu.memory_space<hbm>> -> memref<128x128xf32, #tpu.memory_space<hbm>>
      %dma_start3A_834 = arith.constant 0 : i32
      %dma_start3A_835 = tpu.memref_slice %arg4[%add3A_826, %dma_start3A_834] : memref<100000x128xf32, #tpu.memory_space<hbm>> -> memref<128x128xf32, #tpu.memory_space<hbm>>
      %dma_start3A_836 = arith.constant 0 : i32
      %dma_start3A_837 = arith.constant 0 : i32
      %dma_start3A_838 = tpu.memref_slice %arg6[%dma_start3A_827, %dma_start3A_836, %dma_start3A_837] : memref<6x128x128xf32, #tpu.memory_space<vmem>> -> memref<1x128x128xf32, #tpu.memory_space<vmem>>
      %dma_start3A_839 = tpu.memref_squeeze %dma_start3A_838 : memref<1x128x128xf32, #tpu.memory_space<vmem>> -> memref<128x128xf32, #tpu.memory_space<vmem>>
      tpu.enqueue_dma source(%dma_start3A_839 : memref<128x128xf32, #tpu.memory_space<vmem>>) target(%dma_start3A_835 : memref<128x128xf32, #tpu.memory_space<hbm>>) target_semaphore(%arg17 : memref<!tpu.dma_semaphore, #tpu.memory_space<semaphore_mem>>)
      %dma_wait3A_840 = arith.constant 3 : i32
      %dma_wait3A_841 = arith.constant 0 : i32
      %dma_wait3A_842 = arith.constant 0 : i32
      %dma_wait3A_843 = tpu.memref_slice %arg6[%dma_wait3A_840, %dma_wait3A_841, %dma_wait3A_842] : memref<6x128x128xf32, #tpu.memory_space<vmem>> -> memref<1x128x128xf32, #tpu.memory_space<vmem>>
      %dma_wait3A_844 = tpu.memref_squeeze %dma_wait3A_843 : memref<1x128x128xf32, #tpu.memory_space<vmem>> -> memref<128x128xf32, #tpu.memory_space<vmem>>
      %dma_wait3A_845 = arith.constant 0 : i32
      %dma_wait3A_846 = tpu.memref_slice %arg4[%add3A_778, %dma_wait3A_845] : memref<100000x128xf32, #tpu.memory_space<hbm>> -> memref<128x128xf32, #tpu.memory_space<hbm>>
      %dma_wait3A_847 = arith.constant 0 : i32
      %dma_wait3A_848 = tpu.memref_slice %arg4[%add3A_778, %dma_wait3A_847] : memref<100000x128xf32, #tpu.memory_space<hbm>> -> memref<128x128xf32, #tpu.memory_space<hbm>>
      %dma_wait3A_849 = arith.constant 0 : i32
      %dma_wait3A_850 = arith.constant 0 : i32
      %dma_wait3A_851 = tpu.memref_slice %arg6[%dma_wait3A_840, %dma_wait3A_849, %dma_wait3A_850] : memref<6x128x128xf32, #tpu.memory_space<vmem>> -> memref<1x128x128xf32, #tpu.memory_space<vmem>>
      %dma_wait3A_852 = tpu.memref_squeeze %dma_wait3A_851 : memref<1x128x128xf32, #tpu.memory_space<vmem>> -> memref<128x128xf32, #tpu.memory_space<vmem>>
      tpu.wait_dma2 semaphore(%arg16 : memref<!tpu.dma_semaphore, #tpu.memory_space<semaphore_mem>>) src(%dma_wait3A_852 : memref<128x128xf32, #tpu.memory_space<vmem>>) dst(%dma_wait3A_848 : memref<128x128xf32, #tpu.memory_space<hbm>>)
      %dma_start3A_853 = arith.constant 3 : i32
      %dma_start3A_854 = arith.constant 0 : i32
      %dma_start3A_855 = arith.constant 0 : i32
      %dma_start3A_856 = tpu.memref_slice %arg6[%dma_start3A_853, %dma_start3A_854, %dma_start3A_855] : memref<6x128x128xf32, #tpu.memory_space<vmem>> -> memref<1x128x128xf32, #tpu.memory_space<vmem>>
      %dma_start3A_857 = tpu.memref_squeeze %dma_start3A_856 : memref<1x128x128xf32, #tpu.memory_space<vmem>> -> memref<128x128xf32, #tpu.memory_space<vmem>>
      %dma_start3A_858 = arith.constant 2688 : i32
      %dma_start3A_859 = tpu.memref_slice %arg5[%dma_start3A_858] : memref<3128xi32, #tpu.memory_space<vmem>> -> memref<128xi32, #tpu.memory_space<vmem>>
      %dma_start3A_860 = arith.constant 0 : i32
      %dma_start3A_861 = arith.constant 0 : i32
      %dma_start3A_862 = tpu.memref_slice %arg3[%dma_start3A_860, %dma_start3A_861] : memref<50000x128xf32, #tpu.memory_space<hbm>> -> memref<50000x128xf32, #tpu.memory_space<hbm>>
      tpu.enqueue_indirect_dma source(%dma_start3A_862 : memref<50000x128xf32, #tpu.memory_space<hbm>>) target(%dma_start3A_857 : memref<128x128xf32, #tpu.memory_space<vmem>>) offsets(%dma_start3A_859 : memref<128xi32, #tpu.memory_space<vmem>>) semaphore(%arg10 : memref<!tpu.dma_semaphore, #tpu.memory_space<semaphore_mem>>)
      %dma_wait3A_863 = arith.constant 5 : i32
      %dma_wait3A_864 = arith.constant 0 : i32
      %dma_wait3A_865 = arith.constant 0 : i32
      %dma_wait3A_866 = tpu.memref_slice %arg6[%dma_wait3A_863, %dma_wait3A_864, %dma_wait3A_865] : memref<6x128x128xf32, #tpu.memory_space<vmem>> -> memref<1x128x128xf32, #tpu.memory_space<vmem>>
      %dma_wait3A_867 = tpu.memref_squeeze %dma_wait3A_866 : memref<1x128x128xf32, #tpu.memory_space<vmem>> -> memref<128x128xf32, #tpu.memory_space<vmem>>
      %dma_wait3A_868 = arith.constant 2176 : i32
      %dma_wait3A_869 = tpu.memref_slice %arg5[%dma_wait3A_868] : memref<3128xi32, #tpu.memory_space<vmem>> -> memref<128xi32, #tpu.memory_space<vmem>>
      %dma_wait3A_870 = arith.constant 0 : i32
      %dma_wait3A_871 = arith.constant 0 : i32
      %dma_wait3A_872 = tpu.memref_slice %arg3[%dma_wait3A_870, %dma_wait3A_871] : memref<50000x128xf32, #tpu.memory_space<hbm>> -> memref<50000x128xf32, #tpu.memory_space<hbm>>
      tpu.wait_indirect_dma semaphore(%arg12 : memref<!tpu.dma_semaphore, #tpu.memory_space<semaphore_mem>>) src(%dma_wait3A_872 : memref<50000x128xf32, #tpu.memory_space<hbm>>) dst(%dma_wait3A_867 : memref<128x128xf32, #tpu.memory_space<vmem>>)
      %add3A_873 = arith.constant 2176 : i32
      %add3A_874 = arith.addi %add3A_11, %add3A_873 : i32
      %dma_start3A_875 = arith.constant 5 : i32
      %dma_start3A_876 = arith.constant 0 : i32
      %dma_start3A_877 = arith.constant 0 : i32
      %dma_start3A_878 = tpu.memref_slice %arg6[%dma_start3A_875, %dma_start3A_876, %dma_start3A_877] : memref<6x128x128xf32, #tpu.memory_space<vmem>> -> memref<1x128x128xf32, #tpu.memory_space<vmem>>
      %dma_start3A_879 = tpu.memref_squeeze %dma_start3A_878 : memref<1x128x128xf32, #tpu.memory_space<vmem>> -> memref<128x128xf32, #tpu.memory_space<vmem>>
      %dma_start3A_880 = arith.constant 0 : i32
      %dma_start3A_881 = tpu.memref_slice %arg4[%add3A_874, %dma_start3A_880] : memref<100000x128xf32, #tpu.memory_space<hbm>> -> memref<128x128xf32, #tpu.memory_space<hbm>>
      %dma_start3A_882 = arith.constant 0 : i32
      %dma_start3A_883 = tpu.memref_slice %arg4[%add3A_874, %dma_start3A_882] : memref<100000x128xf32, #tpu.memory_space<hbm>> -> memref<128x128xf32, #tpu.memory_space<hbm>>
      %dma_start3A_884 = arith.constant 0 : i32
      %dma_start3A_885 = arith.constant 0 : i32
      %dma_start3A_886 = tpu.memref_slice %arg6[%dma_start3A_875, %dma_start3A_884, %dma_start3A_885] : memref<6x128x128xf32, #tpu.memory_space<vmem>> -> memref<1x128x128xf32, #tpu.memory_space<vmem>>
      %dma_start3A_887 = tpu.memref_squeeze %dma_start3A_886 : memref<1x128x128xf32, #tpu.memory_space<vmem>> -> memref<128x128xf32, #tpu.memory_space<vmem>>
      tpu.enqueue_dma source(%dma_start3A_887 : memref<128x128xf32, #tpu.memory_space<vmem>>) target(%dma_start3A_883 : memref<128x128xf32, #tpu.memory_space<hbm>>) target_semaphore(%arg18 : memref<!tpu.dma_semaphore, #tpu.memory_space<semaphore_mem>>)
      %dma_wait3A_888 = arith.constant 4 : i32
      %dma_wait3A_889 = arith.constant 0 : i32
      %dma_wait3A_890 = arith.constant 0 : i32
      %dma_wait3A_891 = tpu.memref_slice %arg6[%dma_wait3A_888, %dma_wait3A_889, %dma_wait3A_890] : memref<6x128x128xf32, #tpu.memory_space<vmem>> -> memref<1x128x128xf32, #tpu.memory_space<vmem>>
      %dma_wait3A_892 = tpu.memref_squeeze %dma_wait3A_891 : memref<1x128x128xf32, #tpu.memory_space<vmem>> -> memref<128x128xf32, #tpu.memory_space<vmem>>
      %dma_wait3A_893 = arith.constant 0 : i32
      %dma_wait3A_894 = tpu.memref_slice %arg4[%add3A_826, %dma_wait3A_893] : memref<100000x128xf32, #tpu.memory_space<hbm>> -> memref<128x128xf32, #tpu.memory_space<hbm>>
      %dma_wait3A_895 = arith.constant 0 : i32
      %dma_wait3A_896 = tpu.memref_slice %arg4[%add3A_826, %dma_wait3A_895] : memref<100000x128xf32, #tpu.memory_space<hbm>> -> memref<128x128xf32, #tpu.memory_space<hbm>>
      %dma_wait3A_897 = arith.constant 0 : i32
      %dma_wait3A_898 = arith.constant 0 : i32
      %dma_wait3A_899 = tpu.memref_slice %arg6[%dma_wait3A_888, %dma_wait3A_897, %dma_wait3A_898] : memref<6x128x128xf32, #tpu.memory_space<vmem>> -> memref<1x128x128xf32, #tpu.memory_space<vmem>>
      %dma_wait3A_900 = tpu.memref_squeeze %dma_wait3A_899 : memref<1x128x128xf32, #tpu.memory_space<vmem>> -> memref<128x128xf32, #tpu.memory_space<vmem>>
      tpu.wait_dma2 semaphore(%arg17 : memref<!tpu.dma_semaphore, #tpu.memory_space<semaphore_mem>>) src(%dma_wait3A_900 : memref<128x128xf32, #tpu.memory_space<vmem>>) dst(%dma_wait3A_896 : memref<128x128xf32, #tpu.memory_space<hbm>>)
      %dma_start3A_901 = arith.constant 4 : i32
      %dma_start3A_902 = arith.constant 0 : i32
      %dma_start3A_903 = arith.constant 0 : i32
      %dma_start3A_904 = tpu.memref_slice %arg6[%dma_start3A_901, %dma_start3A_902, %dma_start3A_903] : memref<6x128x128xf32, #tpu.memory_space<vmem>> -> memref<1x128x128xf32, #tpu.memory_space<vmem>>
      %dma_start3A_905 = tpu.memref_squeeze %dma_start3A_904 : memref<1x128x128xf32, #tpu.memory_space<vmem>> -> memref<128x128xf32, #tpu.memory_space<vmem>>
      %dma_start3A_906 = arith.constant 2816 : i32
      %dma_start3A_907 = tpu.memref_slice %arg5[%dma_start3A_906] : memref<3128xi32, #tpu.memory_space<vmem>> -> memref<128xi32, #tpu.memory_space<vmem>>
      %dma_start3A_908 = arith.constant 0 : i32
      %dma_start3A_909 = arith.constant 0 : i32
      %dma_start3A_910 = tpu.memref_slice %arg3[%dma_start3A_908, %dma_start3A_909] : memref<50000x128xf32, #tpu.memory_space<hbm>> -> memref<50000x128xf32, #tpu.memory_space<hbm>>
      tpu.enqueue_indirect_dma source(%dma_start3A_910 : memref<50000x128xf32, #tpu.memory_space<hbm>>) target(%dma_start3A_905 : memref<128x128xf32, #tpu.memory_space<vmem>>) offsets(%dma_start3A_907 : memref<128xi32, #tpu.memory_space<vmem>>) semaphore(%arg11 : memref<!tpu.dma_semaphore, #tpu.memory_space<semaphore_mem>>)
      %dma_wait3A_911 = arith.constant 0 : i32
      %dma_wait3A_912 = arith.constant 0 : i32
      %dma_wait3A_913 = arith.constant 0 : i32
      %dma_wait3A_914 = tpu.memref_slice %arg6[%dma_wait3A_911, %dma_wait3A_912, %dma_wait3A_913] : memref<6x128x128xf32, #tpu.memory_space<vmem>> -> memref<1x128x128xf32, #tpu.memory_space<vmem>>
      %dma_wait3A_915 = tpu.memref_squeeze %dma_wait3A_914 : memref<1x128x128xf32, #tpu.memory_space<vmem>> -> memref<128x128xf32, #tpu.memory_space<vmem>>
      %dma_wait3A_916 = arith.constant 2304 : i32
      %dma_wait3A_917 = tpu.memref_slice %arg5[%dma_wait3A_916] : memref<3128xi32, #tpu.memory_space<vmem>> -> memref<128xi32, #tpu.memory_space<vmem>>
      %dma_wait3A_918 = arith.constant 0 : i32
      %dma_wait3A_919 = arith.constant 0 : i32
      %dma_wait3A_920 = tpu.memref_slice %arg3[%dma_wait3A_918, %dma_wait3A_919] : memref<50000x128xf32, #tpu.memory_space<hbm>> -> memref<50000x128xf32, #tpu.memory_space<hbm>>
      tpu.wait_indirect_dma semaphore(%arg7 : memref<!tpu.dma_semaphore, #tpu.memory_space<semaphore_mem>>) src(%dma_wait3A_920 : memref<50000x128xf32, #tpu.memory_space<hbm>>) dst(%dma_wait3A_915 : memref<128x128xf32, #tpu.memory_space<vmem>>)
      %add3A_921 = arith.constant 2304 : i32
      %add3A_922 = arith.addi %add3A_11, %add3A_921 : i32
      %dma_start3A_923 = arith.constant 0 : i32
      %dma_start3A_924 = arith.constant 0 : i32
      %dma_start3A_925 = arith.constant 0 : i32
      %dma_start3A_926 = tpu.memref_slice %arg6[%dma_start3A_923, %dma_start3A_924, %dma_start3A_925] : memref<6x128x128xf32, #tpu.memory_space<vmem>> -> memref<1x128x128xf32, #tpu.memory_space<vmem>>
      %dma_start3A_927 = tpu.memref_squeeze %dma_start3A_926 : memref<1x128x128xf32, #tpu.memory_space<vmem>> -> memref<128x128xf32, #tpu.memory_space<vmem>>
      %dma_start3A_928 = arith.constant 0 : i32
      %dma_start3A_929 = tpu.memref_slice %arg4[%add3A_922, %dma_start3A_928] : memref<100000x128xf32, #tpu.memory_space<hbm>> -> memref<128x128xf32, #tpu.memory_space<hbm>>
      %dma_start3A_930 = arith.constant 0 : i32
      %dma_start3A_931 = tpu.memref_slice %arg4[%add3A_922, %dma_start3A_930] : memref<100000x128xf32, #tpu.memory_space<hbm>> -> memref<128x128xf32, #tpu.memory_space<hbm>>
      %dma_start3A_932 = arith.constant 0 : i32
      %dma_start3A_933 = arith.constant 0 : i32
      %dma_start3A_934 = tpu.memref_slice %arg6[%dma_start3A_923, %dma_start3A_932, %dma_start3A_933] : memref<6x128x128xf32, #tpu.memory_space<vmem>> -> memref<1x128x128xf32, #tpu.memory_space<vmem>>
      %dma_start3A_935 = tpu.memref_squeeze %dma_start3A_934 : memref<1x128x128xf32, #tpu.memory_space<vmem>> -> memref<128x128xf32, #tpu.memory_space<vmem>>
      tpu.enqueue_dma source(%dma_start3A_935 : memref<128x128xf32, #tpu.memory_space<vmem>>) target(%dma_start3A_931 : memref<128x128xf32, #tpu.memory_space<hbm>>) target_semaphore(%arg13 : memref<!tpu.dma_semaphore, #tpu.memory_space<semaphore_mem>>)
      %dma_wait3A_936 = arith.constant 5 : i32
      %dma_wait3A_937 = arith.constant 0 : i32
      %dma_wait3A_938 = arith.constant 0 : i32
      %dma_wait3A_939 = tpu.memref_slice %arg6[%dma_wait3A_936, %dma_wait3A_937, %dma_wait3A_938] : memref<6x128x128xf32, #tpu.memory_space<vmem>> -> memref<1x128x128xf32, #tpu.memory_space<vmem>>
      %dma_wait3A_940 = tpu.memref_squeeze %dma_wait3A_939 : memref<1x128x128xf32, #tpu.memory_space<vmem>> -> memref<128x128xf32, #tpu.memory_space<vmem>>
      %dma_wait3A_941 = arith.constant 0 : i32
      %dma_wait3A_942 = tpu.memref_slice %arg4[%add3A_874, %dma_wait3A_941] : memref<100000x128xf32, #tpu.memory_space<hbm>> -> memref<128x128xf32, #tpu.memory_space<hbm>>
      %dma_wait3A_943 = arith.constant 0 : i32
      %dma_wait3A_944 = tpu.memref_slice %arg4[%add3A_874, %dma_wait3A_943] : memref<100000x128xf32, #tpu.memory_space<hbm>> -> memref<128x128xf32, #tpu.memory_space<hbm>>
      %dma_wait3A_945 = arith.constant 0 : i32
      %dma_wait3A_946 = arith.constant 0 : i32
      %dma_wait3A_947 = tpu.memref_slice %arg6[%dma_wait3A_936, %dma_wait3A_945, %dma_wait3A_946] : memref<6x128x128xf32, #tpu.memory_space<vmem>> -> memref<1x128x128xf32, #tpu.memory_space<vmem>>
      %dma_wait3A_948 = tpu.memref_squeeze %dma_wait3A_947 : memref<1x128x128xf32, #tpu.memory_space<vmem>> -> memref<128x128xf32, #tpu.memory_space<vmem>>
      tpu.wait_dma2 semaphore(%arg18 : memref<!tpu.dma_semaphore, #tpu.memory_space<semaphore_mem>>) src(%dma_wait3A_948 : memref<128x128xf32, #tpu.memory_space<vmem>>) dst(%dma_wait3A_944 : memref<128x128xf32, #tpu.memory_space<hbm>>)
      %dma_start3A_949 = arith.constant 5 : i32
      %dma_start3A_950 = arith.constant 0 : i32
      %dma_start3A_951 = arith.constant 0 : i32
      %dma_start3A_952 = tpu.memref_slice %arg6[%dma_start3A_949, %dma_start3A_950, %dma_start3A_951] : memref<6x128x128xf32, #tpu.memory_space<vmem>> -> memref<1x128x128xf32, #tpu.memory_space<vmem>>
      %dma_start3A_953 = tpu.memref_squeeze %dma_start3A_952 : memref<1x128x128xf32, #tpu.memory_space<vmem>> -> memref<128x128xf32, #tpu.memory_space<vmem>>
      %dma_start3A_954 = arith.constant 2944 : i32
      %dma_start3A_955 = tpu.memref_slice %arg5[%dma_start3A_954] : memref<3128xi32, #tpu.memory_space<vmem>> -> memref<128xi32, #tpu.memory_space<vmem>>
      %dma_start3A_956 = arith.constant 0 : i32
      %dma_start3A_957 = arith.constant 0 : i32
      %dma_start3A_958 = tpu.memref_slice %arg3[%dma_start3A_956, %dma_start3A_957] : memref<50000x128xf32, #tpu.memory_space<hbm>> -> memref<50000x128xf32, #tpu.memory_space<hbm>>
      tpu.enqueue_indirect_dma source(%dma_start3A_958 : memref<50000x128xf32, #tpu.memory_space<hbm>>) target(%dma_start3A_953 : memref<128x128xf32, #tpu.memory_space<vmem>>) offsets(%dma_start3A_955 : memref<128xi32, #tpu.memory_space<vmem>>) semaphore(%arg12 : memref<!tpu.dma_semaphore, #tpu.memory_space<semaphore_mem>>)
      %dma_wait3A_959 = arith.constant 1 : i32
      %dma_wait3A_960 = arith.constant 0 : i32
      %dma_wait3A_961 = arith.constant 0 : i32
      %dma_wait3A_962 = tpu.memref_slice %arg6[%dma_wait3A_959, %dma_wait3A_960, %dma_wait3A_961] : memref<6x128x128xf32, #tpu.memory_space<vmem>> -> memref<1x128x128xf32, #tpu.memory_space<vmem>>
      %dma_wait3A_963 = tpu.memref_squeeze %dma_wait3A_962 : memref<1x128x128xf32, #tpu.memory_space<vmem>> -> memref<128x128xf32, #tpu.memory_space<vmem>>
      %dma_wait3A_964 = arith.constant 2432 : i32
      %dma_wait3A_965 = tpu.memref_slice %arg5[%dma_wait3A_964] : memref<3128xi32, #tpu.memory_space<vmem>> -> memref<128xi32, #tpu.memory_space<vmem>>
      %dma_wait3A_966 = arith.constant 0 : i32
      %dma_wait3A_967 = arith.constant 0 : i32
      %dma_wait3A_968 = tpu.memref_slice %arg3[%dma_wait3A_966, %dma_wait3A_967] : memref<50000x128xf32, #tpu.memory_space<hbm>> -> memref<50000x128xf32, #tpu.memory_space<hbm>>
      tpu.wait_indirect_dma semaphore(%arg8 : memref<!tpu.dma_semaphore, #tpu.memory_space<semaphore_mem>>) src(%dma_wait3A_968 : memref<50000x128xf32, #tpu.memory_space<hbm>>) dst(%dma_wait3A_963 : memref<128x128xf32, #tpu.memory_space<vmem>>)
      %add3A_969 = arith.constant 2432 : i32
      %add3A_970 = arith.addi %add3A_11, %add3A_969 : i32
      %dma_start3A_971 = arith.constant 1 : i32
      %dma_start3A_972 = arith.constant 0 : i32
      %dma_start3A_973 = arith.constant 0 : i32
      %dma_start3A_974 = tpu.memref_slice %arg6[%dma_start3A_971, %dma_start3A_972, %dma_start3A_973] : memref<6x128x128xf32, #tpu.memory_space<vmem>> -> memref<1x128x128xf32, #tpu.memory_space<vmem>>
      %dma_start3A_975 = tpu.memref_squeeze %dma_start3A_974 : memref<1x128x128xf32, #tpu.memory_space<vmem>> -> memref<128x128xf32, #tpu.memory_space<vmem>>
      %dma_start3A_976 = arith.constant 0 : i32
      %dma_start3A_977 = tpu.memref_slice %arg4[%add3A_970, %dma_start3A_976] : memref<100000x128xf32, #tpu.memory_space<hbm>> -> memref<128x128xf32, #tpu.memory_space<hbm>>
      %dma_start3A_978 = arith.constant 0 : i32
      %dma_start3A_979 = tpu.memref_slice %arg4[%add3A_970, %dma_start3A_978] : memref<100000x128xf32, #tpu.memory_space<hbm>> -> memref<128x128xf32, #tpu.memory_space<hbm>>
      %dma_start3A_980 = arith.constant 0 : i32
      %dma_start3A_981 = arith.constant 0 : i32
      %dma_start3A_982 = tpu.memref_slice %arg6[%dma_start3A_971, %dma_start3A_980, %dma_start3A_981] : memref<6x128x128xf32, #tpu.memory_space<vmem>> -> memref<1x128x128xf32, #tpu.memory_space<vmem>>
      %dma_start3A_983 = tpu.memref_squeeze %dma_start3A_982 : memref<1x128x128xf32, #tpu.memory_space<vmem>> -> memref<128x128xf32, #tpu.memory_space<vmem>>
      tpu.enqueue_dma source(%dma_start3A_983 : memref<128x128xf32, #tpu.memory_space<vmem>>) target(%dma_start3A_979 : memref<128x128xf32, #tpu.memory_space<hbm>>) target_semaphore(%arg14 : memref<!tpu.dma_semaphore, #tpu.memory_space<semaphore_mem>>)
      %dma_wait3A_984 = arith.constant 0 : i32
      %dma_wait3A_985 = arith.constant 0 : i32
      %dma_wait3A_986 = arith.constant 0 : i32
      %dma_wait3A_987 = tpu.memref_slice %arg6[%dma_wait3A_984, %dma_wait3A_985, %dma_wait3A_986] : memref<6x128x128xf32, #tpu.memory_space<vmem>> -> memref<1x128x128xf32, #tpu.memory_space<vmem>>
      %dma_wait3A_988 = tpu.memref_squeeze %dma_wait3A_987 : memref<1x128x128xf32, #tpu.memory_space<vmem>> -> memref<128x128xf32, #tpu.memory_space<vmem>>
      %dma_wait3A_989 = arith.constant 0 : i32
      %dma_wait3A_990 = tpu.memref_slice %arg4[%add3A_922, %dma_wait3A_989] : memref<100000x128xf32, #tpu.memory_space<hbm>> -> memref<128x128xf32, #tpu.memory_space<hbm>>
      %dma_wait3A_991 = arith.constant 0 : i32
      %dma_wait3A_992 = tpu.memref_slice %arg4[%add3A_922, %dma_wait3A_991] : memref<100000x128xf32, #tpu.memory_space<hbm>> -> memref<128x128xf32, #tpu.memory_space<hbm>>
      %dma_wait3A_993 = arith.constant 0 : i32
      %dma_wait3A_994 = arith.constant 0 : i32
      %dma_wait3A_995 = tpu.memref_slice %arg6[%dma_wait3A_984, %dma_wait3A_993, %dma_wait3A_994] : memref<6x128x128xf32, #tpu.memory_space<vmem>> -> memref<1x128x128xf32, #tpu.memory_space<vmem>>
      %dma_wait3A_996 = tpu.memref_squeeze %dma_wait3A_995 : memref<1x128x128xf32, #tpu.memory_space<vmem>> -> memref<128x128xf32, #tpu.memory_space<vmem>>
      tpu.wait_dma2 semaphore(%arg13 : memref<!tpu.dma_semaphore, #tpu.memory_space<semaphore_mem>>) src(%dma_wait3A_996 : memref<128x128xf32, #tpu.memory_space<vmem>>) dst(%dma_wait3A_992 : memref<128x128xf32, #tpu.memory_space<hbm>>)
      %dma_start3A_997 = arith.constant 0 : i32
      %dma_start3A_998 = arith.constant 0 : i32
      %dma_start3A_999 = arith.constant 0 : i32
      %dma_start3A_1000 = tpu.memref_slice %arg6[%dma_start3A_997, %dma_start3A_998, %dma_start3A_999] : memref<6x128x128xf32, #tpu.memory_space<vmem>> -> memref<1x48x128xf32, #tpu.memory_space<vmem>>
      %dma_start3A_1001 = tpu.memref_squeeze %dma_start3A_1000 : memref<1x48x128xf32, #tpu.memory_space<vmem>> -> memref<48x128xf32, #tpu.memory_space<vmem>>
      %dma_start3A_1002 = arith.constant 3072 : i32
      %dma_start3A_1003 = tpu.memref_slice %arg5[%dma_start3A_1002] : memref<3128xi32, #tpu.memory_space<vmem>> -> memref<48xi32, #tpu.memory_space<vmem>>
      %dma_start3A_1004 = arith.constant 0 : i32
      %dma_start3A_1005 = arith.constant 0 : i32
      %dma_start3A_1006 = tpu.memref_slice %arg3[%dma_start3A_1004, %dma_start3A_1005] : memref<50000x128xf32, #tpu.memory_space<hbm>> -> memref<50000x128xf32, #tpu.memory_space<hbm>>
      tpu.enqueue_indirect_dma source(%dma_start3A_1006 : memref<50000x128xf32, #tpu.memory_space<hbm>>) target(%dma_start3A_1001 : memref<48x128xf32, #tpu.memory_space<vmem>>) offsets(%dma_start3A_1003 : memref<48xi32, #tpu.memory_space<vmem>>) semaphore(%arg7 : memref<!tpu.dma_semaphore, #tpu.memory_space<semaphore_mem>>)
      %dma_wait3A_1007 = arith.constant 2 : i32
      %dma_wait3A_1008 = arith.constant 0 : i32
      %dma_wait3A_1009 = arith.constant 0 : i32
      %dma_wait3A_1010 = tpu.memref_slice %arg6[%dma_wait3A_1007, %dma_wait3A_1008, %dma_wait3A_1009] : memref<6x128x128xf32, #tpu.memory_space<vmem>> -> memref<1x128x128xf32, #tpu.memory_space<vmem>>
      %dma_wait3A_1011 = tpu.memref_squeeze %dma_wait3A_1010 : memref<1x128x128xf32, #tpu.memory_space<vmem>> -> memref<128x128xf32, #tpu.memory_space<vmem>>
      %dma_wait3A_1012 = arith.constant 2560 : i32
      %dma_wait3A_1013 = tpu.memref_slice %arg5[%dma_wait3A_1012] : memref<3128xi32, #tpu.memory_space<vmem>> -> memref<128xi32, #tpu.memory_space<vmem>>
      %dma_wait3A_1014 = arith.constant 0 : i32
      %dma_wait3A_1015 = arith.constant 0 : i32
      %dma_wait3A_1016 = tpu.memref_slice %arg3[%dma_wait3A_1014, %dma_wait3A_1015] : memref<50000x128xf32, #tpu.memory_space<hbm>> -> memref<50000x128xf32, #tpu.memory_space<hbm>>
      tpu.wait_indirect_dma semaphore(%arg9 : memref<!tpu.dma_semaphore, #tpu.memory_space<semaphore_mem>>) src(%dma_wait3A_1016 : memref<50000x128xf32, #tpu.memory_space<hbm>>) dst(%dma_wait3A_1011 : memref<128x128xf32, #tpu.memory_space<vmem>>)
      %add3A_1017 = arith.constant 2560 : i32
      %add3A_1018 = arith.addi %add3A_11, %add3A_1017 : i32
      %dma_start3A_1019 = arith.constant 2 : i32
      %dma_start3A_1020 = arith.constant 0 : i32
      %dma_start3A_1021 = arith.constant 0 : i32
      %dma_start3A_1022 = tpu.memref_slice %arg6[%dma_start3A_1019, %dma_start3A_1020, %dma_start3A_1021] : memref<6x128x128xf32, #tpu.memory_space<vmem>> -> memref<1x128x128xf32, #tpu.memory_space<vmem>>
      %dma_start3A_1023 = tpu.memref_squeeze %dma_start3A_1022 : memref<1x128x128xf32, #tpu.memory_space<vmem>> -> memref<128x128xf32, #tpu.memory_space<vmem>>
      %dma_start3A_1024 = arith.constant 0 : i32
      %dma_start3A_1025 = tpu.memref_slice %arg4[%add3A_1018, %dma_start3A_1024] : memref<100000x128xf32, #tpu.memory_space<hbm>> -> memref<128x128xf32, #tpu.memory_space<hbm>>
      %dma_start3A_1026 = arith.constant 0 : i32
      %dma_start3A_1027 = tpu.memref_slice %arg4[%add3A_1018, %dma_start3A_1026] : memref<100000x128xf32, #tpu.memory_space<hbm>> -> memref<128x128xf32, #tpu.memory_space<hbm>>
      %dma_start3A_1028 = arith.constant 0 : i32
      %dma_start3A_1029 = arith.constant 0 : i32
      %dma_start3A_1030 = tpu.memref_slice %arg6[%dma_start3A_1019, %dma_start3A_1028, %dma_start3A_1029] : memref<6x128x128xf32, #tpu.memory_space<vmem>> -> memref<1x128x128xf32, #tpu.memory_space<vmem>>
      %dma_start3A_1031 = tpu.memref_squeeze %dma_start3A_1030 : memref<1x128x128xf32, #tpu.memory_space<vmem>> -> memref<128x128xf32, #tpu.memory_space<vmem>>
      tpu.enqueue_dma source(%dma_start3A_1031 : memref<128x128xf32, #tpu.memory_space<vmem>>) target(%dma_start3A_1027 : memref<128x128xf32, #tpu.memory_space<hbm>>) target_semaphore(%arg15 : memref<!tpu.dma_semaphore, #tpu.memory_space<semaphore_mem>>)
      %dma_wait3A_1032 = arith.constant 3 : i32
      %dma_wait3A_1033 = arith.constant 0 : i32
      %dma_wait3A_1034 = arith.constant 0 : i32
      %dma_wait3A_1035 = tpu.memref_slice %arg6[%dma_wait3A_1032, %dma_wait3A_1033, %dma_wait3A_1034] : memref<6x128x128xf32, #tpu.memory_space<vmem>> -> memref<1x128x128xf32, #tpu.memory_space<vmem>>
      %dma_wait3A_1036 = tpu.memref_squeeze %dma_wait3A_1035 : memref<1x128x128xf32, #tpu.memory_space<vmem>> -> memref<128x128xf32, #tpu.memory_space<vmem>>
      %dma_wait3A_1037 = arith.constant 2688 : i32
      %dma_wait3A_1038 = tpu.memref_slice %arg5[%dma_wait3A_1037] : memref<3128xi32, #tpu.memory_space<vmem>> -> memref<128xi32, #tpu.memory_space<vmem>>
      %dma_wait3A_1039 = arith.constant 0 : i32
      %dma_wait3A_1040 = arith.constant 0 : i32
      %dma_wait3A_1041 = tpu.memref_slice %arg3[%dma_wait3A_1039, %dma_wait3A_1040] : memref<50000x128xf32, #tpu.memory_space<hbm>> -> memref<50000x128xf32, #tpu.memory_space<hbm>>
      tpu.wait_indirect_dma semaphore(%arg10 : memref<!tpu.dma_semaphore, #tpu.memory_space<semaphore_mem>>) src(%dma_wait3A_1041 : memref<50000x128xf32, #tpu.memory_space<hbm>>) dst(%dma_wait3A_1036 : memref<128x128xf32, #tpu.memory_space<vmem>>)
      %add3A_1042 = arith.constant 2688 : i32
      %add3A_1043 = arith.addi %add3A_11, %add3A_1042 : i32
      %dma_start3A_1044 = arith.constant 3 : i32
      %dma_start3A_1045 = arith.constant 0 : i32
      %dma_start3A_1046 = arith.constant 0 : i32
      %dma_start3A_1047 = tpu.memref_slice %arg6[%dma_start3A_1044, %dma_start3A_1045, %dma_start3A_1046] : memref<6x128x128xf32, #tpu.memory_space<vmem>> -> memref<1x128x128xf32, #tpu.memory_space<vmem>>
      %dma_start3A_1048 = tpu.memref_squeeze %dma_start3A_1047 : memref<1x128x128xf32, #tpu.memory_space<vmem>> -> memref<128x128xf32, #tpu.memory_space<vmem>>
      %dma_start3A_1049 = arith.constant 0 : i32
      %dma_start3A_1050 = tpu.memref_slice %arg4[%add3A_1043, %dma_start3A_1049] : memref<100000x128xf32, #tpu.memory_space<hbm>> -> memref<128x128xf32, #tpu.memory_space<hbm>>
      %dma_start3A_1051 = arith.constant 0 : i32
      %dma_start3A_1052 = tpu.memref_slice %arg4[%add3A_1043, %dma_start3A_1051] : memref<100000x128xf32, #tpu.memory_space<hbm>> -> memref<128x128xf32, #tpu.memory_space<hbm>>
      %dma_start3A_1053 = arith.constant 0 : i32
      %dma_start3A_1054 = arith.constant 0 : i32
      %dma_start3A_1055 = tpu.memref_slice %arg6[%dma_start3A_1044, %dma_start3A_1053, %dma_start3A_1054] : memref<6x128x128xf32, #tpu.memory_space<vmem>> -> memref<1x128x128xf32, #tpu.memory_space<vmem>>
      %dma_start3A_1056 = tpu.memref_squeeze %dma_start3A_1055 : memref<1x128x128xf32, #tpu.memory_space<vmem>> -> memref<128x128xf32, #tpu.memory_space<vmem>>
      tpu.enqueue_dma source(%dma_start3A_1056 : memref<128x128xf32, #tpu.memory_space<vmem>>) target(%dma_start3A_1052 : memref<128x128xf32, #tpu.memory_space<hbm>>) target_semaphore(%arg16 : memref<!tpu.dma_semaphore, #tpu.memory_space<semaphore_mem>>)
      %dma_wait3A_1057 = arith.constant 4 : i32
      %dma_wait3A_1058 = arith.constant 0 : i32
      %dma_wait3A_1059 = arith.constant 0 : i32
      %dma_wait3A_1060 = tpu.memref_slice %arg6[%dma_wait3A_1057, %dma_wait3A_1058, %dma_wait3A_1059] : memref<6x128x128xf32, #tpu.memory_space<vmem>> -> memref<1x128x128xf32, #tpu.memory_space<vmem>>
      %dma_wait3A_1061 = tpu.memref_squeeze %dma_wait3A_1060 : memref<1x128x128xf32, #tpu.memory_space<vmem>> -> memref<128x128xf32, #tpu.memory_space<vmem>>
      %dma_wait3A_1062 = arith.constant 2816 : i32
      %dma_wait3A_1063 = tpu.memref_slice %arg5[%dma_wait3A_1062] : memref<3128xi32, #tpu.memory_space<vmem>> -> memref<128xi32, #tpu.memory_space<vmem>>
      %dma_wait3A_1064 = arith.constant 0 : i32
      %dma_wait3A_1065 = arith.constant 0 : i32
      %dma_wait3A_1066 = tpu.memref_slice %arg3[%dma_wait3A_1064, %dma_wait3A_1065] : memref<50000x128xf32, #tpu.memory_space<hbm>> -> memref<50000x128xf32, #tpu.memory_space<hbm>>
      tpu.wait_indirect_dma semaphore(%arg11 : memref<!tpu.dma_semaphore, #tpu.memory_space<semaphore_mem>>) src(%dma_wait3A_1066 : memref<50000x128xf32, #tpu.memory_space<hbm>>) dst(%dma_wait3A_1061 : memref<128x128xf32, #tpu.memory_space<vmem>>)
      %add3A_1067 = arith.constant 2816 : i32
      %add3A_1068 = arith.addi %add3A_11, %add3A_1067 : i32
      %dma_start3A_1069 = arith.constant 4 : i32
      %dma_start3A_1070 = arith.constant 0 : i32
      %dma_start3A_1071 = arith.constant 0 : i32
      %dma_start3A_1072 = tpu.memref_slice %arg6[%dma_start3A_1069, %dma_start3A_1070, %dma_start3A_1071] : memref<6x128x128xf32, #tpu.memory_space<vmem>> -> memref<1x128x128xf32, #tpu.memory_space<vmem>>
      %dma_start3A_1073 = tpu.memref_squeeze %dma_start3A_1072 : memref<1x128x128xf32, #tpu.memory_space<vmem>> -> memref<128x128xf32, #tpu.memory_space<vmem>>
      %dma_start3A_1074 = arith.constant 0 : i32
      %dma_start3A_1075 = tpu.memref_slice %arg4[%add3A_1068, %dma_start3A_1074] : memref<100000x128xf32, #tpu.memory_space<hbm>> -> memref<128x128xf32, #tpu.memory_space<hbm>>
      %dma_start3A_1076 = arith.constant 0 : i32
      %dma_start3A_1077 = tpu.memref_slice %arg4[%add3A_1068, %dma_start3A_1076] : memref<100000x128xf32, #tpu.memory_space<hbm>> -> memref<128x128xf32, #tpu.memory_space<hbm>>
      %dma_start3A_1078 = arith.constant 0 : i32
      %dma_start3A_1079 = arith.constant 0 : i32
      %dma_start3A_1080 = tpu.memref_slice %arg6[%dma_start3A_1069, %dma_start3A_1078, %dma_start3A_1079] : memref<6x128x128xf32, #tpu.memory_space<vmem>> -> memref<1x128x128xf32, #tpu.memory_space<vmem>>
      %dma_start3A_1081 = tpu.memref_squeeze %dma_start3A_1080 : memref<1x128x128xf32, #tpu.memory_space<vmem>> -> memref<128x128xf32, #tpu.memory_space<vmem>>
      tpu.enqueue_dma source(%dma_start3A_1081 : memref<128x128xf32, #tpu.memory_space<vmem>>) target(%dma_start3A_1077 : memref<128x128xf32, #tpu.memory_space<hbm>>) target_semaphore(%arg17 : memref<!tpu.dma_semaphore, #tpu.memory_space<semaphore_mem>>)
      %dma_wait3A_1082 = arith.constant 5 : i32
      %dma_wait3A_1083 = arith.constant 0 : i32
      %dma_wait3A_1084 = arith.constant 0 : i32
      %dma_wait3A_1085 = tpu.memref_slice %arg6[%dma_wait3A_1082, %dma_wait3A_1083, %dma_wait3A_1084] : memref<6x128x128xf32, #tpu.memory_space<vmem>> -> memref<1x128x128xf32, #tpu.memory_space<vmem>>
      %dma_wait3A_1086 = tpu.memref_squeeze %dma_wait3A_1085 : memref<1x128x128xf32, #tpu.memory_space<vmem>> -> memref<128x128xf32, #tpu.memory_space<vmem>>
      %dma_wait3A_1087 = arith.constant 2944 : i32
      %dma_wait3A_1088 = tpu.memref_slice %arg5[%dma_wait3A_1087] : memref<3128xi32, #tpu.memory_space<vmem>> -> memref<128xi32, #tpu.memory_space<vmem>>
      %dma_wait3A_1089 = arith.constant 0 : i32
      %dma_wait3A_1090 = arith.constant 0 : i32
      %dma_wait3A_1091 = tpu.memref_slice %arg3[%dma_wait3A_1089, %dma_wait3A_1090] : memref<50000x128xf32, #tpu.memory_space<hbm>> -> memref<50000x128xf32, #tpu.memory_space<hbm>>
      tpu.wait_indirect_dma semaphore(%arg12 : memref<!tpu.dma_semaphore, #tpu.memory_space<semaphore_mem>>) src(%dma_wait3A_1091 : memref<50000x128xf32, #tpu.memory_space<hbm>>) dst(%dma_wait3A_1086 : memref<128x128xf32, #tpu.memory_space<vmem>>)
      %add3A_1092 = arith.constant 2944 : i32
      %add3A_1093 = arith.addi %add3A_11, %add3A_1092 : i32
      %dma_start3A_1094 = arith.constant 5 : i32
      %dma_start3A_1095 = arith.constant 0 : i32
      %dma_start3A_1096 = arith.constant 0 : i32
      %dma_start3A_1097 = tpu.memref_slice %arg6[%dma_start3A_1094, %dma_start3A_1095, %dma_start3A_1096] : memref<6x128x128xf32, #tpu.memory_space<vmem>> -> memref<1x128x128xf32, #tpu.memory_space<vmem>>
      %dma_start3A_1098 = tpu.memref_squeeze %dma_start3A_1097 : memref<1x128x128xf32, #tpu.memory_space<vmem>> -> memref<128x128xf32, #tpu.memory_space<vmem>>
      %dma_start3A_1099 = arith.constant 0 : i32
      %dma_start3A_1100 = tpu.memref_slice %arg4[%add3A_1093, %dma_start3A_1099] : memref<100000x128xf32, #tpu.memory_space<hbm>> -> memref<128x128xf32, #tpu.memory_space<hbm>>
      %dma_start3A_1101 = arith.constant 0 : i32
      %dma_start3A_1102 = tpu.memref_slice %arg4[%add3A_1093, %dma_start3A_1101] : memref<100000x128xf32, #tpu.memory_space<hbm>> -> memref<128x128xf32, #tpu.memory_space<hbm>>
      %dma_start3A_1103 = arith.constant 0 : i32
      %dma_start3A_1104 = arith.constant 0 : i32
      %dma_start3A_1105 = tpu.memref_slice %arg6[%dma_start3A_1094, %dma_start3A_1103, %dma_start3A_1104] : memref<6x128x128xf32, #tpu.memory_space<vmem>> -> memref<1x128x128xf32, #tpu.memory_space<vmem>>
      %dma_start3A_1106 = tpu.memref_squeeze %dma_start3A_1105 : memref<1x128x128xf32, #tpu.memory_space<vmem>> -> memref<128x128xf32, #tpu.memory_space<vmem>>
      tpu.enqueue_dma source(%dma_start3A_1106 : memref<128x128xf32, #tpu.memory_space<vmem>>) target(%dma_start3A_1102 : memref<128x128xf32, #tpu.memory_space<hbm>>) target_semaphore(%arg18 : memref<!tpu.dma_semaphore, #tpu.memory_space<semaphore_mem>>)
      %dma_wait3A_1107 = arith.constant 0 : i32
      %dma_wait3A_1108 = arith.constant 0 : i32
      %dma_wait3A_1109 = arith.constant 0 : i32
      %dma_wait3A_1110 = tpu.memref_slice %arg6[%dma_wait3A_1107, %dma_wait3A_1108, %dma_wait3A_1109] : memref<6x128x128xf32, #tpu.memory_space<vmem>> -> memref<1x48x128xf32, #tpu.memory_space<vmem>>
      %dma_wait3A_1111 = tpu.memref_squeeze %dma_wait3A_1110 : memref<1x48x128xf32, #tpu.memory_space<vmem>> -> memref<48x128xf32, #tpu.memory_space<vmem>>
      %dma_wait3A_1112 = arith.constant 3072 : i32
      %dma_wait3A_1113 = tpu.memref_slice %arg5[%dma_wait3A_1112] : memref<3128xi32, #tpu.memory_space<vmem>> -> memref<48xi32, #tpu.memory_space<vmem>>
      %dma_wait3A_1114 = arith.constant 0 : i32
      %dma_wait3A_1115 = arith.constant 0 : i32
      %dma_wait3A_1116 = tpu.memref_slice %arg3[%dma_wait3A_1114, %dma_wait3A_1115] : memref<50000x128xf32, #tpu.memory_space<hbm>> -> memref<50000x128xf32, #tpu.memory_space<hbm>>
      tpu.wait_indirect_dma semaphore(%arg7 : memref<!tpu.dma_semaphore, #tpu.memory_space<semaphore_mem>>) src(%dma_wait3A_1116 : memref<50000x128xf32, #tpu.memory_space<hbm>>) dst(%dma_wait3A_1111 : memref<48x128xf32, #tpu.memory_space<vmem>>)
      %add3A_1117 = arith.constant 3072 : i32
      %add3A_1118 = arith.addi %add3A_11, %add3A_1117 : i32
      %dma_start3A_1119 = arith.constant 0 : i32
      %dma_start3A_1120 = arith.constant 0 : i32
      %dma_start3A_1121 = arith.constant 0 : i32
      %dma_start3A_1122 = tpu.memref_slice %arg6[%dma_start3A_1119, %dma_start3A_1120, %dma_start3A_1121] : memref<6x128x128xf32, #tpu.memory_space<vmem>> -> memref<1x48x128xf32, #tpu.memory_space<vmem>>
      %dma_start3A_1123 = tpu.memref_squeeze %dma_start3A_1122 : memref<1x48x128xf32, #tpu.memory_space<vmem>> -> memref<48x128xf32, #tpu.memory_space<vmem>>
      %dma_start3A_1124 = arith.constant 0 : i32
      %dma_start3A_1125 = tpu.memref_slice %arg4[%add3A_1118, %dma_start3A_1124] : memref<100000x128xf32, #tpu.memory_space<hbm>> -> memref<48x128xf32, #tpu.memory_space<hbm>>
      %dma_start3A_1126 = arith.constant 0 : i32
      %dma_start3A_1127 = tpu.memref_slice %arg4[%add3A_1118, %dma_start3A_1126] : memref<100000x128xf32, #tpu.memory_space<hbm>> -> memref<48x128xf32, #tpu.memory_space<hbm>>
      %dma_start3A_1128 = arith.constant 0 : i32
      %dma_start3A_1129 = arith.constant 0 : i32
      %dma_start3A_1130 = tpu.memref_slice %arg6[%dma_start3A_1119, %dma_start3A_1128, %dma_start3A_1129] : memref<6x128x128xf32, #tpu.memory_space<vmem>> -> memref<1x48x128xf32, #tpu.memory_space<vmem>>
      %dma_start3A_1131 = tpu.memref_squeeze %dma_start3A_1130 : memref<1x48x128xf32, #tpu.memory_space<vmem>> -> memref<48x128xf32, #tpu.memory_space<vmem>>
      tpu.enqueue_dma source(%dma_start3A_1131 : memref<48x128xf32, #tpu.memory_space<vmem>>) target(%dma_start3A_1127 : memref<48x128xf32, #tpu.memory_space<hbm>>) target_semaphore(%arg13 : memref<!tpu.dma_semaphore, #tpu.memory_space<semaphore_mem>>)
      %dma_wait3A_1132 = arith.constant 0 : i32
      %dma_wait3A_1133 = arith.constant 0 : i32
      %dma_wait3A_1134 = arith.constant 0 : i32
      %dma_wait3A_1135 = tpu.memref_slice %arg6[%dma_wait3A_1132, %dma_wait3A_1133, %dma_wait3A_1134] : memref<6x128x128xf32, #tpu.memory_space<vmem>> -> memref<1x48x128xf32, #tpu.memory_space<vmem>>
      %dma_wait3A_1136 = tpu.memref_squeeze %dma_wait3A_1135 : memref<1x48x128xf32, #tpu.memory_space<vmem>> -> memref<48x128xf32, #tpu.memory_space<vmem>>
      %dma_wait3A_1137 = arith.constant 0 : i32
      %dma_wait3A_1138 = tpu.memref_slice %arg4[%add3A_1118, %dma_wait3A_1137] : memref<100000x128xf32, #tpu.memory_space<hbm>> -> memref<48x128xf32, #tpu.memory_space<hbm>>
      %dma_wait3A_1139 = arith.constant 0 : i32
      %dma_wait3A_1140 = tpu.memref_slice %arg4[%add3A_1118, %dma_wait3A_1139] : memref<100000x128xf32, #tpu.memory_space<hbm>> -> memref<48x128xf32, #tpu.memory_space<hbm>>
      %dma_wait3A_1141 = arith.constant 0 : i32
      %dma_wait3A_1142 = arith.constant 0 : i32
      %dma_wait3A_1143 = tpu.memref_slice %arg6[%dma_wait3A_1132, %dma_wait3A_1141, %dma_wait3A_1142] : memref<6x128x128xf32, #tpu.memory_space<vmem>> -> memref<1x48x128xf32, #tpu.memory_space<vmem>>
      %dma_wait3A_1144 = tpu.memref_squeeze %dma_wait3A_1143 : memref<1x48x128xf32, #tpu.memory_space<vmem>> -> memref<48x128xf32, #tpu.memory_space<vmem>>
      tpu.wait_dma2 semaphore(%arg13 : memref<!tpu.dma_semaphore, #tpu.memory_space<semaphore_mem>>) src(%dma_wait3A_1144 : memref<48x128xf32, #tpu.memory_space<vmem>>) dst(%dma_wait3A_1140 : memref<48x128xf32, #tpu.memory_space<hbm>>)
      %dma_wait3A_1145 = arith.constant 1 : i32
      %dma_wait3A_1146 = arith.constant 0 : i32
      %dma_wait3A_1147 = arith.constant 0 : i32
      %dma_wait3A_1148 = tpu.memref_slice %arg6[%dma_wait3A_1145, %dma_wait3A_1146, %dma_wait3A_1147] : memref<6x128x128xf32, #tpu.memory_space<vmem>> -> memref<1x128x128xf32, #tpu.memory_space<vmem>>
      %dma_wait3A_1149 = tpu.memref_squeeze %dma_wait3A_1148 : memref<1x128x128xf32, #tpu.memory_space<vmem>> -> memref<128x128xf32, #tpu.memory_space<vmem>>
      %dma_wait3A_1150 = arith.constant 0 : i32
      %dma_wait3A_1151 = tpu.memref_slice %arg4[%add3A_970, %dma_wait3A_1150] : memref<100000x128xf32, #tpu.memory_space<hbm>> -> memref<128x128xf32, #tpu.memory_space<hbm>>
      %dma_wait3A_1152 = arith.constant 0 : i32
      %dma_wait3A_1153 = tpu.memref_slice %arg4[%add3A_970, %dma_wait3A_1152] : memref<100000x128xf32, #tpu.memory_space<hbm>> -> memref<128x128xf32, #tpu.memory_space<hbm>>
      %dma_wait3A_1154 = arith.constant 0 : i32
      %dma_wait3A_1155 = arith.constant 0 : i32
      %dma_wait3A_1156 = tpu.memref_slice %arg6[%dma_wait3A_1145, %dma_wait3A_1154, %dma_wait3A_1155] : memref<6x128x128xf32, #tpu.memory_space<vmem>> -> memref<1x128x128xf32, #tpu.memory_space<vmem>>
      %dma_wait3A_1157 = tpu.memref_squeeze %dma_wait3A_1156 : memref<1x128x128xf32, #tpu.memory_space<vmem>> -> memref<128x128xf32, #tpu.memory_space<vmem>>
      tpu.wait_dma2 semaphore(%arg14 : memref<!tpu.dma_semaphore, #tpu.memory_space<semaphore_mem>>) src(%dma_wait3A_1157 : memref<128x128xf32, #tpu.memory_space<vmem>>) dst(%dma_wait3A_1153 : memref<128x128xf32, #tpu.memory_space<hbm>>)
      %dma_wait3A_1158 = arith.constant 2 : i32
      %dma_wait3A_1159 = arith.constant 0 : i32
      %dma_wait3A_1160 = arith.constant 0 : i32
      %dma_wait3A_1161 = tpu.memref_slice %arg6[%dma_wait3A_1158, %dma_wait3A_1159, %dma_wait3A_1160] : memref<6x128x128xf32, #tpu.memory_space<vmem>> -> memref<1x128x128xf32, #tpu.memory_space<vmem>>
      %dma_wait3A_1162 = tpu.memref_squeeze %dma_wait3A_1161 : memref<1x128x128xf32, #tpu.memory_space<vmem>> -> memref<128x128xf32, #tpu.memory_space<vmem>>
      %dma_wait3A_1163 = arith.constant 0 : i32
      %dma_wait3A_1164 = tpu.memref_slice %arg4[%add3A_1018, %dma_wait3A_1163] : memref<100000x128xf32, #tpu.memory_space<hbm>> -> memref<128x128xf32, #tpu.memory_space<hbm>>
      %dma_wait3A_1165 = arith.constant 0 : i32
      %dma_wait3A_1166 = tpu.memref_slice %arg4[%add3A_1018, %dma_wait3A_1165] : memref<100000x128xf32, #tpu.memory_space<hbm>> -> memref<128x128xf32, #tpu.memory_space<hbm>>
      %dma_wait3A_1167 = arith.constant 0 : i32
      %dma_wait3A_1168 = arith.constant 0 : i32
      %dma_wait3A_1169 = tpu.memref_slice %arg6[%dma_wait3A_1158, %dma_wait3A_1167, %dma_wait3A_1168] : memref<6x128x128xf32, #tpu.memory_space<vmem>> -> memref<1x128x128xf32, #tpu.memory_space<vmem>>
      %dma_wait3A_1170 = tpu.memref_squeeze %dma_wait3A_1169 : memref<1x128x128xf32, #tpu.memory_space<vmem>> -> memref<128x128xf32, #tpu.memory_space<vmem>>
      tpu.wait_dma2 semaphore(%arg15 : memref<!tpu.dma_semaphore, #tpu.memory_space<semaphore_mem>>) src(%dma_wait3A_1170 : memref<128x128xf32, #tpu.memory_space<vmem>>) dst(%dma_wait3A_1166 : memref<128x128xf32, #tpu.memory_space<hbm>>)
      %dma_wait3A_1171 = arith.constant 3 : i32
      %dma_wait3A_1172 = arith.constant 0 : i32
      %dma_wait3A_1173 = arith.constant 0 : i32
      %dma_wait3A_1174 = tpu.memref_slice %arg6[%dma_wait3A_1171, %dma_wait3A_1172, %dma_wait3A_1173] : memref<6x128x128xf32, #tpu.memory_space<vmem>> -> memref<1x128x128xf32, #tpu.memory_space<vmem>>
      %dma_wait3A_1175 = tpu.memref_squeeze %dma_wait3A_1174 : memref<1x128x128xf32, #tpu.memory_space<vmem>> -> memref<128x128xf32, #tpu.memory_space<vmem>>
      %dma_wait3A_1176 = arith.constant 0 : i32
      %dma_wait3A_1177 = tpu.memref_slice %arg4[%add3A_1043, %dma_wait3A_1176] : memref<100000x128xf32, #tpu.memory_space<hbm>> -> memref<128x128xf32, #tpu.memory_space<hbm>>
      %dma_wait3A_1178 = arith.constant 0 : i32
      %dma_wait3A_1179 = tpu.memref_slice %arg4[%add3A_1043, %dma_wait3A_1178] : memref<100000x128xf32, #tpu.memory_space<hbm>> -> memref<128x128xf32, #tpu.memory_space<hbm>>
      %dma_wait3A_1180 = arith.constant 0 : i32
      %dma_wait3A_1181 = arith.constant 0 : i32
      %dma_wait3A_1182 = tpu.memref_slice %arg6[%dma_wait3A_1171, %dma_wait3A_1180, %dma_wait3A_1181] : memref<6x128x128xf32, #tpu.memory_space<vmem>> -> memref<1x128x128xf32, #tpu.memory_space<vmem>>
      %dma_wait3A_1183 = tpu.memref_squeeze %dma_wait3A_1182 : memref<1x128x128xf32, #tpu.memory_space<vmem>> -> memref<128x128xf32, #tpu.memory_space<vmem>>
      tpu.wait_dma2 semaphore(%arg16 : memref<!tpu.dma_semaphore, #tpu.memory_space<semaphore_mem>>) src(%dma_wait3A_1183 : memref<128x128xf32, #tpu.memory_space<vmem>>) dst(%dma_wait3A_1179 : memref<128x128xf32, #tpu.memory_space<hbm>>)
      %dma_wait3A_1184 = arith.constant 4 : i32
      %dma_wait3A_1185 = arith.constant 0 : i32
      %dma_wait3A_1186 = arith.constant 0 : i32
      %dma_wait3A_1187 = tpu.memref_slice %arg6[%dma_wait3A_1184, %dma_wait3A_1185, %dma_wait3A_1186] : memref<6x128x128xf32, #tpu.memory_space<vmem>> -> memref<1x128x128xf32, #tpu.memory_space<vmem>>
      %dma_wait3A_1188 = tpu.memref_squeeze %dma_wait3A_1187 : memref<1x128x128xf32, #tpu.memory_space<vmem>> -> memref<128x128xf32, #tpu.memory_space<vmem>>
      %dma_wait3A_1189 = arith.constant 0 : i32
      %dma_wait3A_1190 = tpu.memref_slice %arg4[%add3A_1068, %dma_wait3A_1189] : memref<100000x128xf32, #tpu.memory_space<hbm>> -> memref<128x128xf32, #tpu.memory_space<hbm>>
      %dma_wait3A_1191 = arith.constant 0 : i32
      %dma_wait3A_1192 = tpu.memref_slice %arg4[%add3A_1068, %dma_wait3A_1191] : memref<100000x128xf32, #tpu.memory_space<hbm>> -> memref<128x128xf32, #tpu.memory_space<hbm>>
      %dma_wait3A_1193 = arith.constant 0 : i32
      %dma_wait3A_1194 = arith.constant 0 : i32
      %dma_wait3A_1195 = tpu.memref_slice %arg6[%dma_wait3A_1184, %dma_wait3A_1193, %dma_wait3A_1194] : memref<6x128x128xf32, #tpu.memory_space<vmem>> -> memref<1x128x128xf32, #tpu.memory_space<vmem>>
      %dma_wait3A_1196 = tpu.memref_squeeze %dma_wait3A_1195 : memref<1x128x128xf32, #tpu.memory_space<vmem>> -> memref<128x128xf32, #tpu.memory_space<vmem>>
      tpu.wait_dma2 semaphore(%arg17 : memref<!tpu.dma_semaphore, #tpu.memory_space<semaphore_mem>>) src(%dma_wait3A_1196 : memref<128x128xf32, #tpu.memory_space<vmem>>) dst(%dma_wait3A_1192 : memref<128x128xf32, #tpu.memory_space<hbm>>)
      %dma_wait3A_1197 = arith.constant 5 : i32
      %dma_wait3A_1198 = arith.constant 0 : i32
      %dma_wait3A_1199 = arith.constant 0 : i32
      %dma_wait3A_1200 = tpu.memref_slice %arg6[%dma_wait3A_1197, %dma_wait3A_1198, %dma_wait3A_1199] : memref<6x128x128xf32, #tpu.memory_space<vmem>> -> memref<1x128x128xf32, #tpu.memory_space<vmem>>
      %dma_wait3A_1201 = tpu.memref_squeeze %dma_wait3A_1200 : memref<1x128x128xf32, #tpu.memory_space<vmem>> -> memref<128x128xf32, #tpu.memory_space<vmem>>
      %dma_wait3A_1202 = arith.constant 0 : i32
      %dma_wait3A_1203 = tpu.memref_slice %arg4[%add3A_1093, %dma_wait3A_1202] : memref<100000x128xf32, #tpu.memory_space<hbm>> -> memref<128x128xf32, #tpu.memory_space<hbm>>
      %dma_wait3A_1204 = arith.constant 0 : i32
      %dma_wait3A_1205 = tpu.memref_slice %arg4[%add3A_1093, %dma_wait3A_1204] : memref<100000x128xf32, #tpu.memory_space<hbm>> -> memref<128x128xf32, #tpu.memory_space<hbm>>
      %dma_wait3A_1206 = arith.constant 0 : i32
      %dma_wait3A_1207 = arith.constant 0 : i32
      %dma_wait3A_1208 = tpu.memref_slice %arg6[%dma_wait3A_1197, %dma_wait3A_1206, %dma_wait3A_1207] : memref<6x128x128xf32, #tpu.memory_space<vmem>> -> memref<1x128x128xf32, #tpu.memory_space<vmem>>
      %dma_wait3A_1209 = tpu.memref_squeeze %dma_wait3A_1208 : memref<1x128x128xf32, #tpu.memory_space<vmem>> -> memref<128x128xf32, #tpu.memory_space<vmem>>
      tpu.wait_dma2 semaphore(%arg18 : memref<!tpu.dma_semaphore, #tpu.memory_space<semaphore_mem>>) src(%dma_wait3A_1209 : memref<128x128xf32, #tpu.memory_space<vmem>>) dst(%dma_wait3A_1205 : memref<128x128xf32, #tpu.memory_space<hbm>>)
    } else {
    }
    return
  }
}

</mosaic_0001>

<sc_bundles>
// kernel: kernel.3.cloned.1.call-start
scs
__scs_entry_jumppad:
0x0: {  	(pc) =	sbr.rel $0x88, $3  }
0x1: {  	(tag) =	ssettag $0x0;
	lr =	simm.s32 $0x1  }
0x2: {  	[smem:$0x3F9F] =	sst lr;
	_ =	strace $0xD0000000  }
0x3: {  	_ = 	snop  }
0x4: {  	_ = 	snop  }
0x5: {  	_ = 	snop  }
0x6: {  	_ = 	snop  }
0x7: {  	_ = 	snop  }
__scs_overlays_trampoline_lowered:
0x8: {  	[smem:$0x3FAE] =	sst s0  }
0x9: {  	[smem:$0x3FAF] =	sst s1  }
0xa: {  	[smem:$0x3FB0] =	sst s2  }
0xb: {  	[smem:$0x3FB1] =	sst s3  }
0xc: {  	[smem:$0x3FB2] =	sst s4  }
0xd: {  	[smem:$0x3FB3] =	sst s5  }
0xe: {  	[smem:$0x3FB4] =	sst s6  }
0xf: {  	[smem:$0x3FB5] =	sst s7  }
0x10: {  	[smem:$0x3FB6] =	sst s8  }
0x11: {  	[smem:$0x3FB7] =	sst s9;
	s0 =	simm.s32 @!p0 $0x0  }
0x12: {  	s1 =	sld [smem:$0x3F9D];
	s0 =	simm.s32 @p0 $0x1  }
0x13: {  	[smem:$0x3FB8] =	sst s0;
	s0 =	simm.s32 @!p1 $0x0  }
0x14: {  	s2 =	sld [smem:$0x3F9C];
	s0 =	simm.s32 @p1 $0x1  }
0x15: {  	[smem:$0x3FB9] =	sst s0;
	s0 =	simm.s32 @!p2 $0x0  }
0x16: {  	s3 =	sld [smem:$0x3FDB];
	s0 =	simm.s32 @p2 $0x1  }
0x17: {  	s4 =	simm.s32 $0x1BF5;
	[smem:$0x3FBB] =	sst s0  }
0x18: {  	s0 =	sld [smem:$0x3F9E];
	_ =	swait.ge [sflag:s4], $0x0  }
0x19: {  	s7 =	sld [smem:$0x3F9F]  }
0x1a: {  	s8 =	sadd.s32 $0xFFFFE003, lr  }
0x1b: {  	s9 =	sadd.s32 $0xFFFFFEF7, lr;
	s5 =	simm.s32 $0xFFFFFFFF;
	p2 =	slt.u32 s8, $0xFFFFF086  }
0x1c: {  	p1 =	slt.u32 s9, $0xF7A;
	s5 =	simm.s32 @!p2 $0x0  }
0x1d: {  	s5 =	simm.s32 @p1 $0x1;
	p0 =	seq.s32 s7, s2  }
0x1e: {  	s7 =	smul.u32 @!p0 $0xF7A, s2;
	p2 =	seq.s32 @!p0 s5, $0x0  }
0x1f: {  	s9 =	smul.u32 $0xF7A, s1;
	s8 =	simm.s32 @!p0 $0x1BF5;
	p2 =	por !p2, p0  }
0x20: {  	[sflag:s8] =	ssyncset.s32 @!p0 $0xFFFFF086;
	s6 =	sadd.s32 @!p0 s3, s7;
	s7 =	simm.s32 @!p0 $0x108  }
0x21: {  	s3 =	sadd.s32 s3, s9;
	s6 =	sadd.s32 @!p0 $0x88, s6;
	s7 =	simm.s32 @p2 $0x1082  }
0x22: {  	[simem:s7], [sflag:s8] =	dma.local @!p0 [hbm:s6], $0xF7A  }
0x23: {  	s9 =	sor.u32 $0xD0000000, s2;
	s6 =	simm.s32 $0x108;
	_ =	swait.ge @!p0 [sflag:s8], $0x0  }
0x24: {  	s3 =	sadd.s32 $0x88, s3;
	s6 =	simm.s32 @!p1 $0x1082;
	[sflag:s4] =	ssyncset.s32 $0xFFFFF086  }
0x25: {  	[simem:s6], [sflag:s4] =	dma.local [hbm:s3], $0xF7A  }
0x26: {  	[smem:$0x3F9F] =	sst s1;
	(tag) =	ssettag s2;
	_ =	strace s9  }
0x27: {  	s1 =	sld [smem:$0x3FAF]  }
0x28: {  	s2 =	sld [smem:$0x3FB0]  }
0x29: {  	s4 =	sld [smem:$0x3FB2]  }
0x2a: {  	p0 =	seq.s32 s5, $0x0;
	s5 =	sld [smem:$0x3FB3]  }
0x2b: {  	s6 =	sld [smem:$0x3FB4]  }
0x2c: {  	s7 =	sld [smem:$0x3FB5]  }
0x2d: {  	s3 =	simm.s32 $0x108;
	s8 =	sld [smem:$0x3FB6]  }
0x2e: {  	s3 =	simm.s32 @!p0 $0x1082;
	s9 =	sld [smem:$0x3FB7]  }
0x2f: {  	lr =	sadd.s32 s0, s3;
	s0 =	sld [smem:$0x3FAE]  }
0x30: {  	s3 =	sld [smem:$0x3FB1]  }
0x31: {  	[smem:$0x3FBA] =	sst s10  }
0x32: {  	s10 =	sld [smem:$0x3FB8];
	_ =	sdelay $0x3  }
0x33: {  	p0 =	seq.s32 s10, $0x1;
	s10 =	sld [smem:$0x3FBA];
	_ =	sdelay $0x3  }
0x34: {  	[smem:$0x3FBA] =	sst s10  }
0x35: {  	s10 =	sld [smem:$0x3FB9];
	_ =	sdelay $0x3  }
0x36: {  	p1 =	seq.s32 s10, $0x1;
	s10 =	sld [smem:$0x3FBA];
	_ =	sdelay $0x3  }
0x37: {  	[smem:$0x3FBA] =	sst s10  }
0x38: {  	s10 =	sld [smem:$0x3FBB]  }
0x39: {  	_ = 	snop;
	(pc) =	sbr.ind lr, $3  }
0x3a: {  	_ = 	snop  }
0x3b: {  	_ = 	snop  }
0x3c: {  	p2 =	seq.s32 s10, $0x1;
	s10 =	sld [smem:$0x3FBA]  }
0x3d: {  	_ =	shalt  }
0x3e: {  	_ =	shalt  }
0x3f: {  	_ =	shalt  }
0x40: {  	_ =	shalt  }
0x41: {  	_ =	shalt  }
0x42: {  	_ =	shalt  }
0x43: {  	_ =	shalt  }
0x44: {  	_ =	shalt  }
0x45: {  	_ =	shalt  }
0x46: {  	_ =	shalt  }
0x47: {  	_ =	shalt  }
0x48: {  	_ =	shalt  }
0x49: {  	_ =	shalt  }
0x4a: {  	_ =	shalt  }
0x4b: {  	_ =	shalt  }
0x4c: {  	_ =	shalt  }
0x4d: {  	_ =	shalt  }
0x4e: {  	_ =	shalt  }
0x4f: {  	_ =	shalt  }
0x50: {  	_ =	shalt  }
0x51: {  	_ =	shalt  }
0x52: {  	_ =	shalt  }
0x53: {  	_ =	shalt  }
0x54: {  	_ =	shalt  }
0x55: {  	_ =	shalt  }
0x56: {  	_ =	shalt  }
0x57: {  	_ =	shalt  }
0x58: {  	_ =	shalt  }
0x59: {  	_ =	shalt  }
0x5a: {  	_ =	shalt  }
0x5b: {  	_ =	shalt  }
0x5c: {  	_ =	shalt  }
0x5d: {  	_ =	shalt  }
0x5e: {  	_ =	shalt  }
0x5f: {  	_ =	shalt  }
0x60: {  	_ =	shalt  }
0x61: {  	_ =	shalt  }
0x62: {  	_ =	shalt  }
0x63: {  	_ =	shalt  }
0x64: {  	_ =	shalt  }
0x65: {  	_ =	shalt  }
0x66: {  	_ =	shalt  }
0x67: {  	_ =	shalt  }
0x68: {  	_ =	shalt  }
0x69: {  	_ =	shalt  }
0x6a: {  	_ =	shalt  }
0x6b: {  	_ =	shalt  }
0x6c: {  	_ =	shalt  }
0x6d: {  	_ =	shalt  }
0x6e: {  	_ =	shalt  }
0x6f: {  	_ =	shalt  }
0x70: {  	_ =	shalt  }
0x71: {  	_ =	shalt  }
0x72: {  	_ =	shalt  }
0x73: {  	_ =	shalt  }
0x74: {  	_ =	shalt  }
0x75: {  	_ =	shalt  }
0x76: {  	_ =	shalt  }
0x77: {  	_ =	shalt  }
0x78: {  	_ =	shalt  }
0x79: {  	_ =	shalt  }
0x7a: {  	_ =	shalt  }
0x7b: {  	_ =	shalt  }
0x7c: {  	_ =	shalt  }
0x7d: {  	_ =	shalt  }
0x7e: {  	_ =	shalt  }
0x7f: {  	_ =	shalt  }
0x80: {  	_ =	shalt  }
0x81: {  	_ =	shalt  }
0x82: {  	_ =	shalt  }
0x83: {  	_ =	shalt  }
0x84: {  	_ =	shalt  }
0x85: {  	_ =	shalt  }
0x86: {  	_ =	shalt  }
0x87: {  	_ =	shalt  }
.Lfunc_end0:
.L_simem_size_0:
called_computation_lowered:
.L_overlay_start_0:
0x88: {  	s2 =	sld [smem:$0x3FD9]  }
0x89: {  	s3 =	sld [smem:$0x3FFE];
	_ =	sdelay $0x1  }
0x8a: {  	s1 =	srdreg.scid  }
0x8b: {  	s0 =	sand.u32 $0x1, s1  }
0x8c: {  	s17 =	sshll.u32 s0, $0xA;
	s2 =	sadd.s32 s3, s2  }
0x8d: {  	s2 =	sadd.s32 s2, s17  }
0x8e: {  	[smem:$0x3FC6] =	sst s2  }
0x8f: {  	_ = 	snop  }
0x90: {  	s2 =	sld [smem:$0x3FC8]  }
0x91: {  	s18 =	sld [smem:$0x3FD0];
	(tm) =	ssettm $0x1  }
0x92: {  	s4 =	sld [smem:$0x3FFB];
	_ =	sdelay $0x3  }
0x93: {  	_ =	strace s4  }
0x94: {  	s4 =	sld [smem:$0x3FFC];
	_ =	sdelay $0x3  }
0x95: {  	_ =	strace s4  }
0x96: {  	s4 =	sld [smem:$0x3FFD];
	_ =	sdelay $0x3  }
0x97: {  	_ =	strace s4  }
0x98: {  	_ =	strace $0x8FFFFFFF  }
0x99: {  	s19 =	sld [smem:$0x3FDB];
	_ =	sdelay $0x1  }
0x9a: {  	s5 =	simm.s32 $_scs_section_size  }
0x9b: {  	s6 =	simm.s32 $_size__tile_overlayer_lowered;
	s7 =	simm.s32 $_tile_overlayer_lowered  }
0x9c: {  	s22 =	simm.s32 $0x1BFF;
	s21 =	sshll.u32 s7, $0x1;
	s4 =	sadd.s32 s5, s19  }
0x9d: {  	s8 =	simm.s32 $0x0;
	s20 =	sshll.u32 s6, $0x1;
	s6 =	sadd.s32 s21, s4  }
0x9e: {  	[timem:s8], [sflag:s22] =	dma.local [hbm:s6], s20  }
0x9f: {  	_ =	swait.ge [sflag:s22], s20  }
0xa0: {  	s5 =	ssub.s32 $0x0, s20;
	[sflag:s22] =	ssyncset.done $0x0  }
0xa1: {  	[sflag:s22] =	ssyncadd.s32 s5;
	_ =	sdelay $0x1  }
0xa2: {  	s23 =	simm.s32 $0x1B8B  }
0xa3: {  	_ =	swait.ge [sflag:s23], $0x1  }
0xa4: {  	[sflag:s23] =	ssyncset.done $0x0  }
0xa5: {  	s25 =	simm.s32 $0x1B8E;
	s24 =	sld [smem:$0x3FFE];
	[sflag:s23] =	ssyncadd.s32 $0xFFFFFFFF  }
0xa6: {  	s26 =	simm.s32 $execute0_lowered;
	[smem:$0x3FD2] =	sst s25  }
0xa7: {  	s6 =	sshll.u32 s26, $0x1;
	_ =	strace $0x80000046;
	[dreg:$0x1] =	wrdreg $0xFFFFFFFF  }
0xa8: {  	s28 =	simm.s32 $_size_execute0_lowered;
	s4 =	sadd.s32 s4, s6;
	[dreg:$0x0] =	wrdreg $0x0  }
0xa9: {  	s6 =	sshll.u32 s28, $0x1;
	[dreg:$0x2] =	wrdreg s4  }
0xaa: {  	[dreg:$0x3] =	wrdreg s6  }
0xab: {  	[dreg:$0x4] =	wrdreg $0xC0  }
0xac: {  	_ =	task [dreg:s8], $0x5FFFF  }
0xad: {  	[dreg:$0x1] =	wrdreg $0xFFFFFFFF  }
0xae: {  	[dreg:$0x0] =	wrdreg $0x60  }
0xaf: {  	[dreg:$0x2] =	wrdreg s24  }
0xb0: {  	[dreg:$0x3] =	wrdreg s2  }
0xb1: {  	[dreg:$0x4] =	wrdreg s18  }
0xb2: {  	[dreg:$0x5] =	wrdreg $0x9  }
0xb3: {  	_ =	task.clear_ibuf [dreg:s8], $0x6FFFF;
	_ =	strace $0x90000046  }
0xb4: {  	s29 =	simm.s32 $0x9;
	_ =	strace $0x80000048  }
0xb5: {  	_ =	swait.ge [sflag:s29], $0x1  }
0xb6: {  	[sflag:s29] =	ssyncadd.s32 $0xFFFFFFFF  }
0xb7: {  	_ =	strace $0x90000048  }
0xb8: {  	_ =	sfence  }
0xb9: {  	s30 =	sld [smem:$0x0];
	_ =	sdelay $0x2  }
0xba: {  	s31 =	sshll.u32 s1, $0xD;
	s1 =	sshrl.u32 s1, $0x2  }
0xbb: {  	s3 =	sand.u32 $0x4000, s31;
	s1 =	sadd.s32 s1, s30  }
0xbc: {  	s0 =	sor.u32 s3, s0;
	s1 =	sshll.u32 s1, $0x11  }
0xbd: {  	s0 =	sor.u32 s1, s0  }
0xbe: {  	s0 =	sadd.s32 $0x8F2B, s0  }
0xbf: {  	[sflag:s0] =	ssyncadd.remote.s32 $0x1  }
0xc0: {  	_ =	sfence.sel $0xFFFF  }
0xc1: {  	[dreg:$0x0] =	wrdreg $0xFFFFFFFF;
	(pc) =	sbr.abs _section_cstart, $3  }
0xc2: {  	[dreg:$0x1] =	wrdreg $0xFFFFFFFF  }
0xc3: {  	_ =	task.clear_ibuf [dreg:s8], $0x2FFFF;
	_ =	strace $0x9FFFFFFF  }
0xc4: {  	(tm) =	ssettm $0x7FFFFFFF  }
0xc5: {  	_ =	shalt  }
tec
execute0_lowered:
.L_overlay_start_1:
0x0: {  	(tag) =	ssettag $0x1  }
0x1: {  	s0 =	srdreg.scid;
	s9 =	stileid.u32  }
0x2: {  	s0 =	sand.u32 $0x1, s0;
	s3 =	sshll.u32 s9, $0x1  }
0x3: {  	s5 =	sor.u32 s0, s3  }
0x4: {  	s6 =	smul.u32 $0xC30, s5  }
0x5: {  	s1 =	rddreg [dreg:$0x0];
	s8 =	smul.u32 $0x61800, s5  }
0x6: {  	s2 =	rddreg [dreg:$0x1];
	s24 =	smul.u32 $0x187, s5  }
0x7: {  	s4 =	rddreg [dreg:$0x2];
	s3 =	simm.s32 $0x0;
	s26 =	smul.u32 $0x61C00, s5  }
0x8: {  	s0 =	ssub.s32 $0x2, s0;
	[smem:$0x7FF] =	sst s3;
	s5 =	smul.u32 $0xC380, s5  }
0x9: {  	s7 =	sshrl.u32 s0, $0x1;
	_ =	strace $0x80000047;
	s6 =	sadd.s32 $0xA0, s6  }
0xa: {  	s0 =	ssub.s32 s0, s7;
	s5 =	sadd.s32 s4, s5;
	s15 =	sshrl.u32 s6, $0x3  }
0xb: {  	s6 =	sshll.u32 s6, $0x4;
	[dreg:$0x15] =	wrdreg s5;
	s7 =	sadd.s32 s1, s15  }
0xc: {  	s8 =	sshrl.u32 s8, $0x3;
	s6 =	sadd.s32 s4, s6;
	[dreg:$0x4] =	wrdreg s7  }
0xd: {  	s1 =	sadd.s32 s1, s24;
	[dreg:$0x5] =	wrdreg s6;
	s6 =	sadd.s32 s4, s8  }
0xe: {  	[dreg:$0x13] =	wrdreg s1;
	s16 =	sadd.s32 $0x1200, s6  }
0xf: {  	s17 =	sadd.s32 $0x1A00, s6;
	[dreg:$0x6] =	wrdreg s16  }
0x10: {  	s18 =	sadd.s32 $0x2200, s6;
	[dreg:$0x7] =	wrdreg s17  }
0x11: {  	s19 =	sadd.s32 $0x2A00, s6;
	[dreg:$0x8] =	wrdreg s18  }
0x12: {  	s20 =	sadd.s32 $0x3200, s6;
	[dreg:$0x9] =	wrdreg s19  }
0x13: {  	s21 =	sadd.s32 $0x3A00, s6;
	[dreg:$0xa] =	wrdreg s20  }
0x14: {  	s22 =	sadd.s32 $0x4200, s6;
	[dreg:$0xb] =	wrdreg s21  }
0x15: {  	s23 =	sadd.s32 $0x4A00, s6;
	[dreg:$0xc] =	wrdreg s22  }
0x16: {  	s8 =	sadd.s32 $0x5200, s6;
	[dreg:$0xd] =	wrdreg s23  }
0x17: {  	s25 =	sadd.s32 $0x5A00, s6;
	[dreg:$0xe] =	wrdreg s8  }
0x18: {  	s10 =	sadd.s32 $0x6200, s6;
	[dreg:$0xf] =	wrdreg s25  }
0x19: {  	s11 =	sadd.s32 $0x6A00, s6;
	[dreg:$0x10] =	wrdreg s10  }
0x1a: {  	s12 =	sadd.s32 $0x7200, s6;
	[dreg:$0x11] =	wrdreg s11  }
0x1b: {  	s14 =	sadd.s32 $0x7A00, s6;
	[dreg:$0x12] =	wrdreg s12  }
0x1c: {  	s13 =	sshrl.u32 s26, $0x3;
	s15 =	sadd.s32 $0x8200, s6;
	[dreg:$0x14] =	wrdreg s14  }
0x1d: {  	s1 =	sadd.s32 s4, s13;
	s24 =	sadd.s32 $0xCA00, s6;
	[dreg:$0x16] =	wrdreg s15  }
0x1e: {  	s26 =	sadd.s32 $0x1000, s1;
	[dreg:$0x1f] =	wrdreg s24  }
0x1f: {  	s5 =	sadd.s32 $0x1800, s1;
	[smem:$0x7E7] =	sst s26  }
0x20: {  	s7 =	sadd.s32 $0x2800, s1;
	[smem:$0x7E8] =	sst s5  }
0x21: {  	s13 =	sadd.s32 $0x5000, s1;
	[smem:$0x7EA] =	sst s7  }
0x22: {  	s16 =	sadd.s32 $0x8A00, s6;
	[smem:$0x7EF] =	sst s13  }
0x23: {  	s17 =	sadd.s32 $0x9200, s6;
	[dreg:$0x17] =	wrdreg s16  }
0x24: {  	s18 =	sadd.s32 $0x9A00, s6;
	[dreg:$0x18] =	wrdreg s17  }
0x25: {  	s19 =	sadd.s32 $0xA200, s6;
	[dreg:$0x19] =	wrdreg s18  }
0x26: {  	s20 =	sadd.s32 $0xAA00, s6;
	[dreg:$0x1a] =	wrdreg s19  }
0x27: {  	s21 =	sadd.s32 $0xB200, s6;
	[dreg:$0x1b] =	wrdreg s20  }
0x28: {  	s22 =	sadd.s32 $0xBA00, s6;
	[dreg:$0x1c] =	wrdreg s21  }
0x29: {  	s23 =	sadd.s32 $0xC200, s6;
	[dreg:$0x1d] =	wrdreg s22  }
0x2a: {  	s25 =	sadd.s32 $0x800, s1;
	[dreg:$0x1e] =	wrdreg s23  }
0x2b: {  	s29 =	simm.s32 $0xD;
	s6 =	sadd.s32 $0x2000, s1;
	[smem:$0x7E6] =	sst s25  }
0x2c: {  	s30 =	simm.s32 $0x80;
	s8 =	sadd.s32 $0x3000, s1;
	[smem:$0x7E9] =	sst s6  }
0x2d: {  	s31 =	simm.s32 $0xC80;
	s10 =	sadd.s32 $0x3800, s1;
	[smem:$0x7EB] =	sst s8  }
0x2e: {  	p0 =	sgt.u32 s9, $0x9;
	s11 =	sadd.s32 $0x4000, s1;
	[smem:$0x7EC] =	sst s10  }
0x2f: {  	s9 =	simm.s32 $0x1;
	s12 =	sadd.s32 $0x4800, s1;
	[smem:$0x7ED] =	sst s11  }
0x30: {  	s28 =	smax.u32 s0, $0x1;
	s14 =	sadd.s32 $0x5800, s1;
	[smem:$0x7EE] =	sst s12  }
0x31: {  	s0 =	simm.s32 $0x9;
	s15 =	sadd.s32 $0x6000, s1;
	[smem:$0x7F0] =	sst s14  }
0x32: {  	s4 =	simm.s32 $0x8C80;
	s24 =	sadd.s32 $0xA800, s1;
	[smem:$0x7F1] =	sst s15  }
0x33: {  	s26 =	sadd.s32 $0xB800, s1;
	s13 =	simm.s32 $0x7;
	[smem:$0x7FA] =	sst s24  }
0x34: {  	s5 =	simm.s32 $0xA;
	s16 =	sadd.s32 $0x6800, s1;
	[smem:$0x7FC] =	sst s26  }
0x35: {  	s7 =	simm.s32 $0xB;
	s17 =	sadd.s32 $0x7000, s1;
	[smem:$0x7F2] =	sst s16  }
0x36: {  	s18 =	sadd.s32 $0x7800, s1;
	s19 =	sadd.s32 $0x8000, s1;
	[smem:$0x7F3] =	sst s17  }
0x37: {  	s20 =	sadd.s32 $0x8800, s1;
	s21 =	sadd.s32 $0x9000, s1;
	[smem:$0x7F4] =	sst s18  }
0x38: {  	s22 =	sadd.s32 $0x9800, s1;
	s23 =	sadd.s32 $0xA000, s1;
	[smem:$0x7F5] =	sst s19  }
0x39: {  	s25 =	sadd.s32 $0xB000, s1;
	s1 =	sadd.s32 $0xC000, s1;
	[smem:$0x7F6] =	sst s20  }
0x3a: {  	s6 =	simm.s32 $0xCC80;
	s8 =	simm.s32 $0x10C80;
	[smem:$0x7F7] =	sst s21  }
0x3b: {  	s11 =	simm.s32 $0x14C80;
	s12 =	simm.s32 $0x2;
	[smem:$0x7F8] =	sst s22  }
0x3c: {  	s15 =	simm.s32 $0x3;
	s24 =	simm.s32 $0xC;
	[smem:$0x7F9] =	sst s23  }
.Ltmp0:
0x3d: {  	s10 =	simm.s32 $0xA00;
	[smem:$0x7FB] =	sst s25;
	(pc) =	sbr.rel .LBB2_1-.Ltmp0, $4  }
0x3e: {  	s26 =	simm.s32 $0xA80;
	s14 =	simm.s32 $0xB00;
	[smem:$0x7FD] =	sst s1  }
0x3f: {  	s1 =	simm.s32 $0x4C80;
	s16 =	simm.s32 $0x8;
	s18 =	simm.s32 $0x4  }
0x40: {  	s20 =	simm.s32 $0x5;
	s22 =	simm.s32 $0x6;
	s23 =	simm.s32 $0x900  }
0x41: {  	s25 =	simm.s32 $0x980;
	s17 =	simm.s32 $0xB80;
	s19 =	simm.s32 $0xC00  }
.LBB2_3:
0x42: {  	s21 =	rddreg [dreg:$0x4]  }
0x43: {  	[tilespmem:s3], [sflag:$0xD] =	stream.linear.gather [hbm4b:s21+s3], $0xC30, $0x38;
	[tilespmem:$0x18C80] =	vst v63  }
0x44: {  	_ =	swait.ge [sflag:s29], $0xC30  }
0x45: {  	[sflag:s29] =	ssyncset.done $0x0  }
0x46: {  	[sflag:s29] =	ssyncadd.s32 $0xFFFFF3D0  }
0x47: {  	[tilespmem:s31], [sflag:$0x1] =	stream.indirect.gather [hbm4b:s2+s30], $0x80, s3, s30, $0xb8;
	[tilespmem:$0x18C80] =	vst v63  }
0x48: {  	_ = 	snop  }
0x49: {  	[tilespmem:s1], [sflag:$0x2] =	stream.indirect.gather [hbm4b:s2+s30], $0x80, s30, s30, $0xb8;
	[tilespmem:$0x18C80] =	vst v63  }
0x4a: {  	s21 =	simm.s32 $0x100  }
0x4b: {  	[tilespmem:s4], [sflag:$0x3] =	stream.indirect.gather [hbm4b:s2+s30], $0x80, s21, s30, $0xb8;
	[tilespmem:$0x18C80] =	vst v63  }
0x4c: {  	s21 =	simm.s32 $0x180  }
0x4d: {  	[tilespmem:s6], [sflag:$0x4] =	stream.indirect.gather [hbm4b:s2+s30], $0x80, s21, s30, $0xb8;
	[tilespmem:$0x18C80] =	vst v63  }
0x4e: {  	s21 =	simm.s32 $0x200  }
0x4f: {  	[tilespmem:s8], [sflag:$0x5] =	stream.indirect.gather [hbm4b:s2+s30], $0x80, s21, s30, $0xb8;
	[tilespmem:$0x18C80] =	vst v63  }
0x50: {  	_ =	swait.ge [sflag:s9], $0x4000  }
0x51: {  	[sflag:s9] =	ssyncset.done $0x0  }
0x52: {  	s21 =	rddreg [dreg:$0x5];
	[sflag:s9] =	ssyncadd.s32 $0xFFFFC000  }
0x53: {  	[hbm4b:s21+s3] =	stream.linear.scatter [tilespmem:s31], [sflag:$0x7], $0x4000, $0x38;
	[tilespmem:$0x18C80] =	vst v63  }
0x54: {  	s21 =	simm.s32 $0x280  }
0x55: {  	[tilespmem:s11], [sflag:$0x6] =	stream.indirect.gather [hbm4b:s2+s30], $0x80, s21, s30, $0xb8;
	[tilespmem:$0x18C80] =	vst v63  }
0x56: {  	_ =	swait.ge [sflag:s12], $0x4000  }
0x57: {  	[sflag:s12] =	ssyncset.done $0x0  }
0x58: {  	s21 =	rddreg [dreg:$0x6];
	[sflag:s12] =	ssyncadd.s32 $0xFFFFC000  }
0x59: {  	[hbm4b:s21+s3] =	stream.linear.scatter [tilespmem:s1], [sflag:$0x8], $0x4000, $0x38;
	[tilespmem:$0x18C80] =	vst v63  }
0x5a: {  	_ =	swait.ge [sflag:s13], $0x4000  }
0x5b: {  	[sflag:s13] =	ssyncset.done $0x0  }
0x5c: {  	s21 =	simm.s32 $0x300;
	[sflag:s13] =	ssyncadd.s32 $0xFFFFC000  }
0x5d: {  	[tilespmem:s31], [sflag:$0x1] =	stream.indirect.gather [hbm4b:s2+s30], $0x80, s21, s30, $0xb8;
	[tilespmem:$0x18C80] =	vst v63  }
0x5e: {  	_ =	swait.ge [sflag:s15], $0x4000  }
0x5f: {  	[sflag:s15] =	ssyncset.done $0x0  }
0x60: {  	s21 =	rddreg [dreg:$0x7];
	[sflag:s15] =	ssyncadd.s32 $0xFFFFC000  }
0x61: {  	[hbm4b:s21+s3] =	stream.linear.scatter [tilespmem:s4], [sflag:$0x9], $0x4000, $0x38;
	[tilespmem:$0x18C80] =	vst v63  }
0x62: {  	_ =	swait.ge [sflag:s16], $0x4000  }
0x63: {  	[sflag:s16] =	ssyncset.done $0x0  }
0x64: {  	s21 =	simm.s32 $0x380;
	[sflag:s16] =	ssyncadd.s32 $0xFFFFC000  }
0x65: {  	[tilespmem:s1], [sflag:$0x2] =	stream.indirect.gather [hbm4b:s2+s30], $0x80, s21, s30, $0xb8;
	[tilespmem:$0x18C80] =	vst v63  }
0x66: {  	_ =	swait.ge [sflag:s18], $0x4000  }
0x67: {  	[sflag:s18] =	ssyncset.done $0x0  }
0x68: {  	s21 =	rddreg [dreg:$0x8];
	[sflag:s18] =	ssyncadd.s32 $0xFFFFC000  }
0x69: {  	[hbm4b:s21+s3] =	stream.linear.scatter [tilespmem:s6], [sflag:$0xA], $0x4000, $0x38;
	[tilespmem:$0x18C80] =	vst v63  }
0x6a: {  	_ =	swait.ge [sflag:s0], $0x4000  }
0x6b: {  	[sflag:s0] =	ssyncset.done $0x0  }
0x6c: {  	s21 =	simm.s32 $0x400;
	[sflag:s0] =	ssyncadd.s32 $0xFFFFC000  }
0x6d: {  	[tilespmem:s4], [sflag:$0x3] =	stream.indirect.gather [hbm4b:s2+s30], $0x80, s21, s30, $0xb8;
	[tilespmem:$0x18C80] =	vst v63  }
0x6e: {  	_ =	swait.ge [sflag:s20], $0x4000  }
0x6f: {  	[sflag:s20] =	ssyncset.done $0x0  }
0x70: {  	s21 =	rddreg [dreg:$0x9];
	[sflag:s20] =	ssyncadd.s32 $0xFFFFC000  }
0x71: {  	[hbm4b:s21+s3] =	stream.linear.scatter [tilespmem:s8], [sflag:$0xB], $0x4000, $0x38;
	[tilespmem:$0x18C80] =	vst v63  }
0x72: {  	_ =	swait.ge [sflag:s5], $0x4000  }
0x73: {  	[sflag:s5] =	ssyncset.done $0x0  }
0x74: {  	s21 =	simm.s32 $0x480;
	[sflag:s5] =	ssyncadd.s32 $0xFFFFC000  }
0x75: {  	[tilespmem:s6], [sflag:$0x4] =	stream.indirect.gather [hbm4b:s2+s30], $0x80, s21, s30, $0xb8;
	[tilespmem:$0x18C80] =	vst v63  }
0x76: {  	_ =	swait.ge [sflag:s22], $0x4000  }
0x77: {  	[sflag:s22] =	ssyncset.done $0x0  }
0x78: {  	s21 =	rddreg [dreg:$0xa];
	[sflag:s22] =	ssyncadd.s32 $0xFFFFC000  }
0x79: {  	[hbm4b:s21+s3] =	stream.linear.scatter [tilespmem:s11], [sflag:$0xC], $0x4000, $0x38;
	[tilespmem:$0x18C80] =	vst v63  }
0x7a: {  	_ =	swait.ge [sflag:s7], $0x4000  }
0x7b: {  	[sflag:s7] =	ssyncset.done $0x0  }
0x7c: {  	s21 =	simm.s32 $0x500;
	[sflag:s7] =	ssyncadd.s32 $0xFFFFC000  }
0x7d: {  	[tilespmem:s8], [sflag:$0x5] =	stream.indirect.gather [hbm4b:s2+s30], $0x80, s21, s30, $0xb8;
	[tilespmem:$0x18C80] =	vst v63  }
0x7e: {  	_ =	swait.ge [sflag:s9], $0x4000  }
0x7f: {  	[sflag:s9] =	ssyncset.done $0x0  }
0x80: {  	s21 =	rddreg [dreg:$0xb];
	[sflag:s9] =	ssyncadd.s32 $0xFFFFC000  }
0x81: {  	[hbm4b:s21+s3] =	stream.linear.scatter [tilespmem:s31], [sflag:$0x7], $0x4000, $0x38;
	[tilespmem:$0x18C80] =	vst v63  }
0x82: {  	_ =	swait.ge [sflag:s24], $0x4000  }
0x83: {  	[sflag:s24] =	ssyncset.done $0x0  }
0x84: {  	s21 =	simm.s32 $0x580;
	[sflag:s24] =	ssyncadd.s32 $0xFFFFC000  }
0x85: {  	[tilespmem:s11], [sflag:$0x6] =	stream.indirect.gather [hbm4b:s2+s30], $0x80, s21, s30, $0xb8;
	[tilespmem:$0x18C80] =	vst v63  }
0x86: {  	_ =	swait.ge [sflag:s12], $0x4000  }
0x87: {  	[sflag:s12] =	ssyncset.done $0x0  }
0x88: {  	s21 =	rddreg [dreg:$0xc];
	[sflag:s12] =	ssyncadd.s32 $0xFFFFC000  }
0x89: {  	[hbm4b:s21+s3] =	stream.linear.scatter [tilespmem:s1], [sflag:$0x8], $0x4000, $0x38;
	[tilespmem:$0x18C80] =	vst v63  }
0x8a: {  	_ =	swait.ge [sflag:s13], $0x4000  }
0x8b: {  	[sflag:s13] =	ssyncset.done $0x0  }
0x8c: {  	s21 =	simm.s32 $0x600;
	[sflag:s13] =	ssyncadd.s32 $0xFFFFC000  }
0x8d: {  	[tilespmem:s31], [sflag:$0x1] =	stream.indirect.gather [hbm4b:s2+s30], $0x80, s21, s30, $0xb8;
	[tilespmem:$0x18C80] =	vst v63  }
0x8e: {  	_ =	swait.ge [sflag:s15], $0x4000  }
0x8f: {  	[sflag:s15] =	ssyncset.done $0x0  }
0x90: {  	s21 =	rddreg [dreg:$0xd];
	[sflag:s15] =	ssyncadd.s32 $0xFFFFC000  }
0x91: {  	[hbm4b:s21+s3] =	stream.linear.scatter [tilespmem:s4], [sflag:$0x9], $0x4000, $0x38;
	[tilespmem:$0x18C80] =	vst v63  }
0x92: {  	_ =	swait.ge [sflag:s16], $0x4000  }
0x93: {  	[sflag:s16] =	ssyncset.done $0x0  }
0x94: {  	s21 =	simm.s32 $0x680;
	[sflag:s16] =	ssyncadd.s32 $0xFFFFC000  }
0x95: {  	[tilespmem:s1], [sflag:$0x2] =	stream.indirect.gather [hbm4b:s2+s30], $0x80, s21, s30, $0xb8;
	[tilespmem:$0x18C80] =	vst v63  }
0x96: {  	_ =	swait.ge [sflag:s18], $0x4000  }
0x97: {  	[sflag:s18] =	ssyncset.done $0x0  }
0x98: {  	s21 =	rddreg [dreg:$0xe];
	[sflag:s18] =	ssyncadd.s32 $0xFFFFC000  }
0x99: {  	[hbm4b:s21+s3] =	stream.linear.scatter [tilespmem:s6], [sflag:$0xA], $0x4000, $0x38;
	[tilespmem:$0x18C80] =	vst v63  }
0x9a: {  	_ =	swait.ge [sflag:s0], $0x4000  }
0x9b: {  	[sflag:s0] =	ssyncset.done $0x0  }
0x9c: {  	s21 =	simm.s32 $0x700;
	[sflag:s0] =	ssyncadd.s32 $0xFFFFC000  }
0x9d: {  	[tilespmem:s4], [sflag:$0x3] =	stream.indirect.gather [hbm4b:s2+s30], $0x80, s21, s30, $0xb8;
	[tilespmem:$0x18C80] =	vst v63  }
0x9e: {  	_ =	swait.ge [sflag:s20], $0x4000  }
0x9f: {  	[sflag:s20] =	ssyncset.done $0x0  }
0xa0: {  	s21 =	rddreg [dreg:$0xf];
	[sflag:s20] =	ssyncadd.s32 $0xFFFFC000  }
0xa1: {  	[hbm4b:s21+s3] =	stream.linear.scatter [tilespmem:s8], [sflag:$0xB], $0x4000, $0x38;
	[tilespmem:$0x18C80] =	vst v63  }
0xa2: {  	_ =	swait.ge [sflag:s5], $0x4000  }
0xa3: {  	[sflag:s5] =	ssyncset.done $0x0  }
0xa4: {  	s21 =	simm.s32 $0x780;
	[sflag:s5] =	ssyncadd.s32 $0xFFFFC000  }
0xa5: {  	[tilespmem:s6], [sflag:$0x4] =	stream.indirect.gather [hbm4b:s2+s30], $0x80, s21, s30, $0xb8;
	[tilespmem:$0x18C80] =	vst v63  }
0xa6: {  	_ =	swait.ge [sflag:s22], $0x4000  }
0xa7: {  	[sflag:s22] =	ssyncset.done $0x0  }
0xa8: {  	s21 =	rddreg [dreg:$0x10];
	[sflag:s22] =	ssyncadd.s32 $0xFFFFC000  }
0xa9: {  	[hbm4b:s21+s3] =	stream.linear.scatter [tilespmem:s11], [sflag:$0xC], $0x4000, $0x38;
	[tilespmem:$0x18C80] =	vst v63  }
0xaa: {  	_ =	swait.ge [sflag:s7], $0x4000  }
0xab: {  	[sflag:s7] =	ssyncset.done $0x0  }
0xac: {  	s21 =	simm.s32 $0x800;
	[sflag:s7] =	ssyncadd.s32 $0xFFFFC000  }
0xad: {  	[tilespmem:s8], [sflag:$0x5] =	stream.indirect.gather [hbm4b:s2+s30], $0x80, s21, s30, $0xb8;
	[tilespmem:$0x18C80] =	vst v63  }
0xae: {  	_ =	swait.ge [sflag:s9], $0x4000  }
0xaf: {  	[sflag:s9] =	ssyncset.done $0x0  }
0xb0: {  	s21 =	rddreg [dreg:$0x11];
	[sflag:s9] =	ssyncadd.s32 $0xFFFFC000  }
0xb1: {  	[hbm4b:s21+s3] =	stream.linear.scatter [tilespmem:s31], [sflag:$0x7], $0x4000, $0x38;
	[tilespmem:$0x18C80] =	vst v63  }
0xb2: {  	_ =	swait.ge [sflag:s24], $0x4000  }
0xb3: {  	[sflag:s24] =	ssyncset.done $0x0  }
0xb4: {  	s21 =	simm.s32 $0x880;
	[sflag:s24] =	ssyncadd.s32 $0xFFFFC000  }
0xb5: {  	[tilespmem:s11], [sflag:$0x6] =	stream.indirect.gather [hbm4b:s2+s30], $0x80, s21, s30, $0xb8;
	[tilespmem:$0x18C80] =	vst v63  }
0xb6: {  	_ =	swait.ge [sflag:s12], $0x4000  }
0xb7: {  	[sflag:s12] =	ssyncset.done $0x0  }
0xb8: {  	s21 =	rddreg [dreg:$0x12];
	[sflag:s12] =	ssyncadd.s32 $0xFFFFC000  }
0xb9: {  	[hbm4b:s21+s3] =	stream.linear.scatter [tilespmem:s1], [sflag:$0x8], $0x4000, $0x38;
	[tilespmem:$0x18C80] =	vst v63  }
0xba: {  	_ =	swait.ge [sflag:s13], $0x4000  }
0xbb: {  	[sflag:s13] =	ssyncset.done $0x0  }
0xbc: {  	[sflag:s13] =	ssyncadd.s32 $0xFFFFC000  }
0xbd: {  	[tilespmem:s31], [sflag:$0x1] =	stream.indirect.gather [hbm4b:s2+s30], $0x80, s23, s30, $0xb8;
	[tilespmem:$0x18C80] =	vst v63  }
0xbe: {  	_ =	swait.ge [sflag:s15], $0x4000  }
0xbf: {  	[sflag:s15] =	ssyncset.done $0x0  }
0xc0: {  	s21 =	rddreg [dreg:$0x14];
	[sflag:s15] =	ssyncadd.s32 $0xFFFFC000  }
0xc1: {  	[hbm4b:s21+s3] =	stream.linear.scatter [tilespmem:s4], [sflag:$0x9], $0x4000, $0x38;
	[tilespmem:$0x18C80] =	vst v63  }
0xc2: {  	_ =	swait.ge [sflag:s16], $0x4000  }
0xc3: {  	[sflag:s16] =	ssyncset.done $0x0  }
0xc4: {  	[sflag:s16] =	ssyncadd.s32 $0xFFFFC000  }
0xc5: {  	[tilespmem:s1], [sflag:$0x2] =	stream.indirect.gather [hbm4b:s2+s30], $0x80, s25, s30, $0xb8;
	[tilespmem:$0x18C80] =	vst v63  }
0xc6: {  	_ =	swait.ge [sflag:s18], $0x4000  }
0xc7: {  	[sflag:s18] =	ssyncset.done $0x0  }
0xc8: {  	s21 =	rddreg [dreg:$0x16];
	[sflag:s18] =	ssyncadd.s32 $0xFFFFC000  }
0xc9: {  	[hbm4b:s21+s3] =	stream.linear.scatter [tilespmem:s6], [sflag:$0xA], $0x4000, $0x38;
	[tilespmem:$0x18C80] =	vst v63  }
0xca: {  	_ =	swait.ge [sflag:s0], $0x4000  }
0xcb: {  	[sflag:s0] =	ssyncset.done $0x0  }
0xcc: {  	[sflag:s0] =	ssyncadd.s32 $0xFFFFC000  }
0xcd: {  	[tilespmem:s4], [sflag:$0x3] =	stream.indirect.gather [hbm4b:s2+s30], $0x80, s10, s30, $0xb8;
	[tilespmem:$0x18C80] =	vst v63  }
0xce: {  	_ =	swait.ge [sflag:s20], $0x4000  }
0xcf: {  	[sflag:s20] =	ssyncset.done $0x0  }
0xd0: {  	s21 =	rddreg [dreg:$0x17];
	[sflag:s20] =	ssyncadd.s32 $0xFFFFC000  }
0xd1: {  	[hbm4b:s21+s3] =	stream.linear.scatter [tilespmem:s8], [sflag:$0xB], $0x4000, $0x38;
	[tilespmem:$0x18C80] =	vst v63  }
0xd2: {  	_ =	swait.ge [sflag:s5], $0x4000  }
0xd3: {  	[sflag:s5] =	ssyncset.done $0x0  }
0xd4: {  	[sflag:s5] =	ssyncadd.s32 $0xFFFFC000  }
0xd5: {  	[tilespmem:s6], [sflag:$0x4] =	stream.indirect.gather [hbm4b:s2+s30], $0x80, s26, s30, $0xb8;
	[tilespmem:$0x18C80] =	vst v63  }
0xd6: {  	_ =	swait.ge [sflag:s22], $0x4000  }
0xd7: {  	[sflag:s22] =	ssyncset.done $0x0  }
0xd8: {  	s21 =	rddreg [dreg:$0x18];
	[sflag:s22] =	ssyncadd.s32 $0xFFFFC000  }
0xd9: {  	[hbm4b:s21+s3] =	stream.linear.scatter [tilespmem:s11], [sflag:$0xC], $0x4000, $0x38;
	[tilespmem:$0x18C80] =	vst v63  }
0xda: {  	_ =	swait.ge [sflag:s7], $0x4000  }
0xdb: {  	[sflag:s7] =	ssyncset.done $0x0  }
0xdc: {  	[sflag:s7] =	ssyncadd.s32 $0xFFFFC000  }
0xdd: {  	[tilespmem:s8], [sflag:$0x5] =	stream.indirect.gather [hbm4b:s2+s30], $0x80, s14, s30, $0xb8;
	[tilespmem:$0x18C80] =	vst v63  }
0xde: {  	_ =	swait.ge [sflag:s9], $0x4000  }
0xdf: {  	[sflag:s9] =	ssyncset.done $0x0  }
0xe0: {  	s21 =	rddreg [dreg:$0x19];
	[sflag:s9] =	ssyncadd.s32 $0xFFFFC000  }
0xe1: {  	[hbm4b:s21+s3] =	stream.linear.scatter [tilespmem:s31], [sflag:$0x7], $0x4000, $0x38;
	[tilespmem:$0x18C80] =	vst v63  }
0xe2: {  	_ =	swait.ge [sflag:s24], $0x4000  }
0xe3: {  	[sflag:s24] =	ssyncset.done $0x0  }
0xe4: {  	[sflag:s24] =	ssyncadd.s32 $0xFFFFC000  }
0xe5: {  	[tilespmem:s11], [sflag:$0x6] =	stream.indirect.gather [hbm4b:s2+s30], $0x80, s17, s30, $0xb8;
	[tilespmem:$0x18C80] =	vst v63  }
0xe6: {  	_ =	swait.ge [sflag:s12], $0x4000  }
0xe7: {  	[sflag:s12] =	ssyncset.done $0x0  }
0xe8: {  	s21 =	rddreg [dreg:$0x1a];
	[sflag:s12] =	ssyncadd.s32 $0xFFFFC000  }
0xe9: {  	[hbm4b:s21+s3] =	stream.linear.scatter [tilespmem:s1], [sflag:$0x8], $0x4000, $0x38;
	[tilespmem:$0x18C80] =	vst v63  }
0xea: {  	_ =	swait.ge [sflag:s13], $0x4000  }
0xeb: {  	[sflag:s13] =	ssyncset.done $0x0  }
0xec: {  	s21 =	simm.s32 $0x30;
	[sflag:s13] =	ssyncadd.s32 $0xFFFFC000  }
0xed: {  	[tilespmem:s31], [sflag:$0x1] =	stream.indirect.gather [hbm4b:s2+s21], $0x80, s19, s21, $0xb8;
	[tilespmem:$0x18C80] =	vst v63  }
0xee: {  	_ =	swait.ge [sflag:s15], $0x4000  }
0xef: {  	[sflag:s15] =	ssyncset.done $0x0  }
0xf0: {  	s21 =	rddreg [dreg:$0x1b];
	[sflag:s15] =	ssyncadd.s32 $0xFFFFC000  }
0xf1: {  	[hbm4b:s21+s3] =	stream.linear.scatter [tilespmem:s4], [sflag:$0x9], $0x4000, $0x38;
	[tilespmem:$0x18C80] =	vst v63  }
0xf2: {  	_ =	swait.ge [sflag:s18], $0x4000  }
0xf3: {  	[sflag:s18] =	ssyncset.done $0x0  }
0xf4: {  	s21 =	rddreg [dreg:$0x1c];
	[sflag:s18] =	ssyncadd.s32 $0xFFFFC000  }
0xf5: {  	[hbm4b:s21+s3] =	stream.linear.scatter [tilespmem:s6], [sflag:$0xA], $0x4000, $0x38;
	[tilespmem:$0x18C80] =	vst v63  }
0xf6: {  	_ =	swait.ge [sflag:s20], $0x4000  }
0xf7: {  	[sflag:s20] =	ssyncset.done $0x0  }
0xf8: {  	s21 =	rddreg [dreg:$0x1d];
	[sflag:s20] =	ssyncadd.s32 $0xFFFFC000  }
0xf9: {  	[hbm4b:s21+s3] =	stream.linear.scatter [tilespmem:s8], [sflag:$0xB], $0x4000, $0x38;
	[tilespmem:$0x18C80] =	vst v63  }
0xfa: {  	_ =	swait.ge [sflag:s22], $0x4000  }
0xfb: {  	[sflag:s22] =	ssyncset.done $0x0  }
0xfc: {  	s21 =	rddreg [dreg:$0x1e];
	[sflag:s22] =	ssyncadd.s32 $0xFFFFC000  }
0xfd: {  	[hbm4b:s21+s3] =	stream.linear.scatter [tilespmem:s11], [sflag:$0xC], $0x4000, $0x38;
	[tilespmem:$0x18C80] =	vst v63  }
0xfe: {  	_ =	swait.ge [sflag:s9], $0x1800  }
0xff: {  	[sflag:s9] =	ssyncset.done $0x0  }
0x100: {  	s21 =	rddreg [dreg:$0x1f];
	[sflag:s9] =	ssyncadd.s32 $0xFFFFE800  }
0x101: {  	[hbm4b:s21+s3] =	stream.linear.scatter [tilespmem:s31], [sflag:$0x7], $0x1800, $0x38;
	[tilespmem:$0x18C80] =	vst v63  }
0x102: {  	_ =	swait.ge [sflag:s13], $0x1800  }
0x103: {  	[sflag:s13] =	ssyncset.done $0x0  }
0x104: {  	[sflag:s13] =	ssyncadd.s32 $0xFFFFE800  }
.LBB2_4:
0x105: {  	_ =	swait.ge [sflag:s16], $0x4000  }
0x106: {  	[sflag:s16] =	ssyncset.done $0x0  }
0x107: {  	[sflag:s16] =	ssyncadd.s32 $0xFFFFC000  }
0x108: {  	_ =	swait.ge [sflag:s0], $0x4000  }
0x109: {  	[sflag:s0] =	ssyncset.done $0x0  }
0x10a: {  	[sflag:s0] =	ssyncadd.s32 $0xFFFFC000  }
0x10b: {  	_ =	swait.ge [sflag:s5], $0x4000  }
0x10c: {  	[sflag:s5] =	ssyncset.done $0x0  }
0x10d: {  	s28 =	sadd.s32 $0xFFFFFFFF, s28;
	[sflag:s5] =	ssyncadd.s32 $0xFFFFC000  }
0x10e: {  	p1 =	sne.s32 s28, $0x0;
	_ =	swait.ge [sflag:s7], $0x4000  }
.Ltmp1:
0x10f: {  	[sflag:s7] =	ssyncset.done $0x0;
	(pc) =	sbr.rel @!p1 .LBB2_5-.Ltmp1, $4  }
0x110: {  	[sflag:s7] =	ssyncadd.s32 $0xFFFFC000  }
0x111: {  	_ =	swait.ge [sflag:s24], $0x4000  }
0x112: {  	[sflag:s24] =	ssyncset.done $0x0  }
0x113: {  	[sflag:s24] =	ssyncadd.s32 $0xFFFFC000  }
.LBB2_1:
.Ltmp2:
0x114: {  	(pc) =	sbr.rel @p0 .LBB2_3-.Ltmp2, $1  }
0x115: {  	_ =	sdelay $0x3  }
0x116: {  	s21 =	rddreg [dreg:$0x13]  }
0x117: {  	[tilespmem:s3], [sflag:$0xD] =	stream.linear.gather [hbm4b:s21+s3], $0xC38, $0x38;
	[tilespmem:$0x18C80] =	vst v63  }
0x118: {  	_ =	swait.ge [sflag:s29], $0xC38  }
0x119: {  	[sflag:s29] =	ssyncset.done $0x0  }
0x11a: {  	[sflag:s29] =	ssyncadd.s32 $0xFFFFF3C8  }
0x11b: {  	[tilespmem:s31], [sflag:$0x1] =	stream.indirect.gather [hbm4b:s2+s30], $0x80, s3, s30, $0xb8;
	[tilespmem:$0x18C80] =	vst v63  }
0x11c: {  	_ = 	snop  }
0x11d: {  	[tilespmem:s1], [sflag:$0x2] =	stream.indirect.gather [hbm4b:s2+s30], $0x80, s30, s30, $0xb8;
	[tilespmem:$0x18C80] =	vst v63  }
0x11e: {  	s21 =	simm.s32 $0x100  }
0x11f: {  	[tilespmem:s4], [sflag:$0x3] =	stream.indirect.gather [hbm4b:s2+s30], $0x80, s21, s30, $0xb8;
	[tilespmem:$0x18C80] =	vst v63  }
0x120: {  	s21 =	simm.s32 $0x180  }
0x121: {  	[tilespmem:s6], [sflag:$0x4] =	stream.indirect.gather [hbm4b:s2+s30], $0x80, s21, s30, $0xb8;
	[tilespmem:$0x18C80] =	vst v63  }
0x122: {  	s21 =	simm.s32 $0x200  }
0x123: {  	[tilespmem:s8], [sflag:$0x5] =	stream.indirect.gather [hbm4b:s2+s30], $0x80, s21, s30, $0xb8;
	[tilespmem:$0x18C80] =	vst v63  }
0x124: {  	_ =	swait.ge [sflag:s9], $0x4000  }
0x125: {  	[sflag:s9] =	ssyncset.done $0x0  }
0x126: {  	s21 =	rddreg [dreg:$0x15];
	[sflag:s9] =	ssyncadd.s32 $0xFFFFC000  }
0x127: {  	[hbm4b:s21+s3] =	stream.linear.scatter [tilespmem:s31], [sflag:$0x7], $0x4000, $0x38;
	[tilespmem:$0x18C80] =	vst v63  }
0x128: {  	s21 =	simm.s32 $0x280  }
0x129: {  	[tilespmem:s11], [sflag:$0x6] =	stream.indirect.gather [hbm4b:s2+s30], $0x80, s21, s30, $0xb8;
	[tilespmem:$0x18C80] =	vst v63  }
0x12a: {  	_ =	swait.ge [sflag:s12], $0x4000  }
0x12b: {  	s21 =	sld [smem:$0x7E6]  }
0x12c: {  	[sflag:s12] =	ssyncset.done $0x0  }
0x12d: {  	[sflag:s12] =	ssyncadd.s32 $0xFFFFC000  }
0x12e: {  	[hbm4b:s21+s3] =	stream.linear.scatter [tilespmem:s1], [sflag:$0x8], $0x4000, $0x38;
	[tilespmem:$0x18C80] =	vst v63  }
0x12f: {  	_ =	swait.ge [sflag:s13], $0x4000  }
0x130: {  	[sflag:s13] =	ssyncset.done $0x0  }
0x131: {  	s21 =	simm.s32 $0x300;
	[sflag:s13] =	ssyncadd.s32 $0xFFFFC000  }
0x132: {  	[tilespmem:s31], [sflag:$0x1] =	stream.indirect.gather [hbm4b:s2+s30], $0x80, s21, s30, $0xb8;
	[tilespmem:$0x18C80] =	vst v63  }
0x133: {  	_ =	swait.ge [sflag:s15], $0x4000  }
0x134: {  	s21 =	sld [smem:$0x7E7]  }
0x135: {  	[sflag:s15] =	ssyncset.done $0x0  }
0x136: {  	[sflag:s15] =	ssyncadd.s32 $0xFFFFC000  }
0x137: {  	[hbm4b:s21+s3] =	stream.linear.scatter [tilespmem:s4], [sflag:$0x9], $0x4000, $0x38;
	[tilespmem:$0x18C80] =	vst v63  }
0x138: {  	_ =	swait.ge [sflag:s16], $0x4000  }
0x139: {  	[sflag:s16] =	ssyncset.done $0x0  }
0x13a: {  	s21 =	simm.s32 $0x380;
	[sflag:s16] =	ssyncadd.s32 $0xFFFFC000  }
0x13b: {  	[tilespmem:s1], [sflag:$0x2] =	stream.indirect.gather [hbm4b:s2+s30], $0x80, s21, s30, $0xb8;
	[tilespmem:$0x18C80] =	vst v63  }
0x13c: {  	_ =	swait.ge [sflag:s18], $0x4000  }
0x13d: {  	s21 =	sld [smem:$0x7E8]  }
0x13e: {  	[sflag:s18] =	ssyncset.done $0x0  }
0x13f: {  	[sflag:s18] =	ssyncadd.s32 $0xFFFFC000  }
0x140: {  	[hbm4b:s21+s3] =	stream.linear.scatter [tilespmem:s6], [sflag:$0xA], $0x4000, $0x38;
	[tilespmem:$0x18C80] =	vst v63  }
0x141: {  	_ =	swait.ge [sflag:s0], $0x4000  }
0x142: {  	[sflag:s0] =	ssyncset.done $0x0  }
0x143: {  	s21 =	simm.s32 $0x400;
	[sflag:s0] =	ssyncadd.s32 $0xFFFFC000  }
0x144: {  	[tilespmem:s4], [sflag:$0x3] =	stream.indirect.gather [hbm4b:s2+s30], $0x80, s21, s30, $0xb8;
	[tilespmem:$0x18C80] =	vst v63  }
0x145: {  	_ =	swait.ge [sflag:s20], $0x4000  }
0x146: {  	s21 =	sld [smem:$0x7E9]  }
0x147: {  	[sflag:s20] =	ssyncset.done $0x0  }
0x148: {  	[sflag:s20] =	ssyncadd.s32 $0xFFFFC000  }
0x149: {  	[hbm4b:s21+s3] =	stream.linear.scatter [tilespmem:s8], [sflag:$0xB], $0x4000, $0x38;
	[tilespmem:$0x18C80] =	vst v63  }
0x14a: {  	_ =	swait.ge [sflag:s5], $0x4000  }
0x14b: {  	[sflag:s5] =	ssyncset.done $0x0  }
0x14c: {  	s21 =	simm.s32 $0x480;
	[sflag:s5] =	ssyncadd.s32 $0xFFFFC000  }
0x14d: {  	[tilespmem:s6], [sflag:$0x4] =	stream.indirect.gather [hbm4b:s2+s30], $0x80, s21, s30, $0xb8;
	[tilespmem:$0x18C80] =	vst v63  }
0x14e: {  	_ =	swait.ge [sflag:s22], $0x4000  }
0x14f: {  	s21 =	sld [smem:$0x7EA]  }
0x150: {  	[sflag:s22] =	ssyncset.done $0x0  }
0x151: {  	[sflag:s22] =	ssyncadd.s32 $0xFFFFC000  }
0x152: {  	[hbm4b:s21+s3] =	stream.linear.scatter [tilespmem:s11], [sflag:$0xC], $0x4000, $0x38;
	[tilespmem:$0x18C80] =	vst v63  }
0x153: {  	_ =	swait.ge [sflag:s7], $0x4000  }
0x154: {  	[sflag:s7] =	ssyncset.done $0x0  }
0x155: {  	s21 =	simm.s32 $0x500;
	[sflag:s7] =	ssyncadd.s32 $0xFFFFC000  }
0x156: {  	[tilespmem:s8], [sflag:$0x5] =	stream.indirect.gather [hbm4b:s2+s30], $0x80, s21, s30, $0xb8;
	[tilespmem:$0x18C80] =	vst v63  }
0x157: {  	_ =	swait.ge [sflag:s9], $0x4000  }
0x158: {  	s21 =	sld [smem:$0x7EB]  }
0x159: {  	[sflag:s9] =	ssyncset.done $0x0  }
0x15a: {  	[sflag:s9] =	ssyncadd.s32 $0xFFFFC000  }
0x15b: {  	[hbm4b:s21+s3] =	stream.linear.scatter [tilespmem:s31], [sflag:$0x7], $0x4000, $0x38;
	[tilespmem:$0x18C80] =	vst v63  }
0x15c: {  	_ =	swait.ge [sflag:s24], $0x4000  }
0x15d: {  	[sflag:s24] =	ssyncset.done $0x0  }
0x15e: {  	s21 =	simm.s32 $0x580;
	[sflag:s24] =	ssyncadd.s32 $0xFFFFC000  }
0x15f: {  	[tilespmem:s11], [sflag:$0x6] =	stream.indirect.gather [hbm4b:s2+s30], $0x80, s21, s30, $0xb8;
	[tilespmem:$0x18C80] =	vst v63  }
0x160: {  	_ =	swait.ge [sflag:s12], $0x4000  }
0x161: {  	s21 =	sld [smem:$0x7EC]  }
0x162: {  	[sflag:s12] =	ssyncset.done $0x0  }
0x163: {  	[sflag:s12] =	ssyncadd.s32 $0xFFFFC000  }
0x164: {  	[hbm4b:s21+s3] =	stream.linear.scatter [tilespmem:s1], [sflag:$0x8], $0x4000, $0x38;
	[tilespmem:$0x18C80] =	vst v63  }
0x165: {  	_ =	swait.ge [sflag:s13], $0x4000  }
0x166: {  	[sflag:s13] =	ssyncset.done $0x0  }
0x167: {  	s21 =	simm.s32 $0x600;
	[sflag:s13] =	ssyncadd.s32 $0xFFFFC000  }
0x168: {  	[tilespmem:s31], [sflag:$0x1] =	stream.indirect.gather [hbm4b:s2+s30], $0x80, s21, s30, $0xb8;
	[tilespmem:$0x18C80] =	vst v63  }
0x169: {  	_ =	swait.ge [sflag:s15], $0x4000  }
0x16a: {  	s21 =	sld [smem:$0x7ED]  }
0x16b: {  	[sflag:s15] =	ssyncset.done $0x0  }
0x16c: {  	[sflag:s15] =	ssyncadd.s32 $0xFFFFC000  }
0x16d: {  	[hbm4b:s21+s3] =	stream.linear.scatter [tilespmem:s4], [sflag:$0x9], $0x4000, $0x38;
	[tilespmem:$0x18C80] =	vst v63  }
0x16e: {  	_ =	swait.ge [sflag:s16], $0x4000  }
0x16f: {  	[sflag:s16] =	ssyncset.done $0x0  }
0x170: {  	s21 =	simm.s32 $0x680;
	[sflag:s16] =	ssyncadd.s32 $0xFFFFC000  }
0x171: {  	[tilespmem:s1], [sflag:$0x2] =	stream.indirect.gather [hbm4b:s2+s30], $0x80, s21, s30, $0xb8;
	[tilespmem:$0x18C80] =	vst v63  }
0x172: {  	_ =	swait.ge [sflag:s18], $0x4000  }
0x173: {  	s21 =	sld [smem:$0x7EE]  }
0x174: {  	[sflag:s18] =	ssyncset.done $0x0  }
0x175: {  	[sflag:s18] =	ssyncadd.s32 $0xFFFFC000  }
0x176: {  	[hbm4b:s21+s3] =	stream.linear.scatter [tilespmem:s6], [sflag:$0xA], $0x4000, $0x38;
	[tilespmem:$0x18C80] =	vst v63  }
0x177: {  	_ =	swait.ge [sflag:s0], $0x4000  }
0x178: {  	[sflag:s0] =	ssyncset.done $0x0  }
0x179: {  	s21 =	simm.s32 $0x700;
	[sflag:s0] =	ssyncadd.s32 $0xFFFFC000  }
0x17a: {  	[tilespmem:s4], [sflag:$0x3] =	stream.indirect.gather [hbm4b:s2+s30], $0x80, s21, s30, $0xb8;
	[tilespmem:$0x18C80] =	vst v63  }
0x17b: {  	_ =	swait.ge [sflag:s20], $0x4000  }
0x17c: {  	s21 =	sld [smem:$0x7EF]  }
0x17d: {  	[sflag:s20] =	ssyncset.done $0x0  }
0x17e: {  	[sflag:s20] =	ssyncadd.s32 $0xFFFFC000  }
0x17f: {  	[hbm4b:s21+s3] =	stream.linear.scatter [tilespmem:s8], [sflag:$0xB], $0x4000, $0x38;
	[tilespmem:$0x18C80] =	vst v63  }
0x180: {  	_ =	swait.ge [sflag:s5], $0x4000  }
0x181: {  	[sflag:s5] =	ssyncset.done $0x0  }
0x182: {  	s21 =	simm.s32 $0x780;
	[sflag:s5] =	ssyncadd.s32 $0xFFFFC000  }
0x183: {  	[tilespmem:s6], [sflag:$0x4] =	stream.indirect.gather [hbm4b:s2+s30], $0x80, s21, s30, $0xb8;
	[tilespmem:$0x18C80] =	vst v63  }
0x184: {  	_ =	swait.ge [sflag:s22], $0x4000  }
0x185: {  	s21 =	sld [smem:$0x7F0]  }
0x186: {  	[sflag:s22] =	ssyncset.done $0x0  }
0x187: {  	[sflag:s22] =	ssyncadd.s32 $0xFFFFC000  }
0x188: {  	[hbm4b:s21+s3] =	stream.linear.scatter [tilespmem:s11], [sflag:$0xC], $0x4000, $0x38;
	[tilespmem:$0x18C80] =	vst v63  }
0x189: {  	_ =	swait.ge [sflag:s7], $0x4000  }
0x18a: {  	[sflag:s7] =	ssyncset.done $0x0  }
0x18b: {  	s21 =	simm.s32 $0x800;
	[sflag:s7] =	ssyncadd.s32 $0xFFFFC000  }
0x18c: {  	[tilespmem:s8], [sflag:$0x5] =	stream.indirect.gather [hbm4b:s2+s30], $0x80, s21, s30, $0xb8;
	[tilespmem:$0x18C80] =	vst v63  }
0x18d: {  	_ =	swait.ge [sflag:s9], $0x4000  }
0x18e: {  	s21 =	sld [smem:$0x7F1]  }
0x18f: {  	[sflag:s9] =	ssyncset.done $0x0  }
0x190: {  	[sflag:s9] =	ssyncadd.s32 $0xFFFFC000  }
0x191: {  	[hbm4b:s21+s3] =	stream.linear.scatter [tilespmem:s31], [sflag:$0x7], $0x4000, $0x38;
	[tilespmem:$0x18C80] =	vst v63  }
0x192: {  	_ =	swait.ge [sflag:s24], $0x4000  }
0x193: {  	[sflag:s24] =	ssyncset.done $0x0  }
0x194: {  	s21 =	simm.s32 $0x880;
	[sflag:s24] =	ssyncadd.s32 $0xFFFFC000  }
0x195: {  	[tilespmem:s11], [sflag:$0x6] =	stream.indirect.gather [hbm4b:s2+s30], $0x80, s21, s30, $0xb8;
	[tilespmem:$0x18C80] =	vst v63  }
0x196: {  	_ =	swait.ge [sflag:s12], $0x4000  }
0x197: {  	s21 =	sld [smem:$0x7F2]  }
0x198: {  	[sflag:s12] =	ssyncset.done $0x0  }
0x199: {  	[sflag:s12] =	ssyncadd.s32 $0xFFFFC000  }
0x19a: {  	[hbm4b:s21+s3] =	stream.linear.scatter [tilespmem:s1], [sflag:$0x8], $0x4000, $0x38;
	[tilespmem:$0x18C80] =	vst v63  }
0x19b: {  	_ =	swait.ge [sflag:s13], $0x4000  }
0x19c: {  	[sflag:s13] =	ssyncset.done $0x0  }
0x19d: {  	[sflag:s13] =	ssyncadd.s32 $0xFFFFC000  }
0x19e: {  	[tilespmem:s31], [sflag:$0x1] =	stream.indirect.gather [hbm4b:s2+s30], $0x80, s23, s30, $0xb8;
	[tilespmem:$0x18C80] =	vst v63  }
0x19f: {  	_ =	swait.ge [sflag:s15], $0x4000  }
0x1a0: {  	s21 =	sld [smem:$0x7F3]  }
0x1a1: {  	[sflag:s15] =	ssyncset.done $0x0  }
0x1a2: {  	[sflag:s15] =	ssyncadd.s32 $0xFFFFC000  }
0x1a3: {  	[hbm4b:s21+s3] =	stream.linear.scatter [tilespmem:s4], [sflag:$0x9], $0x4000, $0x38;
	[tilespmem:$0x18C80] =	vst v63  }
0x1a4: {  	_ =	swait.ge [sflag:s16], $0x4000  }
0x1a5: {  	[sflag:s16] =	ssyncset.done $0x0  }
0x1a6: {  	[sflag:s16] =	ssyncadd.s32 $0xFFFFC000  }
0x1a7: {  	[tilespmem:s1], [sflag:$0x2] =	stream.indirect.gather [hbm4b:s2+s30], $0x80, s25, s30, $0xb8;
	[tilespmem:$0x18C80] =	vst v63  }
0x1a8: {  	_ =	swait.ge [sflag:s18], $0x4000  }
0x1a9: {  	s21 =	sld [smem:$0x7F4]  }
0x1aa: {  	[sflag:s18] =	ssyncset.done $0x0  }
0x1ab: {  	[sflag:s18] =	ssyncadd.s32 $0xFFFFC000  }
0x1ac: {  	[hbm4b:s21+s3] =	stream.linear.scatter [tilespmem:s6], [sflag:$0xA], $0x4000, $0x38;
	[tilespmem:$0x18C80] =	vst v63  }
0x1ad: {  	_ =	swait.ge [sflag:s0], $0x4000  }
0x1ae: {  	[sflag:s0] =	ssyncset.done $0x0  }
0x1af: {  	[sflag:s0] =	ssyncadd.s32 $0xFFFFC000  }
0x1b0: {  	[tilespmem:s4], [sflag:$0x3] =	stream.indirect.gather [hbm4b:s2+s30], $0x80, s10, s30, $0xb8;
	[tilespmem:$0x18C80] =	vst v63  }
0x1b1: {  	_ =	swait.ge [sflag:s20], $0x4000  }
0x1b2: {  	s21 =	sld [smem:$0x7F5]  }
0x1b3: {  	[sflag:s20] =	ssyncset.done $0x0  }
0x1b4: {  	[sflag:s20] =	ssyncadd.s32 $0xFFFFC000  }
0x1b5: {  	[hbm4b:s21+s3] =	stream.linear.scatter [tilespmem:s8], [sflag:$0xB], $0x4000, $0x38;
	[tilespmem:$0x18C80] =	vst v63  }
0x1b6: {  	_ =	swait.ge [sflag:s5], $0x4000  }
0x1b7: {  	[sflag:s5] =	ssyncset.done $0x0  }
0x1b8: {  	[sflag:s5] =	ssyncadd.s32 $0xFFFFC000  }
0x1b9: {  	[tilespmem:s6], [sflag:$0x4] =	stream.indirect.gather [hbm4b:s2+s30], $0x80, s26, s30, $0xb8;
	[tilespmem:$0x18C80] =	vst v63  }
0x1ba: {  	_ =	swait.ge [sflag:s22], $0x4000  }
0x1bb: {  	s21 =	sld [smem:$0x7F6]  }
0x1bc: {  	[sflag:s22] =	ssyncset.done $0x0  }
0x1bd: {  	[sflag:s22] =	ssyncadd.s32 $0xFFFFC000  }
0x1be: {  	[hbm4b:s21+s3] =	stream.linear.scatter [tilespmem:s11], [sflag:$0xC], $0x4000, $0x38;
	[tilespmem:$0x18C80] =	vst v63  }
0x1bf: {  	_ =	swait.ge [sflag:s7], $0x4000  }
0x1c0: {  	[sflag:s7] =	ssyncset.done $0x0  }
0x1c1: {  	[sflag:s7] =	ssyncadd.s32 $0xFFFFC000  }
0x1c2: {  	[tilespmem:s8], [sflag:$0x5] =	stream.indirect.gather [hbm4b:s2+s30], $0x80, s14, s30, $0xb8;
	[tilespmem:$0x18C80] =	vst v63  }
0x1c3: {  	_ =	swait.ge [sflag:s9], $0x4000  }
0x1c4: {  	s21 =	sld [smem:$0x7F7]  }
0x1c5: {  	[sflag:s9] =	ssyncset.done $0x0  }
0x1c6: {  	[sflag:s9] =	ssyncadd.s32 $0xFFFFC000  }
0x1c7: {  	[hbm4b:s21+s3] =	stream.linear.scatter [tilespmem:s31], [sflag:$0x7], $0x4000, $0x38;
	[tilespmem:$0x18C80] =	vst v63  }
0x1c8: {  	_ =	swait.ge [sflag:s24], $0x4000  }
0x1c9: {  	[sflag:s24] =	ssyncset.done $0x0  }
0x1ca: {  	[sflag:s24] =	ssyncadd.s32 $0xFFFFC000  }
0x1cb: {  	[tilespmem:s11], [sflag:$0x6] =	stream.indirect.gather [hbm4b:s2+s30], $0x80, s17, s30, $0xb8;
	[tilespmem:$0x18C80] =	vst v63  }
0x1cc: {  	_ =	swait.ge [sflag:s12], $0x4000  }
0x1cd: {  	s21 =	sld [smem:$0x7F8]  }
0x1ce: {  	[sflag:s12] =	ssyncset.done $0x0  }
0x1cf: {  	[sflag:s12] =	ssyncadd.s32 $0xFFFFC000  }
0x1d0: {  	[hbm4b:s21+s3] =	stream.linear.scatter [tilespmem:s1], [sflag:$0x8], $0x4000, $0x38;
	[tilespmem:$0x18C80] =	vst v63  }
0x1d1: {  	_ =	swait.ge [sflag:s13], $0x4000  }
0x1d2: {  	[sflag:s13] =	ssyncset.done $0x0  }
0x1d3: {  	s21 =	simm.s32 $0x38;
	[sflag:s13] =	ssyncadd.s32 $0xFFFFC000  }
0x1d4: {  	[tilespmem:s31], [sflag:$0x1] =	stream.indirect.gather [hbm4b:s2+s21], $0x80, s19, s21, $0xb8;
	[tilespmem:$0x18C80] =	vst v63  }
0x1d5: {  	_ =	swait.ge [sflag:s15], $0x4000  }
0x1d6: {  	s21 =	sld [smem:$0x7F9]  }
0x1d7: {  	[sflag:s15] =	ssyncset.done $0x0  }
0x1d8: {  	[sflag:s15] =	ssyncadd.s32 $0xFFFFC000  }
0x1d9: {  	[hbm4b:s21+s3] =	stream.linear.scatter [tilespmem:s4], [sflag:$0x9], $0x4000, $0x38;
	[tilespmem:$0x18C80] =	vst v63  }
0x1da: {  	_ =	swait.ge [sflag:s18], $0x4000  }
0x1db: {  	s21 =	sld [smem:$0x7FA]  }
0x1dc: {  	[sflag:s18] =	ssyncset.done $0x0  }
0x1dd: {  	[sflag:s18] =	ssyncadd.s32 $0xFFFFC000  }
0x1de: {  	[hbm4b:s21+s3] =	stream.linear.scatter [tilespmem:s6], [sflag:$0xA], $0x4000, $0x38;
	[tilespmem:$0x18C80] =	vst v63  }
0x1df: {  	_ =	swait.ge [sflag:s20], $0x4000  }
0x1e0: {  	s21 =	sld [smem:$0x7FB]  }
0x1e1: {  	[sflag:s20] =	ssyncset.done $0x0  }
0x1e2: {  	[sflag:s20] =	ssyncadd.s32 $0xFFFFC000  }
0x1e3: {  	[hbm4b:s21+s3] =	stream.linear.scatter [tilespmem:s8], [sflag:$0xB], $0x4000, $0x38;
	[tilespmem:$0x18C80] =	vst v63  }
0x1e4: {  	_ =	swait.ge [sflag:s22], $0x4000  }
0x1e5: {  	s21 =	sld [smem:$0x7FC]  }
0x1e6: {  	[sflag:s22] =	ssyncset.done $0x0  }
0x1e7: {  	[sflag:s22] =	ssyncadd.s32 $0xFFFFC000  }
0x1e8: {  	[hbm4b:s21+s3] =	stream.linear.scatter [tilespmem:s11], [sflag:$0xC], $0x4000, $0x38;
	[tilespmem:$0x18C80] =	vst v63  }
0x1e9: {  	_ =	swait.ge [sflag:s9], $0x1C00  }
0x1ea: {  	s21 =	sld [smem:$0x7FD]  }
0x1eb: {  	[sflag:s9] =	ssyncset.done $0x0  }
.Ltmp3:
0x1ec: {  	[sflag:s9] =	ssyncadd.s32 $0xFFFFE400;
	(pc) =	sbr.rel .LBB2_4-.Ltmp3, $4  }
0x1ed: {  	[hbm4b:s21+s3] =	stream.linear.scatter [tilespmem:s31], [sflag:$0x7], $0x1C00, $0x38;
	[tilespmem:$0x18C80] =	vst v63  }
0x1ee: {  	_ =	swait.ge [sflag:s13], $0x1C00  }
0x1ef: {  	[sflag:s13] =	ssyncset.done $0x0  }
0x1f0: {  	[sflag:s13] =	ssyncadd.s32 $0xFFFFE400  }
.LBB2_5:
0x1f1: {  	_ =	sfence.sel $0x180000  }
0x1f2: {  	[bflag:$0x0] =	sbarrier.arrive $0xFFFF  }
0x1f3: {  	_ =	strace $0x90000047  }
0x1f4: {  	s0 =	stileid.u32;
	[bflag:$0x2] =	sbarrier.arrive $0xFFFF  }
0x1f5: {  	p0 =	sne.s32 s0, $0x0;
	s0 =	rddreg [dreg:$0x3]  }
0x1f6: {  	s0 =	sadd.s32 @!p0 $0x100000, s0  }
0x1f7: {  	[sflag:s0] =	ssyncadd.tile.s32 @!p0 $0x1;
	_ =	shalt  }
.Lfunc_end2:
_tile_overlayer_lowered:
.L_overlay_start_2:
0x1f8: {  	(tag) =	ssettag $0x2  }
0x1f9: {  	s0 =	rddreg [dreg:$0x0];
	s2 =	stileid.u32  }
0x1fa: {  	s1 =	rddreg [dreg:$0x1];
	p0 =	sne.s32 s2, $0x0  }
0x1fb: {  	s3 =	rddreg [dreg:$0x2];
	[bflag:$0x3] =	sbarrier.arrive $0xFFFF;
	s2 =	simm.s32 @!p0 $0x1C0D  }
0x1fc: {  	[timem:s3], [sflag:s2] =	dma.local @!p0 [hbm:s0], s1  }
0x1fd: {  	s0 =	simm.s32 @!p0 $0xD  }
0x1fe: {  	_ =	swait.ge @!p0 [sflag:s0], s1  }
0x1ff: {  	s1 =	ssub.s32 @!p0 $0x0, s1;
	[sflag:s0] =	ssyncset.done @!p0 $0x0  }
0x200: {  	[sflag:s0] =	ssyncadd.s32 @!p0 s1  }
0x201: {  	[bflag:$0x3] =	sbarrier.arrive $0xFFFF  }
0x202: {  	_ =	shalt  }

</sc_bundles>
